<compile_context>
chip_gen: v7x
topology: tpu7x:2x2x1
jax: 0.10.2.dev20260603
libtpu: 0.0.44.dev20260713+nightly
codegen_flags: <defaults>
</compile_context>

<pallas_src>
import functools

import jax
import jax.numpy as jnp
from jax import lax
from jax.experimental import pallas as pl
from jax.experimental.pallas import tpu as pltpu
from jax.experimental.pallas import tpu_sc as plsc

E = 8
T = 2048
D = 1024
F = 4096
BLK = 128
NB = 40
FT = 1024
NF = F // FT

_info = plsc.get_sparse_core_info()
_NC, _NS = _info.num_cores, _info.num_subcores
_NW = _NC * _NS
_PAIRS_PER_W = 2 * T // _NW
_SCH = 64
_NSCH = _PAIRS_PER_W // _SCH
_TOK_PER_W = T // _NW
_CCH = 16
_NCCH = _TOK_PER_W // _CCH

_sc_mesh = plsc.VectorSubcoreMesh(core_axis_name="c", subcore_axis_name="s")


def _router_body(x_ref, wg_ref, logits_ref, w1_ref, w2_ref, pos1_ref,
                 pos2_ref, be_ref):
    x = x_ref[...]
    Wg = wg_ref[...]
    l = jnp.dot(x, Wg, preferred_element_type=jnp.float32)
    m = jnp.max(l, axis=1, keepdims=True)
    p = jnp.exp(l - m)
    p = p / jnp.sum(p, axis=1, keepdims=True)
    idx8 = lax.broadcasted_iota(jnp.int32, (1, E), 1).astype(jnp.float32)
    v1 = jnp.max(l, axis=1, keepdims=True)
    e1 = jnp.min(jnp.where(l == v1, idx8, float(E)), axis=1, keepdims=True)
    lm = jnp.where(idx8 == e1, -jnp.inf, l)
    v2 = jnp.max(lm, axis=1, keepdims=True)
    e2 = jnp.min(jnp.where(lm == v2, idx8, float(E)), axis=1, keepdims=True)
    oh1 = (idx8 == e1).astype(jnp.float32)
    oh2 = (idx8 == e2).astype(jnp.float32)
    p1 = jnp.sum(oh1 * p, axis=1, keepdims=True)
    p2 = jnp.sum(oh2 * p, axis=1, keepdims=True)
    s = p1 + p2
    w1_ref[...] = p1 / s
    w2_ref[...] = p2 / s
    ii = lax.broadcasted_iota(jnp.int32, (T, T), 0)
    jj = lax.broadcasted_iota(jnp.int32, (T, T), 1)
    Ltri = (jj < ii).astype(jnp.float32)
    oh12 = jnp.concatenate([oh1, oh2], axis=1)
    cum = jnp.dot(Ltri, oh12, preferred_element_type=jnp.float32)
    cum1, cum2 = cum[:, :E], cum[:, E:]
    count1 = jnp.sum(oh1, axis=0, keepdims=True)
    count2 = jnp.sum(oh2, axis=0, keepdims=True)
    count = count1 + count2
    nblk = jnp.floor((count + (BLK - 1)) / BLK)
    ei = lax.broadcasted_iota(jnp.int32, (E, E), 0)
    ej = lax.broadcasted_iota(jnp.int32, (E, E), 1)
    Lo8 = (ei < ej).astype(jnp.float32)
    blk_off = jnp.dot(nblk, Lo8, preferred_element_type=jnp.float32)
    off = BLK * blk_off
    rank1 = jnp.sum(oh1 * cum1, axis=1, keepdims=True)
    rank2 = jnp.sum(oh2 * (count1 + cum2), axis=1, keepdims=True)
    pos1 = jnp.sum(oh1 * off, axis=1, keepdims=True) + rank1
    pos2 = jnp.sum(oh2 * off, axis=1, keepdims=True) + rank2
    bb = lax.broadcasted_iota(jnp.int32, (NB, E), 0).astype(jnp.float32)
    be = jnp.sum((blk_off <= bb).astype(jnp.float32), axis=1, keepdims=True) - 1.0
    be = jnp.clip(be, 0.0, float(E - 1))
    logits_ref[...] = l
    pos1_ref[...] = pos1.astype(jnp.int32)
    pos2_ref[...] = pos2.astype(jnp.int32)
    be_ref[...] = jnp.broadcast_to(be.astype(jnp.int32), (NB, 128))


def _router(x, Wg):
    return pl.pallas_call(
        _router_body,
        out_shape=(
            jax.ShapeDtypeStruct((T, E), jnp.float32),
            jax.ShapeDtypeStruct((T, 1), jnp.float32),
            jax.ShapeDtypeStruct((T, 1), jnp.float32),
            jax.ShapeDtypeStruct((T, 1), jnp.int32),
            jax.ShapeDtypeStruct((T, 1), jnp.int32),
            jax.ShapeDtypeStruct((NB, 128), jnp.int32),
        ),
    )(x, Wg)


@functools.partial(
    pl.kernel,
    mesh=_sc_mesh,
    out_type=(
        jax.ShapeDtypeStruct((NB * BLK, D), jnp.float32),
        jax.ShapeDtypeStruct((NB * BLK,), jnp.float32),
    ),
    scratch_types=[
        pltpu.VMEM((_SCH,), jnp.int32),
        pltpu.VMEM((_SCH,), jnp.float32),
        pltpu.VMEM((_SCH, D), jnp.float32),
        pltpu.SemaphoreType.DMA,
    ],
)
def _sc_scatter(x_hbm, pos_hbm, wflat_hbm, xs_hbm, ws_hbm, idx_v, w_v,
                rows_v, sem):
    wid = lax.axis_index("s") * _NC + lax.axis_index("c")
    for c in range(_NSCH):
        base = wid * _PAIRS_PER_W + c * _SCH
        src = lax.rem(base, T)
        pltpu.sync_copy(pos_hbm.at[pl.ds(base, _SCH)], idx_v)
        pltpu.sync_copy(wflat_hbm.at[pl.ds(base, _SCH)], w_v)
        pltpu.sync_copy(x_hbm.at[pl.ds(src, _SCH)], rows_v)
        pltpu.async_copy(rows_v, xs_hbm.at[idx_v], sem).wait()
        pltpu.async_copy(w_v, ws_hbm.at[idx_v], sem).wait()


def _gmm_body(be_ref, xs_ref, ws_ref, wu_ref, wgt_ref, wd_ref, out_ref):
    f = pl.program_id(1)
    xb = xs_ref[...]
    u = jnp.dot(xb, wu_ref[0], preferred_element_type=jnp.float32)
    g = jnp.dot(xb, wgt_ref[0], preferred_element_type=jnp.float32)
    h = (u * lax.logistic(u)) * g * ws_ref[...]
    part = jnp.dot(h, wd_ref[0], preferred_element_type=jnp.float32)

    @pl.when(f == 0)
    def _():
        out_ref[...] = part

    @pl.when(f != 0)
    def _():
        out_ref[...] += part


def _gmm(be, xs, ws, Wu, Wgate, Wd):
    grid_spec = pltpu.PrefetchScalarGridSpec(
        num_scalar_prefetch=1,
        grid=(NB, NF),
        in_specs=[
            pl.BlockSpec((BLK, D), lambda b, f, be: (b, 0)),
            pl.BlockSpec((BLK, 1), lambda b, f, be: (b, 0)),
            pl.BlockSpec((1, D, FT), lambda b, f, be: (be[b], 0, f)),
            pl.BlockSpec((1, D, FT), lambda b, f, be: (be[b], 0, f)),
            pl.BlockSpec((1, FT, D), lambda b, f, be: (be[b], f, 0)),
        ],
        out_specs=pl.BlockSpec((BLK, D), lambda b, f, be: (b, 0)),
    )
    return pl.pallas_call(
        _gmm_body,
        grid_spec=grid_spec,
        out_shape=jax.ShapeDtypeStruct((NB * BLK, D), jnp.float32),
        compiler_params=pltpu.CompilerParams(
            dimension_semantics=("arbitrary", "arbitrary")),
    )(be, xs, ws, Wu, Wgate, Wd)


@functools.partial(
    pl.kernel,
    mesh=_sc_mesh,
    out_type=jax.ShapeDtypeStruct((T, D), jnp.float32),
    scratch_types=[
        pltpu.VMEM((_CCH,), jnp.int32),
        pltpu.VMEM((_CCH,), jnp.int32),
        pltpu.VMEM((_CCH, D), jnp.float32),
        pltpu.VMEM((_CCH, D), jnp.float32),
        pltpu.VMEM((_CCH, D), jnp.float32),
        pltpu.SemaphoreType.DMA,
    ],
)
def _sc_combine(ys_hbm, pos1_hbm, pos2_hbm, out_hbm,
                idx_a, idx_b, rows_a, rows_b, out_v, sem):
    wid = lax.axis_index("s") * _NC + lax.axis_index("c")
    for c in range(_NCCH):
        base = wid * _TOK_PER_W + c * _CCH
        pltpu.sync_copy(pos1_hbm.at[pl.ds(base, _CCH)], idx_a)
        pltpu.sync_copy(pos2_hbm.at[pl.ds(base, _CCH)], idx_b)
        pltpu.async_copy(ys_hbm.at[idx_a], rows_a, sem).wait()
        pltpu.async_copy(ys_hbm.at[idx_b], rows_b, sem).wait()

        def body(j, carry):
            for v in range(D // 16):
                sl = pl.ds(v * 16, 16)
                out_v[j, sl] = rows_a[j, sl] + rows_b[j, sl]
            return carry

        lax.fori_loop(0, _CCH, body, 0)
        pltpu.sync_copy(out_v, out_hbm.at[pl.ds(base, _CCH)])


def kernel(hidden_states, Wg, Wu, Wgate, Wd):
    x = hidden_states.reshape(-1, D)
    l, w1, w2, pos1, pos2, be2d = _router(x, Wg)
    be = be2d[:, 0]
    pos1f, pos2f = pos1[:, 0], pos2[:, 0]
    pos = jnp.concatenate([pos1f, pos2f])
    wflat = jnp.concatenate([w1[:, 0], w2[:, 0]])
    xs, ws = _sc_scatter(x, pos, wflat)
    ys = _gmm(be, xs, ws.reshape(-1, 1), Wu, Wgate, Wd)
    final = _sc_combine(ys, pos1f, pos2f)
    return final.reshape(1, T, D), l

# --- scband reference (transcript-rebuilt; emitter-appended) ---
"""Pipeline reference for scband-mixtral-sparse-moe-block-53223234732070 (READ-ONLY COPY).

The authoritative reference and input builder live on the scoring server;
editing this copy changes nothing except your own understanding.
"""

import jax, jax.numpy as jnp
import numpy as np

E = 8
TOP_K = 2
D_MODEL = 1024
D_FF = 4096
BATCH = 1
SEQ = 2048


def setup_inputs(seed: int = 0) -> dict:
    key = jax.random.key(seed)
    k0, k1, k2, k3, k4 = jax.random.split(key, 5)
    hidden_states = jax.random.normal(k0, (BATCH, SEQ, D_MODEL), dtype=jnp.float32)
    # gate: Linear(hidden_size -> num_experts), lecun_normal, no bias
    Wg = jax.random.normal(k1, (D_MODEL, E), dtype=jnp.float32) * (1.0 / np.sqrt(D_MODEL))
    # per-expert MLP weights, stacked: up_proj, gate_proj: [E, D_MODEL, D_FF]; down_proj: [E, D_FF, D_MODEL]
    Wu = jax.random.normal(k2, (E, D_MODEL, D_FF), dtype=jnp.float32) * (1.0 / np.sqrt(D_MODEL))
    Wgate = jax.random.normal(k3, (E, D_MODEL, D_FF), dtype=jnp.float32) * (1.0 / np.sqrt(D_MODEL))
    Wd = jax.random.normal(k4, (E, D_FF, D_MODEL), dtype=jnp.float32) * (1.0 / np.sqrt(D_FF))
    return {"hidden_states": hidden_states, "Wg": Wg, "Wu": Wu, "Wgate": Wgate, "Wd": Wd}


def reference(hidden_states, Wg, Wu, Wgate, Wd):
    b, s, d = hidden_states.shape
    x = hidden_states.reshape(-1, d)
    router_logits = x @ Wg  # [T, E]
    routing_weights = jax.nn.softmax(router_logits, axis=1)
    routing_weights, selected_experts = jax.lax.top_k(routing_weights, TOP_K)  # [T, K]
    routing_weights = routing_weights / jnp.sum(routing_weights, axis=-1, keepdims=True)
    routing_weights = routing_weights.astype(x.dtype)
    final = jnp.zeros((b * s, d), dtype=x.dtype)
    for e in range(E):
        # per-token combine weight for expert e (0 for tokens that did not select e)
        w_e = jnp.sum(routing_weights * (selected_experts == e).astype(x.dtype), axis=-1)  # [T]
        # MixtralBlockSparseTop2MLP: down( act(up(x)) * gate(x) ), act = silu
        up = jax.nn.silu(x @ Wu[e])
        gate = x @ Wgate[e]
        out = (up * gate) @ Wd[e]
        final = final + out * w_e[:, None]
    final = final.reshape(b, s, d)
    return (final, router_logits)

if __name__ == "__main__":
    import jax
    _d = setup_inputs()
    print(jax.jit(kernel)(*tuple(_d.values())))

</pallas_src>

<mosaic_0001>
#map = affine_map<(d0, d1) -> (0, 0)>
#map1 = affine_map<(d0, d1) -> (0)>
module attributes {stable_mosaic.version = 14 : i64} {
  func.func @_sc_scatter(%arg0: i32, %arg1: i32, %arg2: memref<2048x1024xf32, #tpu.memory_space<hbm>>, %arg3: memref<4096xi32, #tpu.memory_space<hbm>>, %arg4: memref<4096xf32, #tpu.memory_space<hbm>>, %arg5: memref<5120x1024xf32, #tpu.memory_space<hbm>>, %arg6: memref<5120xf32, #tpu.memory_space<hbm>>, %arg7: memref<64xi32, #tpu.memory_space<vmem>>, %arg8: memref<64xf32, #tpu.memory_space<vmem>>, %arg9: memref<64x1024xf32, #tpu.memory_space<vmem>>, %arg10: memref<!tpu.dma_semaphore, #tpu.memory_space<semaphore_mem>>) attributes {dimension_semantics = [#tpu.dimension_semantics<core_parallel>, #tpu.dimension_semantics<subcore_parallel>], iteration_bounds = array<i64: 2, 16>, scalar_prefetch = 0 : i64, scratch_operands = 4 : i64, tpu.core_type = #tpu.core_type<sc_vector_subcore>, window_params = [{transform_indices = #map}, {transform_indices = #map1}, {transform_indices = #map1}, {transform_indices = #map}, {transform_indices = #map1}]} {
    %mul3A = arith.constant 2 : i32
    %mul3A_0 = arith.muli %arg1, %mul3A : i32
    %add3A = arith.addi %mul3A_0, %arg0 : i32
    %mul3A_1 = arith.constant 128 : i32
    %mul3A_2 = arith.muli %add3A, %mul3A_1 : i32
    %add3A_3 = arith.constant 0 : i32
    %add3A_4 = arith.addi %mul3A_2, %add3A_3 : i32
    %rem3A = arith.constant 2048 : i32
    %rem3A_5 = arith.remsi %add3A_4, %rem3A : i32
    "tpu.region"() ({
      %run_scoped3A = tpu.sem_alloc : memref<!tpu.dma_semaphore, #tpu.memory_space<semaphore_mem>>
      %dma_start3A_30 = tpu.memref_slice %arg3[%add3A_4] : memref<4096xi32, #tpu.memory_space<hbm>> -> memref<64xi32, #tpu.memory_space<hbm>>
      %dma_start3A_31 = tpu.memref_slice %arg3[%add3A_4] : memref<4096xi32, #tpu.memory_space<hbm>> -> memref<64xi32, #tpu.memory_space<hbm>>
      tpu.enqueue_dma source(%dma_start3A_31 : memref<64xi32, #tpu.memory_space<hbm>>) target(%arg7 : memref<64xi32, #tpu.memory_space<vmem>>) target_semaphore(%run_scoped3A : memref<!tpu.dma_semaphore, #tpu.memory_space<semaphore_mem>>)
      %dma_wait3A_32 = tpu.memref_slice %arg3[%add3A_4] : memref<4096xi32, #tpu.memory_space<hbm>> -> memref<64xi32, #tpu.memory_space<hbm>>
      %dma_wait3A_33 = tpu.memref_slice %arg3[%add3A_4] : memref<4096xi32, #tpu.memory_space<hbm>> -> memref<64xi32, #tpu.memory_space<hbm>>
      tpu.wait_dma2 semaphore(%run_scoped3A : memref<!tpu.dma_semaphore, #tpu.memory_space<semaphore_mem>>) src(%dma_wait3A_33 : memref<64xi32, #tpu.memory_space<hbm>>) dst(%arg7 : memref<64xi32, #tpu.memory_space<vmem>>)
      tpu.yield
    }) : () -> ()
    "tpu.region"() ({
      %run_scoped3A = tpu.sem_alloc : memref<!tpu.dma_semaphore, #tpu.memory_space<semaphore_mem>>
      %dma_start3A_30 = tpu.memref_slice %arg4[%add3A_4] : memref<4096xf32, #tpu.memory_space<hbm>> -> memref<64xf32, #tpu.memory_space<hbm>>
      %dma_start3A_31 = tpu.memref_slice %arg4[%add3A_4] : memref<4096xf32, #tpu.memory_space<hbm>> -> memref<64xf32, #tpu.memory_space<hbm>>
      tpu.enqueue_dma source(%dma_start3A_31 : memref<64xf32, #tpu.memory_space<hbm>>) target(%arg8 : memref<64xf32, #tpu.memory_space<vmem>>) target_semaphore(%run_scoped3A : memref<!tpu.dma_semaphore, #tpu.memory_space<semaphore_mem>>)
      %dma_wait3A_32 = tpu.memref_slice %arg4[%add3A_4] : memref<4096xf32, #tpu.memory_space<hbm>> -> memref<64xf32, #tpu.memory_space<hbm>>
      %dma_wait3A_33 = tpu.memref_slice %arg4[%add3A_4] : memref<4096xf32, #tpu.memory_space<hbm>> -> memref<64xf32, #tpu.memory_space<hbm>>
      tpu.wait_dma2 semaphore(%run_scoped3A : memref<!tpu.dma_semaphore, #tpu.memory_space<semaphore_mem>>) src(%dma_wait3A_33 : memref<64xf32, #tpu.memory_space<hbm>>) dst(%arg8 : memref<64xf32, #tpu.memory_space<vmem>>)
      tpu.yield
    }) : () -> ()
    "tpu.region"() ({
      %run_scoped3A = tpu.sem_alloc : memref<!tpu.dma_semaphore, #tpu.memory_space<semaphore_mem>>
      %dma_start3A_30 = arith.constant 0 : i32
      %dma_start3A_31 = tpu.memref_slice %arg2[%rem3A_5, %dma_start3A_30] : memref<2048x1024xf32, #tpu.memory_space<hbm>> -> memref<64x1024xf32, #tpu.memory_space<hbm>>
      %dma_start3A_32 = arith.constant 0 : i32
      %dma_start3A_33 = tpu.memref_slice %arg2[%rem3A_5, %dma_start3A_32] : memref<2048x1024xf32, #tpu.memory_space<hbm>> -> memref<64x1024xf32, #tpu.memory_space<hbm>>
      tpu.enqueue_dma source(%dma_start3A_33 : memref<64x1024xf32, #tpu.memory_space<hbm>>) target(%arg9 : memref<64x1024xf32, #tpu.memory_space<vmem>>) target_semaphore(%run_scoped3A : memref<!tpu.dma_semaphore, #tpu.memory_space<semaphore_mem>>)
      %dma_wait3A_34 = arith.constant 0 : i32
      %dma_wait3A_35 = tpu.memref_slice %arg2[%rem3A_5, %dma_wait3A_34] : memref<2048x1024xf32, #tpu.memory_space<hbm>> -> memref<64x1024xf32, #tpu.memory_space<hbm>>
      %dma_wait3A_36 = arith.constant 0 : i32
      %dma_wait3A_37 = tpu.memref_slice %arg2[%rem3A_5, %dma_wait3A_36] : memref<2048x1024xf32, #tpu.memory_space<hbm>> -> memref<64x1024xf32, #tpu.memory_space<hbm>>
      tpu.wait_dma2 semaphore(%run_scoped3A : memref<!tpu.dma_semaphore, #tpu.memory_space<semaphore_mem>>) src(%dma_wait3A_37 : memref<64x1024xf32, #tpu.memory_space<hbm>>) dst(%arg9 : memref<64x1024xf32, #tpu.memory_space<vmem>>)
      tpu.yield
    }) : () -> ()
    %dma_start3A = arith.constant 0 : i32
    %dma_start3A_6 = arith.constant 0 : i32
    %dma_start3A_7 = tpu.memref_slice %arg5[%dma_start3A, %dma_start3A_6] : memref<5120x1024xf32, #tpu.memory_space<hbm>> -> memref<5120x1024xf32, #tpu.memory_space<hbm>>
    tpu.enqueue_indirect_dma source(%arg9 : memref<64x1024xf32, #tpu.memory_space<vmem>>) target(%dma_start3A_7 : memref<5120x1024xf32, #tpu.memory_space<hbm>>) offsets(%arg7 : memref<64xi32, #tpu.memory_space<vmem>>) semaphore(%arg10 : memref<!tpu.dma_semaphore, #tpu.memory_space<semaphore_mem>>)
    %dma_wait3A = arith.constant 0 : i32
    %dma_wait3A_8 = arith.constant 0 : i32
    %dma_wait3A_9 = tpu.memref_slice %arg5[%dma_wait3A, %dma_wait3A_8] : memref<5120x1024xf32, #tpu.memory_space<hbm>> -> memref<5120x1024xf32, #tpu.memory_space<hbm>>
    tpu.wait_indirect_dma semaphore(%arg10 : memref<!tpu.dma_semaphore, #tpu.memory_space<semaphore_mem>>) src(%arg9 : memref<64x1024xf32, #tpu.memory_space<vmem>>) dst(%dma_wait3A_9 : memref<5120x1024xf32, #tpu.memory_space<hbm>>)
    %dma_start3A_10 = arith.constant 0 : i32
    %dma_start3A_11 = tpu.memref_slice %arg6[%dma_start3A_10] : memref<5120xf32, #tpu.memory_space<hbm>> -> memref<5120xf32, #tpu.memory_space<hbm>>
    tpu.enqueue_indirect_dma source(%arg8 : memref<64xf32, #tpu.memory_space<vmem>>) target(%dma_start3A_11 : memref<5120xf32, #tpu.memory_space<hbm>>) offsets(%arg7 : memref<64xi32, #tpu.memory_space<vmem>>) semaphore(%arg10 : memref<!tpu.dma_semaphore, #tpu.memory_space<semaphore_mem>>)
    %dma_wait3A_12 = arith.constant 0 : i32
    %dma_wait3A_13 = tpu.memref_slice %arg6[%dma_wait3A_12] : memref<5120xf32, #tpu.memory_space<hbm>> -> memref<5120xf32, #tpu.memory_space<hbm>>
    tpu.wait_indirect_dma semaphore(%arg10 : memref<!tpu.dma_semaphore, #tpu.memory_space<semaphore_mem>>) src(%arg8 : memref<64xf32, #tpu.memory_space<vmem>>) dst(%dma_wait3A_13 : memref<5120xf32, #tpu.memory_space<hbm>>)
    %mul3A_14 = arith.constant 128 : i32
    %mul3A_15 = arith.muli %add3A, %mul3A_14 : i32
    %add3A_16 = arith.constant 64 : i32
    %add3A_17 = arith.addi %mul3A_15, %add3A_16 : i32
    %rem3A_18 = arith.constant 2048 : i32
    %rem3A_19 = arith.remsi %add3A_17, %rem3A_18 : i32
    "tpu.region"() ({
      %run_scoped3A = tpu.sem_alloc : memref<!tpu.dma_semaphore, #tpu.memory_space<semaphore_mem>>
      %dma_start3A_30 = tpu.memref_slice %arg3[%add3A_17] : memref<4096xi32, #tpu.memory_space<hbm>> -> memref<64xi32, #tpu.memory_space<hbm>>
      %dma_start3A_31 = tpu.memref_slice %arg3[%add3A_17] : memref<4096xi32, #tpu.memory_space<hbm>> -> memref<64xi32, #tpu.memory_space<hbm>>
      tpu.enqueue_dma source(%dma_start3A_31 : memref<64xi32, #tpu.memory_space<hbm>>) target(%arg7 : memref<64xi32, #tpu.memory_space<vmem>>) target_semaphore(%run_scoped3A : memref<!tpu.dma_semaphore, #tpu.memory_space<semaphore_mem>>)
      %dma_wait3A_32 = tpu.memref_slice %arg3[%add3A_17] : memref<4096xi32, #tpu.memory_space<hbm>> -> memref<64xi32, #tpu.memory_space<hbm>>
      %dma_wait3A_33 = tpu.memref_slice %arg3[%add3A_17] : memref<4096xi32, #tpu.memory_space<hbm>> -> memref<64xi32, #tpu.memory_space<hbm>>
      tpu.wait_dma2 semaphore(%run_scoped3A : memref<!tpu.dma_semaphore, #tpu.memory_space<semaphore_mem>>) src(%dma_wait3A_33 : memref<64xi32, #tpu.memory_space<hbm>>) dst(%arg7 : memref<64xi32, #tpu.memory_space<vmem>>)
      tpu.yield
    }) : () -> ()
    "tpu.region"() ({
      %run_scoped3A = tpu.sem_alloc : memref<!tpu.dma_semaphore, #tpu.memory_space<semaphore_mem>>
      %dma_start3A_30 = tpu.memref_slice %arg4[%add3A_17] : memref<4096xf32, #tpu.memory_space<hbm>> -> memref<64xf32, #tpu.memory_space<hbm>>
      %dma_start3A_31 = tpu.memref_slice %arg4[%add3A_17] : memref<4096xf32, #tpu.memory_space<hbm>> -> memref<64xf32, #tpu.memory_space<hbm>>
      tpu.enqueue_dma source(%dma_start3A_31 : memref<64xf32, #tpu.memory_space<hbm>>) target(%arg8 : memref<64xf32, #tpu.memory_space<vmem>>) target_semaphore(%run_scoped3A : memref<!tpu.dma_semaphore, #tpu.memory_space<semaphore_mem>>)
      %dma_wait3A_32 = tpu.memref_slice %arg4[%add3A_17] : memref<4096xf32, #tpu.memory_space<hbm>> -> memref<64xf32, #tpu.memory_space<hbm>>
      %dma_wait3A_33 = tpu.memref_slice %arg4[%add3A_17] : memref<4096xf32, #tpu.memory_space<hbm>> -> memref<64xf32, #tpu.memory_space<hbm>>
      tpu.wait_dma2 semaphore(%run_scoped3A : memref<!tpu.dma_semaphore, #tpu.memory_space<semaphore_mem>>) src(%dma_wait3A_33 : memref<64xf32, #tpu.memory_space<hbm>>) dst(%arg8 : memref<64xf32, #tpu.memory_space<vmem>>)
      tpu.yield
    }) : () -> ()
    "tpu.region"() ({
      %run_scoped3A = tpu.sem_alloc : memref<!tpu.dma_semaphore, #tpu.memory_space<semaphore_mem>>
      %dma_start3A_30 = arith.constant 0 : i32
      %dma_start3A_31 = tpu.memref_slice %arg2[%rem3A_19, %dma_start3A_30] : memref<2048x1024xf32, #tpu.memory_space<hbm>> -> memref<64x1024xf32, #tpu.memory_space<hbm>>
      %dma_start3A_32 = arith.constant 0 : i32
      %dma_start3A_33 = tpu.memref_slice %arg2[%rem3A_19, %dma_start3A_32] : memref<2048x1024xf32, #tpu.memory_space<hbm>> -> memref<64x1024xf32, #tpu.memory_space<hbm>>
      tpu.enqueue_dma source(%dma_start3A_33 : memref<64x1024xf32, #tpu.memory_space<hbm>>) target(%arg9 : memref<64x1024xf32, #tpu.memory_space<vmem>>) target_semaphore(%run_scoped3A : memref<!tpu.dma_semaphore, #tpu.memory_space<semaphore_mem>>)
      %dma_wait3A_34 = arith.constant 0 : i32
      %dma_wait3A_35 = tpu.memref_slice %arg2[%rem3A_19, %dma_wait3A_34] : memref<2048x1024xf32, #tpu.memory_space<hbm>> -> memref<64x1024xf32, #tpu.memory_space<hbm>>
      %dma_wait3A_36 = arith.constant 0 : i32
      %dma_wait3A_37 = tpu.memref_slice %arg2[%rem3A_19, %dma_wait3A_36] : memref<2048x1024xf32, #tpu.memory_space<hbm>> -> memref<64x1024xf32, #tpu.memory_space<hbm>>
      tpu.wait_dma2 semaphore(%run_scoped3A : memref<!tpu.dma_semaphore, #tpu.memory_space<semaphore_mem>>) src(%dma_wait3A_37 : memref<64x1024xf32, #tpu.memory_space<hbm>>) dst(%arg9 : memref<64x1024xf32, #tpu.memory_space<vmem>>)
      tpu.yield
    }) : () -> ()
    %dma_start3A_20 = arith.constant 0 : i32
    %dma_start3A_21 = arith.constant 0 : i32
    %dma_start3A_22 = tpu.memref_slice %arg5[%dma_start3A_20, %dma_start3A_21] : memref<5120x1024xf32, #tpu.memory_space<hbm>> -> memref<5120x1024xf32, #tpu.memory_space<hbm>>
    tpu.enqueue_indirect_dma source(%arg9 : memref<64x1024xf32, #tpu.memory_space<vmem>>) target(%dma_start3A_22 : memref<5120x1024xf32, #tpu.memory_space<hbm>>) offsets(%arg7 : memref<64xi32, #tpu.memory_space<vmem>>) semaphore(%arg10 : memref<!tpu.dma_semaphore, #tpu.memory_space<semaphore_mem>>)
    %dma_wait3A_23 = arith.constant 0 : i32
    %dma_wait3A_24 = arith.constant 0 : i32
    %dma_wait3A_25 = tpu.memref_slice %arg5[%dma_wait3A_23, %dma_wait3A_24] : memref<5120x1024xf32, #tpu.memory_space<hbm>> -> memref<5120x1024xf32, #tpu.memory_space<hbm>>
    tpu.wait_indirect_dma semaphore(%arg10 : memref<!tpu.dma_semaphore, #tpu.memory_space<semaphore_mem>>) src(%arg9 : memref<64x1024xf32, #tpu.memory_space<vmem>>) dst(%dma_wait3A_25 : memref<5120x1024xf32, #tpu.memory_space<hbm>>)
    %dma_start3A_26 = arith.constant 0 : i32
    %dma_start3A_27 = tpu.memref_slice %arg6[%dma_start3A_26] : memref<5120xf32, #tpu.memory_space<hbm>> -> memref<5120xf32, #tpu.memory_space<hbm>>
    tpu.enqueue_indirect_dma source(%arg8 : memref<64xf32, #tpu.memory_space<vmem>>) target(%dma_start3A_27 : memref<5120xf32, #tpu.memory_space<hbm>>) offsets(%arg7 : memref<64xi32, #tpu.memory_space<vmem>>) semaphore(%arg10 : memref<!tpu.dma_semaphore, #tpu.memory_space<semaphore_mem>>)
    %dma_wait3A_28 = arith.constant 0 : i32
    %dma_wait3A_29 = tpu.memref_slice %arg6[%dma_wait3A_28] : memref<5120xf32, #tpu.memory_space<hbm>> -> memref<5120xf32, #tpu.memory_space<hbm>>
    tpu.wait_indirect_dma semaphore(%arg10 : memref<!tpu.dma_semaphore, #tpu.memory_space<semaphore_mem>>) src(%arg8 : memref<64xf32, #tpu.memory_space<vmem>>) dst(%dma_wait3A_29 : memref<5120xf32, #tpu.memory_space<hbm>>)
    return
  }
}

#map = affine_map<(d0, d1) -> (0, 0)>
#map1 = affine_map<(d0, d1) -> (0)>
module attributes {stable_mosaic.version = 14 : i64} {
  func.func @_sc_combine(%arg0: i32, %arg1: i32, %arg2: memref<5120x1024xf32, #tpu.memory_space<hbm>>, %arg3: memref<2048xi32, #tpu.memory_space<hbm>>, %arg4: memref<2048xi32, #tpu.memory_space<hbm>>, %arg5: memref<2048x1024xf32, #tpu.memory_space<hbm>>, %arg6: memref<16xi32, #tpu.memory_space<vmem>>, %arg7: memref<16xi32, #tpu.memory_space<vmem>>, %arg8: memref<16x1024xf32, #tpu.memory_space<vmem>>, %arg9: memref<16x1024xf32, #tpu.memory_space<vmem>>, %arg10: memref<16x1024xf32, #tpu.memory_space<vmem>>, %arg11: memref<!tpu.dma_semaphore, #tpu.memory_space<semaphore_mem>>) attributes {dimension_semantics = [#tpu.dimension_semantics<core_parallel>, #tpu.dimension_semantics<subcore_parallel>], iteration_bounds = array<i64: 2, 16>, scalar_prefetch = 0 : i64, scratch_operands = 6 : i64, tpu.core_type = #tpu.core_type<sc_vector_subcore>, window_params = [{transform_indices = #map}, {transform_indices = #map1}, {transform_indices = #map1}, {transform_indices = #map}]} {
    %mul3A = arith.constant 2 : i32
    %mul3A_0 = arith.muli %arg1, %mul3A : i32
    %add3A = arith.addi %mul3A_0, %arg0 : i32
    %mul3A_1 = arith.constant 64 : i32
    %mul3A_2 = arith.muli %add3A, %mul3A_1 : i32
    %add3A_3 = arith.constant 0 : i32
    %add3A_4 = arith.addi %mul3A_2, %add3A_3 : i32
    "tpu.region"() ({
      %run_scoped3A = tpu.sem_alloc : memref<!tpu.dma_semaphore, #tpu.memory_space<semaphore_mem>>
      %dma_start3A_86 = tpu.memref_slice %arg3[%add3A_4] : memref<2048xi32, #tpu.memory_space<hbm>> -> memref<16xi32, #tpu.memory_space<hbm>>
      %dma_start3A_87 = tpu.memref_slice %arg3[%add3A_4] : memref<2048xi32, #tpu.memory_space<hbm>> -> memref<16xi32, #tpu.memory_space<hbm>>
      tpu.enqueue_dma source(%dma_start3A_87 : memref<16xi32, #tpu.memory_space<hbm>>) target(%arg6 : memref<16xi32, #tpu.memory_space<vmem>>) target_semaphore(%run_scoped3A : memref<!tpu.dma_semaphore, #tpu.memory_space<semaphore_mem>>)
      %dma_wait3A_88 = tpu.memref_slice %arg3[%add3A_4] : memref<2048xi32, #tpu.memory_space<hbm>> -> memref<16xi32, #tpu.memory_space<hbm>>
      %dma_wait3A_89 = tpu.memref_slice %arg3[%add3A_4] : memref<2048xi32, #tpu.memory_space<hbm>> -> memref<16xi32, #tpu.memory_space<hbm>>
      tpu.wait_dma2 semaphore(%run_scoped3A : memref<!tpu.dma_semaphore, #tpu.memory_space<semaphore_mem>>) src(%dma_wait3A_89 : memref<16xi32, #tpu.memory_space<hbm>>) dst(%arg6 : memref<16xi32, #tpu.memory_space<vmem>>)
      tpu.yield
    }) : () -> ()
    "tpu.region"() ({
      %run_scoped3A = tpu.sem_alloc : memref<!tpu.dma_semaphore, #tpu.memory_space<semaphore_mem>>
      %dma_start3A_86 = tpu.memref_slice %arg4[%add3A_4] : memref<2048xi32, #tpu.memory_space<hbm>> -> memref<16xi32, #tpu.memory_space<hbm>>
      %dma_start3A_87 = tpu.memref_slice %arg4[%add3A_4] : memref<2048xi32, #tpu.memory_space<hbm>> -> memref<16xi32, #tpu.memory_space<hbm>>
      tpu.enqueue_dma source(%dma_start3A_87 : memref<16xi32, #tpu.memory_space<hbm>>) target(%arg7 : memref<16xi32, #tpu.memory_space<vmem>>) target_semaphore(%run_scoped3A : memref<!tpu.dma_semaphore, #tpu.memory_space<semaphore_mem>>)
      %dma_wait3A_88 = tpu.memref_slice %arg4[%add3A_4] : memref<2048xi32, #tpu.memory_space<hbm>> -> memref<16xi32, #tpu.memory_space<hbm>>
      %dma_wait3A_89 = tpu.memref_slice %arg4[%add3A_4] : memref<2048xi32, #tpu.memory_space<hbm>> -> memref<16xi32, #tpu.memory_space<hbm>>
      tpu.wait_dma2 semaphore(%run_scoped3A : memref<!tpu.dma_semaphore, #tpu.memory_space<semaphore_mem>>) src(%dma_wait3A_89 : memref<16xi32, #tpu.memory_space<hbm>>) dst(%arg7 : memref<16xi32, #tpu.memory_space<vmem>>)
      tpu.yield
    }) : () -> ()
    %dma_start3A = arith.constant 0 : i32
    %dma_start3A_5 = arith.constant 0 : i32
    %dma_start3A_6 = tpu.memref_slice %arg2[%dma_start3A, %dma_start3A_5] : memref<5120x1024xf32, #tpu.memory_space<hbm>> -> memref<5120x1024xf32, #tpu.memory_space<hbm>>
    tpu.enqueue_indirect_dma source(%dma_start3A_6 : memref<5120x1024xf32, #tpu.memory_space<hbm>>) target(%arg8 : memref<16x1024xf32, #tpu.memory_space<vmem>>) offsets(%arg6 : memref<16xi32, #tpu.memory_space<vmem>>) semaphore(%arg11 : memref<!tpu.dma_semaphore, #tpu.memory_space<semaphore_mem>>)
    %dma_wait3A = arith.constant 0 : i32
    %dma_wait3A_7 = arith.constant 0 : i32
    %dma_wait3A_8 = tpu.memref_slice %arg2[%dma_wait3A, %dma_wait3A_7] : memref<5120x1024xf32, #tpu.memory_space<hbm>> -> memref<5120x1024xf32, #tpu.memory_space<hbm>>
    tpu.wait_indirect_dma semaphore(%arg11 : memref<!tpu.dma_semaphore, #tpu.memory_space<semaphore_mem>>) src(%dma_wait3A_8 : memref<5120x1024xf32, #tpu.memory_space<hbm>>) dst(%arg8 : memref<16x1024xf32, #tpu.memory_space<vmem>>)
    %dma_start3A_9 = arith.constant 0 : i32
    %dma_start3A_10 = arith.constant 0 : i32
    %dma_start3A_11 = tpu.memref_slice %arg2[%dma_start3A_9, %dma_start3A_10] : memref<5120x1024xf32, #tpu.memory_space<hbm>> -> memref<5120x1024xf32, #tpu.memory_space<hbm>>
    tpu.enqueue_indirect_dma source(%dma_start3A_11 : memref<5120x1024xf32, #tpu.memory_space<hbm>>) target(%arg9 : memref<16x1024xf32, #tpu.memory_space<vmem>>) offsets(%arg7 : memref<16xi32, #tpu.memory_space<vmem>>) semaphore(%arg11 : memref<!tpu.dma_semaphore, #tpu.memory_space<semaphore_mem>>)
    %dma_wait3A_12 = arith.constant 0 : i32
    %dma_wait3A_13 = arith.constant 0 : i32
    %dma_wait3A_14 = tpu.memref_slice %arg2[%dma_wait3A_12, %dma_wait3A_13] : memref<5120x1024xf32, #tpu.memory_space<hbm>> -> memref<5120x1024xf32, #tpu.memory_space<hbm>>
    tpu.wait_indirect_dma semaphore(%arg11 : memref<!tpu.dma_semaphore, #tpu.memory_space<semaphore_mem>>) src(%dma_wait3A_14 : memref<5120x1024xf32, #tpu.memory_space<hbm>>) dst(%arg9 : memref<16x1024xf32, #tpu.memory_space<vmem>>)
    %scan3A = arith.constant 0 : i32
    %scan3A_15 = arith.constant 0 : i32
    %scan3A_16 = arith.constant 16 : i32
    %scan3A_17 = arith.addi %scan3A_15, %scan3A_16 : i32
    %scan3A_18 = arith.constant 1 : i32
    scf.for %scan3A_86 = %scan3A_15 to %scan3A_17 step %scan3A_18  : i32 {
      %get3A = arith.index_cast %scan3A_86 : i32 to index
      %get3A_87 = arith.constant 0 : index
      %get3A_88 = tpu.vector_load %arg8[%get3A, %get3A_87] {strides = array<i32>} : memref<16x1024xf32, #tpu.memory_space<vmem>>, vector<1x16xf32>,
      %get3A_89 = vector.shape_cast %get3A_88 : vector<1x16xf32> to vector<16xf32>
      %get3A_90 = arith.index_cast %scan3A_86 : i32 to index
      %get3A_91 = arith.constant 0 : index
      %get3A_92 = tpu.vector_load %arg9[%get3A_90, %get3A_91] {strides = array<i32>} : memref<16x1024xf32, #tpu.memory_space<vmem>>, vector<1x16xf32>,
      %get3A_93 = vector.shape_cast %get3A_92 : vector<1x16xf32> to vector<16xf32>
      %add3A_94 = arith.addf %get3A_89, %get3A_93 : vector<16xf32>
      %swap3A = arith.index_cast %scan3A_86 : i32 to index
      %swap3A_95 = arith.constant 0 : index
      %swap3A_96 = tpu.vector_load %arg10[%swap3A, %swap3A_95] {strides = array<i32>} : memref<16x1024xf32, #tpu.memory_space<vmem>>, vector<1x16xf32>,
      %swap3A_97 = vector.shape_cast %swap3A_96 : vector<1x16xf32> to vector<16xf32>
      %swap3A_98 = vector.shape_cast %add3A_94 : vector<16xf32> to vector<1x16xf32>
      tpu.vector_store %arg10[%swap3A, %swap3A_95], %swap3A_98 {strides = array<i32>} : memref<16x1024xf32, #tpu.memory_space<vmem>>, vector<1x16xf32>,
      %get3A_99 = arith.index_cast %scan3A_86 : i32 to index
      %get3A_100 = arith.constant 16 : index
      %get3A_101 = tpu.vector_load %arg8[%get3A_99, %get3A_100] {strides = array<i32>} : memref<16x1024xf32, #tpu.memory_space<vmem>>, vector<1x16xf32>,
      %get3A_102 = vector.shape_cast %get3A_101 : vector<1x16xf32> to vector<16xf32>
      %get3A_103 = arith.index_cast %scan3A_86 : i32 to index
      %get3A_104 = arith.constant 16 : index
      %get3A_105 = tpu.vector_load %arg9[%get3A_103, %get3A_104] {strides = array<i32>} : memref<16x1024xf32, #tpu.memory_space<vmem>>, vector<1x16xf32>,
      %get3A_106 = vector.shape_cast %get3A_105 : vector<1x16xf32> to vector<16xf32>
      %add3A_107 = arith.addf %get3A_102, %get3A_106 : vector<16xf32>
      %swap3A_108 = arith.index_cast %scan3A_86 : i32 to index
      %swap3A_109 = arith.constant 16 : index
      %swap3A_110 = tpu.vector_load %arg10[%swap3A_108, %swap3A_109] {strides = array<i32>} : memref<16x1024xf32, #tpu.memory_space<vmem>>, vector<1x16xf32>,
      %swap3A_111 = vector.shape_cast %swap3A_110 : vector<1x16xf32> to vector<16xf32>
      %swap3A_112 = vector.shape_cast %add3A_107 : vector<16xf32> to vector<1x16xf32>
      tpu.vector_store %arg10[%swap3A_108, %swap3A_109], %swap3A_112 {strides = array<i32>} : memref<16x1024xf32, #tpu.memory_space<vmem>>, vector<1x16xf32>,
      %get3A_113 = arith.index_cast %scan3A_86 : i32 to index
      %get3A_114 = arith.constant 32 : index
      %get3A_115 = tpu.vector_load %arg8[%get3A_113, %get3A_114] {strides = array<i32>} : memref<16x1024xf32, #tpu.memory_space<vmem>>, vector<1x16xf32>,
      %get3A_116 = vector.shape_cast %get3A_115 : vector<1x16xf32> to vector<16xf32>
      %get3A_117 = arith.index_cast %scan3A_86 : i32 to index
      %get3A_118 = arith.constant 32 : index
      %get3A_119 = tpu.vector_load %arg9[%get3A_117, %get3A_118] {strides = array<i32>} : memref<16x1024xf32, #tpu.memory_space<vmem>>, vector<1x16xf32>,
      %get3A_120 = vector.shape_cast %get3A_119 : vector<1x16xf32> to vector<16xf32>
      %add3A_121 = arith.addf %get3A_116, %get3A_120 : vector<16xf32>
      %swap3A_122 = arith.index_cast %scan3A_86 : i32 to index
      %swap3A_123 = arith.constant 32 : index
      %swap3A_124 = tpu.vector_load %arg10[%swap3A_122, %swap3A_123] {strides = array<i32>} : memref<16x1024xf32, #tpu.memory_space<vmem>>, vector<1x16xf32>,
      %swap3A_125 = vector.shape_cast %swap3A_124 : vector<1x16xf32> to vector<16xf32>
      %swap3A_126 = vector.shape_cast %add3A_121 : vector<16xf32> to vector<1x16xf32>
      tpu.vector_store %arg10[%swap3A_122, %swap3A_123], %swap3A_126 {strides = array<i32>} : memref<16x1024xf32, #tpu.memory_space<vmem>>, vector<1x16xf32>,
      %get3A_127 = arith.index_cast %scan3A_86 : i32 to index
      %get3A_128 = arith.constant 48 : index
      %get3A_129 = tpu.vector_load %arg8[%get3A_127, %get3A_128] {strides = array<i32>} : memref<16x1024xf32, #tpu.memory_space<vmem>>, vector<1x16xf32>,
      %get3A_130 = vector.shape_cast %get3A_129 : vector<1x16xf32> to vector<16xf32>
      %get3A_131 = arith.index_cast %scan3A_86 : i32 to index
      %get3A_132 = arith.constant 48 : index
      %get3A_133 = tpu.vector_load %arg9[%get3A_131, %get3A_132] {strides = array<i32>} : memref<16x1024xf32, #tpu.memory_space<vmem>>, vector<1x16xf32>,
      %get3A_134 = vector.shape_cast %get3A_133 : vector<1x16xf32> to vector<16xf32>
      %add3A_135 = arith.addf %get3A_130, %get3A_134 : vector<16xf32>
      %swap3A_136 = arith.index_cast %scan3A_86 : i32 to index
      %swap3A_137 = arith.constant 48 : index
      %swap3A_138 = tpu.vector_load %arg10[%swap3A_136, %swap3A_137] {strides = array<i32>} : memref<16x1024xf32, #tpu.memory_space<vmem>>, vector<1x16xf32>,
      %swap3A_139 = vector.shape_cast %swap3A_138 : vector<1x16xf32> to vector<16xf32>
      %swap3A_140 = vector.shape_cast %add3A_135 : vector<16xf32> to vector<1x16xf32>
      tpu.vector_store %arg10[%swap3A_136, %swap3A_137], %swap3A_140 {strides = array<i32>} : memref<16x1024xf32, #tpu.memory_space<vmem>>, vector<1x16xf32>,
      %get3A_141 = arith.index_cast %scan3A_86 : i32 to index
      %get3A_142 = arith.constant 64 : index
      %get3A_143 = tpu.vector_load %arg8[%get3A_141, %get3A_142] {strides = array<i32>} : memref<16x1024xf32, #tpu.memory_space<vmem>>, vector<1x16xf32>,
      %get3A_144 = vector.shape_cast %get3A_143 : vector<1x16xf32> to vector<16xf32>
      %get3A_145 = arith.index_cast %scan3A_86 : i32 to index
      %get3A_146 = arith.constant 64 : index
      %get3A_147 = tpu.vector_load %arg9[%get3A_145, %get3A_146] {strides = array<i32>} : memref<16x1024xf32, #tpu.memory_space<vmem>>, vector<1x16xf32>,
      %get3A_148 = vector.shape_cast %get3A_147 : vector<1x16xf32> to vector<16xf32>
      %add3A_149 = arith.addf %get3A_144, %get3A_148 : vector<16xf32>
      %swap3A_150 = arith.index_cast %scan3A_86 : i32 to index
      %swap3A_151 = arith.constant 64 : index
      %swap3A_152 = tpu.vector_load %arg10[%swap3A_150, %swap3A_151] {strides = array<i32>} : memref<16x1024xf32, #tpu.memory_space<vmem>>, vector<1x16xf32>,
      %swap3A_153 = vector.shape_cast %swap3A_152 : vector<1x16xf32> to vector<16xf32>
      %swap3A_154 = vector.shape_cast %add3A_149 : vector<16xf32> to vector<1x16xf32>
      tpu.vector_store %arg10[%swap3A_150, %swap3A_151], %swap3A_154 {strides = array<i32>} : memref<16x1024xf32, #tpu.memory_space<vmem>>, vector<1x16xf32>,
      %get3A_155 = arith.index_cast %scan3A_86 : i32 to index
      %get3A_156 = arith.constant 80 : index
      %get3A_157 = tpu.vector_load %arg8[%get3A_155, %get3A_156] {strides = array<i32>} : memref<16x1024xf32, #tpu.memory_space<vmem>>, vector<1x16xf32>,
      %get3A_158 = vector.shape_cast %get3A_157 : vector<1x16xf32> to vector<16xf32>
      %get3A_159 = arith.index_cast %scan3A_86 : i32 to index
      %get3A_160 = arith.constant 80 : index
      %get3A_161 = tpu.vector_load %arg9[%get3A_159, %get3A_160] {strides = array<i32>} : memref<16x1024xf32, #tpu.memory_space<vmem>>, vector<1x16xf32>,
      %get3A_162 = vector.shape_cast %get3A_161 : vector<1x16xf32> to vector<16xf32>
      %add3A_163 = arith.addf %get3A_158, %get3A_162 : vector<16xf32>
      %swap3A_164 = arith.index_cast %scan3A_86 : i32 to index
      %swap3A_165 = arith.constant 80 : index
      %swap3A_166 = tpu.vector_load %arg10[%swap3A_164, %swap3A_165] {strides = array<i32>} : memref<16x1024xf32, #tpu.memory_space<vmem>>, vector<1x16xf32>,
      %swap3A_167 = vector.shape_cast %swap3A_166 : vector<1x16xf32> to vector<16xf32>
      %swap3A_168 = vector.shape_cast %add3A_163 : vector<16xf32> to vector<1x16xf32>
      tpu.vector_store %arg10[%swap3A_164, %swap3A_165], %swap3A_168 {strides = array<i32>} : memref<16x1024xf32, #tpu.memory_space<vmem>>, vector<1x16xf32>,
      %get3A_169 = arith.index_cast %scan3A_86 : i32 to index
      %get3A_170 = arith.constant 96 : index
      %get3A_171 = tpu.vector_load %arg8[%get3A_169, %get3A_170] {strides = array<i32>} : memref<16x1024xf32, #tpu.memory_space<vmem>>, vector<1x16xf32>,
      %get3A_172 = vector.shape_cast %get3A_171 : vector<1x16xf32> to vector<16xf32>
      %get3A_173 = arith.index_cast %scan3A_86 : i32 to index
      %get3A_174 = arith.constant 96 : index
      %get3A_175 = tpu.vector_load %arg9[%get3A_173, %get3A_174] {strides = array<i32>} : memref<16x1024xf32, #tpu.memory_space<vmem>>, vector<1x16xf32>,
      %get3A_176 = vector.shape_cast %get3A_175 : vector<1x16xf32> to vector<16xf32>
      %add3A_177 = arith.addf %get3A_172, %get3A_176 : vector<16xf32>
      %swap3A_178 = arith.index_cast %scan3A_86 : i32 to index
      %swap3A_179 = arith.constant 96 : index
      %swap3A_180 = tpu.vector_load %arg10[%swap3A_178, %swap3A_179] {strides = array<i32>} : memref<16x1024xf32, #tpu.memory_space<vmem>>, vector<1x16xf32>,
      %swap3A_181 = vector.shape_cast %swap3A_180 : vector<1x16xf32> to vector<16xf32>
      %swap3A_182 = vector.shape_cast %add3A_177 : vector<16xf32> to vector<1x16xf32>
      tpu.vector_store %arg10[%swap3A_178, %swap3A_179], %swap3A_182 {strides = array<i32>} : memref<16x1024xf32, #tpu.memory_space<vmem>>, vector<1x16xf32>,
      %get3A_183 = arith.index_cast %scan3A_86 : i32 to index
      %get3A_184 = arith.constant 112 : index
      %get3A_185 = tpu.vector_load %arg8[%get3A_183, %get3A_184] {strides = array<i32>} : memref<16x1024xf32, #tpu.memory_space<vmem>>, vector<1x16xf32>,
      %get3A_186 = vector.shape_cast %get3A_185 : vector<1x16xf32> to vector<16xf32>
      %get3A_187 = arith.index_cast %scan3A_86 : i32 to index
      %get3A_188 = arith.constant 112 : index
      %get3A_189 = tpu.vector_load %arg9[%get3A_187, %get3A_188] {strides = array<i32>} : memref<16x1024xf32, #tpu.memory_space<vmem>>, vector<1x16xf32>,
      %get3A_190 = vector.shape_cast %get3A_189 : vector<1x16xf32> to vector<16xf32>
      %add3A_191 = arith.addf %get3A_186, %get3A_190 : vector<16xf32>
      %swap3A_192 = arith.index_cast %scan3A_86 : i32 to index
      %swap3A_193 = arith.constant 112 : index
      %swap3A_194 = tpu.vector_load %arg10[%swap3A_192, %swap3A_193] {strides = array<i32>} : memref<16x1024xf32, #tpu.memory_space<vmem>>, vector<1x16xf32>,
      %swap3A_195 = vector.shape_cast %swap3A_194 : vector<1x16xf32> to vector<16xf32>
      %swap3A_196 = vector.shape_cast %add3A_191 : vector<16xf32> to vector<1x16xf32>
      tpu.vector_store %arg10[%swap3A_192, %swap3A_193], %swap3A_196 {strides = array<i32>} : memref<16x1024xf32, #tpu.memory_space<vmem>>, vector<1x16xf32>,
      %get3A_197 = arith.index_cast %scan3A_86 : i32 to index
      %get3A_198 = arith.constant 128 : index
      %get3A_199 = tpu.vector_load %arg8[%get3A_197, %get3A_198] {strides = array<i32>} : memref<16x1024xf32, #tpu.memory_space<vmem>>, vector<1x16xf32>,
      %get3A_200 = vector.shape_cast %get3A_199 : vector<1x16xf32> to vector<16xf32>
      %get3A_201 = arith.index_cast %scan3A_86 : i32 to index
      %get3A_202 = arith.constant 128 : index
      %get3A_203 = tpu.vector_load %arg9[%get3A_201, %get3A_202] {strides = array<i32>} : memref<16x1024xf32, #tpu.memory_space<vmem>>, vector<1x16xf32>,
      %get3A_204 = vector.shape_cast %get3A_203 : vector<1x16xf32> to vector<16xf32>
      %add3A_205 = arith.addf %get3A_200, %get3A_204 : vector<16xf32>
      %swap3A_206 = arith.index_cast %scan3A_86 : i32 to index
      %swap3A_207 = arith.constant 128 : index
      %swap3A_208 = tpu.vector_load %arg10[%swap3A_206, %swap3A_207] {strides = array<i32>} : memref<16x1024xf32, #tpu.memory_space<vmem>>, vector<1x16xf32>,
      %swap3A_209 = vector.shape_cast %swap3A_208 : vector<1x16xf32> to vector<16xf32>
      %swap3A_210 = vector.shape_cast %add3A_205 : vector<16xf32> to vector<1x16xf32>
      tpu.vector_store %arg10[%swap3A_206, %swap3A_207], %swap3A_210 {strides = array<i32>} : memref<16x1024xf32, #tpu.memory_space<vmem>>, vector<1x16xf32>,
      %get3A_211 = arith.index_cast %scan3A_86 : i32 to index
      %get3A_212 = arith.constant 144 : index
      %get3A_213 = tpu.vector_load %arg8[%get3A_211, %get3A_212] {strides = array<i32>} : memref<16x1024xf32, #tpu.memory_space<vmem>>, vector<1x16xf32>,
      %get3A_214 = vector.shape_cast %get3A_213 : vector<1x16xf32> to vector<16xf32>
      %get3A_215 = arith.index_cast %scan3A_86 : i32 to index
      %get3A_216 = arith.constant 144 : index
      %get3A_217 = tpu.vector_load %arg9[%get3A_215, %get3A_216] {strides = array<i32>} : memref<16x1024xf32, #tpu.memory_space<vmem>>, vector<1x16xf32>,
      %get3A_218 = vector.shape_cast %get3A_217 : vector<1x16xf32> to vector<16xf32>
      %add3A_219 = arith.addf %get3A_214, %get3A_218 : vector<16xf32>
      %swap3A_220 = arith.index_cast %scan3A_86 : i32 to index
      %swap3A_221 = arith.constant 144 : index
      %swap3A_222 = tpu.vector_load %arg10[%swap3A_220, %swap3A_221] {strides = array<i32>} : memref<16x1024xf32, #tpu.memory_space<vmem>>, vector<1x16xf32>,
      %swap3A_223 = vector.shape_cast %swap3A_222 : vector<1x16xf32> to vector<16xf32>
      %swap3A_224 = vector.shape_cast %add3A_219 : vector<16xf32> to vector<1x16xf32>
      tpu.vector_store %arg10[%swap3A_220, %swap3A_221], %swap3A_224 {strides = array<i32>} : memref<16x1024xf32, #tpu.memory_space<vmem>>, vector<1x16xf32>,
      %get3A_225 = arith.index_cast %scan3A_86 : i32 to index
      %get3A_226 = arith.constant 160 : index
      %get3A_227 = tpu.vector_load %arg8[%get3A_225, %get3A_226] {strides = array<i32>} : memref<16x1024xf32, #tpu.memory_space<vmem>>, vector<1x16xf32>,
      %get3A_228 = vector.shape_cast %get3A_227 : vector<1x16xf32> to vector<16xf32>
      %get3A_229 = arith.index_cast %scan3A_86 : i32 to index
      %get3A_230 = arith.constant 160 : index
      %get3A_231 = tpu.vector_load %arg9[%get3A_229, %get3A_230] {strides = array<i32>} : memref<16x1024xf32, #tpu.memory_space<vmem>>, vector<1x16xf32>,
      %get3A_232 = vector.shape_cast %get3A_231 : vector<1x16xf32> to vector<16xf32>
      %add3A_233 = arith.addf %get3A_228, %get3A_232 : vector<16xf32>
      %swap3A_234 = arith.index_cast %scan3A_86 : i32 to index
      %swap3A_235 = arith.constant 160 : index
      %swap3A_236 = tpu.vector_load %arg10[%swap3A_234, %swap3A_235] {strides = array<i32>} : memref<16x1024xf32, #tpu.memory_space<vmem>>, vector<1x16xf32>,
      %swap3A_237 = vector.shape_cast %swap3A_236 : vector<1x16xf32> to vector<16xf32>
      %swap3A_238 = vector.shape_cast %add3A_233 : vector<16xf32> to vector<1x16xf32>
      tpu.vector_store %arg10[%swap3A_234, %swap3A_235], %swap3A_238 {strides = array<i32>} : memref<16x1024xf32, #tpu.memory_space<vmem>>, vector<1x16xf32>,
      %get3A_239 = arith.index_cast %scan3A_86 : i32 to index
      %get3A_240 = arith.constant 176 : index
      %get3A_241 = tpu.vector_load %arg8[%get3A_239, %get3A_240] {strides = array<i32>} : memref<16x1024xf32, #tpu.memory_space<vmem>>, vector<1x16xf32>,
      %get3A_242 = vector.shape_cast %get3A_241 : vector<1x16xf32> to vector<16xf32>
      %get3A_243 = arith.index_cast %scan3A_86 : i32 to index
      %get3A_244 = arith.constant 176 : index
      %get3A_245 = tpu.vector_load %arg9[%get3A_243, %get3A_244] {strides = array<i32>} : memref<16x1024xf32, #tpu.memory_space<vmem>>, vector<1x16xf32>,
      %get3A_246 = vector.shape_cast %get3A_245 : vector<1x16xf32> to vector<16xf32>
      %add3A_247 = arith.addf %get3A_242, %get3A_246 : vector<16xf32>
      %swap3A_248 = arith.index_cast %scan3A_86 : i32 to index
      %swap3A_249 = arith.constant 176 : index
      %swap3A_250 = tpu.vector_load %arg10[%swap3A_248, %swap3A_249] {strides = array<i32>} : memref<16x1024xf32, #tpu.memory_space<vmem>>, vector<1x16xf32>,
      %swap3A_251 = vector.shape_cast %swap3A_250 : vector<1x16xf32> to vector<16xf32>
      %swap3A_252 = vector.shape_cast %add3A_247 : vector<16xf32> to vector<1x16xf32>
      tpu.vector_store %arg10[%swap3A_248, %swap3A_249], %swap3A_252 {strides = array<i32>} : memref<16x1024xf32, #tpu.memory_space<vmem>>, vector<1x16xf32>,
      %get3A_253 = arith.index_cast %scan3A_86 : i32 to index
      %get3A_254 = arith.constant 192 : index
      %get3A_255 = tpu.vector_load %arg8[%get3A_253, %get3A_254] {strides = array<i32>} : memref<16x1024xf32, #tpu.memory_space<vmem>>, vector<1x16xf32>,
      %get3A_256 = vector.shape_cast %get3A_255 : vector<1x16xf32> to vector<16xf32>
      %get3A_257 = arith.index_cast %scan3A_86 : i32 to index
      %get3A_258 = arith.constant 192 : index
      %get3A_259 = tpu.vector_load %arg9[%get3A_257, %get3A_258] {strides = array<i32>} : memref<16x1024xf32, #tpu.memory_space<vmem>>, vector<1x16xf32>,
      %get3A_260 = vector.shape_cast %get3A_259 : vector<1x16xf32> to vector<16xf32>
      %add3A_261 = arith.addf %get3A_256, %get3A_260 : vector<16xf32>
      %swap3A_262 = arith.index_cast %scan3A_86 : i32 to index
      %swap3A_263 = arith.constant 192 : index
      %swap3A_264 = tpu.vector_load %arg10[%swap3A_262, %swap3A_263] {strides = array<i32>} : memref<16x1024xf32, #tpu.memory_space<vmem>>, vector<1x16xf32>,
      %swap3A_265 = vector.shape_cast %swap3A_264 : vector<1x16xf32> to vector<16xf32>
      %swap3A_266 = vector.shape_cast %add3A_261 : vector<16xf32> to vector<1x16xf32>
      tpu.vector_store %arg10[%swap3A_262, %swap3A_263], %swap3A_266 {strides = array<i32>} : memref<16x1024xf32, #tpu.memory_space<vmem>>, vector<1x16xf32>,
      %get3A_267 = arith.index_cast %scan3A_86 : i32 to index
      %get3A_268 = arith.constant 208 : index
      %get3A_269 = tpu.vector_load %arg8[%get3A_267, %get3A_268] {strides = array<i32>} : memref<16x1024xf32, #tpu.memory_space<vmem>>, vector<1x16xf32>,
      %get3A_270 = vector.shape_cast %get3A_269 : vector<1x16xf32> to vector<16xf32>
      %get3A_271 = arith.index_cast %scan3A_86 : i32 to index
      %get3A_272 = arith.constant 208 : index
      %get3A_273 = tpu.vector_load %arg9[%get3A_271, %get3A_272] {strides = array<i32>} : memref<16x1024xf32, #tpu.memory_space<vmem>>, vector<1x16xf32>,
      %get3A_274 = vector.shape_cast %get3A_273 : vector<1x16xf32> to vector<16xf32>
      %add3A_275 = arith.addf %get3A_270, %get3A_274 : vector<16xf32>
      %swap3A_276 = arith.index_cast %scan3A_86 : i32 to index
      %swap3A_277 = arith.constant 208 : index
      %swap3A_278 = tpu.vector_load %arg10[%swap3A_276, %swap3A_277] {strides = array<i32>} : memref<16x1024xf32, #tpu.memory_space<vmem>>, vector<1x16xf32>,
      %swap3A_279 = vector.shape_cast %swap3A_278 : vector<1x16xf32> to vector<16xf32>
      %swap3A_280 = vector.shape_cast %add3A_275 : vector<16xf32> to vector<1x16xf32>
      tpu.vector_store %arg10[%swap3A_276, %swap3A_277], %swap3A_280 {strides = array<i32>} : memref<16x1024xf32, #tpu.memory_space<vmem>>, vector<1x16xf32>,
      %get3A_281 = arith.index_cast %scan3A_86 : i32 to index
      %get3A_282 = arith.constant 224 : index
      %get3A_283 = tpu.vector_load %arg8[%get3A_281, %get3A_282] {strides = array<i32>} : memref<16x1024xf32, #tpu.memory_space<vmem>>, vector<1x16xf32>,
      %get3A_284 = vector.shape_cast %get3A_283 : vector<1x16xf32> to vector<16xf32>
      %get3A_285 = arith.index_cast %scan3A_86 : i32 to index
      %get3A_286 = arith.constant 224 : index
      %get3A_287 = tpu.vector_load %arg9[%get3A_285, %get3A_286] {strides = array<i32>} : memref<16x1024xf32, #tpu.memory_space<vmem>>, vector<1x16xf32>,
      %get3A_288 = vector.shape_cast %get3A_287 : vector<1x16xf32> to vector<16xf32>
      %add3A_289 = arith.addf %get3A_284, %get3A_288 : vector<16xf32>
      %swap3A_290 = arith.index_cast %scan3A_86 : i32 to index
      %swap3A_291 = arith.constant 224 : index
      %swap3A_292 = tpu.vector_load %arg10[%swap3A_290, %swap3A_291] {strides = array<i32>} : memref<16x1024xf32, #tpu.memory_space<vmem>>, vector<1x16xf32>,
      %swap3A_293 = vector.shape_cast %swap3A_292 : vector<1x16xf32> to vector<16xf32>
      %swap3A_294 = vector.shape_cast %add3A_289 : vector<16xf32> to vector<1x16xf32>
      tpu.vector_store %arg10[%swap3A_290, %swap3A_291], %swap3A_294 {strides = array<i32>} : memref<16x1024xf32, #tpu.memory_space<vmem>>, vector<1x16xf32>,
      %get3A_295 = arith.index_cast %scan3A_86 : i32 to index
      %get3A_296 = arith.constant 240 : index
      %get3A_297 = tpu.vector_load %arg8[%get3A_295, %get3A_296] {strides = array<i32>} : memref<16x1024xf32, #tpu.memory_space<vmem>>, vector<1x16xf32>,
      %get3A_298 = vector.shape_cast %get3A_297 : vector<1x16xf32> to vector<16xf32>
      %get3A_299 = arith.index_cast %scan3A_86 : i32 to index
      %get3A_300 = arith.constant 240 : index
      %get3A_301 = tpu.vector_load %arg9[%get3A_299, %get3A_300] {strides = array<i32>} : memref<16x1024xf32, #tpu.memory_space<vmem>>, vector<1x16xf32>,
      %get3A_302 = vector.shape_cast %get3A_301 : vector<1x16xf32> to vector<16xf32>
      %add3A_303 = arith.addf %get3A_298, %get3A_302 : vector<16xf32>
      %swap3A_304 = arith.index_cast %scan3A_86 : i32 to index
      %swap3A_305 = arith.constant 240 : index
      %swap3A_306 = tpu.vector_load %arg10[%swap3A_304, %swap3A_305] {strides = array<i32>} : memref<16x1024xf32, #tpu.memory_space<vmem>>, vector<1x16xf32>,
      %swap3A_307 = vector.shape_cast %swap3A_306 : vector<1x16xf32> to vector<16xf32>
      %swap3A_308 = vector.shape_cast %add3A_303 : vector<16xf32> to vector<1x16xf32>
      tpu.vector_store %arg10[%swap3A_304, %swap3A_305], %swap3A_308 {strides = array<i32>} : memref<16x1024xf32, #tpu.memory_space<vmem>>, vector<1x16xf32>,
      %get3A_309 = arith.index_cast %scan3A_86 : i32 to index
      %get3A_310 = arith.constant 256 : index
      %get3A_311 = tpu.vector_load %arg8[%get3A_309, %get3A_310] {strides = array<i32>} : memref<16x1024xf32, #tpu.memory_space<vmem>>, vector<1x16xf32>,
      %get3A_312 = vector.shape_cast %get3A_311 : vector<1x16xf32> to vector<16xf32>
      %get3A_313 = arith.index_cast %scan3A_86 : i32 to index
      %get3A_314 = arith.constant 256 : index
      %get3A_315 = tpu.vector_load %arg9[%get3A_313, %get3A_314] {strides = array<i32>} : memref<16x1024xf32, #tpu.memory_space<vmem>>, vector<1x16xf32>,
      %get3A_316 = vector.shape_cast %get3A_315 : vector<1x16xf32> to vector<16xf32>
      %add3A_317 = arith.addf %get3A_312, %get3A_316 : vector<16xf32>
      %swap3A_318 = arith.index_cast %scan3A_86 : i32 to index
      %swap3A_319 = arith.constant 256 : index
      %swap3A_320 = tpu.vector_load %arg10[%swap3A_318, %swap3A_319] {strides = array<i32>} : memref<16x1024xf32, #tpu.memory_space<vmem>>, vector<1x16xf32>,
      %swap3A_321 = vector.shape_cast %swap3A_320 : vector<1x16xf32> to vector<16xf32>
      %swap3A_322 = vector.shape_cast %add3A_317 : vector<16xf32> to vector<1x16xf32>
      tpu.vector_store %arg10[%swap3A_318, %swap3A_319], %swap3A_322 {strides = array<i32>} : memref<16x1024xf32, #tpu.memory_space<vmem>>, vector<1x16xf32>,
      %get3A_323 = arith.index_cast %scan3A_86 : i32 to index
      %get3A_324 = arith.constant 272 : index
      %get3A_325 = tpu.vector_load %arg8[%get3A_323, %get3A_324] {strides = array<i32>} : memref<16x1024xf32, #tpu.memory_space<vmem>>, vector<1x16xf32>,
      %get3A_326 = vector.shape_cast %get3A_325 : vector<1x16xf32> to vector<16xf32>
      %get3A_327 = arith.index_cast %scan3A_86 : i32 to index
      %get3A_328 = arith.constant 272 : index
      %get3A_329 = tpu.vector_load %arg9[%get3A_327, %get3A_328] {strides = array<i32>} : memref<16x1024xf32, #tpu.memory_space<vmem>>, vector<1x16xf32>,
      %get3A_330 = vector.shape_cast %get3A_329 : vector<1x16xf32> to vector<16xf32>
      %add3A_331 = arith.addf %get3A_326, %get3A_330 : vector<16xf32>
      %swap3A_332 = arith.index_cast %scan3A_86 : i32 to index
      %swap3A_333 = arith.constant 272 : index
      %swap3A_334 = tpu.vector_load %arg10[%swap3A_332, %swap3A_333] {strides = array<i32>} : memref<16x1024xf32, #tpu.memory_space<vmem>>, vector<1x16xf32>,
      %swap3A_335 = vector.shape_cast %swap3A_334 : vector<1x16xf32> to vector<16xf32>
      %swap3A_336 = vector.shape_cast %add3A_331 : vector<16xf32> to vector<1x16xf32>
      tpu.vector_store %arg10[%swap3A_332, %swap3A_333], %swap3A_336 {strides = array<i32>} : memref<16x1024xf32, #tpu.memory_space<vmem>>, vector<1x16xf32>,
      %get3A_337 = arith.index_cast %scan3A_86 : i32 to index
      %get3A_338 = arith.constant 288 : index
      %get3A_339 = tpu.vector_load %arg8[%get3A_337, %get3A_338] {strides = array<i32>} : memref<16x1024xf32, #tpu.memory_space<vmem>>, vector<1x16xf32>,
      %get3A_340 = vector.shape_cast %get3A_339 : vector<1x16xf32> to vector<16xf32>
      %get3A_341 = arith.index_cast %scan3A_86 : i32 to index
      %get3A_342 = arith.constant 288 : index
      %get3A_343 = tpu.vector_load %arg9[%get3A_341, %get3A_342] {strides = array<i32>} : memref<16x1024xf32, #tpu.memory_space<vmem>>, vector<1x16xf32>,
      %get3A_344 = vector.shape_cast %get3A_343 : vector<1x16xf32> to vector<16xf32>
      %add3A_345 = arith.addf %get3A_340, %get3A_344 : vector<16xf32>
      %swap3A_346 = arith.index_cast %scan3A_86 : i32 to index
      %swap3A_347 = arith.constant 288 : index
      %swap3A_348 = tpu.vector_load %arg10[%swap3A_346, %swap3A_347] {strides = array<i32>} : memref<16x1024xf32, #tpu.memory_space<vmem>>, vector<1x16xf32>,
      %swap3A_349 = vector.shape_cast %swap3A_348 : vector<1x16xf32> to vector<16xf32>
      %swap3A_350 = vector.shape_cast %add3A_345 : vector<16xf32> to vector<1x16xf32>
      tpu.vector_store %arg10[%swap3A_346, %swap3A_347], %swap3A_350 {strides = array<i32>} : memref<16x1024xf32, #tpu.memory_space<vmem>>, vector<1x16xf32>,
      %get3A_351 = arith.index_cast %scan3A_86 : i32 to index
      %get3A_352 = arith.constant 304 : index
      %get3A_353 = tpu.vector_load %arg8[%get3A_351, %get3A_352] {strides = array<i32>} : memref<16x1024xf32, #tpu.memory_space<vmem>>, vector<1x16xf32>,
      %get3A_354 = vector.shape_cast %get3A_353 : vector<1x16xf32> to vector<16xf32>
      %get3A_355 = arith.index_cast %scan3A_86 : i32 to index
      %get3A_356 = arith.constant 304 : index
      %get3A_357 = tpu.vector_load %arg9[%get3A_355, %get3A_356] {strides = array<i32>} : memref<16x1024xf32, #tpu.memory_space<vmem>>, vector<1x16xf32>,
      %get3A_358 = vector.shape_cast %get3A_357 : vector<1x16xf32> to vector<16xf32>
      %add3A_359 = arith.addf %get3A_354, %get3A_358 : vector<16xf32>
      %swap3A_360 = arith.index_cast %scan3A_86 : i32 to index
      %swap3A_361 = arith.constant 304 : index
      %swap3A_362 = tpu.vector_load %arg10[%swap3A_360, %swap3A_361] {strides = array<i32>} : memref<16x1024xf32, #tpu.memory_space<vmem>>, vector<1x16xf32>,
      %swap3A_363 = vector.shape_cast %swap3A_362 : vector<1x16xf32> to vector<16xf32>
      %swap3A_364 = vector.shape_cast %add3A_359 : vector<16xf32> to vector<1x16xf32>
      tpu.vector_store %arg10[%swap3A_360, %swap3A_361], %swap3A_364 {strides = array<i32>} : memref<16x1024xf32, #tpu.memory_space<vmem>>, vector<1x16xf32>,
      %get3A_365 = arith.index_cast %scan3A_86 : i32 to index
      %get3A_366 = arith.constant 320 : index
      %get3A_367 = tpu.vector_load %arg8[%get3A_365, %get3A_366] {strides = array<i32>} : memref<16x1024xf32, #tpu.memory_space<vmem>>, vector<1x16xf32>,
      %get3A_368 = vector.shape_cast %get3A_367 : vector<1x16xf32> to vector<16xf32>
      %get3A_369 = arith.index_cast %scan3A_86 : i32 to index
      %get3A_370 = arith.constant 320 : index
      %get3A_371 = tpu.vector_load %arg9[%get3A_369, %get3A_370] {strides = array<i32>} : memref<16x1024xf32, #tpu.memory_space<vmem>>, vector<1x16xf32>,
      %get3A_372 = vector.shape_cast %get3A_371 : vector<1x16xf32> to vector<16xf32>
      %add3A_373 = arith.addf %get3A_368, %get3A_372 : vector<16xf32>
      %swap3A_374 = arith.index_cast %scan3A_86 : i32 to index
      %swap3A_375 = arith.constant 320 : index
      %swap3A_376 = tpu.vector_load %arg10[%swap3A_374, %swap3A_375] {strides = array<i32>} : memref<16x1024xf32, #tpu.memory_space<vmem>>, vector<1x16xf32>,
      %swap3A_377 = vector.shape_cast %swap3A_376 : vector<1x16xf32> to vector<16xf32>
      %swap3A_378 = vector.shape_cast %add3A_373 : vector<16xf32> to vector<1x16xf32>
      tpu.vector_store %arg10[%swap3A_374, %swap3A_375], %swap3A_378 {strides = array<i32>} : memref<16x1024xf32, #tpu.memory_space<vmem>>, vector<1x16xf32>,
      %get3A_379 = arith.index_cast %scan3A_86 : i32 to index
      %get3A_380 = arith.constant 336 : index
      %get3A_381 = tpu.vector_load %arg8[%get3A_379, %get3A_380] {strides = array<i32>} : memref<16x1024xf32, #tpu.memory_space<vmem>>, vector<1x16xf32>,
      %get3A_382 = vector.shape_cast %get3A_381 : vector<1x16xf32> to vector<16xf32>
      %get3A_383 = arith.index_cast %scan3A_86 : i32 to index
      %get3A_384 = arith.constant 336 : index
      %get3A_385 = tpu.vector_load %arg9[%get3A_383, %get3A_384] {strides = array<i32>} : memref<16x1024xf32, #tpu.memory_space<vmem>>, vector<1x16xf32>,
      %get3A_386 = vector.shape_cast %get3A_385 : vector<1x16xf32> to vector<16xf32>
      %add3A_387 = arith.addf %get3A_382, %get3A_386 : vector<16xf32>
      %swap3A_388 = arith.index_cast %scan3A_86 : i32 to index
      %swap3A_389 = arith.constant 336 : index
      %swap3A_390 = tpu.vector_load %arg10[%swap3A_388, %swap3A_389] {strides = array<i32>} : memref<16x1024xf32, #tpu.memory_space<vmem>>, vector<1x16xf32>,
      %swap3A_391 = vector.shape_cast %swap3A_390 : vector<1x16xf32> to vector<16xf32>
      %swap3A_392 = vector.shape_cast %add3A_387 : vector<16xf32> to vector<1x16xf32>
      tpu.vector_store %arg10[%swap3A_388, %swap3A_389], %swap3A_392 {strides = array<i32>} : memref<16x1024xf32, #tpu.memory_space<vmem>>, vector<1x16xf32>,
      %get3A_393 = arith.index_cast %scan3A_86 : i32 to index
      %get3A_394 = arith.constant 352 : index
      %get3A_395 = tpu.vector_load %arg8[%get3A_393, %get3A_394] {strides = array<i32>} : memref<16x1024xf32, #tpu.memory_space<vmem>>, vector<1x16xf32>,
      %get3A_396 = vector.shape_cast %get3A_395 : vector<1x16xf32> to vector<16xf32>
      %get3A_397 = arith.index_cast %scan3A_86 : i32 to index
      %get3A_398 = arith.constant 352 : index
      %get3A_399 = tpu.vector_load %arg9[%get3A_397, %get3A_398] {strides = array<i32>} : memref<16x1024xf32, #tpu.memory_space<vmem>>, vector<1x16xf32>,
      %get3A_400 = vector.shape_cast %get3A_399 : vector<1x16xf32> to vector<16xf32>
      %add3A_401 = arith.addf %get3A_396, %get3A_400 : vector<16xf32>
      %swap3A_402 = arith.index_cast %scan3A_86 : i32 to index
      %swap3A_403 = arith.constant 352 : index
      %swap3A_404 = tpu.vector_load %arg10[%swap3A_402, %swap3A_403] {strides = array<i32>} : memref<16x1024xf32, #tpu.memory_space<vmem>>, vector<1x16xf32>,
      %swap3A_405 = vector.shape_cast %swap3A_404 : vector<1x16xf32> to vector<16xf32>
      %swap3A_406 = vector.shape_cast %add3A_401 : vector<16xf32> to vector<1x16xf32>
      tpu.vector_store %arg10[%swap3A_402, %swap3A_403], %swap3A_406 {strides = array<i32>} : memref<16x1024xf32, #tpu.memory_space<vmem>>, vector<1x16xf32>,
      %get3A_407 = arith.index_cast %scan3A_86 : i32 to index
      %get3A_408 = arith.constant 368 : index
      %get3A_409 = tpu.vector_load %arg8[%get3A_407, %get3A_408] {strides = array<i32>} : memref<16x1024xf32, #tpu.memory_space<vmem>>, vector<1x16xf32>,
      %get3A_410 = vector.shape_cast %get3A_409 : vector<1x16xf32> to vector<16xf32>
      %get3A_411 = arith.index_cast %scan3A_86 : i32 to index
      %get3A_412 = arith.constant 368 : index
      %get3A_413 = tpu.vector_load %arg9[%get3A_411, %get3A_412] {strides = array<i32>} : memref<16x1024xf32, #tpu.memory_space<vmem>>, vector<1x16xf32>,
      %get3A_414 = vector.shape_cast %get3A_413 : vector<1x16xf32> to vector<16xf32>
      %add3A_415 = arith.addf %get3A_410, %get3A_414 : vector<16xf32>
      %swap3A_416 = arith.index_cast %scan3A_86 : i32 to index
      %swap3A_417 = arith.constant 368 : index
      %swap3A_418 = tpu.vector_load %arg10[%swap3A_416, %swap3A_417] {strides = array<i32>} : memref<16x1024xf32, #tpu.memory_space<vmem>>, vector<1x16xf32>,
      %swap3A_419 = vector.shape_cast %swap3A_418 : vector<1x16xf32> to vector<16xf32>
      %swap3A_420 = vector.shape_cast %add3A_415 : vector<16xf32> to vector<1x16xf32>
      tpu.vector_store %arg10[%swap3A_416, %swap3A_417], %swap3A_420 {strides = array<i32>} : memref<16x1024xf32, #tpu.memory_space<vmem>>, vector<1x16xf32>,
      %get3A_421 = arith.index_cast %scan3A_86 : i32 to index
      %get3A_422 = arith.constant 384 : index
      %get3A_423 = tpu.vector_load %arg8[%get3A_421, %get3A_422] {strides = array<i32>} : memref<16x1024xf32, #tpu.memory_space<vmem>>, vector<1x16xf32>,
      %get3A_424 = vector.shape_cast %get3A_423 : vector<1x16xf32> to vector<16xf32>
      %get3A_425 = arith.index_cast %scan3A_86 : i32 to index
      %get3A_426 = arith.constant 384 : index
      %get3A_427 = tpu.vector_load %arg9[%get3A_425, %get3A_426] {strides = array<i32>} : memref<16x1024xf32, #tpu.memory_space<vmem>>, vector<1x16xf32>,
      %get3A_428 = vector.shape_cast %get3A_427 : vector<1x16xf32> to vector<16xf32>
      %add3A_429 = arith.addf %get3A_424, %get3A_428 : vector<16xf32>
      %swap3A_430 = arith.index_cast %scan3A_86 : i32 to index
      %swap3A_431 = arith.constant 384 : index
      %swap3A_432 = tpu.vector_load %arg10[%swap3A_430, %swap3A_431] {strides = array<i32>} : memref<16x1024xf32, #tpu.memory_space<vmem>>, vector<1x16xf32>,
      %swap3A_433 = vector.shape_cast %swap3A_432 : vector<1x16xf32> to vector<16xf32>
      %swap3A_434 = vector.shape_cast %add3A_429 : vector<16xf32> to vector<1x16xf32>
      tpu.vector_store %arg10[%swap3A_430, %swap3A_431], %swap3A_434 {strides = array<i32>} : memref<16x1024xf32, #tpu.memory_space<vmem>>, vector<1x16xf32>,
      %get3A_435 = arith.index_cast %scan3A_86 : i32 to index
      %get3A_436 = arith.constant 400 : index
      %get3A_437 = tpu.vector_load %arg8[%get3A_435, %get3A_436] {strides = array<i32>} : memref<16x1024xf32, #tpu.memory_space<vmem>>, vector<1x16xf32>,
      %get3A_438 = vector.shape_cast %get3A_437 : vector<1x16xf32> to vector<16xf32>
      %get3A_439 = arith.index_cast %scan3A_86 : i32 to index
      %get3A_440 = arith.constant 400 : index
      %get3A_441 = tpu.vector_load %arg9[%get3A_439, %get3A_440] {strides = array<i32>} : memref<16x1024xf32, #tpu.memory_space<vmem>>, vector<1x16xf32>,
      %get3A_442 = vector.shape_cast %get3A_441 : vector<1x16xf32> to vector<16xf32>
      %add3A_443 = arith.addf %get3A_438, %get3A_442 : vector<16xf32>
      %swap3A_444 = arith.index_cast %scan3A_86 : i32 to index
      %swap3A_445 = arith.constant 400 : index
      %swap3A_446 = tpu.vector_load %arg10[%swap3A_444, %swap3A_445] {strides = array<i32>} : memref<16x1024xf32, #tpu.memory_space<vmem>>, vector<1x16xf32>,
      %swap3A_447 = vector.shape_cast %swap3A_446 : vector<1x16xf32> to vector<16xf32>
      %swap3A_448 = vector.shape_cast %add3A_443 : vector<16xf32> to vector<1x16xf32>
      tpu.vector_store %arg10[%swap3A_444, %swap3A_445], %swap3A_448 {strides = array<i32>} : memref<16x1024xf32, #tpu.memory_space<vmem>>, vector<1x16xf32>,
      %get3A_449 = arith.index_cast %scan3A_86 : i32 to index
      %get3A_450 = arith.constant 416 : index
      %get3A_451 = tpu.vector_load %arg8[%get3A_449, %get3A_450] {strides = array<i32>} : memref<16x1024xf32, #tpu.memory_space<vmem>>, vector<1x16xf32>,
      %get3A_452 = vector.shape_cast %get3A_451 : vector<1x16xf32> to vector<16xf32>
      %get3A_453 = arith.index_cast %scan3A_86 : i32 to index
      %get3A_454 = arith.constant 416 : index
      %get3A_455 = tpu.vector_load %arg9[%get3A_453, %get3A_454] {strides = array<i32>} : memref<16x1024xf32, #tpu.memory_space<vmem>>, vector<1x16xf32>,
      %get3A_456 = vector.shape_cast %get3A_455 : vector<1x16xf32> to vector<16xf32>
      %add3A_457 = arith.addf %get3A_452, %get3A_456 : vector<16xf32>
      %swap3A_458 = arith.index_cast %scan3A_86 : i32 to index
      %swap3A_459 = arith.constant 416 : index
      %swap3A_460 = tpu.vector_load %arg10[%swap3A_458, %swap3A_459] {strides = array<i32>} : memref<16x1024xf32, #tpu.memory_space<vmem>>, vector<1x16xf32>,
      %swap3A_461 = vector.shape_cast %swap3A_460 : vector<1x16xf32> to vector<16xf32>
      %swap3A_462 = vector.shape_cast %add3A_457 : vector<16xf32> to vector<1x16xf32>
      tpu.vector_store %arg10[%swap3A_458, %swap3A_459], %swap3A_462 {strides = array<i32>} : memref<16x1024xf32, #tpu.memory_space<vmem>>, vector<1x16xf32>,
      %get3A_463 = arith.index_cast %scan3A_86 : i32 to index
      %get3A_464 = arith.constant 432 : index
      %get3A_465 = tpu.vector_load %arg8[%get3A_463, %get3A_464] {strides = array<i32>} : memref<16x1024xf32, #tpu.memory_space<vmem>>, vector<1x16xf32>,
      %get3A_466 = vector.shape_cast %get3A_465 : vector<1x16xf32> to vector<16xf32>
      %get3A_467 = arith.index_cast %scan3A_86 : i32 to index
      %get3A_468 = arith.constant 432 : index
      %get3A_469 = tpu.vector_load %arg9[%get3A_467, %get3A_468] {strides = array<i32>} : memref<16x1024xf32, #tpu.memory_space<vmem>>, vector<1x16xf32>,
      %get3A_470 = vector.shape_cast %get3A_469 : vector<1x16xf32> to vector<16xf32>
      %add3A_471 = arith.addf %get3A_466, %get3A_470 : vector<16xf32>
      %swap3A_472 = arith.index_cast %scan3A_86 : i32 to index
      %swap3A_473 = arith.constant 432 : index
      %swap3A_474 = tpu.vector_load %arg10[%swap3A_472, %swap3A_473] {strides = array<i32>} : memref<16x1024xf32, #tpu.memory_space<vmem>>, vector<1x16xf32>,
      %swap3A_475 = vector.shape_cast %swap3A_474 : vector<1x16xf32> to vector<16xf32>
      %swap3A_476 = vector.shape_cast %add3A_471 : vector<16xf32> to vector<1x16xf32>
      tpu.vector_store %arg10[%swap3A_472, %swap3A_473], %swap3A_476 {strides = array<i32>} : memref<16x1024xf32, #tpu.memory_space<vmem>>, vector<1x16xf32>,
      %get3A_477 = arith.index_cast %scan3A_86 : i32 to index
      %get3A_478 = arith.constant 448 : index
      %get3A_479 = tpu.vector_load %arg8[%get3A_477, %get3A_478] {strides = array<i32>} : memref<16x1024xf32, #tpu.memory_space<vmem>>, vector<1x16xf32>,
      %get3A_480 = vector.shape_cast %get3A_479 : vector<1x16xf32> to vector<16xf32>
      %get3A_481 = arith.index_cast %scan3A_86 : i32 to index
      %get3A_482 = arith.constant 448 : index
      %get3A_483 = tpu.vector_load %arg9[%get3A_481, %get3A_482] {strides = array<i32>} : memref<16x1024xf32, #tpu.memory_space<vmem>>, vector<1x16xf32>,
      %get3A_484 = vector.shape_cast %get3A_483 : vector<1x16xf32> to vector<16xf32>
      %add3A_485 = arith.addf %get3A_480, %get3A_484 : vector<16xf32>
      %swap3A_486 = arith.index_cast %scan3A_86 : i32 to index
      %swap3A_487 = arith.constant 448 : index
      %swap3A_488 = tpu.vector_load %arg10[%swap3A_486, %swap3A_487] {strides = array<i32>} : memref<16x1024xf32, #tpu.memory_space<vmem>>, vector<1x16xf32>,
      %swap3A_489 = vector.shape_cast %swap3A_488 : vector<1x16xf32> to vector<16xf32>
      %swap3A_490 = vector.shape_cast %add3A_485 : vector<16xf32> to vector<1x16xf32>
      tpu.vector_store %arg10[%swap3A_486, %swap3A_487], %swap3A_490 {strides = array<i32>} : memref<16x1024xf32, #tpu.memory_space<vmem>>, vector<1x16xf32>,
      %get3A_491 = arith.index_cast %scan3A_86 : i32 to index
      %get3A_492 = arith.constant 464 : index
      %get3A_493 = tpu.vector_load %arg8[%get3A_491, %get3A_492] {strides = array<i32>} : memref<16x1024xf32, #tpu.memory_space<vmem>>, vector<1x16xf32>,
      %get3A_494 = vector.shape_cast %get3A_493 : vector<1x16xf32> to vector<16xf32>
      %get3A_495 = arith.index_cast %scan3A_86 : i32 to index
      %get3A_496 = arith.constant 464 : index
      %get3A_497 = tpu.vector_load %arg9[%get3A_495, %get3A_496] {strides = array<i32>} : memref<16x1024xf32, #tpu.memory_space<vmem>>, vector<1x16xf32>,
      %get3A_498 = vector.shape_cast %get3A_497 : vector<1x16xf32> to vector<16xf32>
      %add3A_499 = arith.addf %get3A_494, %get3A_498 : vector<16xf32>
      %swap3A_500 = arith.index_cast %scan3A_86 : i32 to index
      %swap3A_501 = arith.constant 464 : index
      %swap3A_502 = tpu.vector_load %arg10[%swap3A_500, %swap3A_501] {strides = array<i32>} : memref<16x1024xf32, #tpu.memory_space<vmem>>, vector<1x16xf32>,
      %swap3A_503 = vector.shape_cast %swap3A_502 : vector<1x16xf32> to vector<16xf32>
      %swap3A_504 = vector.shape_cast %add3A_499 : vector<16xf32> to vector<1x16xf32>
      tpu.vector_store %arg10[%swap3A_500, %swap3A_501], %swap3A_504 {strides = array<i32>} : memref<16x1024xf32, #tpu.memory_space<vmem>>, vector<1x16xf32>,
      %get3A_505 = arith.index_cast %scan3A_86 : i32 to index
      %get3A_506 = arith.constant 480 : index
      %get3A_507 = tpu.vector_load %arg8[%get3A_505, %get3A_506] {strides = array<i32>} : memref<16x1024xf32, #tpu.memory_space<vmem>>, vector<1x16xf32>,
      %get3A_508 = vector.shape_cast %get3A_507 : vector<1x16xf32> to vector<16xf32>
      %get3A_509 = arith.index_cast %scan3A_86 : i32 to index
      %get3A_510 = arith.constant 480 : index
      %get3A_511 = tpu.vector_load %arg9[%get3A_509, %get3A_510] {strides = array<i32>} : memref<16x1024xf32, #tpu.memory_space<vmem>>, vector<1x16xf32>,
      %get3A_512 = vector.shape_cast %get3A_511 : vector<1x16xf32> to vector<16xf32>
      %add3A_513 = arith.addf %get3A_508, %get3A_512 : vector<16xf32>
      %swap3A_514 = arith.index_cast %scan3A_86 : i32 to index
      %swap3A_515 = arith.constant 480 : index
      %swap3A_516 = tpu.vector_load %arg10[%swap3A_514, %swap3A_515] {strides = array<i32>} : memref<16x1024xf32, #tpu.memory_space<vmem>>, vector<1x16xf32>,
      %swap3A_517 = vector.shape_cast %swap3A_516 : vector<1x16xf32> to vector<16xf32>
      %swap3A_518 = vector.shape_cast %add3A_513 : vector<16xf32> to vector<1x16xf32>
      tpu.vector_store %arg10[%swap3A_514, %swap3A_515], %swap3A_518 {strides = array<i32>} : memref<16x1024xf32, #tpu.memory_space<vmem>>, vector<1x16xf32>,
      %get3A_519 = arith.index_cast %scan3A_86 : i32 to index
      %get3A_520 = arith.constant 496 : index
      %get3A_521 = tpu.vector_load %arg8[%get3A_519, %get3A_520] {strides = array<i32>} : memref<16x1024xf32, #tpu.memory_space<vmem>>, vector<1x16xf32>,
      %get3A_522 = vector.shape_cast %get3A_521 : vector<1x16xf32> to vector<16xf32>
      %get3A_523 = arith.index_cast %scan3A_86 : i32 to index
      %get3A_524 = arith.constant 496 : index
      %get3A_525 = tpu.vector_load %arg9[%get3A_523, %get3A_524] {strides = array<i32>} : memref<16x1024xf32, #tpu.memory_space<vmem>>, vector<1x16xf32>,
      %get3A_526 = vector.shape_cast %get3A_525 : vector<1x16xf32> to vector<16xf32>
      %add3A_527 = arith.addf %get3A_522, %get3A_526 : vector<16xf32>
      %swap3A_528 = arith.index_cast %scan3A_86 : i32 to index
      %swap3A_529 = arith.constant 496 : index
      %swap3A_530 = tpu.vector_load %arg10[%swap3A_528, %swap3A_529] {strides = array<i32>} : memref<16x1024xf32, #tpu.memory_space<vmem>>, vector<1x16xf32>,
      %swap3A_531 = vector.shape_cast %swap3A_530 : vector<1x16xf32> to vector<16xf32>
      %swap3A_532 = vector.shape_cast %add3A_527 : vector<16xf32> to vector<1x16xf32>
      tpu.vector_store %arg10[%swap3A_528, %swap3A_529], %swap3A_532 {strides = array<i32>} : memref<16x1024xf32, #tpu.memory_space<vmem>>, vector<1x16xf32>,
      %get3A_533 = arith.index_cast %scan3A_86 : i32 to index
      %get3A_534 = arith.constant 512 : index
      %get3A_535 = tpu.vector_load %arg8[%get3A_533, %get3A_534] {strides = array<i32>} : memref<16x1024xf32, #tpu.memory_space<vmem>>, vector<1x16xf32>,
      %get3A_536 = vector.shape_cast %get3A_535 : vector<1x16xf32> to vector<16xf32>
      %get3A_537 = arith.index_cast %scan3A_86 : i32 to index
      %get3A_538 = arith.constant 512 : index
      %get3A_539 = tpu.vector_load %arg9[%get3A_537, %get3A_538] {strides = array<i32>} : memref<16x1024xf32, #tpu.memory_space<vmem>>, vector<1x16xf32>,
      %get3A_540 = vector.shape_cast %get3A_539 : vector<1x16xf32> to vector<16xf32>
      %add3A_541 = arith.addf %get3A_536, %get3A_540 : vector<16xf32>
      %swap3A_542 = arith.index_cast %scan3A_86 : i32 to index
      %swap3A_543 = arith.constant 512 : index
      %swap3A_544 = tpu.vector_load %arg10[%swap3A_542, %swap3A_543] {strides = array<i32>} : memref<16x1024xf32, #tpu.memory_space<vmem>>, vector<1x16xf32>,
      %swap3A_545 = vector.shape_cast %swap3A_544 : vector<1x16xf32> to vector<16xf32>
      %swap3A_546 = vector.shape_cast %add3A_541 : vector<16xf32> to vector<1x16xf32>
      tpu.vector_store %arg10[%swap3A_542, %swap3A_543], %swap3A_546 {strides = array<i32>} : memref<16x1024xf32, #tpu.memory_space<vmem>>, vector<1x16xf32>,
      %get3A_547 = arith.index_cast %scan3A_86 : i32 to index
      %get3A_548 = arith.constant 528 : index
      %get3A_549 = tpu.vector_load %arg8[%get3A_547, %get3A_548] {strides = array<i32>} : memref<16x1024xf32, #tpu.memory_space<vmem>>, vector<1x16xf32>,
      %get3A_550 = vector.shape_cast %get3A_549 : vector<1x16xf32> to vector<16xf32>
      %get3A_551 = arith.index_cast %scan3A_86 : i32 to index
      %get3A_552 = arith.constant 528 : index
      %get3A_553 = tpu.vector_load %arg9[%get3A_551, %get3A_552] {strides = array<i32>} : memref<16x1024xf32, #tpu.memory_space<vmem>>, vector<1x16xf32>,
      %get3A_554 = vector.shape_cast %get3A_553 : vector<1x16xf32> to vector<16xf32>
      %add3A_555 = arith.addf %get3A_550, %get3A_554 : vector<16xf32>
      %swap3A_556 = arith.index_cast %scan3A_86 : i32 to index
      %swap3A_557 = arith.constant 528 : index
      %swap3A_558 = tpu.vector_load %arg10[%swap3A_556, %swap3A_557] {strides = array<i32>} : memref<16x1024xf32, #tpu.memory_space<vmem>>, vector<1x16xf32>,
      %swap3A_559 = vector.shape_cast %swap3A_558 : vector<1x16xf32> to vector<16xf32>
      %swap3A_560 = vector.shape_cast %add3A_555 : vector<16xf32> to vector<1x16xf32>
      tpu.vector_store %arg10[%swap3A_556, %swap3A_557], %swap3A_560 {strides = array<i32>} : memref<16x1024xf32, #tpu.memory_space<vmem>>, vector<1x16xf32>,
      %get3A_561 = arith.index_cast %scan3A_86 : i32 to index
      %get3A_562 = arith.constant 544 : index
      %get3A_563 = tpu.vector_load %arg8[%get3A_561, %get3A_562] {strides = array<i32>} : memref<16x1024xf32, #tpu.memory_space<vmem>>, vector<1x16xf32>,
      %get3A_564 = vector.shape_cast %get3A_563 : vector<1x16xf32> to vector<16xf32>
      %get3A_565 = arith.index_cast %scan3A_86 : i32 to index
      %get3A_566 = arith.constant 544 : index
      %get3A_567 = tpu.vector_load %arg9[%get3A_565, %get3A_566] {strides = array<i32>} : memref<16x1024xf32, #tpu.memory_space<vmem>>, vector<1x16xf32>,
      %get3A_568 = vector.shape_cast %get3A_567 : vector<1x16xf32> to vector<16xf32>
      %add3A_569 = arith.addf %get3A_564, %get3A_568 : vector<16xf32>
      %swap3A_570 = arith.index_cast %scan3A_86 : i32 to index
      %swap3A_571 = arith.constant 544 : index
      %swap3A_572 = tpu.vector_load %arg10[%swap3A_570, %swap3A_571] {strides = array<i32>} : memref<16x1024xf32, #tpu.memory_space<vmem>>, vector<1x16xf32>,
      %swap3A_573 = vector.shape_cast %swap3A_572 : vector<1x16xf32> to vector<16xf32>
      %swap3A_574 = vector.shape_cast %add3A_569 : vector<16xf32> to vector<1x16xf32>
      tpu.vector_store %arg10[%swap3A_570, %swap3A_571], %swap3A_574 {strides = array<i32>} : memref<16x1024xf32, #tpu.memory_space<vmem>>, vector<1x16xf32>,
      %get3A_575 = arith.index_cast %scan3A_86 : i32 to index
      %get3A_576 = arith.constant 560 : index
      %get3A_577 = tpu.vector_load %arg8[%get3A_575, %get3A_576] {strides = array<i32>} : memref<16x1024xf32, #tpu.memory_space<vmem>>, vector<1x16xf32>,
      %get3A_578 = vector.shape_cast %get3A_577 : vector<1x16xf32> to vector<16xf32>
      %get3A_579 = arith.index_cast %scan3A_86 : i32 to index
      %get3A_580 = arith.constant 560 : index
      %get3A_581 = tpu.vector_load %arg9[%get3A_579, %get3A_580] {strides = array<i32>} : memref<16x1024xf32, #tpu.memory_space<vmem>>, vector<1x16xf32>,
      %get3A_582 = vector.shape_cast %get3A_581 : vector<1x16xf32> to vector<16xf32>
      %add3A_583 = arith.addf %get3A_578, %get3A_582 : vector<16xf32>
      %swap3A_584 = arith.index_cast %scan3A_86 : i32 to index
      %swap3A_585 = arith.constant 560 : index
      %swap3A_586 = tpu.vector_load %arg10[%swap3A_584, %swap3A_585] {strides = array<i32>} : memref<16x1024xf32, #tpu.memory_space<vmem>>, vector<1x16xf32>,
      %swap3A_587 = vector.shape_cast %swap3A_586 : vector<1x16xf32> to vector<16xf32>
      %swap3A_588 = vector.shape_cast %add3A_583 : vector<16xf32> to vector<1x16xf32>
      tpu.vector_store %arg10[%swap3A_584, %swap3A_585], %swap3A_588 {strides = array<i32>} : memref<16x1024xf32, #tpu.memory_space<vmem>>, vector<1x16xf32>,
      %get3A_589 = arith.index_cast %scan3A_86 : i32 to index
      %get3A_590 = arith.constant 576 : index
      %get3A_591 = tpu.vector_load %arg8[%get3A_589, %get3A_590] {strides = array<i32>} : memref<16x1024xf32, #tpu.memory_space<vmem>>, vector<1x16xf32>,
      %get3A_592 = vector.shape_cast %get3A_591 : vector<1x16xf32> to vector<16xf32>
      %get3A_593 = arith.index_cast %scan3A_86 : i32 to index
      %get3A_594 = arith.constant 576 : index
      %get3A_595 = tpu.vector_load %arg9[%get3A_593, %get3A_594] {strides = array<i32>} : memref<16x1024xf32, #tpu.memory_space<vmem>>, vector<1x16xf32>,
      %get3A_596 = vector.shape_cast %get3A_595 : vector<1x16xf32> to vector<16xf32>
      %add3A_597 = arith.addf %get3A_592, %get3A_596 : vector<16xf32>
      %swap3A_598 = arith.index_cast %scan3A_86 : i32 to index
      %swap3A_599 = arith.constant 576 : index
      %swap3A_600 = tpu.vector_load %arg10[%swap3A_598, %swap3A_599] {strides = array<i32>} : memref<16x1024xf32, #tpu.memory_space<vmem>>, vector<1x16xf32>,
      %swap3A_601 = vector.shape_cast %swap3A_600 : vector<1x16xf32> to vector<16xf32>
      %swap3A_602 = vector.shape_cast %add3A_597 : vector<16xf32> to vector<1x16xf32>
      tpu.vector_store %arg10[%swap3A_598, %swap3A_599], %swap3A_602 {strides = array<i32>} : memref<16x1024xf32, #tpu.memory_space<vmem>>, vector<1x16xf32>,
      %get3A_603 = arith.index_cast %scan3A_86 : i32 to index
      %get3A_604 = arith.constant 592 : index
      %get3A_605 = tpu.vector_load %arg8[%get3A_603, %get3A_604] {strides = array<i32>} : memref<16x1024xf32, #tpu.memory_space<vmem>>, vector<1x16xf32>,
      %get3A_606 = vector.shape_cast %get3A_605 : vector<1x16xf32> to vector<16xf32>
      %get3A_607 = arith.index_cast %scan3A_86 : i32 to index
      %get3A_608 = arith.constant 592 : index
      %get3A_609 = tpu.vector_load %arg9[%get3A_607, %get3A_608] {strides = array<i32>} : memref<16x1024xf32, #tpu.memory_space<vmem>>, vector<1x16xf32>,
      %get3A_610 = vector.shape_cast %get3A_609 : vector<1x16xf32> to vector<16xf32>
      %add3A_611 = arith.addf %get3A_606, %get3A_610 : vector<16xf32>
      %swap3A_612 = arith.index_cast %scan3A_86 : i32 to index
      %swap3A_613 = arith.constant 592 : index
      %swap3A_614 = tpu.vector_load %arg10[%swap3A_612, %swap3A_613] {strides = array<i32>} : memref<16x1024xf32, #tpu.memory_space<vmem>>, vector<1x16xf32>,
      %swap3A_615 = vector.shape_cast %swap3A_614 : vector<1x16xf32> to vector<16xf32>
      %swap3A_616 = vector.shape_cast %add3A_611 : vector<16xf32> to vector<1x16xf32>
      tpu.vector_store %arg10[%swap3A_612, %swap3A_613], %swap3A_616 {strides = array<i32>} : memref<16x1024xf32, #tpu.memory_space<vmem>>, vector<1x16xf32>,
      %get3A_617 = arith.index_cast %scan3A_86 : i32 to index
      %get3A_618 = arith.constant 608 : index
      %get3A_619 = tpu.vector_load %arg8[%get3A_617, %get3A_618] {strides = array<i32>} : memref<16x1024xf32, #tpu.memory_space<vmem>>, vector<1x16xf32>,
      %get3A_620 = vector.shape_cast %get3A_619 : vector<1x16xf32> to vector<16xf32>
      %get3A_621 = arith.index_cast %scan3A_86 : i32 to index
      %get3A_622 = arith.constant 608 : index
      %get3A_623 = tpu.vector_load %arg9[%get3A_621, %get3A_622] {strides = array<i32>} : memref<16x1024xf32, #tpu.memory_space<vmem>>, vector<1x16xf32>,
      %get3A_624 = vector.shape_cast %get3A_623 : vector<1x16xf32> to vector<16xf32>
      %add3A_625 = arith.addf %get3A_620, %get3A_624 : vector<16xf32>
      %swap3A_626 = arith.index_cast %scan3A_86 : i32 to index
      %swap3A_627 = arith.constant 608 : index
      %swap3A_628 = tpu.vector_load %arg10[%swap3A_626, %swap3A_627] {strides = array<i32>} : memref<16x1024xf32, #tpu.memory_space<vmem>>, vector<1x16xf32>,
      %swap3A_629 = vector.shape_cast %swap3A_628 : vector<1x16xf32> to vector<16xf32>
      %swap3A_630 = vector.shape_cast %add3A_625 : vector<16xf32> to vector<1x16xf32>
      tpu.vector_store %arg10[%swap3A_626, %swap3A_627], %swap3A_630 {strides = array<i32>} : memref<16x1024xf32, #tpu.memory_space<vmem>>, vector<1x16xf32>,
      %get3A_631 = arith.index_cast %scan3A_86 : i32 to index
      %get3A_632 = arith.constant 624 : index
      %get3A_633 = tpu.vector_load %arg8[%get3A_631, %get3A_632] {strides = array<i32>} : memref<16x1024xf32, #tpu.memory_space<vmem>>, vector<1x16xf32>,
      %get3A_634 = vector.shape_cast %get3A_633 : vector<1x16xf32> to vector<16xf32>
      %get3A_635 = arith.index_cast %scan3A_86 : i32 to index
      %get3A_636 = arith.constant 624 : index
      %get3A_637 = tpu.vector_load %arg9[%get3A_635, %get3A_636] {strides = array<i32>} : memref<16x1024xf32, #tpu.memory_space<vmem>>, vector<1x16xf32>,
      %get3A_638 = vector.shape_cast %get3A_637 : vector<1x16xf32> to vector<16xf32>
      %add3A_639 = arith.addf %get3A_634, %get3A_638 : vector<16xf32>
      %swap3A_640 = arith.index_cast %scan3A_86 : i32 to index
      %swap3A_641 = arith.constant 624 : index
      %swap3A_642 = tpu.vector_load %arg10[%swap3A_640, %swap3A_641] {strides = array<i32>} : memref<16x1024xf32, #tpu.memory_space<vmem>>, vector<1x16xf32>,
      %swap3A_643 = vector.shape_cast %swap3A_642 : vector<1x16xf32> to vector<16xf32>
      %swap3A_644 = vector.shape_cast %add3A_639 : vector<16xf32> to vector<1x16xf32>
      tpu.vector_store %arg10[%swap3A_640, %swap3A_641], %swap3A_644 {strides = array<i32>} : memref<16x1024xf32, #tpu.memory_space<vmem>>, vector<1x16xf32>,
      %get3A_645 = arith.index_cast %scan3A_86 : i32 to index
      %get3A_646 = arith.constant 640 : index
      %get3A_647 = tpu.vector_load %arg8[%get3A_645, %get3A_646] {strides = array<i32>} : memref<16x1024xf32, #tpu.memory_space<vmem>>, vector<1x16xf32>,
      %get3A_648 = vector.shape_cast %get3A_647 : vector<1x16xf32> to vector<16xf32>
      %get3A_649 = arith.index_cast %scan3A_86 : i32 to index
      %get3A_650 = arith.constant 640 : index
      %get3A_651 = tpu.vector_load %arg9[%get3A_649, %get3A_650] {strides = array<i32>} : memref<16x1024xf32, #tpu.memory_space<vmem>>, vector<1x16xf32>,
      %get3A_652 = vector.shape_cast %get3A_651 : vector<1x16xf32> to vector<16xf32>
      %add3A_653 = arith.addf %get3A_648, %get3A_652 : vector<16xf32>
      %swap3A_654 = arith.index_cast %scan3A_86 : i32 to index
      %swap3A_655 = arith.constant 640 : index
      %swap3A_656 = tpu.vector_load %arg10[%swap3A_654, %swap3A_655] {strides = array<i32>} : memref<16x1024xf32, #tpu.memory_space<vmem>>, vector<1x16xf32>,
      %swap3A_657 = vector.shape_cast %swap3A_656 : vector<1x16xf32> to vector<16xf32>
      %swap3A_658 = vector.shape_cast %add3A_653 : vector<16xf32> to vector<1x16xf32>
      tpu.vector_store %arg10[%swap3A_654, %swap3A_655], %swap3A_658 {strides = array<i32>} : memref<16x1024xf32, #tpu.memory_space<vmem>>, vector<1x16xf32>,
      %get3A_659 = arith.index_cast %scan3A_86 : i32 to index
      %get3A_660 = arith.constant 656 : index
      %get3A_661 = tpu.vector_load %arg8[%get3A_659, %get3A_660] {strides = array<i32>} : memref<16x1024xf32, #tpu.memory_space<vmem>>, vector<1x16xf32>,
      %get3A_662 = vector.shape_cast %get3A_661 : vector<1x16xf32> to vector<16xf32>
      %get3A_663 = arith.index_cast %scan3A_86 : i32 to index
      %get3A_664 = arith.constant 656 : index
      %get3A_665 = tpu.vector_load %arg9[%get3A_663, %get3A_664] {strides = array<i32>} : memref<16x1024xf32, #tpu.memory_space<vmem>>, vector<1x16xf32>,
      %get3A_666 = vector.shape_cast %get3A_665 : vector<1x16xf32> to vector<16xf32>
      %add3A_667 = arith.addf %get3A_662, %get3A_666 : vector<16xf32>
      %swap3A_668 = arith.index_cast %scan3A_86 : i32 to index
      %swap3A_669 = arith.constant 656 : index
      %swap3A_670 = tpu.vector_load %arg10[%swap3A_668, %swap3A_669] {strides = array<i32>} : memref<16x1024xf32, #tpu.memory_space<vmem>>, vector<1x16xf32>,
      %swap3A_671 = vector.shape_cast %swap3A_670 : vector<1x16xf32> to vector<16xf32>
      %swap3A_672 = vector.shape_cast %add3A_667 : vector<16xf32> to vector<1x16xf32>
      tpu.vector_store %arg10[%swap3A_668, %swap3A_669], %swap3A_672 {strides = array<i32>} : memref<16x1024xf32, #tpu.memory_space<vmem>>, vector<1x16xf32>,
      %get3A_673 = arith.index_cast %scan3A_86 : i32 to index
      %get3A_674 = arith.constant 672 : index
      %get3A_675 = tpu.vector_load %arg8[%get3A_673, %get3A_674] {strides = array<i32>} : memref<16x1024xf32, #tpu.memory_space<vmem>>, vector<1x16xf32>,
      %get3A_676 = vector.shape_cast %get3A_675 : vector<1x16xf32> to vector<16xf32>
      %get3A_677 = arith.index_cast %scan3A_86 : i32 to index
      %get3A_678 = arith.constant 672 : index
      %get3A_679 = tpu.vector_load %arg9[%get3A_677, %get3A_678] {strides = array<i32>} : memref<16x1024xf32, #tpu.memory_space<vmem>>, vector<1x16xf32>,
      %get3A_680 = vector.shape_cast %get3A_679 : vector<1x16xf32> to vector<16xf32>
      %add3A_681 = arith.addf %get3A_676, %get3A_680 : vector<16xf32>
      %swap3A_682 = arith.index_cast %scan3A_86 : i32 to index
      %swap3A_683 = arith.constant 672 : index
      %swap3A_684 = tpu.vector_load %arg10[%swap3A_682, %swap3A_683] {strides = array<i32>} : memref<16x1024xf32, #tpu.memory_space<vmem>>, vector<1x16xf32>,
      %swap3A_685 = vector.shape_cast %swap3A_684 : vector<1x16xf32> to vector<16xf32>
      %swap3A_686 = vector.shape_cast %add3A_681 : vector<16xf32> to vector<1x16xf32>
      tpu.vector_store %arg10[%swap3A_682, %swap3A_683], %swap3A_686 {strides = array<i32>} : memref<16x1024xf32, #tpu.memory_space<vmem>>, vector<1x16xf32>,
      %get3A_687 = arith.index_cast %scan3A_86 : i32 to index
      %get3A_688 = arith.constant 688 : index
      %get3A_689 = tpu.vector_load %arg8[%get3A_687, %get3A_688] {strides = array<i32>} : memref<16x1024xf32, #tpu.memory_space<vmem>>, vector<1x16xf32>,
      %get3A_690 = vector.shape_cast %get3A_689 : vector<1x16xf32> to vector<16xf32>
      %get3A_691 = arith.index_cast %scan3A_86 : i32 to index
      %get3A_692 = arith.constant 688 : index
      %get3A_693 = tpu.vector_load %arg9[%get3A_691, %get3A_692] {strides = array<i32>} : memref<16x1024xf32, #tpu.memory_space<vmem>>, vector<1x16xf32>,
      %get3A_694 = vector.shape_cast %get3A_693 : vector<1x16xf32> to vector<16xf32>
      %add3A_695 = arith.addf %get3A_690, %get3A_694 : vector<16xf32>
      %swap3A_696 = arith.index_cast %scan3A_86 : i32 to index
      %swap3A_697 = arith.constant 688 : index
      %swap3A_698 = tpu.vector_load %arg10[%swap3A_696, %swap3A_697] {strides = array<i32>} : memref<16x1024xf32, #tpu.memory_space<vmem>>, vector<1x16xf32>,
      %swap3A_699 = vector.shape_cast %swap3A_698 : vector<1x16xf32> to vector<16xf32>
      %swap3A_700 = vector.shape_cast %add3A_695 : vector<16xf32> to vector<1x16xf32>
      tpu.vector_store %arg10[%swap3A_696, %swap3A_697], %swap3A_700 {strides = array<i32>} : memref<16x1024xf32, #tpu.memory_space<vmem>>, vector<1x16xf32>,
      %get3A_701 = arith.index_cast %scan3A_86 : i32 to index
      %get3A_702 = arith.constant 704 : index
      %get3A_703 = tpu.vector_load %arg8[%get3A_701, %get3A_702] {strides = array<i32>} : memref<16x1024xf32, #tpu.memory_space<vmem>>, vector<1x16xf32>,
      %get3A_704 = vector.shape_cast %get3A_703 : vector<1x16xf32> to vector<16xf32>
      %get3A_705 = arith.index_cast %scan3A_86 : i32 to index
      %get3A_706 = arith.constant 704 : index
      %get3A_707 = tpu.vector_load %arg9[%get3A_705, %get3A_706] {strides = array<i32>} : memref<16x1024xf32, #tpu.memory_space<vmem>>, vector<1x16xf32>,
      %get3A_708 = vector.shape_cast %get3A_707 : vector<1x16xf32> to vector<16xf32>
      %add3A_709 = arith.addf %get3A_704, %get3A_708 : vector<16xf32>
      %swap3A_710 = arith.index_cast %scan3A_86 : i32 to index
      %swap3A_711 = arith.constant 704 : index
      %swap3A_712 = tpu.vector_load %arg10[%swap3A_710, %swap3A_711] {strides = array<i32>} : memref<16x1024xf32, #tpu.memory_space<vmem>>, vector<1x16xf32>,
      %swap3A_713 = vector.shape_cast %swap3A_712 : vector<1x16xf32> to vector<16xf32>
      %swap3A_714 = vector.shape_cast %add3A_709 : vector<16xf32> to vector<1x16xf32>
      tpu.vector_store %arg10[%swap3A_710, %swap3A_711], %swap3A_714 {strides = array<i32>} : memref<16x1024xf32, #tpu.memory_space<vmem>>, vector<1x16xf32>,
      %get3A_715 = arith.index_cast %scan3A_86 : i32 to index
      %get3A_716 = arith.constant 720 : index
      %get3A_717 = tpu.vector_load %arg8[%get3A_715, %get3A_716] {strides = array<i32>} : memref<16x1024xf32, #tpu.memory_space<vmem>>, vector<1x16xf32>,
      %get3A_718 = vector.shape_cast %get3A_717 : vector<1x16xf32> to vector<16xf32>
      %get3A_719 = arith.index_cast %scan3A_86 : i32 to index
      %get3A_720 = arith.constant 720 : index
      %get3A_721 = tpu.vector_load %arg9[%get3A_719, %get3A_720] {strides = array<i32>} : memref<16x1024xf32, #tpu.memory_space<vmem>>, vector<1x16xf32>,
      %get3A_722 = vector.shape_cast %get3A_721 : vector<1x16xf32> to vector<16xf32>
      %add3A_723 = arith.addf %get3A_718, %get3A_722 : vector<16xf32>
      %swap3A_724 = arith.index_cast %scan3A_86 : i32 to index
      %swap3A_725 = arith.constant 720 : index
      %swap3A_726 = tpu.vector_load %arg10[%swap3A_724, %swap3A_725] {strides = array<i32>} : memref<16x1024xf32, #tpu.memory_space<vmem>>, vector<1x16xf32>,
      %swap3A_727 = vector.shape_cast %swap3A_726 : vector<1x16xf32> to vector<16xf32>
      %swap3A_728 = vector.shape_cast %add3A_723 : vector<16xf32> to vector<1x16xf32>
      tpu.vector_store %arg10[%swap3A_724, %swap3A_725], %swap3A_728 {strides = array<i32>} : memref<16x1024xf32, #tpu.memory_space<vmem>>, vector<1x16xf32>,
      %get3A_729 = arith.index_cast %scan3A_86 : i32 to index
      %get3A_730 = arith.constant 736 : index
      %get3A_731 = tpu.vector_load %arg8[%get3A_729, %get3A_730] {strides = array<i32>} : memref<16x1024xf32, #tpu.memory_space<vmem>>, vector<1x16xf32>,
      %get3A_732 = vector.shape_cast %get3A_731 : vector<1x16xf32> to vector<16xf32>
      %get3A_733 = arith.index_cast %scan3A_86 : i32 to index
      %get3A_734 = arith.constant 736 : index
      %get3A_735 = tpu.vector_load %arg9[%get3A_733, %get3A_734] {strides = array<i32>} : memref<16x1024xf32, #tpu.memory_space<vmem>>, vector<1x16xf32>,
      %get3A_736 = vector.shape_cast %get3A_735 : vector<1x16xf32> to vector<16xf32>
      %add3A_737 = arith.addf %get3A_732, %get3A_736 : vector<16xf32>
      %swap3A_738 = arith.index_cast %scan3A_86 : i32 to index
      %swap3A_739 = arith.constant 736 : index
      %swap3A_740 = tpu.vector_load %arg10[%swap3A_738, %swap3A_739] {strides = array<i32>} : memref<16x1024xf32, #tpu.memory_space<vmem>>, vector<1x16xf32>,
      %swap3A_741 = vector.shape_cast %swap3A_740 : vector<1x16xf32> to vector<16xf32>
      %swap3A_742 = vector.shape_cast %add3A_737 : vector<16xf32> to vector<1x16xf32>
      tpu.vector_store %arg10[%swap3A_738, %swap3A_739], %swap3A_742 {strides = array<i32>} : memref<16x1024xf32, #tpu.memory_space<vmem>>, vector<1x16xf32>,
      %get3A_743 = arith.index_cast %scan3A_86 : i32 to index
      %get3A_744 = arith.constant 752 : index
      %get3A_745 = tpu.vector_load %arg8[%get3A_743, %get3A_744] {strides = array<i32>} : memref<16x1024xf32, #tpu.memory_space<vmem>>, vector<1x16xf32>,
      %get3A_746 = vector.shape_cast %get3A_745 : vector<1x16xf32> to vector<16xf32>
      %get3A_747 = arith.index_cast %scan3A_86 : i32 to index
      %get3A_748 = arith.constant 752 : index
      %get3A_749 = tpu.vector_load %arg9[%get3A_747, %get3A_748] {strides = array<i32>} : memref<16x1024xf32, #tpu.memory_space<vmem>>, vector<1x16xf32>,
      %get3A_750 = vector.shape_cast %get3A_749 : vector<1x16xf32> to vector<16xf32>
      %add3A_751 = arith.addf %get3A_746, %get3A_750 : vector<16xf32>
      %swap3A_752 = arith.index_cast %scan3A_86 : i32 to index
      %swap3A_753 = arith.constant 752 : index
      %swap3A_754 = tpu.vector_load %arg10[%swap3A_752, %swap3A_753] {strides = array<i32>} : memref<16x1024xf32, #tpu.memory_space<vmem>>, vector<1x16xf32>,
      %swap3A_755 = vector.shape_cast %swap3A_754 : vector<1x16xf32> to vector<16xf32>
      %swap3A_756 = vector.shape_cast %add3A_751 : vector<16xf32> to vector<1x16xf32>
      tpu.vector_store %arg10[%swap3A_752, %swap3A_753], %swap3A_756 {strides = array<i32>} : memref<16x1024xf32, #tpu.memory_space<vmem>>, vector<1x16xf32>,
      %get3A_757 = arith.index_cast %scan3A_86 : i32 to index
      %get3A_758 = arith.constant 768 : index
      %get3A_759 = tpu.vector_load %arg8[%get3A_757, %get3A_758] {strides = array<i32>} : memref<16x1024xf32, #tpu.memory_space<vmem>>, vector<1x16xf32>,
      %get3A_760 = vector.shape_cast %get3A_759 : vector<1x16xf32> to vector<16xf32>
      %get3A_761 = arith.index_cast %scan3A_86 : i32 to index
      %get3A_762 = arith.constant 768 : index
      %get3A_763 = tpu.vector_load %arg9[%get3A_761, %get3A_762] {strides = array<i32>} : memref<16x1024xf32, #tpu.memory_space<vmem>>, vector<1x16xf32>,
      %get3A_764 = vector.shape_cast %get3A_763 : vector<1x16xf32> to vector<16xf32>
      %add3A_765 = arith.addf %get3A_760, %get3A_764 : vector<16xf32>
      %swap3A_766 = arith.index_cast %scan3A_86 : i32 to index
      %swap3A_767 = arith.constant 768 : index
      %swap3A_768 = tpu.vector_load %arg10[%swap3A_766, %swap3A_767] {strides = array<i32>} : memref<16x1024xf32, #tpu.memory_space<vmem>>, vector<1x16xf32>,
      %swap3A_769 = vector.shape_cast %swap3A_768 : vector<1x16xf32> to vector<16xf32>
      %swap3A_770 = vector.shape_cast %add3A_765 : vector<16xf32> to vector<1x16xf32>
      tpu.vector_store %arg10[%swap3A_766, %swap3A_767], %swap3A_770 {strides = array<i32>} : memref<16x1024xf32, #tpu.memory_space<vmem>>, vector<1x16xf32>,
      %get3A_771 = arith.index_cast %scan3A_86 : i32 to index
      %get3A_772 = arith.constant 784 : index
      %get3A_773 = tpu.vector_load %arg8[%get3A_771, %get3A_772] {strides = array<i32>} : memref<16x1024xf32, #tpu.memory_space<vmem>>, vector<1x16xf32>,
      %get3A_774 = vector.shape_cast %get3A_773 : vector<1x16xf32> to vector<16xf32>
      %get3A_775 = arith.index_cast %scan3A_86 : i32 to index
      %get3A_776 = arith.constant 784 : index
      %get3A_777 = tpu.vector_load %arg9[%get3A_775, %get3A_776] {strides = array<i32>} : memref<16x1024xf32, #tpu.memory_space<vmem>>, vector<1x16xf32>,
      %get3A_778 = vector.shape_cast %get3A_777 : vector<1x16xf32> to vector<16xf32>
      %add3A_779 = arith.addf %get3A_774, %get3A_778 : vector<16xf32>
      %swap3A_780 = arith.index_cast %scan3A_86 : i32 to index
      %swap3A_781 = arith.constant 784 : index
      %swap3A_782 = tpu.vector_load %arg10[%swap3A_780, %swap3A_781] {strides = array<i32>} : memref<16x1024xf32, #tpu.memory_space<vmem>>, vector<1x16xf32>,
      %swap3A_783 = vector.shape_cast %swap3A_782 : vector<1x16xf32> to vector<16xf32>
      %swap3A_784 = vector.shape_cast %add3A_779 : vector<16xf32> to vector<1x16xf32>
      tpu.vector_store %arg10[%swap3A_780, %swap3A_781], %swap3A_784 {strides = array<i32>} : memref<16x1024xf32, #tpu.memory_space<vmem>>, vector<1x16xf32>,
      %get3A_785 = arith.index_cast %scan3A_86 : i32 to index
      %get3A_786 = arith.constant 800 : index
      %get3A_787 = tpu.vector_load %arg8[%get3A_785, %get3A_786] {strides = array<i32>} : memref<16x1024xf32, #tpu.memory_space<vmem>>, vector<1x16xf32>,
      %get3A_788 = vector.shape_cast %get3A_787 : vector<1x16xf32> to vector<16xf32>
      %get3A_789 = arith.index_cast %scan3A_86 : i32 to index
      %get3A_790 = arith.constant 800 : index
      %get3A_791 = tpu.vector_load %arg9[%get3A_789, %get3A_790] {strides = array<i32>} : memref<16x1024xf32, #tpu.memory_space<vmem>>, vector<1x16xf32>,
      %get3A_792 = vector.shape_cast %get3A_791 : vector<1x16xf32> to vector<16xf32>
      %add3A_793 = arith.addf %get3A_788, %get3A_792 : vector<16xf32>
      %swap3A_794 = arith.index_cast %scan3A_86 : i32 to index
      %swap3A_795 = arith.constant 800 : index
      %swap3A_796 = tpu.vector_load %arg10[%swap3A_794, %swap3A_795] {strides = array<i32>} : memref<16x1024xf32, #tpu.memory_space<vmem>>, vector<1x16xf32>,
      %swap3A_797 = vector.shape_cast %swap3A_796 : vector<1x16xf32> to vector<16xf32>
      %swap3A_798 = vector.shape_cast %add3A_793 : vector<16xf32> to vector<1x16xf32>
      tpu.vector_store %arg10[%swap3A_794, %swap3A_795], %swap3A_798 {strides = array<i32>} : memref<16x1024xf32, #tpu.memory_space<vmem>>, vector<1x16xf32>,
      %get3A_799 = arith.index_cast %scan3A_86 : i32 to index
      %get3A_800 = arith.constant 816 : index
      %get3A_801 = tpu.vector_load %arg8[%get3A_799, %get3A_800] {strides = array<i32>} : memref<16x1024xf32, #tpu.memory_space<vmem>>, vector<1x16xf32>,
      %get3A_802 = vector.shape_cast %get3A_801 : vector<1x16xf32> to vector<16xf32>
      %get3A_803 = arith.index_cast %scan3A_86 : i32 to index
      %get3A_804 = arith.constant 816 : index
      %get3A_805 = tpu.vector_load %arg9[%get3A_803, %get3A_804] {strides = array<i32>} : memref<16x1024xf32, #tpu.memory_space<vmem>>, vector<1x16xf32>,
      %get3A_806 = vector.shape_cast %get3A_805 : vector<1x16xf32> to vector<16xf32>
      %add3A_807 = arith.addf %get3A_802, %get3A_806 : vector<16xf32>
      %swap3A_808 = arith.index_cast %scan3A_86 : i32 to index
      %swap3A_809 = arith.constant 816 : index
      %swap3A_810 = tpu.vector_load %arg10[%swap3A_808, %swap3A_809] {strides = array<i32>} : memref<16x1024xf32, #tpu.memory_space<vmem>>, vector<1x16xf32>,
      %swap3A_811 = vector.shape_cast %swap3A_810 : vector<1x16xf32> to vector<16xf32>
      %swap3A_812 = vector.shape_cast %add3A_807 : vector<16xf32> to vector<1x16xf32>
      tpu.vector_store %arg10[%swap3A_808, %swap3A_809], %swap3A_812 {strides = array<i32>} : memref<16x1024xf32, #tpu.memory_space<vmem>>, vector<1x16xf32>,
      %get3A_813 = arith.index_cast %scan3A_86 : i32 to index
      %get3A_814 = arith.constant 832 : index
      %get3A_815 = tpu.vector_load %arg8[%get3A_813, %get3A_814] {strides = array<i32>} : memref<16x1024xf32, #tpu.memory_space<vmem>>, vector<1x16xf32>,
      %get3A_816 = vector.shape_cast %get3A_815 : vector<1x16xf32> to vector<16xf32>
      %get3A_817 = arith.index_cast %scan3A_86 : i32 to index
      %get3A_818 = arith.constant 832 : index
      %get3A_819 = tpu.vector_load %arg9[%get3A_817, %get3A_818] {strides = array<i32>} : memref<16x1024xf32, #tpu.memory_space<vmem>>, vector<1x16xf32>,
      %get3A_820 = vector.shape_cast %get3A_819 : vector<1x16xf32> to vector<16xf32>
      %add3A_821 = arith.addf %get3A_816, %get3A_820 : vector<16xf32>
      %swap3A_822 = arith.index_cast %scan3A_86 : i32 to index
      %swap3A_823 = arith.constant 832 : index
      %swap3A_824 = tpu.vector_load %arg10[%swap3A_822, %swap3A_823] {strides = array<i32>} : memref<16x1024xf32, #tpu.memory_space<vmem>>, vector<1x16xf32>,
      %swap3A_825 = vector.shape_cast %swap3A_824 : vector<1x16xf32> to vector<16xf32>
      %swap3A_826 = vector.shape_cast %add3A_821 : vector<16xf32> to vector<1x16xf32>
      tpu.vector_store %arg10[%swap3A_822, %swap3A_823], %swap3A_826 {strides = array<i32>} : memref<16x1024xf32, #tpu.memory_space<vmem>>, vector<1x16xf32>,
      %get3A_827 = arith.index_cast %scan3A_86 : i32 to index
      %get3A_828 = arith.constant 848 : index
      %get3A_829 = tpu.vector_load %arg8[%get3A_827, %get3A_828] {strides = array<i32>} : memref<16x1024xf32, #tpu.memory_space<vmem>>, vector<1x16xf32>,
      %get3A_830 = vector.shape_cast %get3A_829 : vector<1x16xf32> to vector<16xf32>
      %get3A_831 = arith.index_cast %scan3A_86 : i32 to index
      %get3A_832 = arith.constant 848 : index
      %get3A_833 = tpu.vector_load %arg9[%get3A_831, %get3A_832] {strides = array<i32>} : memref<16x1024xf32, #tpu.memory_space<vmem>>, vector<1x16xf32>,
      %get3A_834 = vector.shape_cast %get3A_833 : vector<1x16xf32> to vector<16xf32>
      %add3A_835 = arith.addf %get3A_830, %get3A_834 : vector<16xf32>
      %swap3A_836 = arith.index_cast %scan3A_86 : i32 to index
      %swap3A_837 = arith.constant 848 : index
      %swap3A_838 = tpu.vector_load %arg10[%swap3A_836, %swap3A_837] {strides = array<i32>} : memref<16x1024xf32, #tpu.memory_space<vmem>>, vector<1x16xf32>,
      %swap3A_839 = vector.shape_cast %swap3A_838 : vector<1x16xf32> to vector<16xf32>
      %swap3A_840 = vector.shape_cast %add3A_835 : vector<16xf32> to vector<1x16xf32>
      tpu.vector_store %arg10[%swap3A_836, %swap3A_837], %swap3A_840 {strides = array<i32>} : memref<16x1024xf32, #tpu.memory_space<vmem>>, vector<1x16xf32>,
      %get3A_841 = arith.index_cast %scan3A_86 : i32 to index
      %get3A_842 = arith.constant 864 : index
      %get3A_843 = tpu.vector_load %arg8[%get3A_841, %get3A_842] {strides = array<i32>} : memref<16x1024xf32, #tpu.memory_space<vmem>>, vector<1x16xf32>,
      %get3A_844 = vector.shape_cast %get3A_843 : vector<1x16xf32> to vector<16xf32>
      %get3A_845 = arith.index_cast %scan3A_86 : i32 to index
      %get3A_846 = arith.constant 864 : index
      %get3A_847 = tpu.vector_load %arg9[%get3A_845, %get3A_846] {strides = array<i32>} : memref<16x1024xf32, #tpu.memory_space<vmem>>, vector<1x16xf32>,
      %get3A_848 = vector.shape_cast %get3A_847 : vector<1x16xf32> to vector<16xf32>
      %add3A_849 = arith.addf %get3A_844, %get3A_848 : vector<16xf32>
      %swap3A_850 = arith.index_cast %scan3A_86 : i32 to index
      %swap3A_851 = arith.constant 864 : index
      %swap3A_852 = tpu.vector_load %arg10[%swap3A_850, %swap3A_851] {strides = array<i32>} : memref<16x1024xf32, #tpu.memory_space<vmem>>, vector<1x16xf32>,
      %swap3A_853 = vector.shape_cast %swap3A_852 : vector<1x16xf32> to vector<16xf32>
      %swap3A_854 = vector.shape_cast %add3A_849 : vector<16xf32> to vector<1x16xf32>
      tpu.vector_store %arg10[%swap3A_850, %swap3A_851], %swap3A_854 {strides = array<i32>} : memref<16x1024xf32, #tpu.memory_space<vmem>>, vector<1x16xf32>,
      %get3A_855 = arith.index_cast %scan3A_86 : i32 to index
      %get3A_856 = arith.constant 880 : index
      %get3A_857 = tpu.vector_load %arg8[%get3A_855, %get3A_856] {strides = array<i32>} : memref<16x1024xf32, #tpu.memory_space<vmem>>, vector<1x16xf32>,
      %get3A_858 = vector.shape_cast %get3A_857 : vector<1x16xf32> to vector<16xf32>
      %get3A_859 = arith.index_cast %scan3A_86 : i32 to index
      %get3A_860 = arith.constant 880 : index
      %get3A_861 = tpu.vector_load %arg9[%get3A_859, %get3A_860] {strides = array<i32>} : memref<16x1024xf32, #tpu.memory_space<vmem>>, vector<1x16xf32>,
      %get3A_862 = vector.shape_cast %get3A_861 : vector<1x16xf32> to vector<16xf32>
      %add3A_863 = arith.addf %get3A_858, %get3A_862 : vector<16xf32>
      %swap3A_864 = arith.index_cast %scan3A_86 : i32 to index
      %swap3A_865 = arith.constant 880 : index
      %swap3A_866 = tpu.vector_load %arg10[%swap3A_864, %swap3A_865] {strides = array<i32>} : memref<16x1024xf32, #tpu.memory_space<vmem>>, vector<1x16xf32>,
      %swap3A_867 = vector.shape_cast %swap3A_866 : vector<1x16xf32> to vector<16xf32>
      %swap3A_868 = vector.shape_cast %add3A_863 : vector<16xf32> to vector<1x16xf32>
      tpu.vector_store %arg10[%swap3A_864, %swap3A_865], %swap3A_868 {strides = array<i32>} : memref<16x1024xf32, #tpu.memory_space<vmem>>, vector<1x16xf32>,
      %get3A_869 = arith.index_cast %scan3A_86 : i32 to index
      %get3A_870 = arith.constant 896 : index
      %get3A_871 = tpu.vector_load %arg8[%get3A_869, %get3A_870] {strides = array<i32>} : memref<16x1024xf32, #tpu.memory_space<vmem>>, vector<1x16xf32>,
      %get3A_872 = vector.shape_cast %get3A_871 : vector<1x16xf32> to vector<16xf32>
      %get3A_873 = arith.index_cast %scan3A_86 : i32 to index
      %get3A_874 = arith.constant 896 : index
      %get3A_875 = tpu.vector_load %arg9[%get3A_873, %get3A_874] {strides = array<i32>} : memref<16x1024xf32, #tpu.memory_space<vmem>>, vector<1x16xf32>,
      %get3A_876 = vector.shape_cast %get3A_875 : vector<1x16xf32> to vector<16xf32>
      %add3A_877 = arith.addf %get3A_872, %get3A_876 : vector<16xf32>
      %swap3A_878 = arith.index_cast %scan3A_86 : i32 to index
      %swap3A_879 = arith.constant 896 : index
      %swap3A_880 = tpu.vector_load %arg10[%swap3A_878, %swap3A_879] {strides = array<i32>} : memref<16x1024xf32, #tpu.memory_space<vmem>>, vector<1x16xf32>,
      %swap3A_881 = vector.shape_cast %swap3A_880 : vector<1x16xf32> to vector<16xf32>
      %swap3A_882 = vector.shape_cast %add3A_877 : vector<16xf32> to vector<1x16xf32>
      tpu.vector_store %arg10[%swap3A_878, %swap3A_879], %swap3A_882 {strides = array<i32>} : memref<16x1024xf32, #tpu.memory_space<vmem>>, vector<1x16xf32>,
      %get3A_883 = arith.index_cast %scan3A_86 : i32 to index
      %get3A_884 = arith.constant 912 : index
      %get3A_885 = tpu.vector_load %arg8[%get3A_883, %get3A_884] {strides = array<i32>} : memref<16x1024xf32, #tpu.memory_space<vmem>>, vector<1x16xf32>,
      %get3A_886 = vector.shape_cast %get3A_885 : vector<1x16xf32> to vector<16xf32>
      %get3A_887 = arith.index_cast %scan3A_86 : i32 to index
      %get3A_888 = arith.constant 912 : index
      %get3A_889 = tpu.vector_load %arg9[%get3A_887, %get3A_888] {strides = array<i32>} : memref<16x1024xf32, #tpu.memory_space<vmem>>, vector<1x16xf32>,
      %get3A_890 = vector.shape_cast %get3A_889 : vector<1x16xf32> to vector<16xf32>
      %add3A_891 = arith.addf %get3A_886, %get3A_890 : vector<16xf32>
      %swap3A_892 = arith.index_cast %scan3A_86 : i32 to index
      %swap3A_893 = arith.constant 912 : index
      %swap3A_894 = tpu.vector_load %arg10[%swap3A_892, %swap3A_893] {strides = array<i32>} : memref<16x1024xf32, #tpu.memory_space<vmem>>, vector<1x16xf32>,
      %swap3A_895 = vector.shape_cast %swap3A_894 : vector<1x16xf32> to vector<16xf32>
      %swap3A_896 = vector.shape_cast %add3A_891 : vector<16xf32> to vector<1x16xf32>
      tpu.vector_store %arg10[%swap3A_892, %swap3A_893], %swap3A_896 {strides = array<i32>} : memref<16x1024xf32, #tpu.memory_space<vmem>>, vector<1x16xf32>,
      %get3A_897 = arith.index_cast %scan3A_86 : i32 to index
      %get3A_898 = arith.constant 928 : index
      %get3A_899 = tpu.vector_load %arg8[%get3A_897, %get3A_898] {strides = array<i32>} : memref<16x1024xf32, #tpu.memory_space<vmem>>, vector<1x16xf32>,
      %get3A_900 = vector.shape_cast %get3A_899 : vector<1x16xf32> to vector<16xf32>
      %get3A_901 = arith.index_cast %scan3A_86 : i32 to index
      %get3A_902 = arith.constant 928 : index
      %get3A_903 = tpu.vector_load %arg9[%get3A_901, %get3A_902] {strides = array<i32>} : memref<16x1024xf32, #tpu.memory_space<vmem>>, vector<1x16xf32>,
      %get3A_904 = vector.shape_cast %get3A_903 : vector<1x16xf32> to vector<16xf32>
      %add3A_905 = arith.addf %get3A_900, %get3A_904 : vector<16xf32>
      %swap3A_906 = arith.index_cast %scan3A_86 : i32 to index
      %swap3A_907 = arith.constant 928 : index
      %swap3A_908 = tpu.vector_load %arg10[%swap3A_906, %swap3A_907] {strides = array<i32>} : memref<16x1024xf32, #tpu.memory_space<vmem>>, vector<1x16xf32>,
      %swap3A_909 = vector.shape_cast %swap3A_908 : vector<1x16xf32> to vector<16xf32>
      %swap3A_910 = vector.shape_cast %add3A_905 : vector<16xf32> to vector<1x16xf32>
      tpu.vector_store %arg10[%swap3A_906, %swap3A_907], %swap3A_910 {strides = array<i32>} : memref<16x1024xf32, #tpu.memory_space<vmem>>, vector<1x16xf32>,
      %get3A_911 = arith.index_cast %scan3A_86 : i32 to index
      %get3A_912 = arith.constant 944 : index
      %get3A_913 = tpu.vector_load %arg8[%get3A_911, %get3A_912] {strides = array<i32>} : memref<16x1024xf32, #tpu.memory_space<vmem>>, vector<1x16xf32>,
      %get3A_914 = vector.shape_cast %get3A_913 : vector<1x16xf32> to vector<16xf32>
      %get3A_915 = arith.index_cast %scan3A_86 : i32 to index
      %get3A_916 = arith.constant 944 : index
      %get3A_917 = tpu.vector_load %arg9[%get3A_915, %get3A_916] {strides = array<i32>} : memref<16x1024xf32, #tpu.memory_space<vmem>>, vector<1x16xf32>,
      %get3A_918 = vector.shape_cast %get3A_917 : vector<1x16xf32> to vector<16xf32>
      %add3A_919 = arith.addf %get3A_914, %get3A_918 : vector<16xf32>
      %swap3A_920 = arith.index_cast %scan3A_86 : i32 to index
      %swap3A_921 = arith.constant 944 : index
      %swap3A_922 = tpu.vector_load %arg10[%swap3A_920, %swap3A_921] {strides = array<i32>} : memref<16x1024xf32, #tpu.memory_space<vmem>>, vector<1x16xf32>,
      %swap3A_923 = vector.shape_cast %swap3A_922 : vector<1x16xf32> to vector<16xf32>
      %swap3A_924 = vector.shape_cast %add3A_919 : vector<16xf32> to vector<1x16xf32>
      tpu.vector_store %arg10[%swap3A_920, %swap3A_921], %swap3A_924 {strides = array<i32>} : memref<16x1024xf32, #tpu.memory_space<vmem>>, vector<1x16xf32>,
      %get3A_925 = arith.index_cast %scan3A_86 : i32 to index
      %get3A_926 = arith.constant 960 : index
      %get3A_927 = tpu.vector_load %arg8[%get3A_925, %get3A_926] {strides = array<i32>} : memref<16x1024xf32, #tpu.memory_space<vmem>>, vector<1x16xf32>,
      %get3A_928 = vector.shape_cast %get3A_927 : vector<1x16xf32> to vector<16xf32>
      %get3A_929 = arith.index_cast %scan3A_86 : i32 to index
      %get3A_930 = arith.constant 960 : index
      %get3A_931 = tpu.vector_load %arg9[%get3A_929, %get3A_930] {strides = array<i32>} : memref<16x1024xf32, #tpu.memory_space<vmem>>, vector<1x16xf32>,
      %get3A_932 = vector.shape_cast %get3A_931 : vector<1x16xf32> to vector<16xf32>
      %add3A_933 = arith.addf %get3A_928, %get3A_932 : vector<16xf32>
      %swap3A_934 = arith.index_cast %scan3A_86 : i32 to index
      %swap3A_935 = arith.constant 960 : index
      %swap3A_936 = tpu.vector_load %arg10[%swap3A_934, %swap3A_935] {strides = array<i32>} : memref<16x1024xf32, #tpu.memory_space<vmem>>, vector<1x16xf32>,
      %swap3A_937 = vector.shape_cast %swap3A_936 : vector<1x16xf32> to vector<16xf32>
      %swap3A_938 = vector.shape_cast %add3A_933 : vector<16xf32> to vector<1x16xf32>
      tpu.vector_store %arg10[%swap3A_934, %swap3A_935], %swap3A_938 {strides = array<i32>} : memref<16x1024xf32, #tpu.memory_space<vmem>>, vector<1x16xf32>,
      %get3A_939 = arith.index_cast %scan3A_86 : i32 to index
      %get3A_940 = arith.constant 976 : index
      %get3A_941 = tpu.vector_load %arg8[%get3A_939, %get3A_940] {strides = array<i32>} : memref<16x1024xf32, #tpu.memory_space<vmem>>, vector<1x16xf32>,
      %get3A_942 = vector.shape_cast %get3A_941 : vector<1x16xf32> to vector<16xf32>
      %get3A_943 = arith.index_cast %scan3A_86 : i32 to index
      %get3A_944 = arith.constant 976 : index
      %get3A_945 = tpu.vector_load %arg9[%get3A_943, %get3A_944] {strides = array<i32>} : memref<16x1024xf32, #tpu.memory_space<vmem>>, vector<1x16xf32>,
      %get3A_946 = vector.shape_cast %get3A_945 : vector<1x16xf32> to vector<16xf32>
      %add3A_947 = arith.addf %get3A_942, %get3A_946 : vector<16xf32>
      %swap3A_948 = arith.index_cast %scan3A_86 : i32 to index
      %swap3A_949 = arith.constant 976 : index
      %swap3A_950 = tpu.vector_load %arg10[%swap3A_948, %swap3A_949] {strides = array<i32>} : memref<16x1024xf32, #tpu.memory_space<vmem>>, vector<1x16xf32>,
      %swap3A_951 = vector.shape_cast %swap3A_950 : vector<1x16xf32> to vector<16xf32>
      %swap3A_952 = vector.shape_cast %add3A_947 : vector<16xf32> to vector<1x16xf32>
      tpu.vector_store %arg10[%swap3A_948, %swap3A_949], %swap3A_952 {strides = array<i32>} : memref<16x1024xf32, #tpu.memory_space<vmem>>, vector<1x16xf32>,
      %get3A_953 = arith.index_cast %scan3A_86 : i32 to index
      %get3A_954 = arith.constant 992 : index
      %get3A_955 = tpu.vector_load %arg8[%get3A_953, %get3A_954] {strides = array<i32>} : memref<16x1024xf32, #tpu.memory_space<vmem>>, vector<1x16xf32>,
      %get3A_956 = vector.shape_cast %get3A_955 : vector<1x16xf32> to vector<16xf32>
      %get3A_957 = arith.index_cast %scan3A_86 : i32 to index
      %get3A_958 = arith.constant 992 : index
      %get3A_959 = tpu.vector_load %arg9[%get3A_957, %get3A_958] {strides = array<i32>} : memref<16x1024xf32, #tpu.memory_space<vmem>>, vector<1x16xf32>,
      %get3A_960 = vector.shape_cast %get3A_959 : vector<1x16xf32> to vector<16xf32>
      %add3A_961 = arith.addf %get3A_956, %get3A_960 : vector<16xf32>
      %swap3A_962 = arith.index_cast %scan3A_86 : i32 to index
      %swap3A_963 = arith.constant 992 : index
      %swap3A_964 = tpu.vector_load %arg10[%swap3A_962, %swap3A_963] {strides = array<i32>} : memref<16x1024xf32, #tpu.memory_space<vmem>>, vector<1x16xf32>,
      %swap3A_965 = vector.shape_cast %swap3A_964 : vector<1x16xf32> to vector<16xf32>
      %swap3A_966 = vector.shape_cast %add3A_961 : vector<16xf32> to vector<1x16xf32>
      tpu.vector_store %arg10[%swap3A_962, %swap3A_963], %swap3A_966 {strides = array<i32>} : memref<16x1024xf32, #tpu.memory_space<vmem>>, vector<1x16xf32>,
      %get3A_967 = arith.index_cast %scan3A_86 : i32 to index
      %get3A_968 = arith.constant 1008 : index
      %get3A_969 = tpu.vector_load %arg8[%get3A_967, %get3A_968] {strides = array<i32>} : memref<16x1024xf32, #tpu.memory_space<vmem>>, vector<1x16xf32>,
      %get3A_970 = vector.shape_cast %get3A_969 : vector<1x16xf32> to vector<16xf32>
      %get3A_971 = arith.index_cast %scan3A_86 : i32 to index
      %get3A_972 = arith.constant 1008 : index
      %get3A_973 = tpu.vector_load %arg9[%get3A_971, %get3A_972] {strides = array<i32>} : memref<16x1024xf32, #tpu.memory_space<vmem>>, vector<1x16xf32>,
      %get3A_974 = vector.shape_cast %get3A_973 : vector<1x16xf32> to vector<16xf32>
      %add3A_975 = arith.addf %get3A_970, %get3A_974 : vector<16xf32>
      %swap3A_976 = arith.index_cast %scan3A_86 : i32 to index
      %swap3A_977 = arith.constant 1008 : index
      %swap3A_978 = tpu.vector_load %arg10[%swap3A_976, %swap3A_977] {strides = array<i32>} : memref<16x1024xf32, #tpu.memory_space<vmem>>, vector<1x16xf32>,
      %swap3A_979 = vector.shape_cast %swap3A_978 : vector<1x16xf32> to vector<16xf32>
      %swap3A_980 = vector.shape_cast %add3A_975 : vector<16xf32> to vector<1x16xf32>
      tpu.vector_store %arg10[%swap3A_976, %swap3A_977], %swap3A_980 {strides = array<i32>} : memref<16x1024xf32, #tpu.memory_space<vmem>>, vector<1x16xf32>,
    }
    %scan3A_19 = arith.constant 16 : i32
    "tpu.region"() ({
      %run_scoped3A = tpu.sem_alloc : memref<!tpu.dma_semaphore, #tpu.memory_space<semaphore_mem>>
      %dma_start3A_86 = arith.constant 0 : i32
      %dma_start3A_87 = tpu.memref_slice %arg5[%add3A_4, %dma_start3A_86] : memref<2048x1024xf32, #tpu.memory_space<hbm>> -> memref<16x1024xf32, #tpu.memory_space<hbm>>
      %dma_start3A_88 = arith.constant 0 : i32
      %dma_start3A_89 = tpu.memref_slice %arg5[%add3A_4, %dma_start3A_88] : memref<2048x1024xf32, #tpu.memory_space<hbm>> -> memref<16x1024xf32, #tpu.memory_space<hbm>>
      tpu.enqueue_dma source(%arg10 : memref<16x1024xf32, #tpu.memory_space<vmem>>) target(%dma_start3A_89 : memref<16x1024xf32, #tpu.memory_space<hbm>>) target_semaphore(%run_scoped3A : memref<!tpu.dma_semaphore, #tpu.memory_space<semaphore_mem>>)
      %dma_wait3A_90 = arith.constant 0 : i32
      %dma_wait3A_91 = tpu.memref_slice %arg5[%add3A_4, %dma_wait3A_90] : memref<2048x1024xf32, #tpu.memory_space<hbm>> -> memref<16x1024xf32, #tpu.memory_space<hbm>>
      %dma_wait3A_92 = arith.constant 0 : i32
      %dma_wait3A_93 = tpu.memref_slice %arg5[%add3A_4, %dma_wait3A_92] : memref<2048x1024xf32, #tpu.memory_space<hbm>> -> memref<16x1024xf32, #tpu.memory_space<hbm>>
      tpu.wait_dma2 semaphore(%run_scoped3A : memref<!tpu.dma_semaphore, #tpu.memory_space<semaphore_mem>>) src(%arg10 : memref<16x1024xf32, #tpu.memory_space<vmem>>) dst(%dma_wait3A_93 : memref<16x1024xf32, #tpu.memory_space<hbm>>)
      tpu.yield
    }) : () -> ()
    %mul3A_20 = arith.constant 64 : i32
    %mul3A_21 = arith.muli %add3A, %mul3A_20 : i32
    %add3A_22 = arith.constant 16 : i32
    %add3A_23 = arith.addi %mul3A_21, %add3A_22 : i32
    "tpu.region"() ({
      %run_scoped3A = tpu.sem_alloc : memref<!tpu.dma_semaphore, #tpu.memory_space<semaphore_mem>>
      %dma_start3A_86 = tpu.memref_slice %arg3[%add3A_23] : memref<2048xi32, #tpu.memory_space<hbm>> -> memref<16xi32, #tpu.memory_space<hbm>>
      %dma_start3A_87 = tpu.memref_slice %arg3[%add3A_23] : memref<2048xi32, #tpu.memory_space<hbm>> -> memref<16xi32, #tpu.memory_space<hbm>>
      tpu.enqueue_dma source(%dma_start3A_87 : memref<16xi32, #tpu.memory_space<hbm>>) target(%arg6 : memref<16xi32, #tpu.memory_space<vmem>>) target_semaphore(%run_scoped3A : memref<!tpu.dma_semaphore, #tpu.memory_space<semaphore_mem>>)
      %dma_wait3A_88 = tpu.memref_slice %arg3[%add3A_23] : memref<2048xi32, #tpu.memory_space<hbm>> -> memref<16xi32, #tpu.memory_space<hbm>>
      %dma_wait3A_89 = tpu.memref_slice %arg3[%add3A_23] : memref<2048xi32, #tpu.memory_space<hbm>> -> memref<16xi32, #tpu.memory_space<hbm>>
      tpu.wait_dma2 semaphore(%run_scoped3A : memref<!tpu.dma_semaphore, #tpu.memory_space<semaphore_mem>>) src(%dma_wait3A_89 : memref<16xi32, #tpu.memory_space<hbm>>) dst(%arg6 : memref<16xi32, #tpu.memory_space<vmem>>)
      tpu.yield
    }) : () -> ()
    "tpu.region"() ({
      %run_scoped3A = tpu.sem_alloc : memref<!tpu.dma_semaphore, #tpu.memory_space<semaphore_mem>>
      %dma_start3A_86 = tpu.memref_slice %arg4[%add3A_23] : memref<2048xi32, #tpu.memory_space<hbm>> -> memref<16xi32, #tpu.memory_space<hbm>>
      %dma_start3A_87 = tpu.memref_slice %arg4[%add3A_23] : memref<2048xi32, #tpu.memory_space<hbm>> -> memref<16xi32, #tpu.memory_space<hbm>>
      tpu.enqueue_dma source(%dma_start3A_87 : memref<16xi32, #tpu.memory_space<hbm>>) target(%arg7 : memref<16xi32, #tpu.memory_space<vmem>>) target_semaphore(%run_scoped3A : memref<!tpu.dma_semaphore, #tpu.memory_space<semaphore_mem>>)
      %dma_wait3A_88 = tpu.memref_slice %arg4[%add3A_23] : memref<2048xi32, #tpu.memory_space<hbm>> -> memref<16xi32, #tpu.memory_space<hbm>>
      %dma_wait3A_89 = tpu.memref_slice %arg4[%add3A_23] : memref<2048xi32, #tpu.memory_space<hbm>> -> memref<16xi32, #tpu.memory_space<hbm>>
      tpu.wait_dma2 semaphore(%run_scoped3A : memref<!tpu.dma_semaphore, #tpu.memory_space<semaphore_mem>>) src(%dma_wait3A_89 : memref<16xi32, #tpu.memory_space<hbm>>) dst(%arg7 : memref<16xi32, #tpu.memory_space<vmem>>)
      tpu.yield
    }) : () -> ()
    %dma_start3A_24 = arith.constant 0 : i32
    %dma_start3A_25 = arith.constant 0 : i32
    %dma_start3A_26 = tpu.memref_slice %arg2[%dma_start3A_24, %dma_start3A_25] : memref<5120x1024xf32, #tpu.memory_space<hbm>> -> memref<5120x1024xf32, #tpu.memory_space<hbm>>
    tpu.enqueue_indirect_dma source(%dma_start3A_26 : memref<5120x1024xf32, #tpu.memory_space<hbm>>) target(%arg8 : memref<16x1024xf32, #tpu.memory_space<vmem>>) offsets(%arg6 : memref<16xi32, #tpu.memory_space<vmem>>) semaphore(%arg11 : memref<!tpu.dma_semaphore, #tpu.memory_space<semaphore_mem>>)
    %dma_wait3A_27 = arith.constant 0 : i32
    %dma_wait3A_28 = arith.constant 0 : i32
    %dma_wait3A_29 = tpu.memref_slice %arg2[%dma_wait3A_27, %dma_wait3A_28] : memref<5120x1024xf32, #tpu.memory_space<hbm>> -> memref<5120x1024xf32, #tpu.memory_space<hbm>>
    tpu.wait_indirect_dma semaphore(%arg11 : memref<!tpu.dma_semaphore, #tpu.memory_space<semaphore_mem>>) src(%dma_wait3A_29 : memref<5120x1024xf32, #tpu.memory_space<hbm>>) dst(%arg8 : memref<16x1024xf32, #tpu.memory_space<vmem>>)
    %dma_start3A_30 = arith.constant 0 : i32
    %dma_start3A_31 = arith.constant 0 : i32
    %dma_start3A_32 = tpu.memref_slice %arg2[%dma_start3A_30, %dma_start3A_31] : memref<5120x1024xf32, #tpu.memory_space<hbm>> -> memref<5120x1024xf32, #tpu.memory_space<hbm>>
    tpu.enqueue_indirect_dma source(%dma_start3A_32 : memref<5120x1024xf32, #tpu.memory_space<hbm>>) target(%arg9 : memref<16x1024xf32, #tpu.memory_space<vmem>>) offsets(%arg7 : memref<16xi32, #tpu.memory_space<vmem>>) semaphore(%arg11 : memref<!tpu.dma_semaphore, #tpu.memory_space<semaphore_mem>>)
    %dma_wait3A_33 = arith.constant 0 : i32
    %dma_wait3A_34 = arith.constant 0 : i32
    %dma_wait3A_35 = tpu.memref_slice %arg2[%dma_wait3A_33, %dma_wait3A_34] : memref<5120x1024xf32, #tpu.memory_space<hbm>> -> memref<5120x1024xf32, #tpu.memory_space<hbm>>
    tpu.wait_indirect_dma semaphore(%arg11 : memref<!tpu.dma_semaphore, #tpu.memory_space<semaphore_mem>>) src(%dma_wait3A_35 : memref<5120x1024xf32, #tpu.memory_space<hbm>>) dst(%arg9 : memref<16x1024xf32, #tpu.memory_space<vmem>>)
    %scan3A_36 = arith.constant 0 : i32
    %scan3A_37 = arith.constant 0 : i32
    %scan3A_38 = arith.constant 16 : i32
    %scan3A_39 = arith.addi %scan3A_37, %scan3A_38 : i32
    %scan3A_40 = arith.constant 1 : i32
    scf.for %scan3A_86 = %scan3A_37 to %scan3A_39 step %scan3A_40  : i32 {
      %get3A = arith.index_cast %scan3A_86 : i32 to index
      %get3A_87 = arith.constant 0 : index
      %get3A_88 = tpu.vector_load %arg8[%get3A, %get3A_87] {strides = array<i32>} : memref<16x1024xf32, #tpu.memory_space<vmem>>, vector<1x16xf32>,
      %get3A_89 = vector.shape_cast %get3A_88 : vector<1x16xf32> to vector<16xf32>
      %get3A_90 = arith.index_cast %scan3A_86 : i32 to index
      %get3A_91 = arith.constant 0 : index
      %get3A_92 = tpu.vector_load %arg9[%get3A_90, %get3A_91] {strides = array<i32>} : memref<16x1024xf32, #tpu.memory_space<vmem>>, vector<1x16xf32>,
      %get3A_93 = vector.shape_cast %get3A_92 : vector<1x16xf32> to vector<16xf32>
      %add3A_94 = arith.addf %get3A_89, %get3A_93 : vector<16xf32>
      %swap3A = arith.index_cast %scan3A_86 : i32 to index
      %swap3A_95 = arith.constant 0 : index
      %swap3A_96 = tpu.vector_load %arg10[%swap3A, %swap3A_95] {strides = array<i32>} : memref<16x1024xf32, #tpu.memory_space<vmem>>, vector<1x16xf32>,
      %swap3A_97 = vector.shape_cast %swap3A_96 : vector<1x16xf32> to vector<16xf32>
      %swap3A_98 = vector.shape_cast %add3A_94 : vector<16xf32> to vector<1x16xf32>
      tpu.vector_store %arg10[%swap3A, %swap3A_95], %swap3A_98 {strides = array<i32>} : memref<16x1024xf32, #tpu.memory_space<vmem>>, vector<1x16xf32>,
      %get3A_99 = arith.index_cast %scan3A_86 : i32 to index
      %get3A_100 = arith.constant 16 : index
      %get3A_101 = tpu.vector_load %arg8[%get3A_99, %get3A_100] {strides = array<i32>} : memref<16x1024xf32, #tpu.memory_space<vmem>>, vector<1x16xf32>,
      %get3A_102 = vector.shape_cast %get3A_101 : vector<1x16xf32> to vector<16xf32>
      %get3A_103 = arith.index_cast %scan3A_86 : i32 to index
      %get3A_104 = arith.constant 16 : index
      %get3A_105 = tpu.vector_load %arg9[%get3A_103, %get3A_104] {strides = array<i32>} : memref<16x1024xf32, #tpu.memory_space<vmem>>, vector<1x16xf32>,
      %get3A_106 = vector.shape_cast %get3A_105 : vector<1x16xf32> to vector<16xf32>
      %add3A_107 = arith.addf %get3A_102, %get3A_106 : vector<16xf32>
      %swap3A_108 = arith.index_cast %scan3A_86 : i32 to index
      %swap3A_109 = arith.constant 16 : index
      %swap3A_110 = tpu.vector_load %arg10[%swap3A_108, %swap3A_109] {strides = array<i32>} : memref<16x1024xf32, #tpu.memory_space<vmem>>, vector<1x16xf32>,
      %swap3A_111 = vector.shape_cast %swap3A_110 : vector<1x16xf32> to vector<16xf32>
      %swap3A_112 = vector.shape_cast %add3A_107 : vector<16xf32> to vector<1x16xf32>
      tpu.vector_store %arg10[%swap3A_108, %swap3A_109], %swap3A_112 {strides = array<i32>} : memref<16x1024xf32, #tpu.memory_space<vmem>>, vector<1x16xf32>,
      %get3A_113 = arith.index_cast %scan3A_86 : i32 to index
      %get3A_114 = arith.constant 32 : index
      %get3A_115 = tpu.vector_load %arg8[%get3A_113, %get3A_114] {strides = array<i32>} : memref<16x1024xf32, #tpu.memory_space<vmem>>, vector<1x16xf32>,
      %get3A_116 = vector.shape_cast %get3A_115 : vector<1x16xf32> to vector<16xf32>
      %get3A_117 = arith.index_cast %scan3A_86 : i32 to index
      %get3A_118 = arith.constant 32 : index
      %get3A_119 = tpu.vector_load %arg9[%get3A_117, %get3A_118] {strides = array<i32>} : memref<16x1024xf32, #tpu.memory_space<vmem>>, vector<1x16xf32>,
      %get3A_120 = vector.shape_cast %get3A_119 : vector<1x16xf32> to vector<16xf32>
      %add3A_121 = arith.addf %get3A_116, %get3A_120 : vector<16xf32>
      %swap3A_122 = arith.index_cast %scan3A_86 : i32 to index
      %swap3A_123 = arith.constant 32 : index
      %swap3A_124 = tpu.vector_load %arg10[%swap3A_122, %swap3A_123] {strides = array<i32>} : memref<16x1024xf32, #tpu.memory_space<vmem>>, vector<1x16xf32>,
      %swap3A_125 = vector.shape_cast %swap3A_124 : vector<1x16xf32> to vector<16xf32>
      %swap3A_126 = vector.shape_cast %add3A_121 : vector<16xf32> to vector<1x16xf32>
      tpu.vector_store %arg10[%swap3A_122, %swap3A_123], %swap3A_126 {strides = array<i32>} : memref<16x1024xf32, #tpu.memory_space<vmem>>, vector<1x16xf32>,
      %get3A_127 = arith.index_cast %scan3A_86 : i32 to index
      %get3A_128 = arith.constant 48 : index
      %get3A_129 = tpu.vector_load %arg8[%get3A_127, %get3A_128] {strides = array<i32>} : memref<16x1024xf32, #tpu.memory_space<vmem>>, vector<1x16xf32>,
      %get3A_130 = vector.shape_cast %get3A_129 : vector<1x16xf32> to vector<16xf32>
      %get3A_131 = arith.index_cast %scan3A_86 : i32 to index
      %get3A_132 = arith.constant 48 : index
      %get3A_133 = tpu.vector_load %arg9[%get3A_131, %get3A_132] {strides = array<i32>} : memref<16x1024xf32, #tpu.memory_space<vmem>>, vector<1x16xf32>,
      %get3A_134 = vector.shape_cast %get3A_133 : vector<1x16xf32> to vector<16xf32>
      %add3A_135 = arith.addf %get3A_130, %get3A_134 : vector<16xf32>
      %swap3A_136 = arith.index_cast %scan3A_86 : i32 to index
      %swap3A_137 = arith.constant 48 : index
      %swap3A_138 = tpu.vector_load %arg10[%swap3A_136, %swap3A_137] {strides = array<i32>} : memref<16x1024xf32, #tpu.memory_space<vmem>>, vector<1x16xf32>,
      %swap3A_139 = vector.shape_cast %swap3A_138 : vector<1x16xf32> to vector<16xf32>
      %swap3A_140 = vector.shape_cast %add3A_135 : vector<16xf32> to vector<1x16xf32>
      tpu.vector_store %arg10[%swap3A_136, %swap3A_137], %swap3A_140 {strides = array<i32>} : memref<16x1024xf32, #tpu.memory_space<vmem>>, vector<1x16xf32>,
      %get3A_141 = arith.index_cast %scan3A_86 : i32 to index
      %get3A_142 = arith.constant 64 : index
      %get3A_143 = tpu.vector_load %arg8[%get3A_141, %get3A_142] {strides = array<i32>} : memref<16x1024xf32, #tpu.memory_space<vmem>>, vector<1x16xf32>,
      %get3A_144 = vector.shape_cast %get3A_143 : vector<1x16xf32> to vector<16xf32>
      %get3A_145 = arith.index_cast %scan3A_86 : i32 to index
      %get3A_146 = arith.constant 64 : index
      %get3A_147 = tpu.vector_load %arg9[%get3A_145, %get3A_146] {strides = array<i32>} : memref<16x1024xf32, #tpu.memory_space<vmem>>, vector<1x16xf32>,
      %get3A_148 = vector.shape_cast %get3A_147 : vector<1x16xf32> to vector<16xf32>
      %add3A_149 = arith.addf %get3A_144, %get3A_148 : vector<16xf32>
      %swap3A_150 = arith.index_cast %scan3A_86 : i32 to index
      %swap3A_151 = arith.constant 64 : index
      %swap3A_152 = tpu.vector_load %arg10[%swap3A_150, %swap3A_151] {strides = array<i32>} : memref<16x1024xf32, #tpu.memory_space<vmem>>, vector<1x16xf32>,
      %swap3A_153 = vector.shape_cast %swap3A_152 : vector<1x16xf32> to vector<16xf32>
      %swap3A_154 = vector.shape_cast %add3A_149 : vector<16xf32> to vector<1x16xf32>
      tpu.vector_store %arg10[%swap3A_150, %swap3A_151], %swap3A_154 {strides = array<i32>} : memref<16x1024xf32, #tpu.memory_space<vmem>>, vector<1x16xf32>,
      %get3A_155 = arith.index_cast %scan3A_86 : i32 to index
      %get3A_156 = arith.constant 80 : index
      %get3A_157 = tpu.vector_load %arg8[%get3A_155, %get3A_156] {strides = array<i32>} : memref<16x1024xf32, #tpu.memory_space<vmem>>, vector<1x16xf32>,
      %get3A_158 = vector.shape_cast %get3A_157 : vector<1x16xf32> to vector<16xf32>
      %get3A_159 = arith.index_cast %scan3A_86 : i32 to index
      %get3A_160 = arith.constant 80 : index
      %get3A_161 = tpu.vector_load %arg9[%get3A_159, %get3A_160] {strides = array<i32>} : memref<16x1024xf32, #tpu.memory_space<vmem>>, vector<1x16xf32>,
      %get3A_162 = vector.shape_cast %get3A_161 : vector<1x16xf32> to vector<16xf32>
      %add3A_163 = arith.addf %get3A_158, %get3A_162 : vector<16xf32>
      %swap3A_164 = arith.index_cast %scan3A_86 : i32 to index
      %swap3A_165 = arith.constant 80 : index
      %swap3A_166 = tpu.vector_load %arg10[%swap3A_164, %swap3A_165] {strides = array<i32>} : memref<16x1024xf32, #tpu.memory_space<vmem>>, vector<1x16xf32>,
      %swap3A_167 = vector.shape_cast %swap3A_166 : vector<1x16xf32> to vector<16xf32>
      %swap3A_168 = vector.shape_cast %add3A_163 : vector<16xf32> to vector<1x16xf32>
      tpu.vector_store %arg10[%swap3A_164, %swap3A_165], %swap3A_168 {strides = array<i32>} : memref<16x1024xf32, #tpu.memory_space<vmem>>, vector<1x16xf32>,
      %get3A_169 = arith.index_cast %scan3A_86 : i32 to index
      %get3A_170 = arith.constant 96 : index
      %get3A_171 = tpu.vector_load %arg8[%get3A_169, %get3A_170] {strides = array<i32>} : memref<16x1024xf32, #tpu.memory_space<vmem>>, vector<1x16xf32>,
      %get3A_172 = vector.shape_cast %get3A_171 : vector<1x16xf32> to vector<16xf32>
      %get3A_173 = arith.index_cast %scan3A_86 : i32 to index
      %get3A_174 = arith.constant 96 : index
      %get3A_175 = tpu.vector_load %arg9[%get3A_173, %get3A_174] {strides = array<i32>} : memref<16x1024xf32, #tpu.memory_space<vmem>>, vector<1x16xf32>,
      %get3A_176 = vector.shape_cast %get3A_175 : vector<1x16xf32> to vector<16xf32>
      %add3A_177 = arith.addf %get3A_172, %get3A_176 : vector<16xf32>
      %swap3A_178 = arith.index_cast %scan3A_86 : i32 to index
      %swap3A_179 = arith.constant 96 : index
      %swap3A_180 = tpu.vector_load %arg10[%swap3A_178, %swap3A_179] {strides = array<i32>} : memref<16x1024xf32, #tpu.memory_space<vmem>>, vector<1x16xf32>,
      %swap3A_181 = vector.shape_cast %swap3A_180 : vector<1x16xf32> to vector<16xf32>
      %swap3A_182 = vector.shape_cast %add3A_177 : vector<16xf32> to vector<1x16xf32>
      tpu.vector_store %arg10[%swap3A_178, %swap3A_179], %swap3A_182 {strides = array<i32>} : memref<16x1024xf32, #tpu.memory_space<vmem>>, vector<1x16xf32>,
      %get3A_183 = arith.index_cast %scan3A_86 : i32 to index
      %get3A_184 = arith.constant 112 : index
      %get3A_185 = tpu.vector_load %arg8[%get3A_183, %get3A_184] {strides = array<i32>} : memref<16x1024xf32, #tpu.memory_space<vmem>>, vector<1x16xf32>,
      %get3A_186 = vector.shape_cast %get3A_185 : vector<1x16xf32> to vector<16xf32>
      %get3A_187 = arith.index_cast %scan3A_86 : i32 to index
      %get3A_188 = arith.constant 112 : index
      %get3A_189 = tpu.vector_load %arg9[%get3A_187, %get3A_188] {strides = array<i32>} : memref<16x1024xf32, #tpu.memory_space<vmem>>, vector<1x16xf32>,
      %get3A_190 = vector.shape_cast %get3A_189 : vector<1x16xf32> to vector<16xf32>
      %add3A_191 = arith.addf %get3A_186, %get3A_190 : vector<16xf32>
      %swap3A_192 = arith.index_cast %scan3A_86 : i32 to index
      %swap3A_193 = arith.constant 112 : index
      %swap3A_194 = tpu.vector_load %arg10[%swap3A_192, %swap3A_193] {strides = array<i32>} : memref<16x1024xf32, #tpu.memory_space<vmem>>, vector<1x16xf32>,
      %swap3A_195 = vector.shape_cast %swap3A_194 : vector<1x16xf32> to vector<16xf32>
      %swap3A_196 = vector.shape_cast %add3A_191 : vector<16xf32> to vector<1x16xf32>
      tpu.vector_store %arg10[%swap3A_192, %swap3A_193], %swap3A_196 {strides = array<i32>} : memref<16x1024xf32, #tpu.memory_space<vmem>>, vector<1x16xf32>,
      %get3A_197 = arith.index_cast %scan3A_86 : i32 to index
      %get3A_198 = arith.constant 128 : index
      %get3A_199 = tpu.vector_load %arg8[%get3A_197, %get3A_198] {strides = array<i32>} : memref<16x1024xf32, #tpu.memory_space<vmem>>, vector<1x16xf32>,
      %get3A_200 = vector.shape_cast %get3A_199 : vector<1x16xf32> to vector<16xf32>
      %get3A_201 = arith.index_cast %scan3A_86 : i32 to index
      %get3A_202 = arith.constant 128 : index
      %get3A_203 = tpu.vector_load %arg9[%get3A_201, %get3A_202] {strides = array<i32>} : memref<16x1024xf32, #tpu.memory_space<vmem>>, vector<1x16xf32>,
      %get3A_204 = vector.shape_cast %get3A_203 : vector<1x16xf32> to vector<16xf32>
      %add3A_205 = arith.addf %get3A_200, %get3A_204 : vector<16xf32>
      %swap3A_206 = arith.index_cast %scan3A_86 : i32 to index
      %swap3A_207 = arith.constant 128 : index
      %swap3A_208 = tpu.vector_load %arg10[%swap3A_206, %swap3A_207] {strides = array<i32>} : memref<16x1024xf32, #tpu.memory_space<vmem>>, vector<1x16xf32>,
      %swap3A_209 = vector.shape_cast %swap3A_208 : vector<1x16xf32> to vector<16xf32>
      %swap3A_210 = vector.shape_cast %add3A_205 : vector<16xf32> to vector<1x16xf32>
      tpu.vector_store %arg10[%swap3A_206, %swap3A_207], %swap3A_210 {strides = array<i32>} : memref<16x1024xf32, #tpu.memory_space<vmem>>, vector<1x16xf32>,
      %get3A_211 = arith.index_cast %scan3A_86 : i32 to index
      %get3A_212 = arith.constant 144 : index
      %get3A_213 = tpu.vector_load %arg8[%get3A_211, %get3A_212] {strides = array<i32>} : memref<16x1024xf32, #tpu.memory_space<vmem>>, vector<1x16xf32>,
      %get3A_214 = vector.shape_cast %get3A_213 : vector<1x16xf32> to vector<16xf32>
      %get3A_215 = arith.index_cast %scan3A_86 : i32 to index
      %get3A_216 = arith.constant 144 : index
      %get3A_217 = tpu.vector_load %arg9[%get3A_215, %get3A_216] {strides = array<i32>} : memref<16x1024xf32, #tpu.memory_space<vmem>>, vector<1x16xf32>,
      %get3A_218 = vector.shape_cast %get3A_217 : vector<1x16xf32> to vector<16xf32>
      %add3A_219 = arith.addf %get3A_214, %get3A_218 : vector<16xf32>
      %swap3A_220 = arith.index_cast %scan3A_86 : i32 to index
      %swap3A_221 = arith.constant 144 : index
      %swap3A_222 = tpu.vector_load %arg10[%swap3A_220, %swap3A_221] {strides = array<i32>} : memref<16x1024xf32, #tpu.memory_space<vmem>>, vector<1x16xf32>,
      %swap3A_223 = vector.shape_cast %swap3A_222 : vector<1x16xf32> to vector<16xf32>
      %swap3A_224 = vector.shape_cast %add3A_219 : vector<16xf32> to vector<1x16xf32>
      tpu.vector_store %arg10[%swap3A_220, %swap3A_221], %swap3A_224 {strides = array<i32>} : memref<16x1024xf32, #tpu.memory_space<vmem>>, vector<1x16xf32>,
      %get3A_225 = arith.index_cast %scan3A_86 : i32 to index
      %get3A_226 = arith.constant 160 : index
      %get3A_227 = tpu.vector_load %arg8[%get3A_225, %get3A_226] {strides = array<i32>} : memref<16x1024xf32, #tpu.memory_space<vmem>>, vector<1x16xf32>,
      %get3A_228 = vector.shape_cast %get3A_227 : vector<1x16xf32> to vector<16xf32>
      %get3A_229 = arith.index_cast %scan3A_86 : i32 to index
      %get3A_230 = arith.constant 160 : index
      %get3A_231 = tpu.vector_load %arg9[%get3A_229, %get3A_230] {strides = array<i32>} : memref<16x1024xf32, #tpu.memory_space<vmem>>, vector<1x16xf32>,
      %get3A_232 = vector.shape_cast %get3A_231 : vector<1x16xf32> to vector<16xf32>
      %add3A_233 = arith.addf %get3A_228, %get3A_232 : vector<16xf32>
      %swap3A_234 = arith.index_cast %scan3A_86 : i32 to index
      %swap3A_235 = arith.constant 160 : index
      %swap3A_236 = tpu.vector_load %arg10[%swap3A_234, %swap3A_235] {strides = array<i32>} : memref<16x1024xf32, #tpu.memory_space<vmem>>, vector<1x16xf32>,
      %swap3A_237 = vector.shape_cast %swap3A_236 : vector<1x16xf32> to vector<16xf32>
      %swap3A_238 = vector.shape_cast %add3A_233 : vector<16xf32> to vector<1x16xf32>
      tpu.vector_store %arg10[%swap3A_234, %swap3A_235], %swap3A_238 {strides = array<i32>} : memref<16x1024xf32, #tpu.memory_space<vmem>>, vector<1x16xf32>,
      %get3A_239 = arith.index_cast %scan3A_86 : i32 to index
      %get3A_240 = arith.constant 176 : index
      %get3A_241 = tpu.vector_load %arg8[%get3A_239, %get3A_240] {strides = array<i32>} : memref<16x1024xf32, #tpu.memory_space<vmem>>, vector<1x16xf32>,
      %get3A_242 = vector.shape_cast %get3A_241 : vector<1x16xf32> to vector<16xf32>
      %get3A_243 = arith.index_cast %scan3A_86 : i32 to index
      %get3A_244 = arith.constant 176 : index
      %get3A_245 = tpu.vector_load %arg9[%get3A_243, %get3A_244] {strides = array<i32>} : memref<16x1024xf32, #tpu.memory_space<vmem>>, vector<1x16xf32>,
      %get3A_246 = vector.shape_cast %get3A_245 : vector<1x16xf32> to vector<16xf32>
      %add3A_247 = arith.addf %get3A_242, %get3A_246 : vector<16xf32>
      %swap3A_248 = arith.index_cast %scan3A_86 : i32 to index
      %swap3A_249 = arith.constant 176 : index
      %swap3A_250 = tpu.vector_load %arg10[%swap3A_248, %swap3A_249] {strides = array<i32>} : memref<16x1024xf32, #tpu.memory_space<vmem>>, vector<1x16xf32>,
      %swap3A_251 = vector.shape_cast %swap3A_250 : vector<1x16xf32> to vector<16xf32>
      %swap3A_252 = vector.shape_cast %add3A_247 : vector<16xf32> to vector<1x16xf32>
      tpu.vector_store %arg10[%swap3A_248, %swap3A_249], %swap3A_252 {strides = array<i32>} : memref<16x1024xf32, #tpu.memory_space<vmem>>, vector<1x16xf32>,
      %get3A_253 = arith.index_cast %scan3A_86 : i32 to index
      %get3A_254 = arith.constant 192 : index
      %get3A_255 = tpu.vector_load %arg8[%get3A_253, %get3A_254] {strides = array<i32>} : memref<16x1024xf32, #tpu.memory_space<vmem>>, vector<1x16xf32>,
      %get3A_256 = vector.shape_cast %get3A_255 : vector<1x16xf32> to vector<16xf32>
      %get3A_257 = arith.index_cast %scan3A_86 : i32 to index
      %get3A_258 = arith.constant 192 : index
      %get3A_259 = tpu.vector_load %arg9[%get3A_257, %get3A_258] {strides = array<i32>} : memref<16x1024xf32, #tpu.memory_space<vmem>>, vector<1x16xf32>,
      %get3A_260 = vector.shape_cast %get3A_259 : vector<1x16xf32> to vector<16xf32>
      %add3A_261 = arith.addf %get3A_256, %get3A_260 : vector<16xf32>
      %swap3A_262 = arith.index_cast %scan3A_86 : i32 to index
      %swap3A_263 = arith.constant 192 : index
      %swap3A_264 = tpu.vector_load %arg10[%swap3A_262, %swap3A_263] {strides = array<i32>} : memref<16x1024xf32, #tpu.memory_space<vmem>>, vector<1x16xf32>,
      %swap3A_265 = vector.shape_cast %swap3A_264 : vector<1x16xf32> to vector<16xf32>
      %swap3A_266 = vector.shape_cast %add3A_261 : vector<16xf32> to vector<1x16xf32>
      tpu.vector_store %arg10[%swap3A_262, %swap3A_263], %swap3A_266 {strides = array<i32>} : memref<16x1024xf32, #tpu.memory_space<vmem>>, vector<1x16xf32>,
      %get3A_267 = arith.index_cast %scan3A_86 : i32 to index
      %get3A_268 = arith.constant 208 : index
      %get3A_269 = tpu.vector_load %arg8[%get3A_267, %get3A_268] {strides = array<i32>} : memref<16x1024xf32, #tpu.memory_space<vmem>>, vector<1x16xf32>,
      %get3A_270 = vector.shape_cast %get3A_269 : vector<1x16xf32> to vector<16xf32>
      %get3A_271 = arith.index_cast %scan3A_86 : i32 to index
      %get3A_272 = arith.constant 208 : index
      %get3A_273 = tpu.vector_load %arg9[%get3A_271, %get3A_272] {strides = array<i32>} : memref<16x1024xf32, #tpu.memory_space<vmem>>, vector<1x16xf32>,
      %get3A_274 = vector.shape_cast %get3A_273 : vector<1x16xf32> to vector<16xf32>
      %add3A_275 = arith.addf %get3A_270, %get3A_274 : vector<16xf32>
      %swap3A_276 = arith.index_cast %scan3A_86 : i32 to index
      %swap3A_277 = arith.constant 208 : index
      %swap3A_278 = tpu.vector_load %arg10[%swap3A_276, %swap3A_277] {strides = array<i32>} : memref<16x1024xf32, #tpu.memory_space<vmem>>, vector<1x16xf32>,
      %swap3A_279 = vector.shape_cast %swap3A_278 : vector<1x16xf32> to vector<16xf32>
      %swap3A_280 = vector.shape_cast %add3A_275 : vector<16xf32> to vector<1x16xf32>
      tpu.vector_store %arg10[%swap3A_276, %swap3A_277], %swap3A_280 {strides = array<i32>} : memref<16x1024xf32, #tpu.memory_space<vmem>>, vector<1x16xf32>,
      %get3A_281 = arith.index_cast %scan3A_86 : i32 to index
      %get3A_282 = arith.constant 224 : index
      %get3A_283 = tpu.vector_load %arg8[%get3A_281, %get3A_282] {strides = array<i32>} : memref<16x1024xf32, #tpu.memory_space<vmem>>, vector<1x16xf32>,
      %get3A_284 = vector.shape_cast %get3A_283 : vector<1x16xf32> to vector<16xf32>
      %get3A_285 = arith.index_cast %scan3A_86 : i32 to index
      %get3A_286 = arith.constant 224 : index
      %get3A_287 = tpu.vector_load %arg9[%get3A_285, %get3A_286] {strides = array<i32>} : memref<16x1024xf32, #tpu.memory_space<vmem>>, vector<1x16xf32>,
      %get3A_288 = vector.shape_cast %get3A_287 : vector<1x16xf32> to vector<16xf32>
      %add3A_289 = arith.addf %get3A_284, %get3A_288 : vector<16xf32>
      %swap3A_290 = arith.index_cast %scan3A_86 : i32 to index
      %swap3A_291 = arith.constant 224 : index
      %swap3A_292 = tpu.vector_load %arg10[%swap3A_290, %swap3A_291] {strides = array<i32>} : memref<16x1024xf32, #tpu.memory_space<vmem>>, vector<1x16xf32>,
      %swap3A_293 = vector.shape_cast %swap3A_292 : vector<1x16xf32> to vector<16xf32>
      %swap3A_294 = vector.shape_cast %add3A_289 : vector<16xf32> to vector<1x16xf32>
      tpu.vector_store %arg10[%swap3A_290, %swap3A_291], %swap3A_294 {strides = array<i32>} : memref<16x1024xf32, #tpu.memory_space<vmem>>, vector<1x16xf32>,
      %get3A_295 = arith.index_cast %scan3A_86 : i32 to index
      %get3A_296 = arith.constant 240 : index
      %get3A_297 = tpu.vector_load %arg8[%get3A_295, %get3A_296] {strides = array<i32>} : memref<16x1024xf32, #tpu.memory_space<vmem>>, vector<1x16xf32>,
      %get3A_298 = vector.shape_cast %get3A_297 : vector<1x16xf32> to vector<16xf32>
      %get3A_299 = arith.index_cast %scan3A_86 : i32 to index
      %get3A_300 = arith.constant 240 : index
      %get3A_301 = tpu.vector_load %arg9[%get3A_299, %get3A_300] {strides = array<i32>} : memref<16x1024xf32, #tpu.memory_space<vmem>>, vector<1x16xf32>,
      %get3A_302 = vector.shape_cast %get3A_301 : vector<1x16xf32> to vector<16xf32>
      %add3A_303 = arith.addf %get3A_298, %get3A_302 : vector<16xf32>
      %swap3A_304 = arith.index_cast %scan3A_86 : i32 to index
      %swap3A_305 = arith.constant 240 : index
      %swap3A_306 = tpu.vector_load %arg10[%swap3A_304, %swap3A_305] {strides = array<i32>} : memref<16x1024xf32, #tpu.memory_space<vmem>>, vector<1x16xf32>,
      %swap3A_307 = vector.shape_cast %swap3A_306 : vector<1x16xf32> to vector<16xf32>
      %swap3A_308 = vector.shape_cast %add3A_303 : vector<16xf32> to vector<1x16xf32>
      tpu.vector_store %arg10[%swap3A_304, %swap3A_305], %swap3A_308 {strides = array<i32>} : memref<16x1024xf32, #tpu.memory_space<vmem>>, vector<1x16xf32>,
      %get3A_309 = arith.index_cast %scan3A_86 : i32 to index
      %get3A_310 = arith.constant 256 : index
      %get3A_311 = tpu.vector_load %arg8[%get3A_309, %get3A_310] {strides = array<i32>} : memref<16x1024xf32, #tpu.memory_space<vmem>>, vector<1x16xf32>,
      %get3A_312 = vector.shape_cast %get3A_311 : vector<1x16xf32> to vector<16xf32>
      %get3A_313 = arith.index_cast %scan3A_86 : i32 to index
      %get3A_314 = arith.constant 256 : index
      %get3A_315 = tpu.vector_load %arg9[%get3A_313, %get3A_314] {strides = array<i32>} : memref<16x1024xf32, #tpu.memory_space<vmem>>, vector<1x16xf32>,
      %get3A_316 = vector.shape_cast %get3A_315 : vector<1x16xf32> to vector<16xf32>
      %add3A_317 = arith.addf %get3A_312, %get3A_316 : vector<16xf32>
      %swap3A_318 = arith.index_cast %scan3A_86 : i32 to index
      %swap3A_319 = arith.constant 256 : index
      %swap3A_320 = tpu.vector_load %arg10[%swap3A_318, %swap3A_319] {strides = array<i32>} : memref<16x1024xf32, #tpu.memory_space<vmem>>, vector<1x16xf32>,
      %swap3A_321 = vector.shape_cast %swap3A_320 : vector<1x16xf32> to vector<16xf32>
      %swap3A_322 = vector.shape_cast %add3A_317 : vector<16xf32> to vector<1x16xf32>
      tpu.vector_store %arg10[%swap3A_318, %swap3A_319], %swap3A_322 {strides = array<i32>} : memref<16x1024xf32, #tpu.memory_space<vmem>>, vector<1x16xf32>,
      %get3A_323 = arith.index_cast %scan3A_86 : i32 to index
      %get3A_324 = arith.constant 272 : index
      %get3A_325 = tpu.vector_load %arg8[%get3A_323, %get3A_324] {strides = array<i32>} : memref<16x1024xf32, #tpu.memory_space<vmem>>, vector<1x16xf32>,
      %get3A_326 = vector.shape_cast %get3A_325 : vector<1x16xf32> to vector<16xf32>
      %get3A_327 = arith.index_cast %scan3A_86 : i32 to index
      %get3A_328 = arith.constant 272 : index
      %get3A_329 = tpu.vector_load %arg9[%get3A_327, %get3A_328] {strides = array<i32>} : memref<16x1024xf32, #tpu.memory_space<vmem>>, vector<1x16xf32>,
      %get3A_330 = vector.shape_cast %get3A_329 : vector<1x16xf32> to vector<16xf32>
      %add3A_331 = arith.addf %get3A_326, %get3A_330 : vector<16xf32>
      %swap3A_332 = arith.index_cast %scan3A_86 : i32 to index
      %swap3A_333 = arith.constant 272 : index
      %swap3A_334 = tpu.vector_load %arg10[%swap3A_332, %swap3A_333] {strides = array<i32>} : memref<16x1024xf32, #tpu.memory_space<vmem>>, vector<1x16xf32>,
      %swap3A_335 = vector.shape_cast %swap3A_334 : vector<1x16xf32> to vector<16xf32>
      %swap3A_336 = vector.shape_cast %add3A_331 : vector<16xf32> to vector<1x16xf32>
      tpu.vector_store %arg10[%swap3A_332, %swap3A_333], %swap3A_336 {strides = array<i32>} : memref<16x1024xf32, #tpu.memory_space<vmem>>, vector<1x16xf32>,
      %get3A_337 = arith.index_cast %scan3A_86 : i32 to index
      %get3A_338 = arith.constant 288 : index
      %get3A_339 = tpu.vector_load %arg8[%get3A_337, %get3A_338] {strides = array<i32>} : memref<16x1024xf32, #tpu.memory_space<vmem>>, vector<1x16xf32>,
      %get3A_340 = vector.shape_cast %get3A_339 : vector<1x16xf32> to vector<16xf32>
      %get3A_341 = arith.index_cast %scan3A_86 : i32 to index
      %get3A_342 = arith.constant 288 : index
      %get3A_343 = tpu.vector_load %arg9[%get3A_341, %get3A_342] {strides = array<i32>} : memref<16x1024xf32, #tpu.memory_space<vmem>>, vector<1x16xf32>,
      %get3A_344 = vector.shape_cast %get3A_343 : vector<1x16xf32> to vector<16xf32>
      %add3A_345 = arith.addf %get3A_340, %get3A_344 : vector<16xf32>
      %swap3A_346 = arith.index_cast %scan3A_86 : i32 to index
      %swap3A_347 = arith.constant 288 : index
      %swap3A_348 = tpu.vector_load %arg10[%swap3A_346, %swap3A_347] {strides = array<i32>} : memref<16x1024xf32, #tpu.memory_space<vmem>>, vector<1x16xf32>,
      %swap3A_349 = vector.shape_cast %swap3A_348 : vector<1x16xf32> to vector<16xf32>
      %swap3A_350 = vector.shape_cast %add3A_345 : vector<16xf32> to vector<1x16xf32>
      tpu.vector_store %arg10[%swap3A_346, %swap3A_347], %swap3A_350 {strides = array<i32>} : memref<16x1024xf32, #tpu.memory_space<vmem>>, vector<1x16xf32>,
      %get3A_351 = arith.index_cast %scan3A_86 : i32 to index
      %get3A_352 = arith.constant 304 : index
      %get3A_353 = tpu.vector_load %arg8[%get3A_351, %get3A_352] {strides = array<i32>} : memref<16x1024xf32, #tpu.memory_space<vmem>>, vector<1x16xf32>,
      %get3A_354 = vector.shape_cast %get3A_353 : vector<1x16xf32> to vector<16xf32>
      %get3A_355 = arith.index_cast %scan3A_86 : i32 to index
      %get3A_356 = arith.constant 304 : index
      %get3A_357 = tpu.vector_load %arg9[%get3A_355, %get3A_356] {strides = array<i32>} : memref<16x1024xf32, #tpu.memory_space<vmem>>, vector<1x16xf32>,
      %get3A_358 = vector.shape_cast %get3A_357 : vector<1x16xf32> to vector<16xf32>
      %add3A_359 = arith.addf %get3A_354, %get3A_358 : vector<16xf32>
      %swap3A_360 = arith.index_cast %scan3A_86 : i32 to index
      %swap3A_361 = arith.constant 304 : index
      %swap3A_362 = tpu.vector_load %arg10[%swap3A_360, %swap3A_361] {strides = array<i32>} : memref<16x1024xf32, #tpu.memory_space<vmem>>, vector<1x16xf32>,
      %swap3A_363 = vector.shape_cast %swap3A_362 : vector<1x16xf32> to vector<16xf32>
      %swap3A_364 = vector.shape_cast %add3A_359 : vector<16xf32> to vector<1x16xf32>
      tpu.vector_store %arg10[%swap3A_360, %swap3A_361], %swap3A_364 {strides = array<i32>} : memref<16x1024xf32, #tpu.memory_space<vmem>>, vector<1x16xf32>,
      %get3A_365 = arith.index_cast %scan3A_86 : i32 to index
      %get3A_366 = arith.constant 320 : index
      %get3A_367 = tpu.vector_load %arg8[%get3A_365, %get3A_366] {strides = array<i32>} : memref<16x1024xf32, #tpu.memory_space<vmem>>, vector<1x16xf32>,
      %get3A_368 = vector.shape_cast %get3A_367 : vector<1x16xf32> to vector<16xf32>
      %get3A_369 = arith.index_cast %scan3A_86 : i32 to index
      %get3A_370 = arith.constant 320 : index
      %get3A_371 = tpu.vector_load %arg9[%get3A_369, %get3A_370] {strides = array<i32>} : memref<16x1024xf32, #tpu.memory_space<vmem>>, vector<1x16xf32>,
      %get3A_372 = vector.shape_cast %get3A_371 : vector<1x16xf32> to vector<16xf32>
      %add3A_373 = arith.addf %get3A_368, %get3A_372 : vector<16xf32>
      %swap3A_374 = arith.index_cast %scan3A_86 : i32 to index
      %swap3A_375 = arith.constant 320 : index
      %swap3A_376 = tpu.vector_load %arg10[%swap3A_374, %swap3A_375] {strides = array<i32>} : memref<16x1024xf32, #tpu.memory_space<vmem>>, vector<1x16xf32>,
      %swap3A_377 = vector.shape_cast %swap3A_376 : vector<1x16xf32> to vector<16xf32>
      %swap3A_378 = vector.shape_cast %add3A_373 : vector<16xf32> to vector<1x16xf32>
      tpu.vector_store %arg10[%swap3A_374, %swap3A_375], %swap3A_378 {strides = array<i32>} : memref<16x1024xf32, #tpu.memory_space<vmem>>, vector<1x16xf32>,
      %get3A_379 = arith.index_cast %scan3A_86 : i32 to index
      %get3A_380 = arith.constant 336 : index
      %get3A_381 = tpu.vector_load %arg8[%get3A_379, %get3A_380] {strides = array<i32>} : memref<16x1024xf32, #tpu.memory_space<vmem>>, vector<1x16xf32>,
      %get3A_382 = vector.shape_cast %get3A_381 : vector<1x16xf32> to vector<16xf32>
      %get3A_383 = arith.index_cast %scan3A_86 : i32 to index
      %get3A_384 = arith.constant 336 : index
      %get3A_385 = tpu.vector_load %arg9[%get3A_383, %get3A_384] {strides = array<i32>} : memref<16x1024xf32, #tpu.memory_space<vmem>>, vector<1x16xf32>,
      %get3A_386 = vector.shape_cast %get3A_385 : vector<1x16xf32> to vector<16xf32>
      %add3A_387 = arith.addf %get3A_382, %get3A_386 : vector<16xf32>
      %swap3A_388 = arith.index_cast %scan3A_86 : i32 to index
      %swap3A_389 = arith.constant 336 : index
      %swap3A_390 = tpu.vector_load %arg10[%swap3A_388, %swap3A_389] {strides = array<i32>} : memref<16x1024xf32, #tpu.memory_space<vmem>>, vector<1x16xf32>,
      %swap3A_391 = vector.shape_cast %swap3A_390 : vector<1x16xf32> to vector<16xf32>
      %swap3A_392 = vector.shape_cast %add3A_387 : vector<16xf32> to vector<1x16xf32>
      tpu.vector_store %arg10[%swap3A_388, %swap3A_389], %swap3A_392 {strides = array<i32>} : memref<16x1024xf32, #tpu.memory_space<vmem>>, vector<1x16xf32>,
      %get3A_393 = arith.index_cast %scan3A_86 : i32 to index
      %get3A_394 = arith.constant 352 : index
      %get3A_395 = tpu.vector_load %arg8[%get3A_393, %get3A_394] {strides = array<i32>} : memref<16x1024xf32, #tpu.memory_space<vmem>>, vector<1x16xf32>,
      %get3A_396 = vector.shape_cast %get3A_395 : vector<1x16xf32> to vector<16xf32>
      %get3A_397 = arith.index_cast %scan3A_86 : i32 to index
      %get3A_398 = arith.constant 352 : index
      %get3A_399 = tpu.vector_load %arg9[%get3A_397, %get3A_398] {strides = array<i32>} : memref<16x1024xf32, #tpu.memory_space<vmem>>, vector<1x16xf32>,
      %get3A_400 = vector.shape_cast %get3A_399 : vector<1x16xf32> to vector<16xf32>
      %add3A_401 = arith.addf %get3A_396, %get3A_400 : vector<16xf32>
      %swap3A_402 = arith.index_cast %scan3A_86 : i32 to index
      %swap3A_403 = arith.constant 352 : index
      %swap3A_404 = tpu.vector_load %arg10[%swap3A_402, %swap3A_403] {strides = array<i32>} : memref<16x1024xf32, #tpu.memory_space<vmem>>, vector<1x16xf32>,
      %swap3A_405 = vector.shape_cast %swap3A_404 : vector<1x16xf32> to vector<16xf32>
      %swap3A_406 = vector.shape_cast %add3A_401 : vector<16xf32> to vector<1x16xf32>
      tpu.vector_store %arg10[%swap3A_402, %swap3A_403], %swap3A_406 {strides = array<i32>} : memref<16x1024xf32, #tpu.memory_space<vmem>>, vector<1x16xf32>,
      %get3A_407 = arith.index_cast %scan3A_86 : i32 to index
      %get3A_408 = arith.constant 368 : index
      %get3A_409 = tpu.vector_load %arg8[%get3A_407, %get3A_408] {strides = array<i32>} : memref<16x1024xf32, #tpu.memory_space<vmem>>, vector<1x16xf32>,
      %get3A_410 = vector.shape_cast %get3A_409 : vector<1x16xf32> to vector<16xf32>
      %get3A_411 = arith.index_cast %scan3A_86 : i32 to index
      %get3A_412 = arith.constant 368 : index
      %get3A_413 = tpu.vector_load %arg9[%get3A_411, %get3A_412] {strides = array<i32>} : memref<16x1024xf32, #tpu.memory_space<vmem>>, vector<1x16xf32>,
      %get3A_414 = vector.shape_cast %get3A_413 : vector<1x16xf32> to vector<16xf32>
      %add3A_415 = arith.addf %get3A_410, %get3A_414 : vector<16xf32>
      %swap3A_416 = arith.index_cast %scan3A_86 : i32 to index
      %swap3A_417 = arith.constant 368 : index
      %swap3A_418 = tpu.vector_load %arg10[%swap3A_416, %swap3A_417] {strides = array<i32>} : memref<16x1024xf32, #tpu.memory_space<vmem>>, vector<1x16xf32>,
      %swap3A_419 = vector.shape_cast %swap3A_418 : vector<1x16xf32> to vector<16xf32>
      %swap3A_420 = vector.shape_cast %add3A_415 : vector<16xf32> to vector<1x16xf32>
      tpu.vector_store %arg10[%swap3A_416, %swap3A_417], %swap3A_420 {strides = array<i32>} : memref<16x1024xf32, #tpu.memory_space<vmem>>, vector<1x16xf32>,
      %get3A_421 = arith.index_cast %scan3A_86 : i32 to index
      %get3A_422 = arith.constant 384 : index
      %get3A_423 = tpu.vector_load %arg8[%get3A_421, %get3A_422] {strides = array<i32>} : memref<16x1024xf32, #tpu.memory_space<vmem>>, vector<1x16xf32>,
      %get3A_424 = vector.shape_cast %get3A_423 : vector<1x16xf32> to vector<16xf32>
      %get3A_425 = arith.index_cast %scan3A_86 : i32 to index
      %get3A_426 = arith.constant 384 : index
      %get3A_427 = tpu.vector_load %arg9[%get3A_425, %get3A_426] {strides = array<i32>} : memref<16x1024xf32, #tpu.memory_space<vmem>>, vector<1x16xf32>,
      %get3A_428 = vector.shape_cast %get3A_427 : vector<1x16xf32> to vector<16xf32>
      %add3A_429 = arith.addf %get3A_424, %get3A_428 : vector<16xf32>
      %swap3A_430 = arith.index_cast %scan3A_86 : i32 to index
      %swap3A_431 = arith.constant 384 : index
      %swap3A_432 = tpu.vector_load %arg10[%swap3A_430, %swap3A_431] {strides = array<i32>} : memref<16x1024xf32, #tpu.memory_space<vmem>>, vector<1x16xf32>,
      %swap3A_433 = vector.shape_cast %swap3A_432 : vector<1x16xf32> to vector<16xf32>
      %swap3A_434 = vector.shape_cast %add3A_429 : vector<16xf32> to vector<1x16xf32>
      tpu.vector_store %arg10[%swap3A_430, %swap3A_431], %swap3A_434 {strides = array<i32>} : memref<16x1024xf32, #tpu.memory_space<vmem>>, vector<1x16xf32>,
      %get3A_435 = arith.index_cast %scan3A_86 : i32 to index
      %get3A_436 = arith.constant 400 : index
      %get3A_437 = tpu.vector_load %arg8[%get3A_435, %get3A_436] {strides = array<i32>} : memref<16x1024xf32, #tpu.memory_space<vmem>>, vector<1x16xf32>,
      %get3A_438 = vector.shape_cast %get3A_437 : vector<1x16xf32> to vector<16xf32>
      %get3A_439 = arith.index_cast %scan3A_86 : i32 to index
      %get3A_440 = arith.constant 400 : index
      %get3A_441 = tpu.vector_load %arg9[%get3A_439, %get3A_440] {strides = array<i32>} : memref<16x1024xf32, #tpu.memory_space<vmem>>, vector<1x16xf32>,
      %get3A_442 = vector.shape_cast %get3A_441 : vector<1x16xf32> to vector<16xf32>
      %add3A_443 = arith.addf %get3A_438, %get3A_442 : vector<16xf32>
      %swap3A_444 = arith.index_cast %scan3A_86 : i32 to index
      %swap3A_445 = arith.constant 400 : index
      %swap3A_446 = tpu.vector_load %arg10[%swap3A_444, %swap3A_445] {strides = array<i32>} : memref<16x1024xf32, #tpu.memory_space<vmem>>, vector<1x16xf32>,
      %swap3A_447 = vector.shape_cast %swap3A_446 : vector<1x16xf32> to vector<16xf32>
      %swap3A_448 = vector.shape_cast %add3A_443 : vector<16xf32> to vector<1x16xf32>
      tpu.vector_store %arg10[%swap3A_444, %swap3A_445], %swap3A_448 {strides = array<i32>} : memref<16x1024xf32, #tpu.memory_space<vmem>>, vector<1x16xf32>,
      %get3A_449 = arith.index_cast %scan3A_86 : i32 to index
      %get3A_450 = arith.constant 416 : index
      %get3A_451 = tpu.vector_load %arg8[%get3A_449, %get3A_450] {strides = array<i32>} : memref<16x1024xf32, #tpu.memory_space<vmem>>, vector<1x16xf32>,
      %get3A_452 = vector.shape_cast %get3A_451 : vector<1x16xf32> to vector<16xf32>
      %get3A_453 = arith.index_cast %scan3A_86 : i32 to index
      %get3A_454 = arith.constant 416 : index
      %get3A_455 = tpu.vector_load %arg9[%get3A_453, %get3A_454] {strides = array<i32>} : memref<16x1024xf32, #tpu.memory_space<vmem>>, vector<1x16xf32>,
      %get3A_456 = vector.shape_cast %get3A_455 : vector<1x16xf32> to vector<16xf32>
      %add3A_457 = arith.addf %get3A_452, %get3A_456 : vector<16xf32>
      %swap3A_458 = arith.index_cast %scan3A_86 : i32 to index
      %swap3A_459 = arith.constant 416 : index
      %swap3A_460 = tpu.vector_load %arg10[%swap3A_458, %swap3A_459] {strides = array<i32>} : memref<16x1024xf32, #tpu.memory_space<vmem>>, vector<1x16xf32>,
      %swap3A_461 = vector.shape_cast %swap3A_460 : vector<1x16xf32> to vector<16xf32>
      %swap3A_462 = vector.shape_cast %add3A_457 : vector<16xf32> to vector<1x16xf32>
      tpu.vector_store %arg10[%swap3A_458, %swap3A_459], %swap3A_462 {strides = array<i32>} : memref<16x1024xf32, #tpu.memory_space<vmem>>, vector<1x16xf32>,
      %get3A_463 = arith.index_cast %scan3A_86 : i32 to index
      %get3A_464 = arith.constant 432 : index
      %get3A_465 = tpu.vector_load %arg8[%get3A_463, %get3A_464] {strides = array<i32>} : memref<16x1024xf32, #tpu.memory_space<vmem>>, vector<1x16xf32>,
      %get3A_466 = vector.shape_cast %get3A_465 : vector<1x16xf32> to vector<16xf32>
      %get3A_467 = arith.index_cast %scan3A_86 : i32 to index
      %get3A_468 = arith.constant 432 : index
      %get3A_469 = tpu.vector_load %arg9[%get3A_467, %get3A_468] {strides = array<i32>} : memref<16x1024xf32, #tpu.memory_space<vmem>>, vector<1x16xf32>,
      %get3A_470 = vector.shape_cast %get3A_469 : vector<1x16xf32> to vector<16xf32>
      %add3A_471 = arith.addf %get3A_466, %get3A_470 : vector<16xf32>
      %swap3A_472 = arith.index_cast %scan3A_86 : i32 to index
      %swap3A_473 = arith.constant 432 : index
      %swap3A_474 = tpu.vector_load %arg10[%swap3A_472, %swap3A_473] {strides = array<i32>} : memref<16x1024xf32, #tpu.memory_space<vmem>>, vector<1x16xf32>,
      %swap3A_475 = vector.shape_cast %swap3A_474 : vector<1x16xf32> to vector<16xf32>
      %swap3A_476 = vector.shape_cast %add3A_471 : vector<16xf32> to vector<1x16xf32>
      tpu.vector_store %arg10[%swap3A_472, %swap3A_473], %swap3A_476 {strides = array<i32>} : memref<16x1024xf32, #tpu.memory_space<vmem>>, vector<1x16xf32>,
      %get3A_477 = arith.index_cast %scan3A_86 : i32 to index
      %get3A_478 = arith.constant 448 : index
      %get3A_479 = tpu.vector_load %arg8[%get3A_477, %get3A_478] {strides = array<i32>} : memref<16x1024xf32, #tpu.memory_space<vmem>>, vector<1x16xf32>,
      %get3A_480 = vector.shape_cast %get3A_479 : vector<1x16xf32> to vector<16xf32>
      %get3A_481 = arith.index_cast %scan3A_86 : i32 to index
      %get3A_482 = arith.constant 448 : index
      %get3A_483 = tpu.vector_load %arg9[%get3A_481, %get3A_482] {strides = array<i32>} : memref<16x1024xf32, #tpu.memory_space<vmem>>, vector<1x16xf32>,
      %get3A_484 = vector.shape_cast %get3A_483 : vector<1x16xf32> to vector<16xf32>
      %add3A_485 = arith.addf %get3A_480, %get3A_484 : vector<16xf32>
      %swap3A_486 = arith.index_cast %scan3A_86 : i32 to index
      %swap3A_487 = arith.constant 448 : index
      %swap3A_488 = tpu.vector_load %arg10[%swap3A_486, %swap3A_487] {strides = array<i32>} : memref<16x1024xf32, #tpu.memory_space<vmem>>, vector<1x16xf32>,
      %swap3A_489 = vector.shape_cast %swap3A_488 : vector<1x16xf32> to vector<16xf32>
      %swap3A_490 = vector.shape_cast %add3A_485 : vector<16xf32> to vector<1x16xf32>
      tpu.vector_store %arg10[%swap3A_486, %swap3A_487], %swap3A_490 {strides = array<i32>} : memref<16x1024xf32, #tpu.memory_space<vmem>>, vector<1x16xf32>,
      %get3A_491 = arith.index_cast %scan3A_86 : i32 to index
      %get3A_492 = arith.constant 464 : index
      %get3A_493 = tpu.vector_load %arg8[%get3A_491, %get3A_492] {strides = array<i32>} : memref<16x1024xf32, #tpu.memory_space<vmem>>, vector<1x16xf32>,
      %get3A_494 = vector.shape_cast %get3A_493 : vector<1x16xf32> to vector<16xf32>
      %get3A_495 = arith.index_cast %scan3A_86 : i32 to index
      %get3A_496 = arith.constant 464 : index
      %get3A_497 = tpu.vector_load %arg9[%get3A_495, %get3A_496] {strides = array<i32>} : memref<16x1024xf32, #tpu.memory_space<vmem>>, vector<1x16xf32>,
      %get3A_498 = vector.shape_cast %get3A_497 : vector<1x16xf32> to vector<16xf32>
      %add3A_499 = arith.addf %get3A_494, %get3A_498 : vector<16xf32>
      %swap3A_500 = arith.index_cast %scan3A_86 : i32 to index
      %swap3A_501 = arith.constant 464 : index
      %swap3A_502 = tpu.vector_load %arg10[%swap3A_500, %swap3A_501] {strides = array<i32>} : memref<16x1024xf32, #tpu.memory_space<vmem>>, vector<1x16xf32>,
      %swap3A_503 = vector.shape_cast %swap3A_502 : vector<1x16xf32> to vector<16xf32>
      %swap3A_504 = vector.shape_cast %add3A_499 : vector<16xf32> to vector<1x16xf32>
      tpu.vector_store %arg10[%swap3A_500, %swap3A_501], %swap3A_504 {strides = array<i32>} : memref<16x1024xf32, #tpu.memory_space<vmem>>, vector<1x16xf32>,
      %get3A_505 = arith.index_cast %scan3A_86 : i32 to index
      %get3A_506 = arith.constant 480 : index
      %get3A_507 = tpu.vector_load %arg8[%get3A_505, %get3A_506] {strides = array<i32>} : memref<16x1024xf32, #tpu.memory_space<vmem>>, vector<1x16xf32>,
      %get3A_508 = vector.shape_cast %get3A_507 : vector<1x16xf32> to vector<16xf32>
      %get3A_509 = arith.index_cast %scan3A_86 : i32 to index
      %get3A_510 = arith.constant 480 : index
      %get3A_511 = tpu.vector_load %arg9[%get3A_509, %get3A_510] {strides = array<i32>} : memref<16x1024xf32, #tpu.memory_space<vmem>>, vector<1x16xf32>,
      %get3A_512 = vector.shape_cast %get3A_511 : vector<1x16xf32> to vector<16xf32>
      %add3A_513 = arith.addf %get3A_508, %get3A_512 : vector<16xf32>
      %swap3A_514 = arith.index_cast %scan3A_86 : i32 to index
      %swap3A_515 = arith.constant 480 : index
      %swap3A_516 = tpu.vector_load %arg10[%swap3A_514, %swap3A_515] {strides = array<i32>} : memref<16x1024xf32, #tpu.memory_space<vmem>>, vector<1x16xf32>,
      %swap3A_517 = vector.shape_cast %swap3A_516 : vector<1x16xf32> to vector<16xf32>
      %swap3A_518 = vector.shape_cast %add3A_513 : vector<16xf32> to vector<1x16xf32>
      tpu.vector_store %arg10[%swap3A_514, %swap3A_515], %swap3A_518 {strides = array<i32>} : memref<16x1024xf32, #tpu.memory_space<vmem>>, vector<1x16xf32>,
      %get3A_519 = arith.index_cast %scan3A_86 : i32 to index
      %get3A_520 = arith.constant 496 : index
      %get3A_521 = tpu.vector_load %arg8[%get3A_519, %get3A_520] {strides = array<i32>} : memref<16x1024xf32, #tpu.memory_space<vmem>>, vector<1x16xf32>,
      %get3A_522 = vector.shape_cast %get3A_521 : vector<1x16xf32> to vector<16xf32>
      %get3A_523 = arith.index_cast %scan3A_86 : i32 to index
      %get3A_524 = arith.constant 496 : index
      %get3A_525 = tpu.vector_load %arg9[%get3A_523, %get3A_524] {strides = array<i32>} : memref<16x1024xf32, #tpu.memory_space<vmem>>, vector<1x16xf32>,
      %get3A_526 = vector.shape_cast %get3A_525 : vector<1x16xf32> to vector<16xf32>
      %add3A_527 = arith.addf %get3A_522, %get3A_526 : vector<16xf32>
      %swap3A_528 = arith.index_cast %scan3A_86 : i32 to index
      %swap3A_529 = arith.constant 496 : index
      %swap3A_530 = tpu.vector_load %arg10[%swap3A_528, %swap3A_529] {strides = array<i32>} : memref<16x1024xf32, #tpu.memory_space<vmem>>, vector<1x16xf32>,
      %swap3A_531 = vector.shape_cast %swap3A_530 : vector<1x16xf32> to vector<16xf32>
      %swap3A_532 = vector.shape_cast %add3A_527 : vector<16xf32> to vector<1x16xf32>
      tpu.vector_store %arg10[%swap3A_528, %swap3A_529], %swap3A_532 {strides = array<i32>} : memref<16x1024xf32, #tpu.memory_space<vmem>>, vector<1x16xf32>,
      %get3A_533 = arith.index_cast %scan3A_86 : i32 to index
      %get3A_534 = arith.constant 512 : index
      %get3A_535 = tpu.vector_load %arg8[%get3A_533, %get3A_534] {strides = array<i32>} : memref<16x1024xf32, #tpu.memory_space<vmem>>, vector<1x16xf32>,
      %get3A_536 = vector.shape_cast %get3A_535 : vector<1x16xf32> to vector<16xf32>
      %get3A_537 = arith.index_cast %scan3A_86 : i32 to index
      %get3A_538 = arith.constant 512 : index
      %get3A_539 = tpu.vector_load %arg9[%get3A_537, %get3A_538] {strides = array<i32>} : memref<16x1024xf32, #tpu.memory_space<vmem>>, vector<1x16xf32>,
      %get3A_540 = vector.shape_cast %get3A_539 : vector<1x16xf32> to vector<16xf32>
      %add3A_541 = arith.addf %get3A_536, %get3A_540 : vector<16xf32>
      %swap3A_542 = arith.index_cast %scan3A_86 : i32 to index
      %swap3A_543 = arith.constant 512 : index
      %swap3A_544 = tpu.vector_load %arg10[%swap3A_542, %swap3A_543] {strides = array<i32>} : memref<16x1024xf32, #tpu.memory_space<vmem>>, vector<1x16xf32>,
      %swap3A_545 = vector.shape_cast %swap3A_544 : vector<1x16xf32> to vector<16xf32>
      %swap3A_546 = vector.shape_cast %add3A_541 : vector<16xf32> to vector<1x16xf32>
      tpu.vector_store %arg10[%swap3A_542, %swap3A_543], %swap3A_546 {strides = array<i32>} : memref<16x1024xf32, #tpu.memory_space<vmem>>, vector<1x16xf32>,
      %get3A_547 = arith.index_cast %scan3A_86 : i32 to index
      %get3A_548 = arith.constant 528 : index
      %get3A_549 = tpu.vector_load %arg8[%get3A_547, %get3A_548] {strides = array<i32>} : memref<16x1024xf32, #tpu.memory_space<vmem>>, vector<1x16xf32>,
      %get3A_550 = vector.shape_cast %get3A_549 : vector<1x16xf32> to vector<16xf32>
      %get3A_551 = arith.index_cast %scan3A_86 : i32 to index
      %get3A_552 = arith.constant 528 : index
      %get3A_553 = tpu.vector_load %arg9[%get3A_551, %get3A_552] {strides = array<i32>} : memref<16x1024xf32, #tpu.memory_space<vmem>>, vector<1x16xf32>,
      %get3A_554 = vector.shape_cast %get3A_553 : vector<1x16xf32> to vector<16xf32>
      %add3A_555 = arith.addf %get3A_550, %get3A_554 : vector<16xf32>
      %swap3A_556 = arith.index_cast %scan3A_86 : i32 to index
      %swap3A_557 = arith.constant 528 : index
      %swap3A_558 = tpu.vector_load %arg10[%swap3A_556, %swap3A_557] {strides = array<i32>} : memref<16x1024xf32, #tpu.memory_space<vmem>>, vector<1x16xf32>,
      %swap3A_559 = vector.shape_cast %swap3A_558 : vector<1x16xf32> to vector<16xf32>
      %swap3A_560 = vector.shape_cast %add3A_555 : vector<16xf32> to vector<1x16xf32>
      tpu.vector_store %arg10[%swap3A_556, %swap3A_557], %swap3A_560 {strides = array<i32>} : memref<16x1024xf32, #tpu.memory_space<vmem>>, vector<1x16xf32>,
      %get3A_561 = arith.index_cast %scan3A_86 : i32 to index
      %get3A_562 = arith.constant 544 : index
      %get3A_563 = tpu.vector_load %arg8[%get3A_561, %get3A_562] {strides = array<i32>} : memref<16x1024xf32, #tpu.memory_space<vmem>>, vector<1x16xf32>,
      %get3A_564 = vector.shape_cast %get3A_563 : vector<1x16xf32> to vector<16xf32>
      %get3A_565 = arith.index_cast %scan3A_86 : i32 to index
      %get3A_566 = arith.constant 544 : index
      %get3A_567 = tpu.vector_load %arg9[%get3A_565, %get3A_566] {strides = array<i32>} : memref<16x1024xf32, #tpu.memory_space<vmem>>, vector<1x16xf32>,
      %get3A_568 = vector.shape_cast %get3A_567 : vector<1x16xf32> to vector<16xf32>
      %add3A_569 = arith.addf %get3A_564, %get3A_568 : vector<16xf32>
      %swap3A_570 = arith.index_cast %scan3A_86 : i32 to index
      %swap3A_571 = arith.constant 544 : index
      %swap3A_572 = tpu.vector_load %arg10[%swap3A_570, %swap3A_571] {strides = array<i32>} : memref<16x1024xf32, #tpu.memory_space<vmem>>, vector<1x16xf32>,
      %swap3A_573 = vector.shape_cast %swap3A_572 : vector<1x16xf32> to vector<16xf32>
      %swap3A_574 = vector.shape_cast %add3A_569 : vector<16xf32> to vector<1x16xf32>
      tpu.vector_store %arg10[%swap3A_570, %swap3A_571], %swap3A_574 {strides = array<i32>} : memref<16x1024xf32, #tpu.memory_space<vmem>>, vector<1x16xf32>,
      %get3A_575 = arith.index_cast %scan3A_86 : i32 to index
      %get3A_576 = arith.constant 560 : index
      %get3A_577 = tpu.vector_load %arg8[%get3A_575, %get3A_576] {strides = array<i32>} : memref<16x1024xf32, #tpu.memory_space<vmem>>, vector<1x16xf32>,
      %get3A_578 = vector.shape_cast %get3A_577 : vector<1x16xf32> to vector<16xf32>
      %get3A_579 = arith.index_cast %scan3A_86 : i32 to index
      %get3A_580 = arith.constant 560 : index
      %get3A_581 = tpu.vector_load %arg9[%get3A_579, %get3A_580] {strides = array<i32>} : memref<16x1024xf32, #tpu.memory_space<vmem>>, vector<1x16xf32>,
      %get3A_582 = vector.shape_cast %get3A_581 : vector<1x16xf32> to vector<16xf32>
      %add3A_583 = arith.addf %get3A_578, %get3A_582 : vector<16xf32>
      %swap3A_584 = arith.index_cast %scan3A_86 : i32 to index
      %swap3A_585 = arith.constant 560 : index
      %swap3A_586 = tpu.vector_load %arg10[%swap3A_584, %swap3A_585] {strides = array<i32>} : memref<16x1024xf32, #tpu.memory_space<vmem>>, vector<1x16xf32>,
      %swap3A_587 = vector.shape_cast %swap3A_586 : vector<1x16xf32> to vector<16xf32>
      %swap3A_588 = vector.shape_cast %add3A_583 : vector<16xf32> to vector<1x16xf32>
      tpu.vector_store %arg10[%swap3A_584, %swap3A_585], %swap3A_588 {strides = array<i32>} : memref<16x1024xf32, #tpu.memory_space<vmem>>, vector<1x16xf32>,
      %get3A_589 = arith.index_cast %scan3A_86 : i32 to index
      %get3A_590 = arith.constant 576 : index
      %get3A_591 = tpu.vector_load %arg8[%get3A_589, %get3A_590] {strides = array<i32>} : memref<16x1024xf32, #tpu.memory_space<vmem>>, vector<1x16xf32>,
      %get3A_592 = vector.shape_cast %get3A_591 : vector<1x16xf32> to vector<16xf32>
      %get3A_593 = arith.index_cast %scan3A_86 : i32 to index
      %get3A_594 = arith.constant 576 : index
      %get3A_595 = tpu.vector_load %arg9[%get3A_593, %get3A_594] {strides = array<i32>} : memref<16x1024xf32, #tpu.memory_space<vmem>>, vector<1x16xf32>,
      %get3A_596 = vector.shape_cast %get3A_595 : vector<1x16xf32> to vector<16xf32>
      %add3A_597 = arith.addf %get3A_592, %get3A_596 : vector<16xf32>
      %swap3A_598 = arith.index_cast %scan3A_86 : i32 to index
      %swap3A_599 = arith.constant 576 : index
      %swap3A_600 = tpu.vector_load %arg10[%swap3A_598, %swap3A_599] {strides = array<i32>} : memref<16x1024xf32, #tpu.memory_space<vmem>>, vector<1x16xf32>,
      %swap3A_601 = vector.shape_cast %swap3A_600 : vector<1x16xf32> to vector<16xf32>
      %swap3A_602 = vector.shape_cast %add3A_597 : vector<16xf32> to vector<1x16xf32>
      tpu.vector_store %arg10[%swap3A_598, %swap3A_599], %swap3A_602 {strides = array<i32>} : memref<16x1024xf32, #tpu.memory_space<vmem>>, vector<1x16xf32>,
      %get3A_603 = arith.index_cast %scan3A_86 : i32 to index
      %get3A_604 = arith.constant 592 : index
      %get3A_605 = tpu.vector_load %arg8[%get3A_603, %get3A_604] {strides = array<i32>} : memref<16x1024xf32, #tpu.memory_space<vmem>>, vector<1x16xf32>,
      %get3A_606 = vector.shape_cast %get3A_605 : vector<1x16xf32> to vector<16xf32>
      %get3A_607 = arith.index_cast %scan3A_86 : i32 to index
      %get3A_608 = arith.constant 592 : index
      %get3A_609 = tpu.vector_load %arg9[%get3A_607, %get3A_608] {strides = array<i32>} : memref<16x1024xf32, #tpu.memory_space<vmem>>, vector<1x16xf32>,
      %get3A_610 = vector.shape_cast %get3A_609 : vector<1x16xf32> to vector<16xf32>
      %add3A_611 = arith.addf %get3A_606, %get3A_610 : vector<16xf32>
      %swap3A_612 = arith.index_cast %scan3A_86 : i32 to index
      %swap3A_613 = arith.constant 592 : index
      %swap3A_614 = tpu.vector_load %arg10[%swap3A_612, %swap3A_613] {strides = array<i32>} : memref<16x1024xf32, #tpu.memory_space<vmem>>, vector<1x16xf32>,
      %swap3A_615 = vector.shape_cast %swap3A_614 : vector<1x16xf32> to vector<16xf32>
      %swap3A_616 = vector.shape_cast %add3A_611 : vector<16xf32> to vector<1x16xf32>
      tpu.vector_store %arg10[%swap3A_612, %swap3A_613], %swap3A_616 {strides = array<i32>} : memref<16x1024xf32, #tpu.memory_space<vmem>>, vector<1x16xf32>,
      %get3A_617 = arith.index_cast %scan3A_86 : i32 to index
      %get3A_618 = arith.constant 608 : index
      %get3A_619 = tpu.vector_load %arg8[%get3A_617, %get3A_618] {strides = array<i32>} : memref<16x1024xf32, #tpu.memory_space<vmem>>, vector<1x16xf32>,
      %get3A_620 = vector.shape_cast %get3A_619 : vector<1x16xf32> to vector<16xf32>
      %get3A_621 = arith.index_cast %scan3A_86 : i32 to index
      %get3A_622 = arith.constant 608 : index
      %get3A_623 = tpu.vector_load %arg9[%get3A_621, %get3A_622] {strides = array<i32>} : memref<16x1024xf32, #tpu.memory_space<vmem>>, vector<1x16xf32>,
      %get3A_624 = vector.shape_cast %get3A_623 : vector<1x16xf32> to vector<16xf32>
      %add3A_625 = arith.addf %get3A_620, %get3A_624 : vector<16xf32>
      %swap3A_626 = arith.index_cast %scan3A_86 : i32 to index
      %swap3A_627 = arith.constant 608 : index
      %swap3A_628 = tpu.vector_load %arg10[%swap3A_626, %swap3A_627] {strides = array<i32>} : memref<16x1024xf32, #tpu.memory_space<vmem>>, vector<1x16xf32>,
      %swap3A_629 = vector.shape_cast %swap3A_628 : vector<1x16xf32> to vector<16xf32>
      %swap3A_630 = vector.shape_cast %add3A_625 : vector<16xf32> to vector<1x16xf32>
      tpu.vector_store %arg10[%swap3A_626, %swap3A_627], %swap3A_630 {strides = array<i32>} : memref<16x1024xf32, #tpu.memory_space<vmem>>, vector<1x16xf32>,
      %get3A_631 = arith.index_cast %scan3A_86 : i32 to index
      %get3A_632 = arith.constant 624 : index
      %get3A_633 = tpu.vector_load %arg8[%get3A_631, %get3A_632] {strides = array<i32>} : memref<16x1024xf32, #tpu.memory_space<vmem>>, vector<1x16xf32>,
      %get3A_634 = vector.shape_cast %get3A_633 : vector<1x16xf32> to vector<16xf32>
      %get3A_635 = arith.index_cast %scan3A_86 : i32 to index
      %get3A_636 = arith.constant 624 : index
      %get3A_637 = tpu.vector_load %arg9[%get3A_635, %get3A_636] {strides = array<i32>} : memref<16x1024xf32, #tpu.memory_space<vmem>>, vector<1x16xf32>,
      %get3A_638 = vector.shape_cast %get3A_637 : vector<1x16xf32> to vector<16xf32>
      %add3A_639 = arith.addf %get3A_634, %get3A_638 : vector<16xf32>
      %swap3A_640 = arith.index_cast %scan3A_86 : i32 to index
      %swap3A_641 = arith.constant 624 : index
      %swap3A_642 = tpu.vector_load %arg10[%swap3A_640, %swap3A_641] {strides = array<i32>} : memref<16x1024xf32, #tpu.memory_space<vmem>>, vector<1x16xf32>,
      %swap3A_643 = vector.shape_cast %swap3A_642 : vector<1x16xf32> to vector<16xf32>
      %swap3A_644 = vector.shape_cast %add3A_639 : vector<16xf32> to vector<1x16xf32>
      tpu.vector_store %arg10[%swap3A_640, %swap3A_641], %swap3A_644 {strides = array<i32>} : memref<16x1024xf32, #tpu.memory_space<vmem>>, vector<1x16xf32>,
      %get3A_645 = arith.index_cast %scan3A_86 : i32 to index
      %get3A_646 = arith.constant 640 : index
      %get3A_647 = tpu.vector_load %arg8[%get3A_645, %get3A_646] {strides = array<i32>} : memref<16x1024xf32, #tpu.memory_space<vmem>>, vector<1x16xf32>,
      %get3A_648 = vector.shape_cast %get3A_647 : vector<1x16xf32> to vector<16xf32>
      %get3A_649 = arith.index_cast %scan3A_86 : i32 to index
      %get3A_650 = arith.constant 640 : index
      %get3A_651 = tpu.vector_load %arg9[%get3A_649, %get3A_650] {strides = array<i32>} : memref<16x1024xf32, #tpu.memory_space<vmem>>, vector<1x16xf32>,
      %get3A_652 = vector.shape_cast %get3A_651 : vector<1x16xf32> to vector<16xf32>
      %add3A_653 = arith.addf %get3A_648, %get3A_652 : vector<16xf32>
      %swap3A_654 = arith.index_cast %scan3A_86 : i32 to index
      %swap3A_655 = arith.constant 640 : index
      %swap3A_656 = tpu.vector_load %arg10[%swap3A_654, %swap3A_655] {strides = array<i32>} : memref<16x1024xf32, #tpu.memory_space<vmem>>, vector<1x16xf32>,
      %swap3A_657 = vector.shape_cast %swap3A_656 : vector<1x16xf32> to vector<16xf32>
      %swap3A_658 = vector.shape_cast %add3A_653 : vector<16xf32> to vector<1x16xf32>
      tpu.vector_store %arg10[%swap3A_654, %swap3A_655], %swap3A_658 {strides = array<i32>} : memref<16x1024xf32, #tpu.memory_space<vmem>>, vector<1x16xf32>,
      %get3A_659 = arith.index_cast %scan3A_86 : i32 to index
      %get3A_660 = arith.constant 656 : index
      %get3A_661 = tpu.vector_load %arg8[%get3A_659, %get3A_660] {strides = array<i32>} : memref<16x1024xf32, #tpu.memory_space<vmem>>, vector<1x16xf32>,
      %get3A_662 = vector.shape_cast %get3A_661 : vector<1x16xf32> to vector<16xf32>
      %get3A_663 = arith.index_cast %scan3A_86 : i32 to index
      %get3A_664 = arith.constant 656 : index
      %get3A_665 = tpu.vector_load %arg9[%get3A_663, %get3A_664] {strides = array<i32>} : memref<16x1024xf32, #tpu.memory_space<vmem>>, vector<1x16xf32>,
      %get3A_666 = vector.shape_cast %get3A_665 : vector<1x16xf32> to vector<16xf32>
      %add3A_667 = arith.addf %get3A_662, %get3A_666 : vector<16xf32>
      %swap3A_668 = arith.index_cast %scan3A_86 : i32 to index
      %swap3A_669 = arith.constant 656 : index
      %swap3A_670 = tpu.vector_load %arg10[%swap3A_668, %swap3A_669] {strides = array<i32>} : memref<16x1024xf32, #tpu.memory_space<vmem>>, vector<1x16xf32>,
      %swap3A_671 = vector.shape_cast %swap3A_670 : vector<1x16xf32> to vector<16xf32>
      %swap3A_672 = vector.shape_cast %add3A_667 : vector<16xf32> to vector<1x16xf32>
      tpu.vector_store %arg10[%swap3A_668, %swap3A_669], %swap3A_672 {strides = array<i32>} : memref<16x1024xf32, #tpu.memory_space<vmem>>, vector<1x16xf32>,
      %get3A_673 = arith.index_cast %scan3A_86 : i32 to index
      %get3A_674 = arith.constant 672 : index
      %get3A_675 = tpu.vector_load %arg8[%get3A_673, %get3A_674] {strides = array<i32>} : memref<16x1024xf32, #tpu.memory_space<vmem>>, vector<1x16xf32>,
      %get3A_676 = vector.shape_cast %get3A_675 : vector<1x16xf32> to vector<16xf32>
      %get3A_677 = arith.index_cast %scan3A_86 : i32 to index
      %get3A_678 = arith.constant 672 : index
      %get3A_679 = tpu.vector_load %arg9[%get3A_677, %get3A_678] {strides = array<i32>} : memref<16x1024xf32, #tpu.memory_space<vmem>>, vector<1x16xf32>,
      %get3A_680 = vector.shape_cast %get3A_679 : vector<1x16xf32> to vector<16xf32>
      %add3A_681 = arith.addf %get3A_676, %get3A_680 : vector<16xf32>
      %swap3A_682 = arith.index_cast %scan3A_86 : i32 to index
      %swap3A_683 = arith.constant 672 : index
      %swap3A_684 = tpu.vector_load %arg10[%swap3A_682, %swap3A_683] {strides = array<i32>} : memref<16x1024xf32, #tpu.memory_space<vmem>>, vector<1x16xf32>,
      %swap3A_685 = vector.shape_cast %swap3A_684 : vector<1x16xf32> to vector<16xf32>
      %swap3A_686 = vector.shape_cast %add3A_681 : vector<16xf32> to vector<1x16xf32>
      tpu.vector_store %arg10[%swap3A_682, %swap3A_683], %swap3A_686 {strides = array<i32>} : memref<16x1024xf32, #tpu.memory_space<vmem>>, vector<1x16xf32>,
      %get3A_687 = arith.index_cast %scan3A_86 : i32 to index
      %get3A_688 = arith.constant 688 : index
      %get3A_689 = tpu.vector_load %arg8[%get3A_687, %get3A_688] {strides = array<i32>} : memref<16x1024xf32, #tpu.memory_space<vmem>>, vector<1x16xf32>,
      %get3A_690 = vector.shape_cast %get3A_689 : vector<1x16xf32> to vector<16xf32>
      %get3A_691 = arith.index_cast %scan3A_86 : i32 to index
      %get3A_692 = arith.constant 688 : index
      %get3A_693 = tpu.vector_load %arg9[%get3A_691, %get3A_692] {strides = array<i32>} : memref<16x1024xf32, #tpu.memory_space<vmem>>, vector<1x16xf32>,
      %get3A_694 = vector.shape_cast %get3A_693 : vector<1x16xf32> to vector<16xf32>
      %add3A_695 = arith.addf %get3A_690, %get3A_694 : vector<16xf32>
      %swap3A_696 = arith.index_cast %scan3A_86 : i32 to index
      %swap3A_697 = arith.constant 688 : index
      %swap3A_698 = tpu.vector_load %arg10[%swap3A_696, %swap3A_697] {strides = array<i32>} : memref<16x1024xf32, #tpu.memory_space<vmem>>, vector<1x16xf32>,
      %swap3A_699 = vector.shape_cast %swap3A_698 : vector<1x16xf32> to vector<16xf32>
      %swap3A_700 = vector.shape_cast %add3A_695 : vector<16xf32> to vector<1x16xf32>
      tpu.vector_store %arg10[%swap3A_696, %swap3A_697], %swap3A_700 {strides = array<i32>} : memref<16x1024xf32, #tpu.memory_space<vmem>>, vector<1x16xf32>,
      %get3A_701 = arith.index_cast %scan3A_86 : i32 to index
      %get3A_702 = arith.constant 704 : index
      %get3A_703 = tpu.vector_load %arg8[%get3A_701, %get3A_702] {strides = array<i32>} : memref<16x1024xf32, #tpu.memory_space<vmem>>, vector<1x16xf32>,
      %get3A_704 = vector.shape_cast %get3A_703 : vector<1x16xf32> to vector<16xf32>
      %get3A_705 = arith.index_cast %scan3A_86 : i32 to index
      %get3A_706 = arith.constant 704 : index
      %get3A_707 = tpu.vector_load %arg9[%get3A_705, %get3A_706] {strides = array<i32>} : memref<16x1024xf32, #tpu.memory_space<vmem>>, vector<1x16xf32>,
      %get3A_708 = vector.shape_cast %get3A_707 : vector<1x16xf32> to vector<16xf32>
      %add3A_709 = arith.addf %get3A_704, %get3A_708 : vector<16xf32>
      %swap3A_710 = arith.index_cast %scan3A_86 : i32 to index
      %swap3A_711 = arith.constant 704 : index
      %swap3A_712 = tpu.vector_load %arg10[%swap3A_710, %swap3A_711] {strides = array<i32>} : memref<16x1024xf32, #tpu.memory_space<vmem>>, vector<1x16xf32>,
      %swap3A_713 = vector.shape_cast %swap3A_712 : vector<1x16xf32> to vector<16xf32>
      %swap3A_714 = vector.shape_cast %add3A_709 : vector<16xf32> to vector<1x16xf32>
      tpu.vector_store %arg10[%swap3A_710, %swap3A_711], %swap3A_714 {strides = array<i32>} : memref<16x1024xf32, #tpu.memory_space<vmem>>, vector<1x16xf32>,
      %get3A_715 = arith.index_cast %scan3A_86 : i32 to index
      %get3A_716 = arith.constant 720 : index
      %get3A_717 = tpu.vector_load %arg8[%get3A_715, %get3A_716] {strides = array<i32>} : memref<16x1024xf32, #tpu.memory_space<vmem>>, vector<1x16xf32>,
      %get3A_718 = vector.shape_cast %get3A_717 : vector<1x16xf32> to vector<16xf32>
      %get3A_719 = arith.index_cast %scan3A_86 : i32 to index
      %get3A_720 = arith.constant 720 : index
      %get3A_721 = tpu.vector_load %arg9[%get3A_719, %get3A_720] {strides = array<i32>} : memref<16x1024xf32, #tpu.memory_space<vmem>>, vector<1x16xf32>,
      %get3A_722 = vector.shape_cast %get3A_721 : vector<1x16xf32> to vector<16xf32>
      %add3A_723 = arith.addf %get3A_718, %get3A_722 : vector<16xf32>
      %swap3A_724 = arith.index_cast %scan3A_86 : i32 to index
      %swap3A_725 = arith.constant 720 : index
      %swap3A_726 = tpu.vector_load %arg10[%swap3A_724, %swap3A_725] {strides = array<i32>} : memref<16x1024xf32, #tpu.memory_space<vmem>>, vector<1x16xf32>,
      %swap3A_727 = vector.shape_cast %swap3A_726 : vector<1x16xf32> to vector<16xf32>
      %swap3A_728 = vector.shape_cast %add3A_723 : vector<16xf32> to vector<1x16xf32>
      tpu.vector_store %arg10[%swap3A_724, %swap3A_725], %swap3A_728 {strides = array<i32>} : memref<16x1024xf32, #tpu.memory_space<vmem>>, vector<1x16xf32>,
      %get3A_729 = arith.index_cast %scan3A_86 : i32 to index
      %get3A_730 = arith.constant 736 : index
      %get3A_731 = tpu.vector_load %arg8[%get3A_729, %get3A_730] {strides = array<i32>} : memref<16x1024xf32, #tpu.memory_space<vmem>>, vector<1x16xf32>,
      %get3A_732 = vector.shape_cast %get3A_731 : vector<1x16xf32> to vector<16xf32>
      %get3A_733 = arith.index_cast %scan3A_86 : i32 to index
      %get3A_734 = arith.constant 736 : index
      %get3A_735 = tpu.vector_load %arg9[%get3A_733, %get3A_734] {strides = array<i32>} : memref<16x1024xf32, #tpu.memory_space<vmem>>, vector<1x16xf32>,
      %get3A_736 = vector.shape_cast %get3A_735 : vector<1x16xf32> to vector<16xf32>
      %add3A_737 = arith.addf %get3A_732, %get3A_736 : vector<16xf32>
      %swap3A_738 = arith.index_cast %scan3A_86 : i32 to index
      %swap3A_739 = arith.constant 736 : index
      %swap3A_740 = tpu.vector_load %arg10[%swap3A_738, %swap3A_739] {strides = array<i32>} : memref<16x1024xf32, #tpu.memory_space<vmem>>, vector<1x16xf32>,
      %swap3A_741 = vector.shape_cast %swap3A_740 : vector<1x16xf32> to vector<16xf32>
      %swap3A_742 = vector.shape_cast %add3A_737 : vector<16xf32> to vector<1x16xf32>
      tpu.vector_store %arg10[%swap3A_738, %swap3A_739], %swap3A_742 {strides = array<i32>} : memref<16x1024xf32, #tpu.memory_space<vmem>>, vector<1x16xf32>,
      %get3A_743 = arith.index_cast %scan3A_86 : i32 to index
      %get3A_744 = arith.constant 752 : index
      %get3A_745 = tpu.vector_load %arg8[%get3A_743, %get3A_744] {strides = array<i32>} : memref<16x1024xf32, #tpu.memory_space<vmem>>, vector<1x16xf32>,
      %get3A_746 = vector.shape_cast %get3A_745 : vector<1x16xf32> to vector<16xf32>
      %get3A_747 = arith.index_cast %scan3A_86 : i32 to index
      %get3A_748 = arith.constant 752 : index
      %get3A_749 = tpu.vector_load %arg9[%get3A_747, %get3A_748] {strides = array<i32>} : memref<16x1024xf32, #tpu.memory_space<vmem>>, vector<1x16xf32>,
      %get3A_750 = vector.shape_cast %get3A_749 : vector<1x16xf32> to vector<16xf32>
      %add3A_751 = arith.addf %get3A_746, %get3A_750 : vector<16xf32>
      %swap3A_752 = arith.index_cast %scan3A_86 : i32 to index
      %swap3A_753 = arith.constant 752 : index
      %swap3A_754 = tpu.vector_load %arg10[%swap3A_752, %swap3A_753] {strides = array<i32>} : memref<16x1024xf32, #tpu.memory_space<vmem>>, vector<1x16xf32>,
      %swap3A_755 = vector.shape_cast %swap3A_754 : vector<1x16xf32> to vector<16xf32>
      %swap3A_756 = vector.shape_cast %add3A_751 : vector<16xf32> to vector<1x16xf32>
      tpu.vector_store %arg10[%swap3A_752, %swap3A_753], %swap3A_756 {strides = array<i32>} : memref<16x1024xf32, #tpu.memory_space<vmem>>, vector<1x16xf32>,
      %get3A_757 = arith.index_cast %scan3A_86 : i32 to index
      %get3A_758 = arith.constant 768 : index
      %get3A_759 = tpu.vector_load %arg8[%get3A_757, %get3A_758] {strides = array<i32>} : memref<16x1024xf32, #tpu.memory_space<vmem>>, vector<1x16xf32>,
      %get3A_760 = vector.shape_cast %get3A_759 : vector<1x16xf32> to vector<16xf32>
      %get3A_761 = arith.index_cast %scan3A_86 : i32 to index
      %get3A_762 = arith.constant 768 : index
      %get3A_763 = tpu.vector_load %arg9[%get3A_761, %get3A_762] {strides = array<i32>} : memref<16x1024xf32, #tpu.memory_space<vmem>>, vector<1x16xf32>,
      %get3A_764 = vector.shape_cast %get3A_763 : vector<1x16xf32> to vector<16xf32>
      %add3A_765 = arith.addf %get3A_760, %get3A_764 : vector<16xf32>
      %swap3A_766 = arith.index_cast %scan3A_86 : i32 to index
      %swap3A_767 = arith.constant 768 : index
      %swap3A_768 = tpu.vector_load %arg10[%swap3A_766, %swap3A_767] {strides = array<i32>} : memref<16x1024xf32, #tpu.memory_space<vmem>>, vector<1x16xf32>,
      %swap3A_769 = vector.shape_cast %swap3A_768 : vector<1x16xf32> to vector<16xf32>
      %swap3A_770 = vector.shape_cast %add3A_765 : vector<16xf32> to vector<1x16xf32>
      tpu.vector_store %arg10[%swap3A_766, %swap3A_767], %swap3A_770 {strides = array<i32>} : memref<16x1024xf32, #tpu.memory_space<vmem>>, vector<1x16xf32>,
      %get3A_771 = arith.index_cast %scan3A_86 : i32 to index
      %get3A_772 = arith.constant 784 : index
      %get3A_773 = tpu.vector_load %arg8[%get3A_771, %get3A_772] {strides = array<i32>} : memref<16x1024xf32, #tpu.memory_space<vmem>>, vector<1x16xf32>,
      %get3A_774 = vector.shape_cast %get3A_773 : vector<1x16xf32> to vector<16xf32>
      %get3A_775 = arith.index_cast %scan3A_86 : i32 to index
      %get3A_776 = arith.constant 784 : index
      %get3A_777 = tpu.vector_load %arg9[%get3A_775, %get3A_776] {strides = array<i32>} : memref<16x1024xf32, #tpu.memory_space<vmem>>, vector<1x16xf32>,
      %get3A_778 = vector.shape_cast %get3A_777 : vector<1x16xf32> to vector<16xf32>
      %add3A_779 = arith.addf %get3A_774, %get3A_778 : vector<16xf32>
      %swap3A_780 = arith.index_cast %scan3A_86 : i32 to index
      %swap3A_781 = arith.constant 784 : index
      %swap3A_782 = tpu.vector_load %arg10[%swap3A_780, %swap3A_781] {strides = array<i32>} : memref<16x1024xf32, #tpu.memory_space<vmem>>, vector<1x16xf32>,
      %swap3A_783 = vector.shape_cast %swap3A_782 : vector<1x16xf32> to vector<16xf32>
      %swap3A_784 = vector.shape_cast %add3A_779 : vector<16xf32> to vector<1x16xf32>
      tpu.vector_store %arg10[%swap3A_780, %swap3A_781], %swap3A_784 {strides = array<i32>} : memref<16x1024xf32, #tpu.memory_space<vmem>>, vector<1x16xf32>,
      %get3A_785 = arith.index_cast %scan3A_86 : i32 to index
      %get3A_786 = arith.constant 800 : index
      %get3A_787 = tpu.vector_load %arg8[%get3A_785, %get3A_786] {strides = array<i32>} : memref<16x1024xf32, #tpu.memory_space<vmem>>, vector<1x16xf32>,
      %get3A_788 = vector.shape_cast %get3A_787 : vector<1x16xf32> to vector<16xf32>
      %get3A_789 = arith.index_cast %scan3A_86 : i32 to index
      %get3A_790 = arith.constant 800 : index
      %get3A_791 = tpu.vector_load %arg9[%get3A_789, %get3A_790] {strides = array<i32>} : memref<16x1024xf32, #tpu.memory_space<vmem>>, vector<1x16xf32>,
      %get3A_792 = vector.shape_cast %get3A_791 : vector<1x16xf32> to vector<16xf32>
      %add3A_793 = arith.addf %get3A_788, %get3A_792 : vector<16xf32>
      %swap3A_794 = arith.index_cast %scan3A_86 : i32 to index
      %swap3A_795 = arith.constant 800 : index
      %swap3A_796 = tpu.vector_load %arg10[%swap3A_794, %swap3A_795] {strides = array<i32>} : memref<16x1024xf32, #tpu.memory_space<vmem>>, vector<1x16xf32>,
      %swap3A_797 = vector.shape_cast %swap3A_796 : vector<1x16xf32> to vector<16xf32>
      %swap3A_798 = vector.shape_cast %add3A_793 : vector<16xf32> to vector<1x16xf32>
      tpu.vector_store %arg10[%swap3A_794, %swap3A_795], %swap3A_798 {strides = array<i32>} : memref<16x1024xf32, #tpu.memory_space<vmem>>, vector<1x16xf32>,
      %get3A_799 = arith.index_cast %scan3A_86 : i32 to index
      %get3A_800 = arith.constant 816 : index
      %get3A_801 = tpu.vector_load %arg8[%get3A_799, %get3A_800] {strides = array<i32>} : memref<16x1024xf32, #tpu.memory_space<vmem>>, vector<1x16xf32>,
      %get3A_802 = vector.shape_cast %get3A_801 : vector<1x16xf32> to vector<16xf32>
      %get3A_803 = arith.index_cast %scan3A_86 : i32 to index
      %get3A_804 = arith.constant 816 : index
      %get3A_805 = tpu.vector_load %arg9[%get3A_803, %get3A_804] {strides = array<i32>} : memref<16x1024xf32, #tpu.memory_space<vmem>>, vector<1x16xf32>,
      %get3A_806 = vector.shape_cast %get3A_805 : vector<1x16xf32> to vector<16xf32>
      %add3A_807 = arith.addf %get3A_802, %get3A_806 : vector<16xf32>
      %swap3A_808 = arith.index_cast %scan3A_86 : i32 to index
      %swap3A_809 = arith.constant 816 : index
      %swap3A_810 = tpu.vector_load %arg10[%swap3A_808, %swap3A_809] {strides = array<i32>} : memref<16x1024xf32, #tpu.memory_space<vmem>>, vector<1x16xf32>,
      %swap3A_811 = vector.shape_cast %swap3A_810 : vector<1x16xf32> to vector<16xf32>
      %swap3A_812 = vector.shape_cast %add3A_807 : vector<16xf32> to vector<1x16xf32>
      tpu.vector_store %arg10[%swap3A_808, %swap3A_809], %swap3A_812 {strides = array<i32>} : memref<16x1024xf32, #tpu.memory_space<vmem>>, vector<1x16xf32>,
      %get3A_813 = arith.index_cast %scan3A_86 : i32 to index
      %get3A_814 = arith.constant 832 : index
      %get3A_815 = tpu.vector_load %arg8[%get3A_813, %get3A_814] {strides = array<i32>} : memref<16x1024xf32, #tpu.memory_space<vmem>>, vector<1x16xf32>,
      %get3A_816 = vector.shape_cast %get3A_815 : vector<1x16xf32> to vector<16xf32>
      %get3A_817 = arith.index_cast %scan3A_86 : i32 to index
      %get3A_818 = arith.constant 832 : index
      %get3A_819 = tpu.vector_load %arg9[%get3A_817, %get3A_818] {strides = array<i32>} : memref<16x1024xf32, #tpu.memory_space<vmem>>, vector<1x16xf32>,
      %get3A_820 = vector.shape_cast %get3A_819 : vector<1x16xf32> to vector<16xf32>
      %add3A_821 = arith.addf %get3A_816, %get3A_820 : vector<16xf32>
      %swap3A_822 = arith.index_cast %scan3A_86 : i32 to index
      %swap3A_823 = arith.constant 832 : index
      %swap3A_824 = tpu.vector_load %arg10[%swap3A_822, %swap3A_823] {strides = array<i32>} : memref<16x1024xf32, #tpu.memory_space<vmem>>, vector<1x16xf32>,
      %swap3A_825 = vector.shape_cast %swap3A_824 : vector<1x16xf32> to vector<16xf32>
      %swap3A_826 = vector.shape_cast %add3A_821 : vector<16xf32> to vector<1x16xf32>
      tpu.vector_store %arg10[%swap3A_822, %swap3A_823], %swap3A_826 {strides = array<i32>} : memref<16x1024xf32, #tpu.memory_space<vmem>>, vector<1x16xf32>,
      %get3A_827 = arith.index_cast %scan3A_86 : i32 to index
      %get3A_828 = arith.constant 848 : index
      %get3A_829 = tpu.vector_load %arg8[%get3A_827, %get3A_828] {strides = array<i32>} : memref<16x1024xf32, #tpu.memory_space<vmem>>, vector<1x16xf32>,
      %get3A_830 = vector.shape_cast %get3A_829 : vector<1x16xf32> to vector<16xf32>
      %get3A_831 = arith.index_cast %scan3A_86 : i32 to index
      %get3A_832 = arith.constant 848 : index
      %get3A_833 = tpu.vector_load %arg9[%get3A_831, %get3A_832] {strides = array<i32>} : memref<16x1024xf32, #tpu.memory_space<vmem>>, vector<1x16xf32>,
      %get3A_834 = vector.shape_cast %get3A_833 : vector<1x16xf32> to vector<16xf32>
      %add3A_835 = arith.addf %get3A_830, %get3A_834 : vector<16xf32>
      %swap3A_836 = arith.index_cast %scan3A_86 : i32 to index
      %swap3A_837 = arith.constant 848 : index
      %swap3A_838 = tpu.vector_load %arg10[%swap3A_836, %swap3A_837] {strides = array<i32>} : memref<16x1024xf32, #tpu.memory_space<vmem>>, vector<1x16xf32>,
      %swap3A_839 = vector.shape_cast %swap3A_838 : vector<1x16xf32> to vector<16xf32>
      %swap3A_840 = vector.shape_cast %add3A_835 : vector<16xf32> to vector<1x16xf32>
      tpu.vector_store %arg10[%swap3A_836, %swap3A_837], %swap3A_840 {strides = array<i32>} : memref<16x1024xf32, #tpu.memory_space<vmem>>, vector<1x16xf32>,
      %get3A_841 = arith.index_cast %scan3A_86 : i32 to index
      %get3A_842 = arith.constant 864 : index
      %get3A_843 = tpu.vector_load %arg8[%get3A_841, %get3A_842] {strides = array<i32>} : memref<16x1024xf32, #tpu.memory_space<vmem>>, vector<1x16xf32>,
      %get3A_844 = vector.shape_cast %get3A_843 : vector<1x16xf32> to vector<16xf32>
      %get3A_845 = arith.index_cast %scan3A_86 : i32 to index
      %get3A_846 = arith.constant 864 : index
      %get3A_847 = tpu.vector_load %arg9[%get3A_845, %get3A_846] {strides = array<i32>} : memref<16x1024xf32, #tpu.memory_space<vmem>>, vector<1x16xf32>,
      %get3A_848 = vector.shape_cast %get3A_847 : vector<1x16xf32> to vector<16xf32>
      %add3A_849 = arith.addf %get3A_844, %get3A_848 : vector<16xf32>
      %swap3A_850 = arith.index_cast %scan3A_86 : i32 to index
      %swap3A_851 = arith.constant 864 : index
      %swap3A_852 = tpu.vector_load %arg10[%swap3A_850, %swap3A_851] {strides = array<i32>} : memref<16x1024xf32, #tpu.memory_space<vmem>>, vector<1x16xf32>,
      %swap3A_853 = vector.shape_cast %swap3A_852 : vector<1x16xf32> to vector<16xf32>
      %swap3A_854 = vector.shape_cast %add3A_849 : vector<16xf32> to vector<1x16xf32>
      tpu.vector_store %arg10[%swap3A_850, %swap3A_851], %swap3A_854 {strides = array<i32>} : memref<16x1024xf32, #tpu.memory_space<vmem>>, vector<1x16xf32>,
      %get3A_855 = arith.index_cast %scan3A_86 : i32 to index
      %get3A_856 = arith.constant 880 : index
      %get3A_857 = tpu.vector_load %arg8[%get3A_855, %get3A_856] {strides = array<i32>} : memref<16x1024xf32, #tpu.memory_space<vmem>>, vector<1x16xf32>,
      %get3A_858 = vector.shape_cast %get3A_857 : vector<1x16xf32> to vector<16xf32>
      %get3A_859 = arith.index_cast %scan3A_86 : i32 to index
      %get3A_860 = arith.constant 880 : index
      %get3A_861 = tpu.vector_load %arg9[%get3A_859, %get3A_860] {strides = array<i32>} : memref<16x1024xf32, #tpu.memory_space<vmem>>, vector<1x16xf32>,
      %get3A_862 = vector.shape_cast %get3A_861 : vector<1x16xf32> to vector<16xf32>
      %add3A_863 = arith.addf %get3A_858, %get3A_862 : vector<16xf32>
      %swap3A_864 = arith.index_cast %scan3A_86 : i32 to index
      %swap3A_865 = arith.constant 880 : index
      %swap3A_866 = tpu.vector_load %arg10[%swap3A_864, %swap3A_865] {strides = array<i32>} : memref<16x1024xf32, #tpu.memory_space<vmem>>, vector<1x16xf32>,
      %swap3A_867 = vector.shape_cast %swap3A_866 : vector<1x16xf32> to vector<16xf32>
      %swap3A_868 = vector.shape_cast %add3A_863 : vector<16xf32> to vector<1x16xf32>
      tpu.vector_store %arg10[%swap3A_864, %swap3A_865], %swap3A_868 {strides = array<i32>} : memref<16x1024xf32, #tpu.memory_space<vmem>>, vector<1x16xf32>,
      %get3A_869 = arith.index_cast %scan3A_86 : i32 to index
      %get3A_870 = arith.constant 896 : index
      %get3A_871 = tpu.vector_load %arg8[%get3A_869, %get3A_870] {strides = array<i32>} : memref<16x1024xf32, #tpu.memory_space<vmem>>, vector<1x16xf32>,
      %get3A_872 = vector.shape_cast %get3A_871 : vector<1x16xf32> to vector<16xf32>
      %get3A_873 = arith.index_cast %scan3A_86 : i32 to index
      %get3A_874 = arith.constant 896 : index
      %get3A_875 = tpu.vector_load %arg9[%get3A_873, %get3A_874] {strides = array<i32>} : memref<16x1024xf32, #tpu.memory_space<vmem>>, vector<1x16xf32>,
      %get3A_876 = vector.shape_cast %get3A_875 : vector<1x16xf32> to vector<16xf32>
      %add3A_877 = arith.addf %get3A_872, %get3A_876 : vector<16xf32>
      %swap3A_878 = arith.index_cast %scan3A_86 : i32 to index
      %swap3A_879 = arith.constant 896 : index
      %swap3A_880 = tpu.vector_load %arg10[%swap3A_878, %swap3A_879] {strides = array<i32>} : memref<16x1024xf32, #tpu.memory_space<vmem>>, vector<1x16xf32>,
      %swap3A_881 = vector.shape_cast %swap3A_880 : vector<1x16xf32> to vector<16xf32>
      %swap3A_882 = vector.shape_cast %add3A_877 : vector<16xf32> to vector<1x16xf32>
      tpu.vector_store %arg10[%swap3A_878, %swap3A_879], %swap3A_882 {strides = array<i32>} : memref<16x1024xf32, #tpu.memory_space<vmem>>, vector<1x16xf32>,
      %get3A_883 = arith.index_cast %scan3A_86 : i32 to index
      %get3A_884 = arith.constant 912 : index
      %get3A_885 = tpu.vector_load %arg8[%get3A_883, %get3A_884] {strides = array<i32>} : memref<16x1024xf32, #tpu.memory_space<vmem>>, vector<1x16xf32>,
      %get3A_886 = vector.shape_cast %get3A_885 : vector<1x16xf32> to vector<16xf32>
      %get3A_887 = arith.index_cast %scan3A_86 : i32 to index
      %get3A_888 = arith.constant 912 : index
      %get3A_889 = tpu.vector_load %arg9[%get3A_887, %get3A_888] {strides = array<i32>} : memref<16x1024xf32, #tpu.memory_space<vmem>>, vector<1x16xf32>,
      %get3A_890 = vector.shape_cast %get3A_889 : vector<1x16xf32> to vector<16xf32>
      %add3A_891 = arith.addf %get3A_886, %get3A_890 : vector<16xf32>
      %swap3A_892 = arith.index_cast %scan3A_86 : i32 to index
      %swap3A_893 = arith.constant 912 : index
      %swap3A_894 = tpu.vector_load %arg10[%swap3A_892, %swap3A_893] {strides = array<i32>} : memref<16x1024xf32, #tpu.memory_space<vmem>>, vector<1x16xf32>,
      %swap3A_895 = vector.shape_cast %swap3A_894 : vector<1x16xf32> to vector<16xf32>
      %swap3A_896 = vector.shape_cast %add3A_891 : vector<16xf32> to vector<1x16xf32>
      tpu.vector_store %arg10[%swap3A_892, %swap3A_893], %swap3A_896 {strides = array<i32>} : memref<16x1024xf32, #tpu.memory_space<vmem>>, vector<1x16xf32>,
      %get3A_897 = arith.index_cast %scan3A_86 : i32 to index
      %get3A_898 = arith.constant 928 : index
      %get3A_899 = tpu.vector_load %arg8[%get3A_897, %get3A_898] {strides = array<i32>} : memref<16x1024xf32, #tpu.memory_space<vmem>>, vector<1x16xf32>,
      %get3A_900 = vector.shape_cast %get3A_899 : vector<1x16xf32> to vector<16xf32>
      %get3A_901 = arith.index_cast %scan3A_86 : i32 to index
      %get3A_902 = arith.constant 928 : index
      %get3A_903 = tpu.vector_load %arg9[%get3A_901, %get3A_902] {strides = array<i32>} : memref<16x1024xf32, #tpu.memory_space<vmem>>, vector<1x16xf32>,
      %get3A_904 = vector.shape_cast %get3A_903 : vector<1x16xf32> to vector<16xf32>
      %add3A_905 = arith.addf %get3A_900, %get3A_904 : vector<16xf32>
      %swap3A_906 = arith.index_cast %scan3A_86 : i32 to index
      %swap3A_907 = arith.constant 928 : index
      %swap3A_908 = tpu.vector_load %arg10[%swap3A_906, %swap3A_907] {strides = array<i32>} : memref<16x1024xf32, #tpu.memory_space<vmem>>, vector<1x16xf32>,
      %swap3A_909 = vector.shape_cast %swap3A_908 : vector<1x16xf32> to vector<16xf32>
      %swap3A_910 = vector.shape_cast %add3A_905 : vector<16xf32> to vector<1x16xf32>
      tpu.vector_store %arg10[%swap3A_906, %swap3A_907], %swap3A_910 {strides = array<i32>} : memref<16x1024xf32, #tpu.memory_space<vmem>>, vector<1x16xf32>,
      %get3A_911 = arith.index_cast %scan3A_86 : i32 to index
      %get3A_912 = arith.constant 944 : index
      %get3A_913 = tpu.vector_load %arg8[%get3A_911, %get3A_912] {strides = array<i32>} : memref<16x1024xf32, #tpu.memory_space<vmem>>, vector<1x16xf32>,
      %get3A_914 = vector.shape_cast %get3A_913 : vector<1x16xf32> to vector<16xf32>
      %get3A_915 = arith.index_cast %scan3A_86 : i32 to index
      %get3A_916 = arith.constant 944 : index
      %get3A_917 = tpu.vector_load %arg9[%get3A_915, %get3A_916] {strides = array<i32>} : memref<16x1024xf32, #tpu.memory_space<vmem>>, vector<1x16xf32>,
      %get3A_918 = vector.shape_cast %get3A_917 : vector<1x16xf32> to vector<16xf32>
      %add3A_919 = arith.addf %get3A_914, %get3A_918 : vector<16xf32>
      %swap3A_920 = arith.index_cast %scan3A_86 : i32 to index
      %swap3A_921 = arith.constant 944 : index
      %swap3A_922 = tpu.vector_load %arg10[%swap3A_920, %swap3A_921] {strides = array<i32>} : memref<16x1024xf32, #tpu.memory_space<vmem>>, vector<1x16xf32>,
      %swap3A_923 = vector.shape_cast %swap3A_922 : vector<1x16xf32> to vector<16xf32>
      %swap3A_924 = vector.shape_cast %add3A_919 : vector<16xf32> to vector<1x16xf32>
      tpu.vector_store %arg10[%swap3A_920, %swap3A_921], %swap3A_924 {strides = array<i32>} : memref<16x1024xf32, #tpu.memory_space<vmem>>, vector<1x16xf32>,
      %get3A_925 = arith.index_cast %scan3A_86 : i32 to index
      %get3A_926 = arith.constant 960 : index
      %get3A_927 = tpu.vector_load %arg8[%get3A_925, %get3A_926] {strides = array<i32>} : memref<16x1024xf32, #tpu.memory_space<vmem>>, vector<1x16xf32>,
      %get3A_928 = vector.shape_cast %get3A_927 : vector<1x16xf32> to vector<16xf32>
      %get3A_929 = arith.index_cast %scan3A_86 : i32 to index
      %get3A_930 = arith.constant 960 : index
      %get3A_931 = tpu.vector_load %arg9[%get3A_929, %get3A_930] {strides = array<i32>} : memref<16x1024xf32, #tpu.memory_space<vmem>>, vector<1x16xf32>,
      %get3A_932 = vector.shape_cast %get3A_931 : vector<1x16xf32> to vector<16xf32>
      %add3A_933 = arith.addf %get3A_928, %get3A_932 : vector<16xf32>
      %swap3A_934 = arith.index_cast %scan3A_86 : i32 to index
      %swap3A_935 = arith.constant 960 : index
      %swap3A_936 = tpu.vector_load %arg10[%swap3A_934, %swap3A_935] {strides = array<i32>} : memref<16x1024xf32, #tpu.memory_space<vmem>>, vector<1x16xf32>,
      %swap3A_937 = vector.shape_cast %swap3A_936 : vector<1x16xf32> to vector<16xf32>
      %swap3A_938 = vector.shape_cast %add3A_933 : vector<16xf32> to vector<1x16xf32>
      tpu.vector_store %arg10[%swap3A_934, %swap3A_935], %swap3A_938 {strides = array<i32>} : memref<16x1024xf32, #tpu.memory_space<vmem>>, vector<1x16xf32>,
      %get3A_939 = arith.index_cast %scan3A_86 : i32 to index
      %get3A_940 = arith.constant 976 : index
      %get3A_941 = tpu.vector_load %arg8[%get3A_939, %get3A_940] {strides = array<i32>} : memref<16x1024xf32, #tpu.memory_space<vmem>>, vector<1x16xf32>,
      %get3A_942 = vector.shape_cast %get3A_941 : vector<1x16xf32> to vector<16xf32>
      %get3A_943 = arith.index_cast %scan3A_86 : i32 to index
      %get3A_944 = arith.constant 976 : index
      %get3A_945 = tpu.vector_load %arg9[%get3A_943, %get3A_944] {strides = array<i32>} : memref<16x1024xf32, #tpu.memory_space<vmem>>, vector<1x16xf32>,
      %get3A_946 = vector.shape_cast %get3A_945 : vector<1x16xf32> to vector<16xf32>
      %add3A_947 = arith.addf %get3A_942, %get3A_946 : vector<16xf32>
      %swap3A_948 = arith.index_cast %scan3A_86 : i32 to index
      %swap3A_949 = arith.constant 976 : index
      %swap3A_950 = tpu.vector_load %arg10[%swap3A_948, %swap3A_949] {strides = array<i32>} : memref<16x1024xf32, #tpu.memory_space<vmem>>, vector<1x16xf32>,
      %swap3A_951 = vector.shape_cast %swap3A_950 : vector<1x16xf32> to vector<16xf32>
      %swap3A_952 = vector.shape_cast %add3A_947 : vector<16xf32> to vector<1x16xf32>
      tpu.vector_store %arg10[%swap3A_948, %swap3A_949], %swap3A_952 {strides = array<i32>} : memref<16x1024xf32, #tpu.memory_space<vmem>>, vector<1x16xf32>,
      %get3A_953 = arith.index_cast %scan3A_86 : i32 to index
      %get3A_954 = arith.constant 992 : index
      %get3A_955 = tpu.vector_load %arg8[%get3A_953, %get3A_954] {strides = array<i32>} : memref<16x1024xf32, #tpu.memory_space<vmem>>, vector<1x16xf32>,
      %get3A_956 = vector.shape_cast %get3A_955 : vector<1x16xf32> to vector<16xf32>
      %get3A_957 = arith.index_cast %scan3A_86 : i32 to index
      %get3A_958 = arith.constant 992 : index
      %get3A_959 = tpu.vector_load %arg9[%get3A_957, %get3A_958] {strides = array<i32>} : memref<16x1024xf32, #tpu.memory_space<vmem>>, vector<1x16xf32>,
      %get3A_960 = vector.shape_cast %get3A_959 : vector<1x16xf32> to vector<16xf32>
      %add3A_961 = arith.addf %get3A_956, %get3A_960 : vector<16xf32>
      %swap3A_962 = arith.index_cast %scan3A_86 : i32 to index
      %swap3A_963 = arith.constant 992 : index
      %swap3A_964 = tpu.vector_load %arg10[%swap3A_962, %swap3A_963] {strides = array<i32>} : memref<16x1024xf32, #tpu.memory_space<vmem>>, vector<1x16xf32>,
      %swap3A_965 = vector.shape_cast %swap3A_964 : vector<1x16xf32> to vector<16xf32>
      %swap3A_966 = vector.shape_cast %add3A_961 : vector<16xf32> to vector<1x16xf32>
      tpu.vector_store %arg10[%swap3A_962, %swap3A_963], %swap3A_966 {strides = array<i32>} : memref<16x1024xf32, #tpu.memory_space<vmem>>, vector<1x16xf32>,
      %get3A_967 = arith.index_cast %scan3A_86 : i32 to index
      %get3A_968 = arith.constant 1008 : index
      %get3A_969 = tpu.vector_load %arg8[%get3A_967, %get3A_968] {strides = array<i32>} : memref<16x1024xf32, #tpu.memory_space<vmem>>, vector<1x16xf32>,
      %get3A_970 = vector.shape_cast %get3A_969 : vector<1x16xf32> to vector<16xf32>
      %get3A_971 = arith.index_cast %scan3A_86 : i32 to index
      %get3A_972 = arith.constant 1008 : index
      %get3A_973 = tpu.vector_load %arg9[%get3A_971, %get3A_972] {strides = array<i32>} : memref<16x1024xf32, #tpu.memory_space<vmem>>, vector<1x16xf32>,
      %get3A_974 = vector.shape_cast %get3A_973 : vector<1x16xf32> to vector<16xf32>
      %add3A_975 = arith.addf %get3A_970, %get3A_974 : vector<16xf32>
      %swap3A_976 = arith.index_cast %scan3A_86 : i32 to index
      %swap3A_977 = arith.constant 1008 : index
      %swap3A_978 = tpu.vector_load %arg10[%swap3A_976, %swap3A_977] {strides = array<i32>} : memref<16x1024xf32, #tpu.memory_space<vmem>>, vector<1x16xf32>,
      %swap3A_979 = vector.shape_cast %swap3A_978 : vector<1x16xf32> to vector<16xf32>
      %swap3A_980 = vector.shape_cast %add3A_975 : vector<16xf32> to vector<1x16xf32>
      tpu.vector_store %arg10[%swap3A_976, %swap3A_977], %swap3A_980 {strides = array<i32>} : memref<16x1024xf32, #tpu.memory_space<vmem>>, vector<1x16xf32>,
    }
    %scan3A_41 = arith.constant 16 : i32
    "tpu.region"() ({
      %run_scoped3A = tpu.sem_alloc : memref<!tpu.dma_semaphore, #tpu.memory_space<semaphore_mem>>
      %dma_start3A_86 = arith.constant 0 : i32
      %dma_start3A_87 = tpu.memref_slice %arg5[%add3A_23, %dma_start3A_86] : memref<2048x1024xf32, #tpu.memory_space<hbm>> -> memref<16x1024xf32, #tpu.memory_space<hbm>>
      %dma_start3A_88 = arith.constant 0 : i32
      %dma_start3A_89 = tpu.memref_slice %arg5[%add3A_23, %dma_start3A_88] : memref<2048x1024xf32, #tpu.memory_space<hbm>> -> memref<16x1024xf32, #tpu.memory_space<hbm>>
      tpu.enqueue_dma source(%arg10 : memref<16x1024xf32, #tpu.memory_space<vmem>>) target(%dma_start3A_89 : memref<16x1024xf32, #tpu.memory_space<hbm>>) target_semaphore(%run_scoped3A : memref<!tpu.dma_semaphore, #tpu.memory_space<semaphore_mem>>)
      %dma_wait3A_90 = arith.constant 0 : i32
      %dma_wait3A_91 = tpu.memref_slice %arg5[%add3A_23, %dma_wait3A_90] : memref<2048x1024xf32, #tpu.memory_space<hbm>> -> memref<16x1024xf32, #tpu.memory_space<hbm>>
      %dma_wait3A_92 = arith.constant 0 : i32
      %dma_wait3A_93 = tpu.memref_slice %arg5[%add3A_23, %dma_wait3A_92] : memref<2048x1024xf32, #tpu.memory_space<hbm>> -> memref<16x1024xf32, #tpu.memory_space<hbm>>
      tpu.wait_dma2 semaphore(%run_scoped3A : memref<!tpu.dma_semaphore, #tpu.memory_space<semaphore_mem>>) src(%arg10 : memref<16x1024xf32, #tpu.memory_space<vmem>>) dst(%dma_wait3A_93 : memref<16x1024xf32, #tpu.memory_space<hbm>>)
      tpu.yield
    }) : () -> ()
    %mul3A_42 = arith.constant 64 : i32
    %mul3A_43 = arith.muli %add3A, %mul3A_42 : i32
    %add3A_44 = arith.constant 32 : i32
    %add3A_45 = arith.addi %mul3A_43, %add3A_44 : i32
    "tpu.region"() ({
      %run_scoped3A = tpu.sem_alloc : memref<!tpu.dma_semaphore, #tpu.memory_space<semaphore_mem>>
      %dma_start3A_86 = tpu.memref_slice %arg3[%add3A_45] : memref<2048xi32, #tpu.memory_space<hbm>> -> memref<16xi32, #tpu.memory_space<hbm>>
      %dma_start3A_87 = tpu.memref_slice %arg3[%add3A_45] : memref<2048xi32, #tpu.memory_space<hbm>> -> memref<16xi32, #tpu.memory_space<hbm>>
      tpu.enqueue_dma source(%dma_start3A_87 : memref<16xi32, #tpu.memory_space<hbm>>) target(%arg6 : memref<16xi32, #tpu.memory_space<vmem>>) target_semaphore(%run_scoped3A : memref<!tpu.dma_semaphore, #tpu.memory_space<semaphore_mem>>)
      %dma_wait3A_88 = tpu.memref_slice %arg3[%add3A_45] : memref<2048xi32, #tpu.memory_space<hbm>> -> memref<16xi32, #tpu.memory_space<hbm>>
      %dma_wait3A_89 = tpu.memref_slice %arg3[%add3A_45] : memref<2048xi32, #tpu.memory_space<hbm>> -> memref<16xi32, #tpu.memory_space<hbm>>
      tpu.wait_dma2 semaphore(%run_scoped3A : memref<!tpu.dma_semaphore, #tpu.memory_space<semaphore_mem>>) src(%dma_wait3A_89 : memref<16xi32, #tpu.memory_space<hbm>>) dst(%arg6 : memref<16xi32, #tpu.memory_space<vmem>>)
      tpu.yield
    }) : () -> ()
    "tpu.region"() ({
      %run_scoped3A = tpu.sem_alloc : memref<!tpu.dma_semaphore, #tpu.memory_space<semaphore_mem>>
      %dma_start3A_86 = tpu.memref_slice %arg4[%add3A_45] : memref<2048xi32, #tpu.memory_space<hbm>> -> memref<16xi32, #tpu.memory_space<hbm>>
      %dma_start3A_87 = tpu.memref_slice %arg4[%add3A_45] : memref<2048xi32, #tpu.memory_space<hbm>> -> memref<16xi32, #tpu.memory_space<hbm>>
      tpu.enqueue_dma source(%dma_start3A_87 : memref<16xi32, #tpu.memory_space<hbm>>) target(%arg7 : memref<16xi32, #tpu.memory_space<vmem>>) target_semaphore(%run_scoped3A : memref<!tpu.dma_semaphore, #tpu.memory_space<semaphore_mem>>)
      %dma_wait3A_88 = tpu.memref_slice %arg4[%add3A_45] : memref<2048xi32, #tpu.memory_space<hbm>> -> memref<16xi32, #tpu.memory_space<hbm>>
      %dma_wait3A_89 = tpu.memref_slice %arg4[%add3A_45] : memref<2048xi32, #tpu.memory_space<hbm>> -> memref<16xi32, #tpu.memory_space<hbm>>
      tpu.wait_dma2 semaphore(%run_scoped3A : memref<!tpu.dma_semaphore, #tpu.memory_space<semaphore_mem>>) src(%dma_wait3A_89 : memref<16xi32, #tpu.memory_space<hbm>>) dst(%arg7 : memref<16xi32, #tpu.memory_space<vmem>>)
      tpu.yield
    }) : () -> ()
    %dma_start3A_46 = arith.constant 0 : i32
    %dma_start3A_47 = arith.constant 0 : i32
    %dma_start3A_48 = tpu.memref_slice %arg2[%dma_start3A_46, %dma_start3A_47] : memref<5120x1024xf32, #tpu.memory_space<hbm>> -> memref<5120x1024xf32, #tpu.memory_space<hbm>>
    tpu.enqueue_indirect_dma source(%dma_start3A_48 : memref<5120x1024xf32, #tpu.memory_space<hbm>>) target(%arg8 : memref<16x1024xf32, #tpu.memory_space<vmem>>) offsets(%arg6 : memref<16xi32, #tpu.memory_space<vmem>>) semaphore(%arg11 : memref<!tpu.dma_semaphore, #tpu.memory_space<semaphore_mem>>)
    %dma_wait3A_49 = arith.constant 0 : i32
    %dma_wait3A_50 = arith.constant 0 : i32
    %dma_wait3A_51 = tpu.memref_slice %arg2[%dma_wait3A_49, %dma_wait3A_50] : memref<5120x1024xf32, #tpu.memory_space<hbm>> -> memref<5120x1024xf32, #tpu.memory_space<hbm>>
    tpu.wait_indirect_dma semaphore(%arg11 : memref<!tpu.dma_semaphore, #tpu.memory_space<semaphore_mem>>) src(%dma_wait3A_51 : memref<5120x1024xf32, #tpu.memory_space<hbm>>) dst(%arg8 : memref<16x1024xf32, #tpu.memory_space<vmem>>)
    %dma_start3A_52 = arith.constant 0 : i32
    %dma_start3A_53 = arith.constant 0 : i32
    %dma_start3A_54 = tpu.memref_slice %arg2[%dma_start3A_52, %dma_start3A_53] : memref<5120x1024xf32, #tpu.memory_space<hbm>> -> memref<5120x1024xf32, #tpu.memory_space<hbm>>
    tpu.enqueue_indirect_dma source(%dma_start3A_54 : memref<5120x1024xf32, #tpu.memory_space<hbm>>) target(%arg9 : memref<16x1024xf32, #tpu.memory_space<vmem>>) offsets(%arg7 : memref<16xi32, #tpu.memory_space<vmem>>) semaphore(%arg11 : memref<!tpu.dma_semaphore, #tpu.memory_space<semaphore_mem>>)
    %dma_wait3A_55 = arith.constant 0 : i32
    %dma_wait3A_56 = arith.constant 0 : i32
    %dma_wait3A_57 = tpu.memref_slice %arg2[%dma_wait3A_55, %dma_wait3A_56] : memref<5120x1024xf32, #tpu.memory_space<hbm>> -> memref<5120x1024xf32, #tpu.memory_space<hbm>>
    tpu.wait_indirect_dma semaphore(%arg11 : memref<!tpu.dma_semaphore, #tpu.memory_space<semaphore_mem>>) src(%dma_wait3A_57 : memref<5120x1024xf32, #tpu.memory_space<hbm>>) dst(%arg9 : memref<16x1024xf32, #tpu.memory_space<vmem>>)
    %scan3A_58 = arith.constant 0 : i32
    %scan3A_59 = arith.constant 0 : i32
    %scan3A_60 = arith.constant 16 : i32
    %scan3A_61 = arith.addi %scan3A_59, %scan3A_60 : i32
    %scan3A_62 = arith.constant 1 : i32
    scf.for %scan3A_86 = %scan3A_59 to %scan3A_61 step %scan3A_62  : i32 {
      %get3A = arith.index_cast %scan3A_86 : i32 to index
      %get3A_87 = arith.constant 0 : index
      %get3A_88 = tpu.vector_load %arg8[%get3A, %get3A_87] {strides = array<i32>} : memref<16x1024xf32, #tpu.memory_space<vmem>>, vector<1x16xf32>,
      %get3A_89 = vector.shape_cast %get3A_88 : vector<1x16xf32> to vector<16xf32>
      %get3A_90 = arith.index_cast %scan3A_86 : i32 to index
      %get3A_91 = arith.constant 0 : index
      %get3A_92 = tpu.vector_load %arg9[%get3A_90, %get3A_91] {strides = array<i32>} : memref<16x1024xf32, #tpu.memory_space<vmem>>, vector<1x16xf32>,
      %get3A_93 = vector.shape_cast %get3A_92 : vector<1x16xf32> to vector<16xf32>
      %add3A_94 = arith.addf %get3A_89, %get3A_93 : vector<16xf32>
      %swap3A = arith.index_cast %scan3A_86 : i32 to index
      %swap3A_95 = arith.constant 0 : index
      %swap3A_96 = tpu.vector_load %arg10[%swap3A, %swap3A_95] {strides = array<i32>} : memref<16x1024xf32, #tpu.memory_space<vmem>>, vector<1x16xf32>,
      %swap3A_97 = vector.shape_cast %swap3A_96 : vector<1x16xf32> to vector<16xf32>
      %swap3A_98 = vector.shape_cast %add3A_94 : vector<16xf32> to vector<1x16xf32>
      tpu.vector_store %arg10[%swap3A, %swap3A_95], %swap3A_98 {strides = array<i32>} : memref<16x1024xf32, #tpu.memory_space<vmem>>, vector<1x16xf32>,
      %get3A_99 = arith.index_cast %scan3A_86 : i32 to index
      %get3A_100 = arith.constant 16 : index
      %get3A_101 = tpu.vector_load %arg8[%get3A_99, %get3A_100] {strides = array<i32>} : memref<16x1024xf32, #tpu.memory_space<vmem>>, vector<1x16xf32>,
      %get3A_102 = vector.shape_cast %get3A_101 : vector<1x16xf32> to vector<16xf32>
      %get3A_103 = arith.index_cast %scan3A_86 : i32 to index
      %get3A_104 = arith.constant 16 : index
      %get3A_105 = tpu.vector_load %arg9[%get3A_103, %get3A_104] {strides = array<i32>} : memref<16x1024xf32, #tpu.memory_space<vmem>>, vector<1x16xf32>,
      %get3A_106 = vector.shape_cast %get3A_105 : vector<1x16xf32> to vector<16xf32>
      %add3A_107 = arith.addf %get3A_102, %get3A_106 : vector<16xf32>
      %swap3A_108 = arith.index_cast %scan3A_86 : i32 to index
      %swap3A_109 = arith.constant 16 : index
      %swap3A_110 = tpu.vector_load %arg10[%swap3A_108, %swap3A_109] {strides = array<i32>} : memref<16x1024xf32, #tpu.memory_space<vmem>>, vector<1x16xf32>,
      %swap3A_111 = vector.shape_cast %swap3A_110 : vector<1x16xf32> to vector<16xf32>
      %swap3A_112 = vector.shape_cast %add3A_107 : vector<16xf32> to vector<1x16xf32>
      tpu.vector_store %arg10[%swap3A_108, %swap3A_109], %swap3A_112 {strides = array<i32>} : memref<16x1024xf32, #tpu.memory_space<vmem>>, vector<1x16xf32>,
      %get3A_113 = arith.index_cast %scan3A_86 : i32 to index
      %get3A_114 = arith.constant 32 : index
      %get3A_115 = tpu.vector_load %arg8[%get3A_113, %get3A_114] {strides = array<i32>} : memref<16x1024xf32, #tpu.memory_space<vmem>>, vector<1x16xf32>,
      %get3A_116 = vector.shape_cast %get3A_115 : vector<1x16xf32> to vector<16xf32>
      %get3A_117 = arith.index_cast %scan3A_86 : i32 to index
      %get3A_118 = arith.constant 32 : index
      %get3A_119 = tpu.vector_load %arg9[%get3A_117, %get3A_118] {strides = array<i32>} : memref<16x1024xf32, #tpu.memory_space<vmem>>, vector<1x16xf32>,
      %get3A_120 = vector.shape_cast %get3A_119 : vector<1x16xf32> to vector<16xf32>
      %add3A_121 = arith.addf %get3A_116, %get3A_120 : vector<16xf32>
      %swap3A_122 = arith.index_cast %scan3A_86 : i32 to index
      %swap3A_123 = arith.constant 32 : index
      %swap3A_124 = tpu.vector_load %arg10[%swap3A_122, %swap3A_123] {strides = array<i32>} : memref<16x1024xf32, #tpu.memory_space<vmem>>, vector<1x16xf32>,
      %swap3A_125 = vector.shape_cast %swap3A_124 : vector<1x16xf32> to vector<16xf32>
      %swap3A_126 = vector.shape_cast %add3A_121 : vector<16xf32> to vector<1x16xf32>
      tpu.vector_store %arg10[%swap3A_122, %swap3A_123], %swap3A_126 {strides = array<i32>} : memref<16x1024xf32, #tpu.memory_space<vmem>>, vector<1x16xf32>,
      %get3A_127 = arith.index_cast %scan3A_86 : i32 to index
      %get3A_128 = arith.constant 48 : index
      %get3A_129 = tpu.vector_load %arg8[%get3A_127, %get3A_128] {strides = array<i32>} : memref<16x1024xf32, #tpu.memory_space<vmem>>, vector<1x16xf32>,
      %get3A_130 = vector.shape_cast %get3A_129 : vector<1x16xf32> to vector<16xf32>
      %get3A_131 = arith.index_cast %scan3A_86 : i32 to index
      %get3A_132 = arith.constant 48 : index
      %get3A_133 = tpu.vector_load %arg9[%get3A_131, %get3A_132] {strides = array<i32>} : memref<16x1024xf32, #tpu.memory_space<vmem>>, vector<1x16xf32>,
      %get3A_134 = vector.shape_cast %get3A_133 : vector<1x16xf32> to vector<16xf32>
      %add3A_135 = arith.addf %get3A_130, %get3A_134 : vector<16xf32>
      %swap3A_136 = arith.index_cast %scan3A_86 : i32 to index
      %swap3A_137 = arith.constant 48 : index
      %swap3A_138 = tpu.vector_load %arg10[%swap3A_136, %swap3A_137] {strides = array<i32>} : memref<16x1024xf32, #tpu.memory_space<vmem>>, vector<1x16xf32>,
      %swap3A_139 = vector.shape_cast %swap3A_138 : vector<1x16xf32> to vector<16xf32>
      %swap3A_140 = vector.shape_cast %add3A_135 : vector<16xf32> to vector<1x16xf32>
      tpu.vector_store %arg10[%swap3A_136, %swap3A_137], %swap3A_140 {strides = array<i32>} : memref<16x1024xf32, #tpu.memory_space<vmem>>, vector<1x16xf32>,
      %get3A_141 = arith.index_cast %scan3A_86 : i32 to index
      %get3A_142 = arith.constant 64 : index
      %get3A_143 = tpu.vector_load %arg8[%get3A_141, %get3A_142] {strides = array<i32>} : memref<16x1024xf32, #tpu.memory_space<vmem>>, vector<1x16xf32>,
      %get3A_144 = vector.shape_cast %get3A_143 : vector<1x16xf32> to vector<16xf32>
      %get3A_145 = arith.index_cast %scan3A_86 : i32 to index
      %get3A_146 = arith.constant 64 : index
      %get3A_147 = tpu.vector_load %arg9[%get3A_145, %get3A_146] {strides = array<i32>} : memref<16x1024xf32, #tpu.memory_space<vmem>>, vector<1x16xf32>,
      %get3A_148 = vector.shape_cast %get3A_147 : vector<1x16xf32> to vector<16xf32>
      %add3A_149 = arith.addf %get3A_144, %get3A_148 : vector<16xf32>
      %swap3A_150 = arith.index_cast %scan3A_86 : i32 to index
      %swap3A_151 = arith.constant 64 : index
      %swap3A_152 = tpu.vector_load %arg10[%swap3A_150, %swap3A_151] {strides = array<i32>} : memref<16x1024xf32, #tpu.memory_space<vmem>>, vector<1x16xf32>,
      %swap3A_153 = vector.shape_cast %swap3A_152 : vector<1x16xf32> to vector<16xf32>
      %swap3A_154 = vector.shape_cast %add3A_149 : vector<16xf32> to vector<1x16xf32>
      tpu.vector_store %arg10[%swap3A_150, %swap3A_151], %swap3A_154 {strides = array<i32>} : memref<16x1024xf32, #tpu.memory_space<vmem>>, vector<1x16xf32>,
      %get3A_155 = arith.index_cast %scan3A_86 : i32 to index
      %get3A_156 = arith.constant 80 : index
      %get3A_157 = tpu.vector_load %arg8[%get3A_155, %get3A_156] {strides = array<i32>} : memref<16x1024xf32, #tpu.memory_space<vmem>>, vector<1x16xf32>,
      %get3A_158 = vector.shape_cast %get3A_157 : vector<1x16xf32> to vector<16xf32>
      %get3A_159 = arith.index_cast %scan3A_86 : i32 to index
      %get3A_160 = arith.constant 80 : index
      %get3A_161 = tpu.vector_load %arg9[%get3A_159, %get3A_160] {strides = array<i32>} : memref<16x1024xf32, #tpu.memory_space<vmem>>, vector<1x16xf32>,
      %get3A_162 = vector.shape_cast %get3A_161 : vector<1x16xf32> to vector<16xf32>
      %add3A_163 = arith.addf %get3A_158, %get3A_162 : vector<16xf32>
      %swap3A_164 = arith.index_cast %scan3A_86 : i32 to index
      %swap3A_165 = arith.constant 80 : index
      %swap3A_166 = tpu.vector_load %arg10[%swap3A_164, %swap3A_165] {strides = array<i32>} : memref<16x1024xf32, #tpu.memory_space<vmem>>, vector<1x16xf32>,
      %swap3A_167 = vector.shape_cast %swap3A_166 : vector<1x16xf32> to vector<16xf32>
      %swap3A_168 = vector.shape_cast %add3A_163 : vector<16xf32> to vector<1x16xf32>
      tpu.vector_store %arg10[%swap3A_164, %swap3A_165], %swap3A_168 {strides = array<i32>} : memref<16x1024xf32, #tpu.memory_space<vmem>>, vector<1x16xf32>,
      %get3A_169 = arith.index_cast %scan3A_86 : i32 to index
      %get3A_170 = arith.constant 96 : index
      %get3A_171 = tpu.vector_load %arg8[%get3A_169, %get3A_170] {strides = array<i32>} : memref<16x1024xf32, #tpu.memory_space<vmem>>, vector<1x16xf32>,
      %get3A_172 = vector.shape_cast %get3A_171 : vector<1x16xf32> to vector<16xf32>
      %get3A_173 = arith.index_cast %scan3A_86 : i32 to index
      %get3A_174 = arith.constant 96 : index
      %get3A_175 = tpu.vector_load %arg9[%get3A_173, %get3A_174] {strides = array<i32>} : memref<16x1024xf32, #tpu.memory_space<vmem>>, vector<1x16xf32>,
      %get3A_176 = vector.shape_cast %get3A_175 : vector<1x16xf32> to vector<16xf32>
      %add3A_177 = arith.addf %get3A_172, %get3A_176 : vector<16xf32>
      %swap3A_178 = arith.index_cast %scan3A_86 : i32 to index
      %swap3A_179 = arith.constant 96 : index
      %swap3A_180 = tpu.vector_load %arg10[%swap3A_178, %swap3A_179] {strides = array<i32>} : memref<16x1024xf32, #tpu.memory_space<vmem>>, vector<1x16xf32>,
      %swap3A_181 = vector.shape_cast %swap3A_180 : vector<1x16xf32> to vector<16xf32>
      %swap3A_182 = vector.shape_cast %add3A_177 : vector<16xf32> to vector<1x16xf32>
      tpu.vector_store %arg10[%swap3A_178, %swap3A_179], %swap3A_182 {strides = array<i32>} : memref<16x1024xf32, #tpu.memory_space<vmem>>, vector<1x16xf32>,
      %get3A_183 = arith.index_cast %scan3A_86 : i32 to index
      %get3A_184 = arith.constant 112 : index
      %get3A_185 = tpu.vector_load %arg8[%get3A_183, %get3A_184] {strides = array<i32>} : memref<16x1024xf32, #tpu.memory_space<vmem>>, vector<1x16xf32>,
      %get3A_186 = vector.shape_cast %get3A_185 : vector<1x16xf32> to vector<16xf32>
      %get3A_187 = arith.index_cast %scan3A_86 : i32 to index
      %get3A_188 = arith.constant 112 : index
      %get3A_189 = tpu.vector_load %arg9[%get3A_187, %get3A_188] {strides = array<i32>} : memref<16x1024xf32, #tpu.memory_space<vmem>>, vector<1x16xf32>,
      %get3A_190 = vector.shape_cast %get3A_189 : vector<1x16xf32> to vector<16xf32>
      %add3A_191 = arith.addf %get3A_186, %get3A_190 : vector<16xf32>
      %swap3A_192 = arith.index_cast %scan3A_86 : i32 to index
      %swap3A_193 = arith.constant 112 : index
      %swap3A_194 = tpu.vector_load %arg10[%swap3A_192, %swap3A_193] {strides = array<i32>} : memref<16x1024xf32, #tpu.memory_space<vmem>>, vector<1x16xf32>,
      %swap3A_195 = vector.shape_cast %swap3A_194 : vector<1x16xf32> to vector<16xf32>
      %swap3A_196 = vector.shape_cast %add3A_191 : vector<16xf32> to vector<1x16xf32>
      tpu.vector_store %arg10[%swap3A_192, %swap3A_193], %swap3A_196 {strides = array<i32>} : memref<16x1024xf32, #tpu.memory_space<vmem>>, vector<1x16xf32>,
      %get3A_197 = arith.index_cast %scan3A_86 : i32 to index
      %get3A_198 = arith.constant 128 : index
      %get3A_199 = tpu.vector_load %arg8[%get3A_197, %get3A_198] {strides = array<i32>} : memref<16x1024xf32, #tpu.memory_space<vmem>>, vector<1x16xf32>,
      %get3A_200 = vector.shape_cast %get3A_199 : vector<1x16xf32> to vector<16xf32>
      %get3A_201 = arith.index_cast %scan3A_86 : i32 to index
      %get3A_202 = arith.constant 128 : index
      %get3A_203 = tpu.vector_load %arg9[%get3A_201, %get3A_202] {strides = array<i32>} : memref<16x1024xf32, #tpu.memory_space<vmem>>, vector<1x16xf32>,
      %get3A_204 = vector.shape_cast %get3A_203 : vector<1x16xf32> to vector<16xf32>
      %add3A_205 = arith.addf %get3A_200, %get3A_204 : vector<16xf32>
      %swap3A_206 = arith.index_cast %scan3A_86 : i32 to index
      %swap3A_207 = arith.constant 128 : index
      %swap3A_208 = tpu.vector_load %arg10[%swap3A_206, %swap3A_207] {strides = array<i32>} : memref<16x1024xf32, #tpu.memory_space<vmem>>, vector<1x16xf32>,
      %swap3A_209 = vector.shape_cast %swap3A_208 : vector<1x16xf32> to vector<16xf32>
      %swap3A_210 = vector.shape_cast %add3A_205 : vector<16xf32> to vector<1x16xf32>
      tpu.vector_store %arg10[%swap3A_206, %swap3A_207], %swap3A_210 {strides = array<i32>} : memref<16x1024xf32, #tpu.memory_space<vmem>>, vector<1x16xf32>,
      %get3A_211 = arith.index_cast %scan3A_86 : i32 to index
      %get3A_212 = arith.constant 144 : index
      %get3A_213 = tpu.vector_load %arg8[%get3A_211, %get3A_212] {strides = array<i32>} : memref<16x1024xf32, #tpu.memory_space<vmem>>, vector<1x16xf32>,
      %get3A_214 = vector.shape_cast %get3A_213 : vector<1x16xf32> to vector<16xf32>
      %get3A_215 = arith.index_cast %scan3A_86 : i32 to index
      %get3A_216 = arith.constant 144 : index
      %get3A_217 = tpu.vector_load %arg9[%get3A_215, %get3A_216] {strides = array<i32>} : memref<16x1024xf32, #tpu.memory_space<vmem>>, vector<1x16xf32>,
      %get3A_218 = vector.shape_cast %get3A_217 : vector<1x16xf32> to vector<16xf32>
      %add3A_219 = arith.addf %get3A_214, %get3A_218 : vector<16xf32>
      %swap3A_220 = arith.index_cast %scan3A_86 : i32 to index
      %swap3A_221 = arith.constant 144 : index
      %swap3A_222 = tpu.vector_load %arg10[%swap3A_220, %swap3A_221] {strides = array<i32>} : memref<16x1024xf32, #tpu.memory_space<vmem>>, vector<1x16xf32>,
      %swap3A_223 = vector.shape_cast %swap3A_222 : vector<1x16xf32> to vector<16xf32>
      %swap3A_224 = vector.shape_cast %add3A_219 : vector<16xf32> to vector<1x16xf32>
      tpu.vector_store %arg10[%swap3A_220, %swap3A_221], %swap3A_224 {strides = array<i32>} : memref<16x1024xf32, #tpu.memory_space<vmem>>, vector<1x16xf32>,
      %get3A_225 = arith.index_cast %scan3A_86 : i32 to index
      %get3A_226 = arith.constant 160 : index
      %get3A_227 = tpu.vector_load %arg8[%get3A_225, %get3A_226] {strides = array<i32>} : memref<16x1024xf32, #tpu.memory_space<vmem>>, vector<1x16xf32>,
      %get3A_228 = vector.shape_cast %get3A_227 : vector<1x16xf32> to vector<16xf32>
      %get3A_229 = arith.index_cast %scan3A_86 : i32 to index
      %get3A_230 = arith.constant 160 : index
      %get3A_231 = tpu.vector_load %arg9[%get3A_229, %get3A_230] {strides = array<i32>} : memref<16x1024xf32, #tpu.memory_space<vmem>>, vector<1x16xf32>,
      %get3A_232 = vector.shape_cast %get3A_231 : vector<1x16xf32> to vector<16xf32>
      %add3A_233 = arith.addf %get3A_228, %get3A_232 : vector<16xf32>
      %swap3A_234 = arith.index_cast %scan3A_86 : i32 to index
      %swap3A_235 = arith.constant 160 : index
      %swap3A_236 = tpu.vector_load %arg10[%swap3A_234, %swap3A_235] {strides = array<i32>} : memref<16x1024xf32, #tpu.memory_space<vmem>>, vector<1x16xf32>,
      %swap3A_237 = vector.shape_cast %swap3A_236 : vector<1x16xf32> to vector<16xf32>
      %swap3A_238 = vector.shape_cast %add3A_233 : vector<16xf32> to vector<1x16xf32>
      tpu.vector_store %arg10[%swap3A_234, %swap3A_235], %swap3A_238 {strides = array<i32>} : memref<16x1024xf32, #tpu.memory_space<vmem>>, vector<1x16xf32>,
      %get3A_239 = arith.index_cast %scan3A_86 : i32 to index
      %get3A_240 = arith.constant 176 : index
      %get3A_241 = tpu.vector_load %arg8[%get3A_239, %get3A_240] {strides = array<i32>} : memref<16x1024xf32, #tpu.memory_space<vmem>>, vector<1x16xf32>,
      %get3A_242 = vector.shape_cast %get3A_241 : vector<1x16xf32> to vector<16xf32>
      %get3A_243 = arith.index_cast %scan3A_86 : i32 to index
      %get3A_244 = arith.constant 176 : index
      %get3A_245 = tpu.vector_load %arg9[%get3A_243, %get3A_244] {strides = array<i32>} : memref<16x1024xf32, #tpu.memory_space<vmem>>, vector<1x16xf32>,
      %get3A_246 = vector.shape_cast %get3A_245 : vector<1x16xf32> to vector<16xf32>
      %add3A_247 = arith.addf %get3A_242, %get3A_246 : vector<16xf32>
      %swap3A_248 = arith.index_cast %scan3A_86 : i32 to index
      %swap3A_249 = arith.constant 176 : index
      %swap3A_250 = tpu.vector_load %arg10[%swap3A_248, %swap3A_249] {strides = array<i32>} : memref<16x1024xf32, #tpu.memory_space<vmem>>, vector<1x16xf32>,
      %swap3A_251 = vector.shape_cast %swap3A_250 : vector<1x16xf32> to vector<16xf32>
      %swap3A_252 = vector.shape_cast %add3A_247 : vector<16xf32> to vector<1x16xf32>
      tpu.vector_store %arg10[%swap3A_248, %swap3A_249], %swap3A_252 {strides = array<i32>} : memref<16x1024xf32, #tpu.memory_space<vmem>>, vector<1x16xf32>,
      %get3A_253 = arith.index_cast %scan3A_86 : i32 to index
      %get3A_254 = arith.constant 192 : index
      %get3A_255 = tpu.vector_load %arg8[%get3A_253, %get3A_254] {strides = array<i32>} : memref<16x1024xf32, #tpu.memory_space<vmem>>, vector<1x16xf32>,
      %get3A_256 = vector.shape_cast %get3A_255 : vector<1x16xf32> to vector<16xf32>
      %get3A_257 = arith.index_cast %scan3A_86 : i32 to index
      %get3A_258 = arith.constant 192 : index
      %get3A_259 = tpu.vector_load %arg9[%get3A_257, %get3A_258] {strides = array<i32>} : memref<16x1024xf32, #tpu.memory_space<vmem>>, vector<1x16xf32>,
      %get3A_260 = vector.shape_cast %get3A_259 : vector<1x16xf32> to vector<16xf32>
      %add3A_261 = arith.addf %get3A_256, %get3A_260 : vector<16xf32>
      %swap3A_262 = arith.index_cast %scan3A_86 : i32 to index
      %swap3A_263 = arith.constant 192 : index
      %swap3A_264 = tpu.vector_load %arg10[%swap3A_262, %swap3A_263] {strides = array<i32>} : memref<16x1024xf32, #tpu.memory_space<vmem>>, vector<1x16xf32>,
      %swap3A_265 = vector.shape_cast %swap3A_264 : vector<1x16xf32> to vector<16xf32>
      %swap3A_266 = vector.shape_cast %add3A_261 : vector<16xf32> to vector<1x16xf32>
      tpu.vector_store %arg10[%swap3A_262, %swap3A_263], %swap3A_266 {strides = array<i32>} : memref<16x1024xf32, #tpu.memory_space<vmem>>, vector<1x16xf32>,
      %get3A_267 = arith.index_cast %scan3A_86 : i32 to index
      %get3A_268 = arith.constant 208 : index
      %get3A_269 = tpu.vector_load %arg8[%get3A_267, %get3A_268] {strides = array<i32>} : memref<16x1024xf32, #tpu.memory_space<vmem>>, vector<1x16xf32>,
      %get3A_270 = vector.shape_cast %get3A_269 : vector<1x16xf32> to vector<16xf32>
      %get3A_271 = arith.index_cast %scan3A_86 : i32 to index
      %get3A_272 = arith.constant 208 : index
      %get3A_273 = tpu.vector_load %arg9[%get3A_271, %get3A_272] {strides = array<i32>} : memref<16x1024xf32, #tpu.memory_space<vmem>>, vector<1x16xf32>,
      %get3A_274 = vector.shape_cast %get3A_273 : vector<1x16xf32> to vector<16xf32>
      %add3A_275 = arith.addf %get3A_270, %get3A_274 : vector<16xf32>
      %swap3A_276 = arith.index_cast %scan3A_86 : i32 to index
      %swap3A_277 = arith.constant 208 : index
      %swap3A_278 = tpu.vector_load %arg10[%swap3A_276, %swap3A_277] {strides = array<i32>} : memref<16x1024xf32, #tpu.memory_space<vmem>>, vector<1x16xf32>,
      %swap3A_279 = vector.shape_cast %swap3A_278 : vector<1x16xf32> to vector<16xf32>
      %swap3A_280 = vector.shape_cast %add3A_275 : vector<16xf32> to vector<1x16xf32>
      tpu.vector_store %arg10[%swap3A_276, %swap3A_277], %swap3A_280 {strides = array<i32>} : memref<16x1024xf32, #tpu.memory_space<vmem>>, vector<1x16xf32>,
      %get3A_281 = arith.index_cast %scan3A_86 : i32 to index
      %get3A_282 = arith.constant 224 : index
      %get3A_283 = tpu.vector_load %arg8[%get3A_281, %get3A_282] {strides = array<i32>} : memref<16x1024xf32, #tpu.memory_space<vmem>>, vector<1x16xf32>,
      %get3A_284 = vector.shape_cast %get3A_283 : vector<1x16xf32> to vector<16xf32>
      %get3A_285 = arith.index_cast %scan3A_86 : i32 to index
      %get3A_286 = arith.constant 224 : index
      %get3A_287 = tpu.vector_load %arg9[%get3A_285, %get3A_286] {strides = array<i32>} : memref<16x1024xf32, #tpu.memory_space<vmem>>, vector<1x16xf32>,
      %get3A_288 = vector.shape_cast %get3A_287 : vector<1x16xf32> to vector<16xf32>
      %add3A_289 = arith.addf %get3A_284, %get3A_288 : vector<16xf32>
      %swap3A_290 = arith.index_cast %scan3A_86 : i32 to index
      %swap3A_291 = arith.constant 224 : index
      %swap3A_292 = tpu.vector_load %arg10[%swap3A_290, %swap3A_291] {strides = array<i32>} : memref<16x1024xf32, #tpu.memory_space<vmem>>, vector<1x16xf32>,
      %swap3A_293 = vector.shape_cast %swap3A_292 : vector<1x16xf32> to vector<16xf32>
      %swap3A_294 = vector.shape_cast %add3A_289 : vector<16xf32> to vector<1x16xf32>
      tpu.vector_store %arg10[%swap3A_290, %swap3A_291], %swap3A_294 {strides = array<i32>} : memref<16x1024xf32, #tpu.memory_space<vmem>>, vector<1x16xf32>,
      %get3A_295 = arith.index_cast %scan3A_86 : i32 to index
      %get3A_296 = arith.constant 240 : index
      %get3A_297 = tpu.vector_load %arg8[%get3A_295, %get3A_296] {strides = array<i32>} : memref<16x1024xf32, #tpu.memory_space<vmem>>, vector<1x16xf32>,
      %get3A_298 = vector.shape_cast %get3A_297 : vector<1x16xf32> to vector<16xf32>
      %get3A_299 = arith.index_cast %scan3A_86 : i32 to index
      %get3A_300 = arith.constant 240 : index
      %get3A_301 = tpu.vector_load %arg9[%get3A_299, %get3A_300] {strides = array<i32>} : memref<16x1024xf32, #tpu.memory_space<vmem>>, vector<1x16xf32>,
      %get3A_302 = vector.shape_cast %get3A_301 : vector<1x16xf32> to vector<16xf32>
      %add3A_303 = arith.addf %get3A_298, %get3A_302 : vector<16xf32>
      %swap3A_304 = arith.index_cast %scan3A_86 : i32 to index
      %swap3A_305 = arith.constant 240 : index
      %swap3A_306 = tpu.vector_load %arg10[%swap3A_304, %swap3A_305] {strides = array<i32>} : memref<16x1024xf32, #tpu.memory_space<vmem>>, vector<1x16xf32>,
      %swap3A_307 = vector.shape_cast %swap3A_306 : vector<1x16xf32> to vector<16xf32>
      %swap3A_308 = vector.shape_cast %add3A_303 : vector<16xf32> to vector<1x16xf32>
      tpu.vector_store %arg10[%swap3A_304, %swap3A_305], %swap3A_308 {strides = array<i32>} : memref<16x1024xf32, #tpu.memory_space<vmem>>, vector<1x16xf32>,
      %get3A_309 = arith.index_cast %scan3A_86 : i32 to index
      %get3A_310 = arith.constant 256 : index
      %get3A_311 = tpu.vector_load %arg8[%get3A_309, %get3A_310] {strides = array<i32>} : memref<16x1024xf32, #tpu.memory_space<vmem>>, vector<1x16xf32>,
      %get3A_312 = vector.shape_cast %get3A_311 : vector<1x16xf32> to vector<16xf32>
      %get3A_313 = arith.index_cast %scan3A_86 : i32 to index
      %get3A_314 = arith.constant 256 : index
      %get3A_315 = tpu.vector_load %arg9[%get3A_313, %get3A_314] {strides = array<i32>} : memref<16x1024xf32, #tpu.memory_space<vmem>>, vector<1x16xf32>,
      %get3A_316 = vector.shape_cast %get3A_315 : vector<1x16xf32> to vector<16xf32>
      %add3A_317 = arith.addf %get3A_312, %get3A_316 : vector<16xf32>
      %swap3A_318 = arith.index_cast %scan3A_86 : i32 to index
      %swap3A_319 = arith.constant 256 : index
      %swap3A_320 = tpu.vector_load %arg10[%swap3A_318, %swap3A_319] {strides = array<i32>} : memref<16x1024xf32, #tpu.memory_space<vmem>>, vector<1x16xf32>,
      %swap3A_321 = vector.shape_cast %swap3A_320 : vector<1x16xf32> to vector<16xf32>
      %swap3A_322 = vector.shape_cast %add3A_317 : vector<16xf32> to vector<1x16xf32>
      tpu.vector_store %arg10[%swap3A_318, %swap3A_319], %swap3A_322 {strides = array<i32>} : memref<16x1024xf32, #tpu.memory_space<vmem>>, vector<1x16xf32>,
      %get3A_323 = arith.index_cast %scan3A_86 : i32 to index
      %get3A_324 = arith.constant 272 : index
      %get3A_325 = tpu.vector_load %arg8[%get3A_323, %get3A_324] {strides = array<i32>} : memref<16x1024xf32, #tpu.memory_space<vmem>>, vector<1x16xf32>,
      %get3A_326 = vector.shape_cast %get3A_325 : vector<1x16xf32> to vector<16xf32>
      %get3A_327 = arith.index_cast %scan3A_86 : i32 to index
      %get3A_328 = arith.constant 272 : index
      %get3A_329 = tpu.vector_load %arg9[%get3A_327, %get3A_328] {strides = array<i32>} : memref<16x1024xf32, #tpu.memory_space<vmem>>, vector<1x16xf32>,
      %get3A_330 = vector.shape_cast %get3A_329 : vector<1x16xf32> to vector<16xf32>
      %add3A_331 = arith.addf %get3A_326, %get3A_330 : vector<16xf32>
      %swap3A_332 = arith.index_cast %scan3A_86 : i32 to index
      %swap3A_333 = arith.constant 272 : index
      %swap3A_334 = tpu.vector_load %arg10[%swap3A_332, %swap3A_333] {strides = array<i32>} : memref<16x1024xf32, #tpu.memory_space<vmem>>, vector<1x16xf32>,
      %swap3A_335 = vector.shape_cast %swap3A_334 : vector<1x16xf32> to vector<16xf32>
      %swap3A_336 = vector.shape_cast %add3A_331 : vector<16xf32> to vector<1x16xf32>
      tpu.vector_store %arg10[%swap3A_332, %swap3A_333], %swap3A_336 {strides = array<i32>} : memref<16x1024xf32, #tpu.memory_space<vmem>>, vector<1x16xf32>,
      %get3A_337 = arith.index_cast %scan3A_86 : i32 to index
      %get3A_338 = arith.constant 288 : index
      %get3A_339 = tpu.vector_load %arg8[%get3A_337, %get3A_338] {strides = array<i32>} : memref<16x1024xf32, #tpu.memory_space<vmem>>, vector<1x16xf32>,
      %get3A_340 = vector.shape_cast %get3A_339 : vector<1x16xf32> to vector<16xf32>
      %get3A_341 = arith.index_cast %scan3A_86 : i32 to index
      %get3A_342 = arith.constant 288 : index
      %get3A_343 = tpu.vector_load %arg9[%get3A_341, %get3A_342] {strides = array<i32>} : memref<16x1024xf32, #tpu.memory_space<vmem>>, vector<1x16xf32>,
      %get3A_344 = vector.shape_cast %get3A_343 : vector<1x16xf32> to vector<16xf32>
      %add3A_345 = arith.addf %get3A_340, %get3A_344 : vector<16xf32>
      %swap3A_346 = arith.index_cast %scan3A_86 : i32 to index
      %swap3A_347 = arith.constant 288 : index
      %swap3A_348 = tpu.vector_load %arg10[%swap3A_346, %swap3A_347] {strides = array<i32>} : memref<16x1024xf32, #tpu.memory_space<vmem>>, vector<1x16xf32>,
      %swap3A_349 = vector.shape_cast %swap3A_348 : vector<1x16xf32> to vector<16xf32>
      %swap3A_350 = vector.shape_cast %add3A_345 : vector<16xf32> to vector<1x16xf32>
      tpu.vector_store %arg10[%swap3A_346, %swap3A_347], %swap3A_350 {strides = array<i32>} : memref<16x1024xf32, #tpu.memory_space<vmem>>, vector<1x16xf32>,
      %get3A_351 = arith.index_cast %scan3A_86 : i32 to index
      %get3A_352 = arith.constant 304 : index
      %get3A_353 = tpu.vector_load %arg8[%get3A_351, %get3A_352] {strides = array<i32>} : memref<16x1024xf32, #tpu.memory_space<vmem>>, vector<1x16xf32>,
      %get3A_354 = vector.shape_cast %get3A_353 : vector<1x16xf32> to vector<16xf32>
      %get3A_355 = arith.index_cast %scan3A_86 : i32 to index
      %get3A_356 = arith.constant 304 : index
      %get3A_357 = tpu.vector_load %arg9[%get3A_355, %get3A_356] {strides = array<i32>} : memref<16x1024xf32, #tpu.memory_space<vmem>>, vector<1x16xf32>,
      %get3A_358 = vector.shape_cast %get3A_357 : vector<1x16xf32> to vector<16xf32>
      %add3A_359 = arith.addf %get3A_354, %get3A_358 : vector<16xf32>
      %swap3A_360 = arith.index_cast %scan3A_86 : i32 to index
      %swap3A_361 = arith.constant 304 : index
      %swap3A_362 = tpu.vector_load %arg10[%swap3A_360, %swap3A_361] {strides = array<i32>} : memref<16x1024xf32, #tpu.memory_space<vmem>>, vector<1x16xf32>,
      %swap3A_363 = vector.shape_cast %swap3A_362 : vector<1x16xf32> to vector<16xf32>
      %swap3A_364 = vector.shape_cast %add3A_359 : vector<16xf32> to vector<1x16xf32>
      tpu.vector_store %arg10[%swap3A_360, %swap3A_361], %swap3A_364 {strides = array<i32>} : memref<16x1024xf32, #tpu.memory_space<vmem>>, vector<1x16xf32>,
      %get3A_365 = arith.index_cast %scan3A_86 : i32 to index
      %get3A_366 = arith.constant 320 : index
      %get3A_367 = tpu.vector_load %arg8[%get3A_365, %get3A_366] {strides = array<i32>} : memref<16x1024xf32, #tpu.memory_space<vmem>>, vector<1x16xf32>,
      %get3A_368 = vector.shape_cast %get3A_367 : vector<1x16xf32> to vector<16xf32>
      %get3A_369 = arith.index_cast %scan3A_86 : i32 to index
      %get3A_370 = arith.constant 320 : index
      %get3A_371 = tpu.vector_load %arg9[%get3A_369, %get3A_370] {strides = array<i32>} : memref<16x1024xf32, #tpu.memory_space<vmem>>, vector<1x16xf32>,
      %get3A_372 = vector.shape_cast %get3A_371 : vector<1x16xf32> to vector<16xf32>
      %add3A_373 = arith.addf %get3A_368, %get3A_372 : vector<16xf32>
      %swap3A_374 = arith.index_cast %scan3A_86 : i32 to index
      %swap3A_375 = arith.constant 320 : index
      %swap3A_376 = tpu.vector_load %arg10[%swap3A_374, %swap3A_375] {strides = array<i32>} : memref<16x1024xf32, #tpu.memory_space<vmem>>, vector<1x16xf32>,
      %swap3A_377 = vector.shape_cast %swap3A_376 : vector<1x16xf32> to vector<16xf32>
      %swap3A_378 = vector.shape_cast %add3A_373 : vector<16xf32> to vector<1x16xf32>
      tpu.vector_store %arg10[%swap3A_374, %swap3A_375], %swap3A_378 {strides = array<i32>} : memref<16x1024xf32, #tpu.memory_space<vmem>>, vector<1x16xf32>,
      %get3A_379 = arith.index_cast %scan3A_86 : i32 to index
      %get3A_380 = arith.constant 336 : index
      %get3A_381 = tpu.vector_load %arg8[%get3A_379, %get3A_380] {strides = array<i32>} : memref<16x1024xf32, #tpu.memory_space<vmem>>, vector<1x16xf32>,
      %get3A_382 = vector.shape_cast %get3A_381 : vector<1x16xf32> to vector<16xf32>
      %get3A_383 = arith.index_cast %scan3A_86 : i32 to index
      %get3A_384 = arith.constant 336 : index
      %get3A_385 = tpu.vector_load %arg9[%get3A_383, %get3A_384] {strides = array<i32>} : memref<16x1024xf32, #tpu.memory_space<vmem>>, vector<1x16xf32>,
      %get3A_386 = vector.shape_cast %get3A_385 : vector<1x16xf32> to vector<16xf32>
      %add3A_387 = arith.addf %get3A_382, %get3A_386 : vector<16xf32>
      %swap3A_388 = arith.index_cast %scan3A_86 : i32 to index
      %swap3A_389 = arith.constant 336 : index
      %swap3A_390 = tpu.vector_load %arg10[%swap3A_388, %swap3A_389] {strides = array<i32>} : memref<16x1024xf32, #tpu.memory_space<vmem>>, vector<1x16xf32>,
      %swap3A_391 = vector.shape_cast %swap3A_390 : vector<1x16xf32> to vector<16xf32>
      %swap3A_392 = vector.shape_cast %add3A_387 : vector<16xf32> to vector<1x16xf32>
      tpu.vector_store %arg10[%swap3A_388, %swap3A_389], %swap3A_392 {strides = array<i32>} : memref<16x1024xf32, #tpu.memory_space<vmem>>, vector<1x16xf32>,
      %get3A_393 = arith.index_cast %scan3A_86 : i32 to index
      %get3A_394 = arith.constant 352 : index
      %get3A_395 = tpu.vector_load %arg8[%get3A_393, %get3A_394] {strides = array<i32>} : memref<16x1024xf32, #tpu.memory_space<vmem>>, vector<1x16xf32>,
      %get3A_396 = vector.shape_cast %get3A_395 : vector<1x16xf32> to vector<16xf32>
      %get3A_397 = arith.index_cast %scan3A_86 : i32 to index
      %get3A_398 = arith.constant 352 : index
      %get3A_399 = tpu.vector_load %arg9[%get3A_397, %get3A_398] {strides = array<i32>} : memref<16x1024xf32, #tpu.memory_space<vmem>>, vector<1x16xf32>,
      %get3A_400 = vector.shape_cast %get3A_399 : vector<1x16xf32> to vector<16xf32>
      %add3A_401 = arith.addf %get3A_396, %get3A_400 : vector<16xf32>
      %swap3A_402 = arith.index_cast %scan3A_86 : i32 to index
      %swap3A_403 = arith.constant 352 : index
      %swap3A_404 = tpu.vector_load %arg10[%swap3A_402, %swap3A_403] {strides = array<i32>} : memref<16x1024xf32, #tpu.memory_space<vmem>>, vector<1x16xf32>,
      %swap3A_405 = vector.shape_cast %swap3A_404 : vector<1x16xf32> to vector<16xf32>
      %swap3A_406 = vector.shape_cast %add3A_401 : vector<16xf32> to vector<1x16xf32>
      tpu.vector_store %arg10[%swap3A_402, %swap3A_403], %swap3A_406 {strides = array<i32>} : memref<16x1024xf32, #tpu.memory_space<vmem>>, vector<1x16xf32>,
      %get3A_407 = arith.index_cast %scan3A_86 : i32 to index
      %get3A_408 = arith.constant 368 : index
      %get3A_409 = tpu.vector_load %arg8[%get3A_407, %get3A_408] {strides = array<i32>} : memref<16x1024xf32, #tpu.memory_space<vmem>>, vector<1x16xf32>,
      %get3A_410 = vector.shape_cast %get3A_409 : vector<1x16xf32> to vector<16xf32>
      %get3A_411 = arith.index_cast %scan3A_86 : i32 to index
      %get3A_412 = arith.constant 368 : index
      %get3A_413 = tpu.vector_load %arg9[%get3A_411, %get3A_412] {strides = array<i32>} : memref<16x1024xf32, #tpu.memory_space<vmem>>, vector<1x16xf32>,
      %get3A_414 = vector.shape_cast %get3A_413 : vector<1x16xf32> to vector<16xf32>
      %add3A_415 = arith.addf %get3A_410, %get3A_414 : vector<16xf32>
      %swap3A_416 = arith.index_cast %scan3A_86 : i32 to index
      %swap3A_417 = arith.constant 368 : index
      %swap3A_418 = tpu.vector_load %arg10[%swap3A_416, %swap3A_417] {strides = array<i32>} : memref<16x1024xf32, #tpu.memory_space<vmem>>, vector<1x16xf32>,
      %swap3A_419 = vector.shape_cast %swap3A_418 : vector<1x16xf32> to vector<16xf32>
      %swap3A_420 = vector.shape_cast %add3A_415 : vector<16xf32> to vector<1x16xf32>
      tpu.vector_store %arg10[%swap3A_416, %swap3A_417], %swap3A_420 {strides = array<i32>} : memref<16x1024xf32, #tpu.memory_space<vmem>>, vector<1x16xf32>,
      %get3A_421 = arith.index_cast %scan3A_86 : i32 to index
      %get3A_422 = arith.constant 384 : index
      %get3A_423 = tpu.vector_load %arg8[%get3A_421, %get3A_422] {strides = array<i32>} : memref<16x1024xf32, #tpu.memory_space<vmem>>, vector<1x16xf32>,
      %get3A_424 = vector.shape_cast %get3A_423 : vector<1x16xf32> to vector<16xf32>
      %get3A_425 = arith.index_cast %scan3A_86 : i32 to index
      %get3A_426 = arith.constant 384 : index
      %get3A_427 = tpu.vector_load %arg9[%get3A_425, %get3A_426] {strides = array<i32>} : memref<16x1024xf32, #tpu.memory_space<vmem>>, vector<1x16xf32>,
      %get3A_428 = vector.shape_cast %get3A_427 : vector<1x16xf32> to vector<16xf32>
      %add3A_429 = arith.addf %get3A_424, %get3A_428 : vector<16xf32>
      %swap3A_430 = arith.index_cast %scan3A_86 : i32 to index
      %swap3A_431 = arith.constant 384 : index
      %swap3A_432 = tpu.vector_load %arg10[%swap3A_430, %swap3A_431] {strides = array<i32>} : memref<16x1024xf32, #tpu.memory_space<vmem>>, vector<1x16xf32>,
      %swap3A_433 = vector.shape_cast %swap3A_432 : vector<1x16xf32> to vector<16xf32>
      %swap3A_434 = vector.shape_cast %add3A_429 : vector<16xf32> to vector<1x16xf32>
      tpu.vector_store %arg10[%swap3A_430, %swap3A_431], %swap3A_434 {strides = array<i32>} : memref<16x1024xf32, #tpu.memory_space<vmem>>, vector<1x16xf32>,
      %get3A_435 = arith.index_cast %scan3A_86 : i32 to index
      %get3A_436 = arith.constant 400 : index
      %get3A_437 = tpu.vector_load %arg8[%get3A_435, %get3A_436] {strides = array<i32>} : memref<16x1024xf32, #tpu.memory_space<vmem>>, vector<1x16xf32>,
      %get3A_438 = vector.shape_cast %get3A_437 : vector<1x16xf32> to vector<16xf32>
      %get3A_439 = arith.index_cast %scan3A_86 : i32 to index
      %get3A_440 = arith.constant 400 : index
      %get3A_441 = tpu.vector_load %arg9[%get3A_439, %get3A_440] {strides = array<i32>} : memref<16x1024xf32, #tpu.memory_space<vmem>>, vector<1x16xf32>,
      %get3A_442 = vector.shape_cast %get3A_441 : vector<1x16xf32> to vector<16xf32>
      %add3A_443 = arith.addf %get3A_438, %get3A_442 : vector<16xf32>
      %swap3A_444 = arith.index_cast %scan3A_86 : i32 to index
      %swap3A_445 = arith.constant 400 : index
      %swap3A_446 = tpu.vector_load %arg10[%swap3A_444, %swap3A_445] {strides = array<i32>} : memref<16x1024xf32, #tpu.memory_space<vmem>>, vector<1x16xf32>,
      %swap3A_447 = vector.shape_cast %swap3A_446 : vector<1x16xf32> to vector<16xf32>
      %swap3A_448 = vector.shape_cast %add3A_443 : vector<16xf32> to vector<1x16xf32>
      tpu.vector_store %arg10[%swap3A_444, %swap3A_445], %swap3A_448 {strides = array<i32>} : memref<16x1024xf32, #tpu.memory_space<vmem>>, vector<1x16xf32>,
      %get3A_449 = arith.index_cast %scan3A_86 : i32 to index
      %get3A_450 = arith.constant 416 : index
      %get3A_451 = tpu.vector_load %arg8[%get3A_449, %get3A_450] {strides = array<i32>} : memref<16x1024xf32, #tpu.memory_space<vmem>>, vector<1x16xf32>,
      %get3A_452 = vector.shape_cast %get3A_451 : vector<1x16xf32> to vector<16xf32>
      %get3A_453 = arith.index_cast %scan3A_86 : i32 to index
      %get3A_454 = arith.constant 416 : index
      %get3A_455 = tpu.vector_load %arg9[%get3A_453, %get3A_454] {strides = array<i32>} : memref<16x1024xf32, #tpu.memory_space<vmem>>, vector<1x16xf32>,
      %get3A_456 = vector.shape_cast %get3A_455 : vector<1x16xf32> to vector<16xf32>
      %add3A_457 = arith.addf %get3A_452, %get3A_456 : vector<16xf32>
      %swap3A_458 = arith.index_cast %scan3A_86 : i32 to index
      %swap3A_459 = arith.constant 416 : index
      %swap3A_460 = tpu.vector_load %arg10[%swap3A_458, %swap3A_459] {strides = array<i32>} : memref<16x1024xf32, #tpu.memory_space<vmem>>, vector<1x16xf32>,
      %swap3A_461 = vector.shape_cast %swap3A_460 : vector<1x16xf32> to vector<16xf32>
      %swap3A_462 = vector.shape_cast %add3A_457 : vector<16xf32> to vector<1x16xf32>
      tpu.vector_store %arg10[%swap3A_458, %swap3A_459], %swap3A_462 {strides = array<i32>} : memref<16x1024xf32, #tpu.memory_space<vmem>>, vector<1x16xf32>,
      %get3A_463 = arith.index_cast %scan3A_86 : i32 to index
      %get3A_464 = arith.constant 432 : index
      %get3A_465 = tpu.vector_load %arg8[%get3A_463, %get3A_464] {strides = array<i32>} : memref<16x1024xf32, #tpu.memory_space<vmem>>, vector<1x16xf32>,
      %get3A_466 = vector.shape_cast %get3A_465 : vector<1x16xf32> to vector<16xf32>
      %get3A_467 = arith.index_cast %scan3A_86 : i32 to index
      %get3A_468 = arith.constant 432 : index
      %get3A_469 = tpu.vector_load %arg9[%get3A_467, %get3A_468] {strides = array<i32>} : memref<16x1024xf32, #tpu.memory_space<vmem>>, vector<1x16xf32>,
      %get3A_470 = vector.shape_cast %get3A_469 : vector<1x16xf32> to vector<16xf32>
      %add3A_471 = arith.addf %get3A_466, %get3A_470 : vector<16xf32>
      %swap3A_472 = arith.index_cast %scan3A_86 : i32 to index
      %swap3A_473 = arith.constant 432 : index
      %swap3A_474 = tpu.vector_load %arg10[%swap3A_472, %swap3A_473] {strides = array<i32>} : memref<16x1024xf32, #tpu.memory_space<vmem>>, vector<1x16xf32>,
      %swap3A_475 = vector.shape_cast %swap3A_474 : vector<1x16xf32> to vector<16xf32>
      %swap3A_476 = vector.shape_cast %add3A_471 : vector<16xf32> to vector<1x16xf32>
      tpu.vector_store %arg10[%swap3A_472, %swap3A_473], %swap3A_476 {strides = array<i32>} : memref<16x1024xf32, #tpu.memory_space<vmem>>, vector<1x16xf32>,
      %get3A_477 = arith.index_cast %scan3A_86 : i32 to index
      %get3A_478 = arith.constant 448 : index
      %get3A_479 = tpu.vector_load %arg8[%get3A_477, %get3A_478] {strides = array<i32>} : memref<16x1024xf32, #tpu.memory_space<vmem>>, vector<1x16xf32>,
      %get3A_480 = vector.shape_cast %get3A_479 : vector<1x16xf32> to vector<16xf32>
      %get3A_481 = arith.index_cast %scan3A_86 : i32 to index
      %get3A_482 = arith.constant 448 : index
      %get3A_483 = tpu.vector_load %arg9[%get3A_481, %get3A_482] {strides = array<i32>} : memref<16x1024xf32, #tpu.memory_space<vmem>>, vector<1x16xf32>,
      %get3A_484 = vector.shape_cast %get3A_483 : vector<1x16xf32> to vector<16xf32>
      %add3A_485 = arith.addf %get3A_480, %get3A_484 : vector<16xf32>
      %swap3A_486 = arith.index_cast %scan3A_86 : i32 to index
      %swap3A_487 = arith.constant 448 : index
      %swap3A_488 = tpu.vector_load %arg10[%swap3A_486, %swap3A_487] {strides = array<i32>} : memref<16x1024xf32, #tpu.memory_space<vmem>>, vector<1x16xf32>,
      %swap3A_489 = vector.shape_cast %swap3A_488 : vector<1x16xf32> to vector<16xf32>
      %swap3A_490 = vector.shape_cast %add3A_485 : vector<16xf32> to vector<1x16xf32>
      tpu.vector_store %arg10[%swap3A_486, %swap3A_487], %swap3A_490 {strides = array<i32>} : memref<16x1024xf32, #tpu.memory_space<vmem>>, vector<1x16xf32>,
      %get3A_491 = arith.index_cast %scan3A_86 : i32 to index
      %get3A_492 = arith.constant 464 : index
      %get3A_493 = tpu.vector_load %arg8[%get3A_491, %get3A_492] {strides = array<i32>} : memref<16x1024xf32, #tpu.memory_space<vmem>>, vector<1x16xf32>,
      %get3A_494 = vector.shape_cast %get3A_493 : vector<1x16xf32> to vector<16xf32>
      %get3A_495 = arith.index_cast %scan3A_86 : i32 to index
      %get3A_496 = arith.constant 464 : index
      %get3A_497 = tpu.vector_load %arg9[%get3A_495, %get3A_496] {strides = array<i32>} : memref<16x1024xf32, #tpu.memory_space<vmem>>, vector<1x16xf32>,
      %get3A_498 = vector.shape_cast %get3A_497 : vector<1x16xf32> to vector<16xf32>
      %add3A_499 = arith.addf %get3A_494, %get3A_498 : vector<16xf32>
      %swap3A_500 = arith.index_cast %scan3A_86 : i32 to index
      %swap3A_501 = arith.constant 464 : index
      %swap3A_502 = tpu.vector_load %arg10[%swap3A_500, %swap3A_501] {strides = array<i32>} : memref<16x1024xf32, #tpu.memory_space<vmem>>, vector<1x16xf32>,
      %swap3A_503 = vector.shape_cast %swap3A_502 : vector<1x16xf32> to vector<16xf32>
      %swap3A_504 = vector.shape_cast %add3A_499 : vector<16xf32> to vector<1x16xf32>
      tpu.vector_store %arg10[%swap3A_500, %swap3A_501], %swap3A_504 {strides = array<i32>} : memref<16x1024xf32, #tpu.memory_space<vmem>>, vector<1x16xf32>,
      %get3A_505 = arith.index_cast %scan3A_86 : i32 to index
      %get3A_506 = arith.constant 480 : index
      %get3A_507 = tpu.vector_load %arg8[%get3A_505, %get3A_506] {strides = array<i32>} : memref<16x1024xf32, #tpu.memory_space<vmem>>, vector<1x16xf32>,
      %get3A_508 = vector.shape_cast %get3A_507 : vector<1x16xf32> to vector<16xf32>
      %get3A_509 = arith.index_cast %scan3A_86 : i32 to index
      %get3A_510 = arith.constant 480 : index
      %get3A_511 = tpu.vector_load %arg9[%get3A_509, %get3A_510] {strides = array<i32>} : memref<16x1024xf32, #tpu.memory_space<vmem>>, vector<1x16xf32>,
      %get3A_512 = vector.shape_cast %get3A_511 : vector<1x16xf32> to vector<16xf32>
      %add3A_513 = arith.addf %get3A_508, %get3A_512 : vector<16xf32>
      %swap3A_514 = arith.index_cast %scan3A_86 : i32 to index
      %swap3A_515 = arith.constant 480 : index
      %swap3A_516 = tpu.vector_load %arg10[%swap3A_514, %swap3A_515] {strides = array<i32>} : memref<16x1024xf32, #tpu.memory_space<vmem>>, vector<1x16xf32>,
      %swap3A_517 = vector.shape_cast %swap3A_516 : vector<1x16xf32> to vector<16xf32>
      %swap3A_518 = vector.shape_cast %add3A_513 : vector<16xf32> to vector<1x16xf32>
      tpu.vector_store %arg10[%swap3A_514, %swap3A_515], %swap3A_518 {strides = array<i32>} : memref<16x1024xf32, #tpu.memory_space<vmem>>, vector<1x16xf32>,
      %get3A_519 = arith.index_cast %scan3A_86 : i32 to index
      %get3A_520 = arith.constant 496 : index
      %get3A_521 = tpu.vector_load %arg8[%get3A_519, %get3A_520] {strides = array<i32>} : memref<16x1024xf32, #tpu.memory_space<vmem>>, vector<1x16xf32>,
      %get3A_522 = vector.shape_cast %get3A_521 : vector<1x16xf32> to vector<16xf32>
      %get3A_523 = arith.index_cast %scan3A_86 : i32 to index
      %get3A_524 = arith.constant 496 : index
      %get3A_525 = tpu.vector_load %arg9[%get3A_523, %get3A_524] {strides = array<i32>} : memref<16x1024xf32, #tpu.memory_space<vmem>>, vector<1x16xf32>,
      %get3A_526 = vector.shape_cast %get3A_525 : vector<1x16xf32> to vector<16xf32>
      %add3A_527 = arith.addf %get3A_522, %get3A_526 : vector<16xf32>
      %swap3A_528 = arith.index_cast %scan3A_86 : i32 to index
      %swap3A_529 = arith.constant 496 : index
      %swap3A_530 = tpu.vector_load %arg10[%swap3A_528, %swap3A_529] {strides = array<i32>} : memref<16x1024xf32, #tpu.memory_space<vmem>>, vector<1x16xf32>,
      %swap3A_531 = vector.shape_cast %swap3A_530 : vector<1x16xf32> to vector<16xf32>
      %swap3A_532 = vector.shape_cast %add3A_527 : vector<16xf32> to vector<1x16xf32>
      tpu.vector_store %arg10[%swap3A_528, %swap3A_529], %swap3A_532 {strides = array<i32>} : memref<16x1024xf32, #tpu.memory_space<vmem>>, vector<1x16xf32>,
      %get3A_533 = arith.index_cast %scan3A_86 : i32 to index
      %get3A_534 = arith.constant 512 : index
      %get3A_535 = tpu.vector_load %arg8[%get3A_533, %get3A_534] {strides = array<i32>} : memref<16x1024xf32, #tpu.memory_space<vmem>>, vector<1x16xf32>,
      %get3A_536 = vector.shape_cast %get3A_535 : vector<1x16xf32> to vector<16xf32>
      %get3A_537 = arith.index_cast %scan3A_86 : i32 to index
      %get3A_538 = arith.constant 512 : index
      %get3A_539 = tpu.vector_load %arg9[%get3A_537, %get3A_538] {strides = array<i32>} : memref<16x1024xf32, #tpu.memory_space<vmem>>, vector<1x16xf32>,
      %get3A_540 = vector.shape_cast %get3A_539 : vector<1x16xf32> to vector<16xf32>
      %add3A_541 = arith.addf %get3A_536, %get3A_540 : vector<16xf32>
      %swap3A_542 = arith.index_cast %scan3A_86 : i32 to index
      %swap3A_543 = arith.constant 512 : index
      %swap3A_544 = tpu.vector_load %arg10[%swap3A_542, %swap3A_543] {strides = array<i32>} : memref<16x1024xf32, #tpu.memory_space<vmem>>, vector<1x16xf32>,
      %swap3A_545 = vector.shape_cast %swap3A_544 : vector<1x16xf32> to vector<16xf32>
      %swap3A_546 = vector.shape_cast %add3A_541 : vector<16xf32> to vector<1x16xf32>
      tpu.vector_store %arg10[%swap3A_542, %swap3A_543], %swap3A_546 {strides = array<i32>} : memref<16x1024xf32, #tpu.memory_space<vmem>>, vector<1x16xf32>,
      %get3A_547 = arith.index_cast %scan3A_86 : i32 to index
      %get3A_548 = arith.constant 528 : index
      %get3A_549 = tpu.vector_load %arg8[%get3A_547, %get3A_548] {strides = array<i32>} : memref<16x1024xf32, #tpu.memory_space<vmem>>, vector<1x16xf32>,
      %get3A_550 = vector.shape_cast %get3A_549 : vector<1x16xf32> to vector<16xf32>
      %get3A_551 = arith.index_cast %scan3A_86 : i32 to index
      %get3A_552 = arith.constant 528 : index
      %get3A_553 = tpu.vector_load %arg9[%get3A_551, %get3A_552] {strides = array<i32>} : memref<16x1024xf32, #tpu.memory_space<vmem>>, vector<1x16xf32>,
      %get3A_554 = vector.shape_cast %get3A_553 : vector<1x16xf32> to vector<16xf32>
      %add3A_555 = arith.addf %get3A_550, %get3A_554 : vector<16xf32>
      %swap3A_556 = arith.index_cast %scan3A_86 : i32 to index
      %swap3A_557 = arith.constant 528 : index
      %swap3A_558 = tpu.vector_load %arg10[%swap3A_556, %swap3A_557] {strides = array<i32>} : memref<16x1024xf32, #tpu.memory_space<vmem>>, vector<1x16xf32>,
      %swap3A_559 = vector.shape_cast %swap3A_558 : vector<1x16xf32> to vector<16xf32>
      %swap3A_560 = vector.shape_cast %add3A_555 : vector<16xf32> to vector<1x16xf32>
      tpu.vector_store %arg10[%swap3A_556, %swap3A_557], %swap3A_560 {strides = array<i32>} : memref<16x1024xf32, #tpu.memory_space<vmem>>, vector<1x16xf32>,
      %get3A_561 = arith.index_cast %scan3A_86 : i32 to index
      %get3A_562 = arith.constant 544 : index
      %get3A_563 = tpu.vector_load %arg8[%get3A_561, %get3A_562] {strides = array<i32>} : memref<16x1024xf32, #tpu.memory_space<vmem>>, vector<1x16xf32>,
      %get3A_564 = vector.shape_cast %get3A_563 : vector<1x16xf32> to vector<16xf32>
      %get3A_565 = arith.index_cast %scan3A_86 : i32 to index
      %get3A_566 = arith.constant 544 : index
      %get3A_567 = tpu.vector_load %arg9[%get3A_565, %get3A_566] {strides = array<i32>} : memref<16x1024xf32, #tpu.memory_space<vmem>>, vector<1x16xf32>,
      %get3A_568 = vector.shape_cast %get3A_567 : vector<1x16xf32> to vector<16xf32>
      %add3A_569 = arith.addf %get3A_564, %get3A_568 : vector<16xf32>
      %swap3A_570 = arith.index_cast %scan3A_86 : i32 to index
      %swap3A_571 = arith.constant 544 : index
      %swap3A_572 = tpu.vector_load %arg10[%swap3A_570, %swap3A_571] {strides = array<i32>} : memref<16x1024xf32, #tpu.memory_space<vmem>>, vector<1x16xf32>,
      %swap3A_573 = vector.shape_cast %swap3A_572 : vector<1x16xf32> to vector<16xf32>
      %swap3A_574 = vector.shape_cast %add3A_569 : vector<16xf32> to vector<1x16xf32>
      tpu.vector_store %arg10[%swap3A_570, %swap3A_571], %swap3A_574 {strides = array<i32>} : memref<16x1024xf32, #tpu.memory_space<vmem>>, vector<1x16xf32>,
      %get3A_575 = arith.index_cast %scan3A_86 : i32 to index
      %get3A_576 = arith.constant 560 : index
      %get3A_577 = tpu.vector_load %arg8[%get3A_575, %get3A_576] {strides = array<i32>} : memref<16x1024xf32, #tpu.memory_space<vmem>>, vector<1x16xf32>,
      %get3A_578 = vector.shape_cast %get3A_577 : vector<1x16xf32> to vector<16xf32>
      %get3A_579 = arith.index_cast %scan3A_86 : i32 to index
      %get3A_580 = arith.constant 560 : index
      %get3A_581 = tpu.vector_load %arg9[%get3A_579, %get3A_580] {strides = array<i32>} : memref<16x1024xf32, #tpu.memory_space<vmem>>, vector<1x16xf32>,
      %get3A_582 = vector.shape_cast %get3A_581 : vector<1x16xf32> to vector<16xf32>
      %add3A_583 = arith.addf %get3A_578, %get3A_582 : vector<16xf32>
      %swap3A_584 = arith.index_cast %scan3A_86 : i32 to index
      %swap3A_585 = arith.constant 560 : index
      %swap3A_586 = tpu.vector_load %arg10[%swap3A_584, %swap3A_585] {strides = array<i32>} : memref<16x1024xf32, #tpu.memory_space<vmem>>, vector<1x16xf32>,
      %swap3A_587 = vector.shape_cast %swap3A_586 : vector<1x16xf32> to vector<16xf32>
      %swap3A_588 = vector.shape_cast %add3A_583 : vector<16xf32> to vector<1x16xf32>
      tpu.vector_store %arg10[%swap3A_584, %swap3A_585], %swap3A_588 {strides = array<i32>} : memref<16x1024xf32, #tpu.memory_space<vmem>>, vector<1x16xf32>,
      %get3A_589 = arith.index_cast %scan3A_86 : i32 to index
      %get3A_590 = arith.constant 576 : index
      %get3A_591 = tpu.vector_load %arg8[%get3A_589, %get3A_590] {strides = array<i32>} : memref<16x1024xf32, #tpu.memory_space<vmem>>, vector<1x16xf32>,
      %get3A_592 = vector.shape_cast %get3A_591 : vector<1x16xf32> to vector<16xf32>
      %get3A_593 = arith.index_cast %scan3A_86 : i32 to index
      %get3A_594 = arith.constant 576 : index
      %get3A_595 = tpu.vector_load %arg9[%get3A_593, %get3A_594] {strides = array<i32>} : memref<16x1024xf32, #tpu.memory_space<vmem>>, vector<1x16xf32>,
      %get3A_596 = vector.shape_cast %get3A_595 : vector<1x16xf32> to vector<16xf32>
      %add3A_597 = arith.addf %get3A_592, %get3A_596 : vector<16xf32>
      %swap3A_598 = arith.index_cast %scan3A_86 : i32 to index
      %swap3A_599 = arith.constant 576 : index
      %swap3A_600 = tpu.vector_load %arg10[%swap3A_598, %swap3A_599] {strides = array<i32>} : memref<16x1024xf32, #tpu.memory_space<vmem>>, vector<1x16xf32>,
      %swap3A_601 = vector.shape_cast %swap3A_600 : vector<1x16xf32> to vector<16xf32>
      %swap3A_602 = vector.shape_cast %add3A_597 : vector<16xf32> to vector<1x16xf32>
      tpu.vector_store %arg10[%swap3A_598, %swap3A_599], %swap3A_602 {strides = array<i32>} : memref<16x1024xf32, #tpu.memory_space<vmem>>, vector<1x16xf32>,
      %get3A_603 = arith.index_cast %scan3A_86 : i32 to index
      %get3A_604 = arith.constant 592 : index
      %get3A_605 = tpu.vector_load %arg8[%get3A_603, %get3A_604] {strides = array<i32>} : memref<16x1024xf32, #tpu.memory_space<vmem>>, vector<1x16xf32>,
      %get3A_606 = vector.shape_cast %get3A_605 : vector<1x16xf32> to vector<16xf32>
      %get3A_607 = arith.index_cast %scan3A_86 : i32 to index
      %get3A_608 = arith.constant 592 : index
      %get3A_609 = tpu.vector_load %arg9[%get3A_607, %get3A_608] {strides = array<i32>} : memref<16x1024xf32, #tpu.memory_space<vmem>>, vector<1x16xf32>,
      %get3A_610 = vector.shape_cast %get3A_609 : vector<1x16xf32> to vector<16xf32>
      %add3A_611 = arith.addf %get3A_606, %get3A_610 : vector<16xf32>
      %swap3A_612 = arith.index_cast %scan3A_86 : i32 to index
      %swap3A_613 = arith.constant 592 : index
      %swap3A_614 = tpu.vector_load %arg10[%swap3A_612, %swap3A_613] {strides = array<i32>} : memref<16x1024xf32, #tpu.memory_space<vmem>>, vector<1x16xf32>,
      %swap3A_615 = vector.shape_cast %swap3A_614 : vector<1x16xf32> to vector<16xf32>
      %swap3A_616 = vector.shape_cast %add3A_611 : vector<16xf32> to vector<1x16xf32>
      tpu.vector_store %arg10[%swap3A_612, %swap3A_613], %swap3A_616 {strides = array<i32>} : memref<16x1024xf32, #tpu.memory_space<vmem>>, vector<1x16xf32>,
      %get3A_617 = arith.index_cast %scan3A_86 : i32 to index
      %get3A_618 = arith.constant 608 : index
      %get3A_619 = tpu.vector_load %arg8[%get3A_617, %get3A_618] {strides = array<i32>} : memref<16x1024xf32, #tpu.memory_space<vmem>>, vector<1x16xf32>,
      %get3A_620 = vector.shape_cast %get3A_619 : vector<1x16xf32> to vector<16xf32>
      %get3A_621 = arith.index_cast %scan3A_86 : i32 to index
      %get3A_622 = arith.constant 608 : index
      %get3A_623 = tpu.vector_load %arg9[%get3A_621, %get3A_622] {strides = array<i32>} : memref<16x1024xf32, #tpu.memory_space<vmem>>, vector<1x16xf32>,
      %get3A_624 = vector.shape_cast %get3A_623 : vector<1x16xf32> to vector<16xf32>
      %add3A_625 = arith.addf %get3A_620, %get3A_624 : vector<16xf32>
      %swap3A_626 = arith.index_cast %scan3A_86 : i32 to index
      %swap3A_627 = arith.constant 608 : index
      %swap3A_628 = tpu.vector_load %arg10[%swap3A_626, %swap3A_627] {strides = array<i32>} : memref<16x1024xf32, #tpu.memory_space<vmem>>, vector<1x16xf32>,
      %swap3A_629 = vector.shape_cast %swap3A_628 : vector<1x16xf32> to vector<16xf32>
      %swap3A_630 = vector.shape_cast %add3A_625 : vector<16xf32> to vector<1x16xf32>
      tpu.vector_store %arg10[%swap3A_626, %swap3A_627], %swap3A_630 {strides = array<i32>} : memref<16x1024xf32, #tpu.memory_space<vmem>>, vector<1x16xf32>,
      %get3A_631 = arith.index_cast %scan3A_86 : i32 to index
      %get3A_632 = arith.constant 624 : index
      %get3A_633 = tpu.vector_load %arg8[%get3A_631, %get3A_632] {strides = array<i32>} : memref<16x1024xf32, #tpu.memory_space<vmem>>, vector<1x16xf32>,
      %get3A_634 = vector.shape_cast %get3A_633 : vector<1x16xf32> to vector<16xf32>
      %get3A_635 = arith.index_cast %scan3A_86 : i32 to index
      %get3A_636 = arith.constant 624 : index
      %get3A_637 = tpu.vector_load %arg9[%get3A_635, %get3A_636] {strides = array<i32>} : memref<16x1024xf32, #tpu.memory_space<vmem>>, vector<1x16xf32>,
      %get3A_638 = vector.shape_cast %get3A_637 : vector<1x16xf32> to vector<16xf32>
      %add3A_639 = arith.addf %get3A_634, %get3A_638 : vector<16xf32>
      %swap3A_640 = arith.index_cast %scan3A_86 : i32 to index
      %swap3A_641 = arith.constant 624 : index
      %swap3A_642 = tpu.vector_load %arg10[%swap3A_640, %swap3A_641] {strides = array<i32>} : memref<16x1024xf32, #tpu.memory_space<vmem>>, vector<1x16xf32>,
      %swap3A_643 = vector.shape_cast %swap3A_642 : vector<1x16xf32> to vector<16xf32>
      %swap3A_644 = vector.shape_cast %add3A_639 : vector<16xf32> to vector<1x16xf32>
      tpu.vector_store %arg10[%swap3A_640, %swap3A_641], %swap3A_644 {strides = array<i32>} : memref<16x1024xf32, #tpu.memory_space<vmem>>, vector<1x16xf32>,
      %get3A_645 = arith.index_cast %scan3A_86 : i32 to index
      %get3A_646 = arith.constant 640 : index
      %get3A_647 = tpu.vector_load %arg8[%get3A_645, %get3A_646] {strides = array<i32>} : memref<16x1024xf32, #tpu.memory_space<vmem>>, vector<1x16xf32>,
      %get3A_648 = vector.shape_cast %get3A_647 : vector<1x16xf32> to vector<16xf32>
      %get3A_649 = arith.index_cast %scan3A_86 : i32 to index
      %get3A_650 = arith.constant 640 : index
      %get3A_651 = tpu.vector_load %arg9[%get3A_649, %get3A_650] {strides = array<i32>} : memref<16x1024xf32, #tpu.memory_space<vmem>>, vector<1x16xf32>,
      %get3A_652 = vector.shape_cast %get3A_651 : vector<1x16xf32> to vector<16xf32>
      %add3A_653 = arith.addf %get3A_648, %get3A_652 : vector<16xf32>
      %swap3A_654 = arith.index_cast %scan3A_86 : i32 to index
      %swap3A_655 = arith.constant 640 : index
      %swap3A_656 = tpu.vector_load %arg10[%swap3A_654, %swap3A_655] {strides = array<i32>} : memref<16x1024xf32, #tpu.memory_space<vmem>>, vector<1x16xf32>,
      %swap3A_657 = vector.shape_cast %swap3A_656 : vector<1x16xf32> to vector<16xf32>
      %swap3A_658 = vector.shape_cast %add3A_653 : vector<16xf32> to vector<1x16xf32>
      tpu.vector_store %arg10[%swap3A_654, %swap3A_655], %swap3A_658 {strides = array<i32>} : memref<16x1024xf32, #tpu.memory_space<vmem>>, vector<1x16xf32>,
      %get3A_659 = arith.index_cast %scan3A_86 : i32 to index
      %get3A_660 = arith.constant 656 : index
      %get3A_661 = tpu.vector_load %arg8[%get3A_659, %get3A_660] {strides = array<i32>} : memref<16x1024xf32, #tpu.memory_space<vmem>>, vector<1x16xf32>,
      %get3A_662 = vector.shape_cast %get3A_661 : vector<1x16xf32> to vector<16xf32>
      %get3A_663 = arith.index_cast %scan3A_86 : i32 to index
      %get3A_664 = arith.constant 656 : index
      %get3A_665 = tpu.vector_load %arg9[%get3A_663, %get3A_664] {strides = array<i32>} : memref<16x1024xf32, #tpu.memory_space<vmem>>, vector<1x16xf32>,
      %get3A_666 = vector.shape_cast %get3A_665 : vector<1x16xf32> to vector<16xf32>
      %add3A_667 = arith.addf %get3A_662, %get3A_666 : vector<16xf32>
      %swap3A_668 = arith.index_cast %scan3A_86 : i32 to index
      %swap3A_669 = arith.constant 656 : index
      %swap3A_670 = tpu.vector_load %arg10[%swap3A_668, %swap3A_669] {strides = array<i32>} : memref<16x1024xf32, #tpu.memory_space<vmem>>, vector<1x16xf32>,
      %swap3A_671 = vector.shape_cast %swap3A_670 : vector<1x16xf32> to vector<16xf32>
      %swap3A_672 = vector.shape_cast %add3A_667 : vector<16xf32> to vector<1x16xf32>
      tpu.vector_store %arg10[%swap3A_668, %swap3A_669], %swap3A_672 {strides = array<i32>} : memref<16x1024xf32, #tpu.memory_space<vmem>>, vector<1x16xf32>,
      %get3A_673 = arith.index_cast %scan3A_86 : i32 to index
      %get3A_674 = arith.constant 672 : index
      %get3A_675 = tpu.vector_load %arg8[%get3A_673, %get3A_674] {strides = array<i32>} : memref<16x1024xf32, #tpu.memory_space<vmem>>, vector<1x16xf32>,
      %get3A_676 = vector.shape_cast %get3A_675 : vector<1x16xf32> to vector<16xf32>
      %get3A_677 = arith.index_cast %scan3A_86 : i32 to index
      %get3A_678 = arith.constant 672 : index
      %get3A_679 = tpu.vector_load %arg9[%get3A_677, %get3A_678] {strides = array<i32>} : memref<16x1024xf32, #tpu.memory_space<vmem>>, vector<1x16xf32>,
      %get3A_680 = vector.shape_cast %get3A_679 : vector<1x16xf32> to vector<16xf32>
      %add3A_681 = arith.addf %get3A_676, %get3A_680 : vector<16xf32>
      %swap3A_682 = arith.index_cast %scan3A_86 : i32 to index
      %swap3A_683 = arith.constant 672 : index
      %swap3A_684 = tpu.vector_load %arg10[%swap3A_682, %swap3A_683] {strides = array<i32>} : memref<16x1024xf32, #tpu.memory_space<vmem>>, vector<1x16xf32>,
      %swap3A_685 = vector.shape_cast %swap3A_684 : vector<1x16xf32> to vector<16xf32>
      %swap3A_686 = vector.shape_cast %add3A_681 : vector<16xf32> to vector<1x16xf32>
      tpu.vector_store %arg10[%swap3A_682, %swap3A_683], %swap3A_686 {strides = array<i32>} : memref<16x1024xf32, #tpu.memory_space<vmem>>, vector<1x16xf32>,
      %get3A_687 = arith.index_cast %scan3A_86 : i32 to index
      %get3A_688 = arith.constant 688 : index
      %get3A_689 = tpu.vector_load %arg8[%get3A_687, %get3A_688] {strides = array<i32>} : memref<16x1024xf32, #tpu.memory_space<vmem>>, vector<1x16xf32>,
      %get3A_690 = vector.shape_cast %get3A_689 : vector<1x16xf32> to vector<16xf32>
      %get3A_691 = arith.index_cast %scan3A_86 : i32 to index
      %get3A_692 = arith.constant 688 : index
      %get3A_693 = tpu.vector_load %arg9[%get3A_691, %get3A_692] {strides = array<i32>} : memref<16x1024xf32, #tpu.memory_space<vmem>>, vector<1x16xf32>,
      %get3A_694 = vector.shape_cast %get3A_693 : vector<1x16xf32> to vector<16xf32>
      %add3A_695 = arith.addf %get3A_690, %get3A_694 : vector<16xf32>
      %swap3A_696 = arith.index_cast %scan3A_86 : i32 to index
      %swap3A_697 = arith.constant 688 : index
      %swap3A_698 = tpu.vector_load %arg10[%swap3A_696, %swap3A_697] {strides = array<i32>} : memref<16x1024xf32, #tpu.memory_space<vmem>>, vector<1x16xf32>,
      %swap3A_699 = vector.shape_cast %swap3A_698 : vector<1x16xf32> to vector<16xf32>
      %swap3A_700 = vector.shape_cast %add3A_695 : vector<16xf32> to vector<1x16xf32>
      tpu.vector_store %arg10[%swap3A_696, %swap3A_697], %swap3A_700 {strides = array<i32>} : memref<16x1024xf32, #tpu.memory_space<vmem>>, vector<1x16xf32>,
      %get3A_701 = arith.index_cast %scan3A_86 : i32 to index
      %get3A_702 = arith.constant 704 : index
      %get3A_703 = tpu.vector_load %arg8[%get3A_701, %get3A_702] {strides = array<i32>} : memref<16x1024xf32, #tpu.memory_space<vmem>>, vector<1x16xf32>,
      %get3A_704 = vector.shape_cast %get3A_703 : vector<1x16xf32> to vector<16xf32>
      %get3A_705 = arith.index_cast %scan3A_86 : i32 to index
      %get3A_706 = arith.constant 704 : index
      %get3A_707 = tpu.vector_load %arg9[%get3A_705, %get3A_706] {strides = array<i32>} : memref<16x1024xf32, #tpu.memory_space<vmem>>, vector<1x16xf32>,
      %get3A_708 = vector.shape_cast %get3A_707 : vector<1x16xf32> to vector<16xf32>
      %add3A_709 = arith.addf %get3A_704, %get3A_708 : vector<16xf32>
      %swap3A_710 = arith.index_cast %scan3A_86 : i32 to index
      %swap3A_711 = arith.constant 704 : index
      %swap3A_712 = tpu.vector_load %arg10[%swap3A_710, %swap3A_711] {strides = array<i32>} : memref<16x1024xf32, #tpu.memory_space<vmem>>, vector<1x16xf32>,
      %swap3A_713 = vector.shape_cast %swap3A_712 : vector<1x16xf32> to vector<16xf32>
      %swap3A_714 = vector.shape_cast %add3A_709 : vector<16xf32> to vector<1x16xf32>
      tpu.vector_store %arg10[%swap3A_710, %swap3A_711], %swap3A_714 {strides = array<i32>} : memref<16x1024xf32, #tpu.memory_space<vmem>>, vector<1x16xf32>,
      %get3A_715 = arith.index_cast %scan3A_86 : i32 to index
      %get3A_716 = arith.constant 720 : index
      %get3A_717 = tpu.vector_load %arg8[%get3A_715, %get3A_716] {strides = array<i32>} : memref<16x1024xf32, #tpu.memory_space<vmem>>, vector<1x16xf32>,
      %get3A_718 = vector.shape_cast %get3A_717 : vector<1x16xf32> to vector<16xf32>
      %get3A_719 = arith.index_cast %scan3A_86 : i32 to index
      %get3A_720 = arith.constant 720 : index
      %get3A_721 = tpu.vector_load %arg9[%get3A_719, %get3A_720] {strides = array<i32>} : memref<16x1024xf32, #tpu.memory_space<vmem>>, vector<1x16xf32>,
      %get3A_722 = vector.shape_cast %get3A_721 : vector<1x16xf32> to vector<16xf32>
      %add3A_723 = arith.addf %get3A_718, %get3A_722 : vector<16xf32>
      %swap3A_724 = arith.index_cast %scan3A_86 : i32 to index
      %swap3A_725 = arith.constant 720 : index
      %swap3A_726 = tpu.vector_load %arg10[%swap3A_724, %swap3A_725] {strides = array<i32>} : memref<16x1024xf32, #tpu.memory_space<vmem>>, vector<1x16xf32>,
      %swap3A_727 = vector.shape_cast %swap3A_726 : vector<1x16xf32> to vector<16xf32>
      %swap3A_728 = vector.shape_cast %add3A_723 : vector<16xf32> to vector<1x16xf32>
      tpu.vector_store %arg10[%swap3A_724, %swap3A_725], %swap3A_728 {strides = array<i32>} : memref<16x1024xf32, #tpu.memory_space<vmem>>, vector<1x16xf32>,
      %get3A_729 = arith.index_cast %scan3A_86 : i32 to index
      %get3A_730 = arith.constant 736 : index
      %get3A_731 = tpu.vector_load %arg8[%get3A_729, %get3A_730] {strides = array<i32>} : memref<16x1024xf32, #tpu.memory_space<vmem>>, vector<1x16xf32>,
      %get3A_732 = vector.shape_cast %get3A_731 : vector<1x16xf32> to vector<16xf32>
      %get3A_733 = arith.index_cast %scan3A_86 : i32 to index
      %get3A_734 = arith.constant 736 : index
      %get3A_735 = tpu.vector_load %arg9[%get3A_733, %get3A_734] {strides = array<i32>} : memref<16x1024xf32, #tpu.memory_space<vmem>>, vector<1x16xf32>,
      %get3A_736 = vector.shape_cast %get3A_735 : vector<1x16xf32> to vector<16xf32>
      %add3A_737 = arith.addf %get3A_732, %get3A_736 : vector<16xf32>
      %swap3A_738 = arith.index_cast %scan3A_86 : i32 to index
      %swap3A_739 = arith.constant 736 : index
      %swap3A_740 = tpu.vector_load %arg10[%swap3A_738, %swap3A_739] {strides = array<i32>} : memref<16x1024xf32, #tpu.memory_space<vmem>>, vector<1x16xf32>,
      %swap3A_741 = vector.shape_cast %swap3A_740 : vector<1x16xf32> to vector<16xf32>
      %swap3A_742 = vector.shape_cast %add3A_737 : vector<16xf32> to vector<1x16xf32>
      tpu.vector_store %arg10[%swap3A_738, %swap3A_739], %swap3A_742 {strides = array<i32>} : memref<16x1024xf32, #tpu.memory_space<vmem>>, vector<1x16xf32>,
      %get3A_743 = arith.index_cast %scan3A_86 : i32 to index
      %get3A_744 = arith.constant 752 : index
      %get3A_745 = tpu.vector_load %arg8[%get3A_743, %get3A_744] {strides = array<i32>} : memref<16x1024xf32, #tpu.memory_space<vmem>>, vector<1x16xf32>,
      %get3A_746 = vector.shape_cast %get3A_745 : vector<1x16xf32> to vector<16xf32>
      %get3A_747 = arith.index_cast %scan3A_86 : i32 to index
      %get3A_748 = arith.constant 752 : index
      %get3A_749 = tpu.vector_load %arg9[%get3A_747, %get3A_748] {strides = array<i32>} : memref<16x1024xf32, #tpu.memory_space<vmem>>, vector<1x16xf32>,
      %get3A_750 = vector.shape_cast %get3A_749 : vector<1x16xf32> to vector<16xf32>
      %add3A_751 = arith.addf %get3A_746, %get3A_750 : vector<16xf32>
      %swap3A_752 = arith.index_cast %scan3A_86 : i32 to index
      %swap3A_753 = arith.constant 752 : index
      %swap3A_754 = tpu.vector_load %arg10[%swap3A_752, %swap3A_753] {strides = array<i32>} : memref<16x1024xf32, #tpu.memory_space<vmem>>, vector<1x16xf32>,
      %swap3A_755 = vector.shape_cast %swap3A_754 : vector<1x16xf32> to vector<16xf32>
      %swap3A_756 = vector.shape_cast %add3A_751 : vector<16xf32> to vector<1x16xf32>
      tpu.vector_store %arg10[%swap3A_752, %swap3A_753], %swap3A_756 {strides = array<i32>} : memref<16x1024xf32, #tpu.memory_space<vmem>>, vector<1x16xf32>,
      %get3A_757 = arith.index_cast %scan3A_86 : i32 to index
      %get3A_758 = arith.constant 768 : index
      %get3A_759 = tpu.vector_load %arg8[%get3A_757, %get3A_758] {strides = array<i32>} : memref<16x1024xf32, #tpu.memory_space<vmem>>, vector<1x16xf32>,
      %get3A_760 = vector.shape_cast %get3A_759 : vector<1x16xf32> to vector<16xf32>
      %get3A_761 = arith.index_cast %scan3A_86 : i32 to index
      %get3A_762 = arith.constant 768 : index
      %get3A_763 = tpu.vector_load %arg9[%get3A_761, %get3A_762] {strides = array<i32>} : memref<16x1024xf32, #tpu.memory_space<vmem>>, vector<1x16xf32>,
      %get3A_764 = vector.shape_cast %get3A_763 : vector<1x16xf32> to vector<16xf32>
      %add3A_765 = arith.addf %get3A_760, %get3A_764 : vector<16xf32>
      %swap3A_766 = arith.index_cast %scan3A_86 : i32 to index
      %swap3A_767 = arith.constant 768 : index
      %swap3A_768 = tpu.vector_load %arg10[%swap3A_766, %swap3A_767] {strides = array<i32>} : memref<16x1024xf32, #tpu.memory_space<vmem>>, vector<1x16xf32>,
      %swap3A_769 = vector.shape_cast %swap3A_768 : vector<1x16xf32> to vector<16xf32>
      %swap3A_770 = vector.shape_cast %add3A_765 : vector<16xf32> to vector<1x16xf32>
      tpu.vector_store %arg10[%swap3A_766, %swap3A_767], %swap3A_770 {strides = array<i32>} : memref<16x1024xf32, #tpu.memory_space<vmem>>, vector<1x16xf32>,
      %get3A_771 = arith.index_cast %scan3A_86 : i32 to index
      %get3A_772 = arith.constant 784 : index
      %get3A_773 = tpu.vector_load %arg8[%get3A_771, %get3A_772] {strides = array<i32>} : memref<16x1024xf32, #tpu.memory_space<vmem>>, vector<1x16xf32>,
      %get3A_774 = vector.shape_cast %get3A_773 : vector<1x16xf32> to vector<16xf32>
      %get3A_775 = arith.index_cast %scan3A_86 : i32 to index
      %get3A_776 = arith.constant 784 : index
      %get3A_777 = tpu.vector_load %arg9[%get3A_775, %get3A_776] {strides = array<i32>} : memref<16x1024xf32, #tpu.memory_space<vmem>>, vector<1x16xf32>,
      %get3A_778 = vector.shape_cast %get3A_777 : vector<1x16xf32> to vector<16xf32>
      %add3A_779 = arith.addf %get3A_774, %get3A_778 : vector<16xf32>
      %swap3A_780 = arith.index_cast %scan3A_86 : i32 to index
      %swap3A_781 = arith.constant 784 : index
      %swap3A_782 = tpu.vector_load %arg10[%swap3A_780, %swap3A_781] {strides = array<i32>} : memref<16x1024xf32, #tpu.memory_space<vmem>>, vector<1x16xf32>,
      %swap3A_783 = vector.shape_cast %swap3A_782 : vector<1x16xf32> to vector<16xf32>
      %swap3A_784 = vector.shape_cast %add3A_779 : vector<16xf32> to vector<1x16xf32>
      tpu.vector_store %arg10[%swap3A_780, %swap3A_781], %swap3A_784 {strides = array<i32>} : memref<16x1024xf32, #tpu.memory_space<vmem>>, vector<1x16xf32>,
      %get3A_785 = arith.index_cast %scan3A_86 : i32 to index
      %get3A_786 = arith.constant 800 : index
      %get3A_787 = tpu.vector_load %arg8[%get3A_785, %get3A_786] {strides = array<i32>} : memref<16x1024xf32, #tpu.memory_space<vmem>>, vector<1x16xf32>,
      %get3A_788 = vector.shape_cast %get3A_787 : vector<1x16xf32> to vector<16xf32>
      %get3A_789 = arith.index_cast %scan3A_86 : i32 to index
      %get3A_790 = arith.constant 800 : index
      %get3A_791 = tpu.vector_load %arg9[%get3A_789, %get3A_790] {strides = array<i32>} : memref<16x1024xf32, #tpu.memory_space<vmem>>, vector<1x16xf32>,
      %get3A_792 = vector.shape_cast %get3A_791 : vector<1x16xf32> to vector<16xf32>
      %add3A_793 = arith.addf %get3A_788, %get3A_792 : vector<16xf32>
      %swap3A_794 = arith.index_cast %scan3A_86 : i32 to index
      %swap3A_795 = arith.constant 800 : index
      %swap3A_796 = tpu.vector_load %arg10[%swap3A_794, %swap3A_795] {strides = array<i32>} : memref<16x1024xf32, #tpu.memory_space<vmem>>, vector<1x16xf32>,
      %swap3A_797 = vector.shape_cast %swap3A_796 : vector<1x16xf32> to vector<16xf32>
      %swap3A_798 = vector.shape_cast %add3A_793 : vector<16xf32> to vector<1x16xf32>
      tpu.vector_store %arg10[%swap3A_794, %swap3A_795], %swap3A_798 {strides = array<i32>} : memref<16x1024xf32, #tpu.memory_space<vmem>>, vector<1x16xf32>,
      %get3A_799 = arith.index_cast %scan3A_86 : i32 to index
      %get3A_800 = arith.constant 816 : index
      %get3A_801 = tpu.vector_load %arg8[%get3A_799, %get3A_800] {strides = array<i32>} : memref<16x1024xf32, #tpu.memory_space<vmem>>, vector<1x16xf32>,
      %get3A_802 = vector.shape_cast %get3A_801 : vector<1x16xf32> to vector<16xf32>
      %get3A_803 = arith.index_cast %scan3A_86 : i32 to index
      %get3A_804 = arith.constant 816 : index
      %get3A_805 = tpu.vector_load %arg9[%get3A_803, %get3A_804] {strides = array<i32>} : memref<16x1024xf32, #tpu.memory_space<vmem>>, vector<1x16xf32>,
      %get3A_806 = vector.shape_cast %get3A_805 : vector<1x16xf32> to vector<16xf32>
      %add3A_807 = arith.addf %get3A_802, %get3A_806 : vector<16xf32>
      %swap3A_808 = arith.index_cast %scan3A_86 : i32 to index
      %swap3A_809 = arith.constant 816 : index
      %swap3A_810 = tpu.vector_load %arg10[%swap3A_808, %swap3A_809] {strides = array<i32>} : memref<16x1024xf32, #tpu.memory_space<vmem>>, vector<1x16xf32>,
      %swap3A_811 = vector.shape_cast %swap3A_810 : vector<1x16xf32> to vector<16xf32>
      %swap3A_812 = vector.shape_cast %add3A_807 : vector<16xf32> to vector<1x16xf32>
      tpu.vector_store %arg10[%swap3A_808, %swap3A_809], %swap3A_812 {strides = array<i32>} : memref<16x1024xf32, #tpu.memory_space<vmem>>, vector<1x16xf32>,
      %get3A_813 = arith.index_cast %scan3A_86 : i32 to index
      %get3A_814 = arith.constant 832 : index
      %get3A_815 = tpu.vector_load %arg8[%get3A_813, %get3A_814] {strides = array<i32>} : memref<16x1024xf32, #tpu.memory_space<vmem>>, vector<1x16xf32>,
      %get3A_816 = vector.shape_cast %get3A_815 : vector<1x16xf32> to vector<16xf32>
      %get3A_817 = arith.index_cast %scan3A_86 : i32 to index
      %get3A_818 = arith.constant 832 : index
      %get3A_819 = tpu.vector_load %arg9[%get3A_817, %get3A_818] {strides = array<i32>} : memref<16x1024xf32, #tpu.memory_space<vmem>>, vector<1x16xf32>,
      %get3A_820 = vector.shape_cast %get3A_819 : vector<1x16xf32> to vector<16xf32>
      %add3A_821 = arith.addf %get3A_816, %get3A_820 : vector<16xf32>
      %swap3A_822 = arith.index_cast %scan3A_86 : i32 to index
      %swap3A_823 = arith.constant 832 : index
      %swap3A_824 = tpu.vector_load %arg10[%swap3A_822, %swap3A_823] {strides = array<i32>} : memref<16x1024xf32, #tpu.memory_space<vmem>>, vector<1x16xf32>,
      %swap3A_825 = vector.shape_cast %swap3A_824 : vector<1x16xf32> to vector<16xf32>
      %swap3A_826 = vector.shape_cast %add3A_821 : vector<16xf32> to vector<1x16xf32>
      tpu.vector_store %arg10[%swap3A_822, %swap3A_823], %swap3A_826 {strides = array<i32>} : memref<16x1024xf32, #tpu.memory_space<vmem>>, vector<1x16xf32>,
      %get3A_827 = arith.index_cast %scan3A_86 : i32 to index
      %get3A_828 = arith.constant 848 : index
      %get3A_829 = tpu.vector_load %arg8[%get3A_827, %get3A_828] {strides = array<i32>} : memref<16x1024xf32, #tpu.memory_space<vmem>>, vector<1x16xf32>,
      %get3A_830 = vector.shape_cast %get3A_829 : vector<1x16xf32> to vector<16xf32>
      %get3A_831 = arith.index_cast %scan3A_86 : i32 to index
      %get3A_832 = arith.constant 848 : index
      %get3A_833 = tpu.vector_load %arg9[%get3A_831, %get3A_832] {strides = array<i32>} : memref<16x1024xf32, #tpu.memory_space<vmem>>, vector<1x16xf32>,
      %get3A_834 = vector.shape_cast %get3A_833 : vector<1x16xf32> to vector<16xf32>
      %add3A_835 = arith.addf %get3A_830, %get3A_834 : vector<16xf32>
      %swap3A_836 = arith.index_cast %scan3A_86 : i32 to index
      %swap3A_837 = arith.constant 848 : index
      %swap3A_838 = tpu.vector_load %arg10[%swap3A_836, %swap3A_837] {strides = array<i32>} : memref<16x1024xf32, #tpu.memory_space<vmem>>, vector<1x16xf32>,
      %swap3A_839 = vector.shape_cast %swap3A_838 : vector<1x16xf32> to vector<16xf32>
      %swap3A_840 = vector.shape_cast %add3A_835 : vector<16xf32> to vector<1x16xf32>
      tpu.vector_store %arg10[%swap3A_836, %swap3A_837], %swap3A_840 {strides = array<i32>} : memref<16x1024xf32, #tpu.memory_space<vmem>>, vector<1x16xf32>,
      %get3A_841 = arith.index_cast %scan3A_86 : i32 to index
      %get3A_842 = arith.constant 864 : index
      %get3A_843 = tpu.vector_load %arg8[%get3A_841, %get3A_842] {strides = array<i32>} : memref<16x1024xf32, #tpu.memory_space<vmem>>, vector<1x16xf32>,
      %get3A_844 = vector.shape_cast %get3A_843 : vector<1x16xf32> to vector<16xf32>
      %get3A_845 = arith.index_cast %scan3A_86 : i32 to index
      %get3A_846 = arith.constant 864 : index
      %get3A_847 = tpu.vector_load %arg9[%get3A_845, %get3A_846] {strides = array<i32>} : memref<16x1024xf32, #tpu.memory_space<vmem>>, vector<1x16xf32>,
      %get3A_848 = vector.shape_cast %get3A_847 : vector<1x16xf32> to vector<16xf32>
      %add3A_849 = arith.addf %get3A_844, %get3A_848 : vector<16xf32>
      %swap3A_850 = arith.index_cast %scan3A_86 : i32 to index
      %swap3A_851 = arith.constant 864 : index
      %swap3A_852 = tpu.vector_load %arg10[%swap3A_850, %swap3A_851] {strides = array<i32>} : memref<16x1024xf32, #tpu.memory_space<vmem>>, vector<1x16xf32>,
      %swap3A_853 = vector.shape_cast %swap3A_852 : vector<1x16xf32> to vector<16xf32>
      %swap3A_854 = vector.shape_cast %add3A_849 : vector<16xf32> to vector<1x16xf32>
      tpu.vector_store %arg10[%swap3A_850, %swap3A_851], %swap3A_854 {strides = array<i32>} : memref<16x1024xf32, #tpu.memory_space<vmem>>, vector<1x16xf32>,
      %get3A_855 = arith.index_cast %scan3A_86 : i32 to index
      %get3A_856 = arith.constant 880 : index
      %get3A_857 = tpu.vector_load %arg8[%get3A_855, %get3A_856] {strides = array<i32>} : memref<16x1024xf32, #tpu.memory_space<vmem>>, vector<1x16xf32>,
      %get3A_858 = vector.shape_cast %get3A_857 : vector<1x16xf32> to vector<16xf32>
      %get3A_859 = arith.index_cast %scan3A_86 : i32 to index
      %get3A_860 = arith.constant 880 : index
      %get3A_861 = tpu.vector_load %arg9[%get3A_859, %get3A_860] {strides = array<i32>} : memref<16x1024xf32, #tpu.memory_space<vmem>>, vector<1x16xf32>,
      %get3A_862 = vector.shape_cast %get3A_861 : vector<1x16xf32> to vector<16xf32>
      %add3A_863 = arith.addf %get3A_858, %get3A_862 : vector<16xf32>
      %swap3A_864 = arith.index_cast %scan3A_86 : i32 to index
      %swap3A_865 = arith.constant 880 : index
      %swap3A_866 = tpu.vector_load %arg10[%swap3A_864, %swap3A_865] {strides = array<i32>} : memref<16x1024xf32, #tpu.memory_space<vmem>>, vector<1x16xf32>,
      %swap3A_867 = vector.shape_cast %swap3A_866 : vector<1x16xf32> to vector<16xf32>
      %swap3A_868 = vector.shape_cast %add3A_863 : vector<16xf32> to vector<1x16xf32>
      tpu.vector_store %arg10[%swap3A_864, %swap3A_865], %swap3A_868 {strides = array<i32>} : memref<16x1024xf32, #tpu.memory_space<vmem>>, vector<1x16xf32>,
      %get3A_869 = arith.index_cast %scan3A_86 : i32 to index
      %get3A_870 = arith.constant 896 : index
      %get3A_871 = tpu.vector_load %arg8[%get3A_869, %get3A_870] {strides = array<i32>} : memref<16x1024xf32, #tpu.memory_space<vmem>>, vector<1x16xf32>,
      %get3A_872 = vector.shape_cast %get3A_871 : vector<1x16xf32> to vector<16xf32>
      %get3A_873 = arith.index_cast %scan3A_86 : i32 to index
      %get3A_874 = arith.constant 896 : index
      %get3A_875 = tpu.vector_load %arg9[%get3A_873, %get3A_874] {strides = array<i32>} : memref<16x1024xf32, #tpu.memory_space<vmem>>, vector<1x16xf32>,
      %get3A_876 = vector.shape_cast %get3A_875 : vector<1x16xf32> to vector<16xf32>
      %add3A_877 = arith.addf %get3A_872, %get3A_876 : vector<16xf32>
      %swap3A_878 = arith.index_cast %scan3A_86 : i32 to index
      %swap3A_879 = arith.constant 896 : index
      %swap3A_880 = tpu.vector_load %arg10[%swap3A_878, %swap3A_879] {strides = array<i32>} : memref<16x1024xf32, #tpu.memory_space<vmem>>, vector<1x16xf32>,
      %swap3A_881 = vector.shape_cast %swap3A_880 : vector<1x16xf32> to vector<16xf32>
      %swap3A_882 = vector.shape_cast %add3A_877 : vector<16xf32> to vector<1x16xf32>
      tpu.vector_store %arg10[%swap3A_878, %swap3A_879], %swap3A_882 {strides = array<i32>} : memref<16x1024xf32, #tpu.memory_space<vmem>>, vector<1x16xf32>,
      %get3A_883 = arith.index_cast %scan3A_86 : i32 to index
      %get3A_884 = arith.constant 912 : index
      %get3A_885 = tpu.vector_load %arg8[%get3A_883, %get3A_884] {strides = array<i32>} : memref<16x1024xf32, #tpu.memory_space<vmem>>, vector<1x16xf32>,
      %get3A_886 = vector.shape_cast %get3A_885 : vector<1x16xf32> to vector<16xf32>
      %get3A_887 = arith.index_cast %scan3A_86 : i32 to index
      %get3A_888 = arith.constant 912 : index
      %get3A_889 = tpu.vector_load %arg9[%get3A_887, %get3A_888] {strides = array<i32>} : memref<16x1024xf32, #tpu.memory_space<vmem>>, vector<1x16xf32>,
      %get3A_890 = vector.shape_cast %get3A_889 : vector<1x16xf32> to vector<16xf32>
      %add3A_891 = arith.addf %get3A_886, %get3A_890 : vector<16xf32>
      %swap3A_892 = arith.index_cast %scan3A_86 : i32 to index
      %swap3A_893 = arith.constant 912 : index
      %swap3A_894 = tpu.vector_load %arg10[%swap3A_892, %swap3A_893] {strides = array<i32>} : memref<16x1024xf32, #tpu.memory_space<vmem>>, vector<1x16xf32>,
      %swap3A_895 = vector.shape_cast %swap3A_894 : vector<1x16xf32> to vector<16xf32>
      %swap3A_896 = vector.shape_cast %add3A_891 : vector<16xf32> to vector<1x16xf32>
      tpu.vector_store %arg10[%swap3A_892, %swap3A_893], %swap3A_896 {strides = array<i32>} : memref<16x1024xf32, #tpu.memory_space<vmem>>, vector<1x16xf32>,
      %get3A_897 = arith.index_cast %scan3A_86 : i32 to index
      %get3A_898 = arith.constant 928 : index
      %get3A_899 = tpu.vector_load %arg8[%get3A_897, %get3A_898] {strides = array<i32>} : memref<16x1024xf32, #tpu.memory_space<vmem>>, vector<1x16xf32>,
      %get3A_900 = vector.shape_cast %get3A_899 : vector<1x16xf32> to vector<16xf32>
      %get3A_901 = arith.index_cast %scan3A_86 : i32 to index
      %get3A_902 = arith.constant 928 : index
      %get3A_903 = tpu.vector_load %arg9[%get3A_901, %get3A_902] {strides = array<i32>} : memref<16x1024xf32, #tpu.memory_space<vmem>>, vector<1x16xf32>,
      %get3A_904 = vector.shape_cast %get3A_903 : vector<1x16xf32> to vector<16xf32>
      %add3A_905 = arith.addf %get3A_900, %get3A_904 : vector<16xf32>
      %swap3A_906 = arith.index_cast %scan3A_86 : i32 to index
      %swap3A_907 = arith.constant 928 : index
      %swap3A_908 = tpu.vector_load %arg10[%swap3A_906, %swap3A_907] {strides = array<i32>} : memref<16x1024xf32, #tpu.memory_space<vmem>>, vector<1x16xf32>,
      %swap3A_909 = vector.shape_cast %swap3A_908 : vector<1x16xf32> to vector<16xf32>
      %swap3A_910 = vector.shape_cast %add3A_905 : vector<16xf32> to vector<1x16xf32>
      tpu.vector_store %arg10[%swap3A_906, %swap3A_907], %swap3A_910 {strides = array<i32>} : memref<16x1024xf32, #tpu.memory_space<vmem>>, vector<1x16xf32>,
      %get3A_911 = arith.index_cast %scan3A_86 : i32 to index
      %get3A_912 = arith.constant 944 : index
      %get3A_913 = tpu.vector_load %arg8[%get3A_911, %get3A_912] {strides = array<i32>} : memref<16x1024xf32, #tpu.memory_space<vmem>>, vector<1x16xf32>,
      %get3A_914 = vector.shape_cast %get3A_913 : vector<1x16xf32> to vector<16xf32>
      %get3A_915 = arith.index_cast %scan3A_86 : i32 to index
      %get3A_916 = arith.constant 944 : index
      %get3A_917 = tpu.vector_load %arg9[%get3A_915, %get3A_916] {strides = array<i32>} : memref<16x1024xf32, #tpu.memory_space<vmem>>, vector<1x16xf32>,
      %get3A_918 = vector.shape_cast %get3A_917 : vector<1x16xf32> to vector<16xf32>
      %add3A_919 = arith.addf %get3A_914, %get3A_918 : vector<16xf32>
      %swap3A_920 = arith.index_cast %scan3A_86 : i32 to index
      %swap3A_921 = arith.constant 944 : index
      %swap3A_922 = tpu.vector_load %arg10[%swap3A_920, %swap3A_921] {strides = array<i32>} : memref<16x1024xf32, #tpu.memory_space<vmem>>, vector<1x16xf32>,
      %swap3A_923 = vector.shape_cast %swap3A_922 : vector<1x16xf32> to vector<16xf32>
      %swap3A_924 = vector.shape_cast %add3A_919 : vector<16xf32> to vector<1x16xf32>
      tpu.vector_store %arg10[%swap3A_920, %swap3A_921], %swap3A_924 {strides = array<i32>} : memref<16x1024xf32, #tpu.memory_space<vmem>>, vector<1x16xf32>,
      %get3A_925 = arith.index_cast %scan3A_86 : i32 to index
      %get3A_926 = arith.constant 960 : index
      %get3A_927 = tpu.vector_load %arg8[%get3A_925, %get3A_926] {strides = array<i32>} : memref<16x1024xf32, #tpu.memory_space<vmem>>, vector<1x16xf32>,
      %get3A_928 = vector.shape_cast %get3A_927 : vector<1x16xf32> to vector<16xf32>
      %get3A_929 = arith.index_cast %scan3A_86 : i32 to index
      %get3A_930 = arith.constant 960 : index
      %get3A_931 = tpu.vector_load %arg9[%get3A_929, %get3A_930] {strides = array<i32>} : memref<16x1024xf32, #tpu.memory_space<vmem>>, vector<1x16xf32>,
      %get3A_932 = vector.shape_cast %get3A_931 : vector<1x16xf32> to vector<16xf32>
      %add3A_933 = arith.addf %get3A_928, %get3A_932 : vector<16xf32>
      %swap3A_934 = arith.index_cast %scan3A_86 : i32 to index
      %swap3A_935 = arith.constant 960 : index
      %swap3A_936 = tpu.vector_load %arg10[%swap3A_934, %swap3A_935] {strides = array<i32>} : memref<16x1024xf32, #tpu.memory_space<vmem>>, vector<1x16xf32>,
      %swap3A_937 = vector.shape_cast %swap3A_936 : vector<1x16xf32> to vector<16xf32>
      %swap3A_938 = vector.shape_cast %add3A_933 : vector<16xf32> to vector<1x16xf32>
      tpu.vector_store %arg10[%swap3A_934, %swap3A_935], %swap3A_938 {strides = array<i32>} : memref<16x1024xf32, #tpu.memory_space<vmem>>, vector<1x16xf32>,
      %get3A_939 = arith.index_cast %scan3A_86 : i32 to index
      %get3A_940 = arith.constant 976 : index
      %get3A_941 = tpu.vector_load %arg8[%get3A_939, %get3A_940] {strides = array<i32>} : memref<16x1024xf32, #tpu.memory_space<vmem>>, vector<1x16xf32>,
      %get3A_942 = vector.shape_cast %get3A_941 : vector<1x16xf32> to vector<16xf32>
      %get3A_943 = arith.index_cast %scan3A_86 : i32 to index
      %get3A_944 = arith.constant 976 : index
      %get3A_945 = tpu.vector_load %arg9[%get3A_943, %get3A_944] {strides = array<i32>} : memref<16x1024xf32, #tpu.memory_space<vmem>>, vector<1x16xf32>,
      %get3A_946 = vector.shape_cast %get3A_945 : vector<1x16xf32> to vector<16xf32>
      %add3A_947 = arith.addf %get3A_942, %get3A_946 : vector<16xf32>
      %swap3A_948 = arith.index_cast %scan3A_86 : i32 to index
      %swap3A_949 = arith.constant 976 : index
      %swap3A_950 = tpu.vector_load %arg10[%swap3A_948, %swap3A_949] {strides = array<i32>} : memref<16x1024xf32, #tpu.memory_space<vmem>>, vector<1x16xf32>,
      %swap3A_951 = vector.shape_cast %swap3A_950 : vector<1x16xf32> to vector<16xf32>
      %swap3A_952 = vector.shape_cast %add3A_947 : vector<16xf32> to vector<1x16xf32>
      tpu.vector_store %arg10[%swap3A_948, %swap3A_949], %swap3A_952 {strides = array<i32>} : memref<16x1024xf32, #tpu.memory_space<vmem>>, vector<1x16xf32>,
      %get3A_953 = arith.index_cast %scan3A_86 : i32 to index
      %get3A_954 = arith.constant 992 : index
      %get3A_955 = tpu.vector_load %arg8[%get3A_953, %get3A_954] {strides = array<i32>} : memref<16x1024xf32, #tpu.memory_space<vmem>>, vector<1x16xf32>,
      %get3A_956 = vector.shape_cast %get3A_955 : vector<1x16xf32> to vector<16xf32>
      %get3A_957 = arith.index_cast %scan3A_86 : i32 to index
      %get3A_958 = arith.constant 992 : index
      %get3A_959 = tpu.vector_load %arg9[%get3A_957, %get3A_958] {strides = array<i32>} : memref<16x1024xf32, #tpu.memory_space<vmem>>, vector<1x16xf32>,
      %get3A_960 = vector.shape_cast %get3A_959 : vector<1x16xf32> to vector<16xf32>
      %add3A_961 = arith.addf %get3A_956, %get3A_960 : vector<16xf32>
      %swap3A_962 = arith.index_cast %scan3A_86 : i32 to index
      %swap3A_963 = arith.constant 992 : index
      %swap3A_964 = tpu.vector_load %arg10[%swap3A_962, %swap3A_963] {strides = array<i32>} : memref<16x1024xf32, #tpu.memory_space<vmem>>, vector<1x16xf32>,
      %swap3A_965 = vector.shape_cast %swap3A_964 : vector<1x16xf32> to vector<16xf32>
      %swap3A_966 = vector.shape_cast %add3A_961 : vector<16xf32> to vector<1x16xf32>
      tpu.vector_store %arg10[%swap3A_962, %swap3A_963], %swap3A_966 {strides = array<i32>} : memref<16x1024xf32, #tpu.memory_space<vmem>>, vector<1x16xf32>,
      %get3A_967 = arith.index_cast %scan3A_86 : i32 to index
      %get3A_968 = arith.constant 1008 : index
      %get3A_969 = tpu.vector_load %arg8[%get3A_967, %get3A_968] {strides = array<i32>} : memref<16x1024xf32, #tpu.memory_space<vmem>>, vector<1x16xf32>,
      %get3A_970 = vector.shape_cast %get3A_969 : vector<1x16xf32> to vector<16xf32>
      %get3A_971 = arith.index_cast %scan3A_86 : i32 to index
      %get3A_972 = arith.constant 1008 : index
      %get3A_973 = tpu.vector_load %arg9[%get3A_971, %get3A_972] {strides = array<i32>} : memref<16x1024xf32, #tpu.memory_space<vmem>>, vector<1x16xf32>,
      %get3A_974 = vector.shape_cast %get3A_973 : vector<1x16xf32> to vector<16xf32>
      %add3A_975 = arith.addf %get3A_970, %get3A_974 : vector<16xf32>
      %swap3A_976 = arith.index_cast %scan3A_86 : i32 to index
      %swap3A_977 = arith.constant 1008 : index
      %swap3A_978 = tpu.vector_load %arg10[%swap3A_976, %swap3A_977] {strides = array<i32>} : memref<16x1024xf32, #tpu.memory_space<vmem>>, vector<1x16xf32>,
      %swap3A_979 = vector.shape_cast %swap3A_978 : vector<1x16xf32> to vector<16xf32>
      %swap3A_980 = vector.shape_cast %add3A_975 : vector<16xf32> to vector<1x16xf32>
      tpu.vector_store %arg10[%swap3A_976, %swap3A_977], %swap3A_980 {strides = array<i32>} : memref<16x1024xf32, #tpu.memory_space<vmem>>, vector<1x16xf32>,
    }
    %scan3A_63 = arith.constant 16 : i32
    "tpu.region"() ({
      %run_scoped3A = tpu.sem_alloc : memref<!tpu.dma_semaphore, #tpu.memory_space<semaphore_mem>>
      %dma_start3A_86 = arith.constant 0 : i32
      %dma_start3A_87 = tpu.memref_slice %arg5[%add3A_45, %dma_start3A_86] : memref<2048x1024xf32, #tpu.memory_space<hbm>> -> memref<16x1024xf32, #tpu.memory_space<hbm>>
      %dma_start3A_88 = arith.constant 0 : i32
      %dma_start3A_89 = tpu.memref_slice %arg5[%add3A_45, %dma_start3A_88] : memref<2048x1024xf32, #tpu.memory_space<hbm>> -> memref<16x1024xf32, #tpu.memory_space<hbm>>
      tpu.enqueue_dma source(%arg10 : memref<16x1024xf32, #tpu.memory_space<vmem>>) target(%dma_start3A_89 : memref<16x1024xf32, #tpu.memory_space<hbm>>) target_semaphore(%run_scoped3A : memref<!tpu.dma_semaphore, #tpu.memory_space<semaphore_mem>>)
      %dma_wait3A_90 = arith.constant 0 : i32
      %dma_wait3A_91 = tpu.memref_slice %arg5[%add3A_45, %dma_wait3A_90] : memref<2048x1024xf32, #tpu.memory_space<hbm>> -> memref<16x1024xf32, #tpu.memory_space<hbm>>
      %dma_wait3A_92 = arith.constant 0 : i32
      %dma_wait3A_93 = tpu.memref_slice %arg5[%add3A_45, %dma_wait3A_92] : memref<2048x1024xf32, #tpu.memory_space<hbm>> -> memref<16x1024xf32, #tpu.memory_space<hbm>>
      tpu.wait_dma2 semaphore(%run_scoped3A : memref<!tpu.dma_semaphore, #tpu.memory_space<semaphore_mem>>) src(%arg10 : memref<16x1024xf32, #tpu.memory_space<vmem>>) dst(%dma_wait3A_93 : memref<16x1024xf32, #tpu.memory_space<hbm>>)
      tpu.yield
    }) : () -> ()
    %mul3A_64 = arith.constant 64 : i32
    %mul3A_65 = arith.muli %add3A, %mul3A_64 : i32
    %add3A_66 = arith.constant 48 : i32
    %add3A_67 = arith.addi %mul3A_65, %add3A_66 : i32
    "tpu.region"() ({
      %run_scoped3A = tpu.sem_alloc : memref<!tpu.dma_semaphore, #tpu.memory_space<semaphore_mem>>
      %dma_start3A_86 = tpu.memref_slice %arg3[%add3A_67] : memref<2048xi32, #tpu.memory_space<hbm>> -> memref<16xi32, #tpu.memory_space<hbm>>
      %dma_start3A_87 = tpu.memref_slice %arg3[%add3A_67] : memref<2048xi32, #tpu.memory_space<hbm>> -> memref<16xi32, #tpu.memory_space<hbm>>
      tpu.enqueue_dma source(%dma_start3A_87 : memref<16xi32, #tpu.memory_space<hbm>>) target(%arg6 : memref<16xi32, #tpu.memory_space<vmem>>) target_semaphore(%run_scoped3A : memref<!tpu.dma_semaphore, #tpu.memory_space<semaphore_mem>>)
      %dma_wait3A_88 = tpu.memref_slice %arg3[%add3A_67] : memref<2048xi32, #tpu.memory_space<hbm>> -> memref<16xi32, #tpu.memory_space<hbm>>
      %dma_wait3A_89 = tpu.memref_slice %arg3[%add3A_67] : memref<2048xi32, #tpu.memory_space<hbm>> -> memref<16xi32, #tpu.memory_space<hbm>>
      tpu.wait_dma2 semaphore(%run_scoped3A : memref<!tpu.dma_semaphore, #tpu.memory_space<semaphore_mem>>) src(%dma_wait3A_89 : memref<16xi32, #tpu.memory_space<hbm>>) dst(%arg6 : memref<16xi32, #tpu.memory_space<vmem>>)
      tpu.yield
    }) : () -> ()
    "tpu.region"() ({
      %run_scoped3A = tpu.sem_alloc : memref<!tpu.dma_semaphore, #tpu.memory_space<semaphore_mem>>
      %dma_start3A_86 = tpu.memref_slice %arg4[%add3A_67] : memref<2048xi32, #tpu.memory_space<hbm>> -> memref<16xi32, #tpu.memory_space<hbm>>
      %dma_start3A_87 = tpu.memref_slice %arg4[%add3A_67] : memref<2048xi32, #tpu.memory_space<hbm>> -> memref<16xi32, #tpu.memory_space<hbm>>
      tpu.enqueue_dma source(%dma_start3A_87 : memref<16xi32, #tpu.memory_space<hbm>>) target(%arg7 : memref<16xi32, #tpu.memory_space<vmem>>) target_semaphore(%run_scoped3A : memref<!tpu.dma_semaphore, #tpu.memory_space<semaphore_mem>>)
      %dma_wait3A_88 = tpu.memref_slice %arg4[%add3A_67] : memref<2048xi32, #tpu.memory_space<hbm>> -> memref<16xi32, #tpu.memory_space<hbm>>
      %dma_wait3A_89 = tpu.memref_slice %arg4[%add3A_67] : memref<2048xi32, #tpu.memory_space<hbm>> -> memref<16xi32, #tpu.memory_space<hbm>>
      tpu.wait_dma2 semaphore(%run_scoped3A : memref<!tpu.dma_semaphore, #tpu.memory_space<semaphore_mem>>) src(%dma_wait3A_89 : memref<16xi32, #tpu.memory_space<hbm>>) dst(%arg7 : memref<16xi32, #tpu.memory_space<vmem>>)
      tpu.yield
    }) : () -> ()
    %dma_start3A_68 = arith.constant 0 : i32
    %dma_start3A_69 = arith.constant 0 : i32
    %dma_start3A_70 = tpu.memref_slice %arg2[%dma_start3A_68, %dma_start3A_69] : memref<5120x1024xf32, #tpu.memory_space<hbm>> -> memref<5120x1024xf32, #tpu.memory_space<hbm>>
    tpu.enqueue_indirect_dma source(%dma_start3A_70 : memref<5120x1024xf32, #tpu.memory_space<hbm>>) target(%arg8 : memref<16x1024xf32, #tpu.memory_space<vmem>>) offsets(%arg6 : memref<16xi32, #tpu.memory_space<vmem>>) semaphore(%arg11 : memref<!tpu.dma_semaphore, #tpu.memory_space<semaphore_mem>>)
    %dma_wait3A_71 = arith.constant 0 : i32
    %dma_wait3A_72 = arith.constant 0 : i32
    %dma_wait3A_73 = tpu.memref_slice %arg2[%dma_wait3A_71, %dma_wait3A_72] : memref<5120x1024xf32, #tpu.memory_space<hbm>> -> memref<5120x1024xf32, #tpu.memory_space<hbm>>
    tpu.wait_indirect_dma semaphore(%arg11 : memref<!tpu.dma_semaphore, #tpu.memory_space<semaphore_mem>>) src(%dma_wait3A_73 : memref<5120x1024xf32, #tpu.memory_space<hbm>>) dst(%arg8 : memref<16x1024xf32, #tpu.memory_space<vmem>>)
    %dma_start3A_74 = arith.constant 0 : i32
    %dma_start3A_75 = arith.constant 0 : i32
    %dma_start3A_76 = tpu.memref_slice %arg2[%dma_start3A_74, %dma_start3A_75] : memref<5120x1024xf32, #tpu.memory_space<hbm>> -> memref<5120x1024xf32, #tpu.memory_space<hbm>>
    tpu.enqueue_indirect_dma source(%dma_start3A_76 : memref<5120x1024xf32, #tpu.memory_space<hbm>>) target(%arg9 : memref<16x1024xf32, #tpu.memory_space<vmem>>) offsets(%arg7 : memref<16xi32, #tpu.memory_space<vmem>>) semaphore(%arg11 : memref<!tpu.dma_semaphore, #tpu.memory_space<semaphore_mem>>)
    %dma_wait3A_77 = arith.constant 0 : i32
    %dma_wait3A_78 = arith.constant 0 : i32
    %dma_wait3A_79 = tpu.memref_slice %arg2[%dma_wait3A_77, %dma_wait3A_78] : memref<5120x1024xf32, #tpu.memory_space<hbm>> -> memref<5120x1024xf32, #tpu.memory_space<hbm>>
    tpu.wait_indirect_dma semaphore(%arg11 : memref<!tpu.dma_semaphore, #tpu.memory_space<semaphore_mem>>) src(%dma_wait3A_79 : memref<5120x1024xf32, #tpu.memory_space<hbm>>) dst(%arg9 : memref<16x1024xf32, #tpu.memory_space<vmem>>)
    %scan3A_80 = arith.constant 0 : i32
    %scan3A_81 = arith.constant 0 : i32
    %scan3A_82 = arith.constant 16 : i32
    %scan3A_83 = arith.addi %scan3A_81, %scan3A_82 : i32
    %scan3A_84 = arith.constant 1 : i32
    scf.for %scan3A_86 = %scan3A_81 to %scan3A_83 step %scan3A_84  : i32 {
      %get3A = arith.index_cast %scan3A_86 : i32 to index
      %get3A_87 = arith.constant 0 : index
      %get3A_88 = tpu.vector_load %arg8[%get3A, %get3A_87] {strides = array<i32>} : memref<16x1024xf32, #tpu.memory_space<vmem>>, vector<1x16xf32>,
      %get3A_89 = vector.shape_cast %get3A_88 : vector<1x16xf32> to vector<16xf32>
      %get3A_90 = arith.index_cast %scan3A_86 : i32 to index
      %get3A_91 = arith.constant 0 : index
      %get3A_92 = tpu.vector_load %arg9[%get3A_90, %get3A_91] {strides = array<i32>} : memref<16x1024xf32, #tpu.memory_space<vmem>>, vector<1x16xf32>,
      %get3A_93 = vector.shape_cast %get3A_92 : vector<1x16xf32> to vector<16xf32>
      %add3A_94 = arith.addf %get3A_89, %get3A_93 : vector<16xf32>
      %swap3A = arith.index_cast %scan3A_86 : i32 to index
      %swap3A_95 = arith.constant 0 : index
      %swap3A_96 = tpu.vector_load %arg10[%swap3A, %swap3A_95] {strides = array<i32>} : memref<16x1024xf32, #tpu.memory_space<vmem>>, vector<1x16xf32>,
      %swap3A_97 = vector.shape_cast %swap3A_96 : vector<1x16xf32> to vector<16xf32>
      %swap3A_98 = vector.shape_cast %add3A_94 : vector<16xf32> to vector<1x16xf32>
      tpu.vector_store %arg10[%swap3A, %swap3A_95], %swap3A_98 {strides = array<i32>} : memref<16x1024xf32, #tpu.memory_space<vmem>>, vector<1x16xf32>,
      %get3A_99 = arith.index_cast %scan3A_86 : i32 to index
      %get3A_100 = arith.constant 16 : index
      %get3A_101 = tpu.vector_load %arg8[%get3A_99, %get3A_100] {strides = array<i32>} : memref<16x1024xf32, #tpu.memory_space<vmem>>, vector<1x16xf32>,
      %get3A_102 = vector.shape_cast %get3A_101 : vector<1x16xf32> to vector<16xf32>
      %get3A_103 = arith.index_cast %scan3A_86 : i32 to index
      %get3A_104 = arith.constant 16 : index
      %get3A_105 = tpu.vector_load %arg9[%get3A_103, %get3A_104] {strides = array<i32>} : memref<16x1024xf32, #tpu.memory_space<vmem>>, vector<1x16xf32>,
      %get3A_106 = vector.shape_cast %get3A_105 : vector<1x16xf32> to vector<16xf32>
      %add3A_107 = arith.addf %get3A_102, %get3A_106 : vector<16xf32>
      %swap3A_108 = arith.index_cast %scan3A_86 : i32 to index
      %swap3A_109 = arith.constant 16 : index
      %swap3A_110 = tpu.vector_load %arg10[%swap3A_108, %swap3A_109] {strides = array<i32>} : memref<16x1024xf32, #tpu.memory_space<vmem>>, vector<1x16xf32>,
      %swap3A_111 = vector.shape_cast %swap3A_110 : vector<1x16xf32> to vector<16xf32>
      %swap3A_112 = vector.shape_cast %add3A_107 : vector<16xf32> to vector<1x16xf32>
      tpu.vector_store %arg10[%swap3A_108, %swap3A_109], %swap3A_112 {strides = array<i32>} : memref<16x1024xf32, #tpu.memory_space<vmem>>, vector<1x16xf32>,
      %get3A_113 = arith.index_cast %scan3A_86 : i32 to index
      %get3A_114 = arith.constant 32 : index
      %get3A_115 = tpu.vector_load %arg8[%get3A_113, %get3A_114] {strides = array<i32>} : memref<16x1024xf32, #tpu.memory_space<vmem>>, vector<1x16xf32>,
      %get3A_116 = vector.shape_cast %get3A_115 : vector<1x16xf32> to vector<16xf32>
      %get3A_117 = arith.index_cast %scan3A_86 : i32 to index
      %get3A_118 = arith.constant 32 : index
      %get3A_119 = tpu.vector_load %arg9[%get3A_117, %get3A_118] {strides = array<i32>} : memref<16x1024xf32, #tpu.memory_space<vmem>>, vector<1x16xf32>,
      %get3A_120 = vector.shape_cast %get3A_119 : vector<1x16xf32> to vector<16xf32>
      %add3A_121 = arith.addf %get3A_116, %get3A_120 : vector<16xf32>
      %swap3A_122 = arith.index_cast %scan3A_86 : i32 to index
      %swap3A_123 = arith.constant 32 : index
      %swap3A_124 = tpu.vector_load %arg10[%swap3A_122, %swap3A_123] {strides = array<i32>} : memref<16x1024xf32, #tpu.memory_space<vmem>>, vector<1x16xf32>,
      %swap3A_125 = vector.shape_cast %swap3A_124 : vector<1x16xf32> to vector<16xf32>
      %swap3A_126 = vector.shape_cast %add3A_121 : vector<16xf32> to vector<1x16xf32>
      tpu.vector_store %arg10[%swap3A_122, %swap3A_123], %swap3A_126 {strides = array<i32>} : memref<16x1024xf32, #tpu.memory_space<vmem>>, vector<1x16xf32>,
      %get3A_127 = arith.index_cast %scan3A_86 : i32 to index
      %get3A_128 = arith.constant 48 : index
      %get3A_129 = tpu.vector_load %arg8[%get3A_127, %get3A_128] {strides = array<i32>} : memref<16x1024xf32, #tpu.memory_space<vmem>>, vector<1x16xf32>,
      %get3A_130 = vector.shape_cast %get3A_129 : vector<1x16xf32> to vector<16xf32>
      %get3A_131 = arith.index_cast %scan3A_86 : i32 to index
      %get3A_132 = arith.constant 48 : index
      %get3A_133 = tpu.vector_load %arg9[%get3A_131, %get3A_132] {strides = array<i32>} : memref<16x1024xf32, #tpu.memory_space<vmem>>, vector<1x16xf32>,
      %get3A_134 = vector.shape_cast %get3A_133 : vector<1x16xf32> to vector<16xf32>
      %add3A_135 = arith.addf %get3A_130, %get3A_134 : vector<16xf32>
      %swap3A_136 = arith.index_cast %scan3A_86 : i32 to index
      %swap3A_137 = arith.constant 48 : index
      %swap3A_138 = tpu.vector_load %arg10[%swap3A_136, %swap3A_137] {strides = array<i32>} : memref<16x1024xf32, #tpu.memory_space<vmem>>, vector<1x16xf32>,
      %swap3A_139 = vector.shape_cast %swap3A_138 : vector<1x16xf32> to vector<16xf32>
      %swap3A_140 = vector.shape_cast %add3A_135 : vector<16xf32> to vector<1x16xf32>
      tpu.vector_store %arg10[%swap3A_136, %swap3A_137], %swap3A_140 {strides = array<i32>} : memref<16x1024xf32, #tpu.memory_space<vmem>>, vector<1x16xf32>,
      %get3A_141 = arith.index_cast %scan3A_86 : i32 to index
      %get3A_142 = arith.constant 64 : index
      %get3A_143 = tpu.vector_load %arg8[%get3A_141, %get3A_142] {strides = array<i32>} : memref<16x1024xf32, #tpu.memory_space<vmem>>, vector<1x16xf32>,
      %get3A_144 = vector.shape_cast %get3A_143 : vector<1x16xf32> to vector<16xf32>
      %get3A_145 = arith.index_cast %scan3A_86 : i32 to index
      %get3A_146 = arith.constant 64 : index
      %get3A_147 = tpu.vector_load %arg9[%get3A_145, %get3A_146] {strides = array<i32>} : memref<16x1024xf32, #tpu.memory_space<vmem>>, vector<1x16xf32>,
      %get3A_148 = vector.shape_cast %get3A_147 : vector<1x16xf32> to vector<16xf32>
      %add3A_149 = arith.addf %get3A_144, %get3A_148 : vector<16xf32>
      %swap3A_150 = arith.index_cast %scan3A_86 : i32 to index
      %swap3A_151 = arith.constant 64 : index
      %swap3A_152 = tpu.vector_load %arg10[%swap3A_150, %swap3A_151] {strides = array<i32>} : memref<16x1024xf32, #tpu.memory_space<vmem>>, vector<1x16xf32>,
      %swap3A_153 = vector.shape_cast %swap3A_152 : vector<1x16xf32> to vector<16xf32>
      %swap3A_154 = vector.shape_cast %add3A_149 : vector<16xf32> to vector<1x16xf32>
      tpu.vector_store %arg10[%swap3A_150, %swap3A_151], %swap3A_154 {strides = array<i32>} : memref<16x1024xf32, #tpu.memory_space<vmem>>, vector<1x16xf32>,
      %get3A_155 = arith.index_cast %scan3A_86 : i32 to index
      %get3A_156 = arith.constant 80 : index
      %get3A_157 = tpu.vector_load %arg8[%get3A_155, %get3A_156] {strides = array<i32>} : memref<16x1024xf32, #tpu.memory_space<vmem>>, vector<1x16xf32>,
      %get3A_158 = vector.shape_cast %get3A_157 : vector<1x16xf32> to vector<16xf32>
      %get3A_159 = arith.index_cast %scan3A_86 : i32 to index
      %get3A_160 = arith.constant 80 : index
      %get3A_161 = tpu.vector_load %arg9[%get3A_159, %get3A_160] {strides = array<i32>} : memref<16x1024xf32, #tpu.memory_space<vmem>>, vector<1x16xf32>,
      %get3A_162 = vector.shape_cast %get3A_161 : vector<1x16xf32> to vector<16xf32>
      %add3A_163 = arith.addf %get3A_158, %get3A_162 : vector<16xf32>
      %swap3A_164 = arith.index_cast %scan3A_86 : i32 to index
      %swap3A_165 = arith.constant 80 : index
      %swap3A_166 = tpu.vector_load %arg10[%swap3A_164, %swap3A_165] {strides = array<i32>} : memref<16x1024xf32, #tpu.memory_space<vmem>>, vector<1x16xf32>,
      %swap3A_167 = vector.shape_cast %swap3A_166 : vector<1x16xf32> to vector<16xf32>
      %swap3A_168 = vector.shape_cast %add3A_163 : vector<16xf32> to vector<1x16xf32>
      tpu.vector_store %arg10[%swap3A_164, %swap3A_165], %swap3A_168 {strides = array<i32>} : memref<16x1024xf32, #tpu.memory_space<vmem>>, vector<1x16xf32>,
      %get3A_169 = arith.index_cast %scan3A_86 : i32 to index
      %get3A_170 = arith.constant 96 : index
      %get3A_171 = tpu.vector_load %arg8[%get3A_169, %get3A_170] {strides = array<i32>} : memref<16x1024xf32, #tpu.memory_space<vmem>>, vector<1x16xf32>,
      %get3A_172 = vector.shape_cast %get3A_171 : vector<1x16xf32> to vector<16xf32>
      %get3A_173 = arith.index_cast %scan3A_86 : i32 to index
      %get3A_174 = arith.constant 96 : index
      %get3A_175 = tpu.vector_load %arg9[%get3A_173, %get3A_174] {strides = array<i32>} : memref<16x1024xf32, #tpu.memory_space<vmem>>, vector<1x16xf32>,
      %get3A_176 = vector.shape_cast %get3A_175 : vector<1x16xf32> to vector<16xf32>
      %add3A_177 = arith.addf %get3A_172, %get3A_176 : vector<16xf32>
      %swap3A_178 = arith.index_cast %scan3A_86 : i32 to index
      %swap3A_179 = arith.constant 96 : index
      %swap3A_180 = tpu.vector_load %arg10[%swap3A_178, %swap3A_179] {strides = array<i32>} : memref<16x1024xf32, #tpu.memory_space<vmem>>, vector<1x16xf32>,
      %swap3A_181 = vector.shape_cast %swap3A_180 : vector<1x16xf32> to vector<16xf32>
      %swap3A_182 = vector.shape_cast %add3A_177 : vector<16xf32> to vector<1x16xf32>
      tpu.vector_store %arg10[%swap3A_178, %swap3A_179], %swap3A_182 {strides = array<i32>} : memref<16x1024xf32, #tpu.memory_space<vmem>>, vector<1x16xf32>,
      %get3A_183 = arith.index_cast %scan3A_86 : i32 to index
      %get3A_184 = arith.constant 112 : index
      %get3A_185 = tpu.vector_load %arg8[%get3A_183, %get3A_184] {strides = array<i32>} : memref<16x1024xf32, #tpu.memory_space<vmem>>, vector<1x16xf32>,
      %get3A_186 = vector.shape_cast %get3A_185 : vector<1x16xf32> to vector<16xf32>
      %get3A_187 = arith.index_cast %scan3A_86 : i32 to index
      %get3A_188 = arith.constant 112 : index
      %get3A_189 = tpu.vector_load %arg9[%get3A_187, %get3A_188] {strides = array<i32>} : memref<16x1024xf32, #tpu.memory_space<vmem>>, vector<1x16xf32>,
      %get3A_190 = vector.shape_cast %get3A_189 : vector<1x16xf32> to vector<16xf32>
      %add3A_191 = arith.addf %get3A_186, %get3A_190 : vector<16xf32>
      %swap3A_192 = arith.index_cast %scan3A_86 : i32 to index
      %swap3A_193 = arith.constant 112 : index
      %swap3A_194 = tpu.vector_load %arg10[%swap3A_192, %swap3A_193] {strides = array<i32>} : memref<16x1024xf32, #tpu.memory_space<vmem>>, vector<1x16xf32>,
      %swap3A_195 = vector.shape_cast %swap3A_194 : vector<1x16xf32> to vector<16xf32>
      %swap3A_196 = vector.shape_cast %add3A_191 : vector<16xf32> to vector<1x16xf32>
      tpu.vector_store %arg10[%swap3A_192, %swap3A_193], %swap3A_196 {strides = array<i32>} : memref<16x1024xf32, #tpu.memory_space<vmem>>, vector<1x16xf32>,
      %get3A_197 = arith.index_cast %scan3A_86 : i32 to index
      %get3A_198 = arith.constant 128 : index
      %get3A_199 = tpu.vector_load %arg8[%get3A_197, %get3A_198] {strides = array<i32>} : memref<16x1024xf32, #tpu.memory_space<vmem>>, vector<1x16xf32>,
      %get3A_200 = vector.shape_cast %get3A_199 : vector<1x16xf32> to vector<16xf32>
      %get3A_201 = arith.index_cast %scan3A_86 : i32 to index
      %get3A_202 = arith.constant 128 : index
      %get3A_203 = tpu.vector_load %arg9[%get3A_201, %get3A_202] {strides = array<i32>} : memref<16x1024xf32, #tpu.memory_space<vmem>>, vector<1x16xf32>,
      %get3A_204 = vector.shape_cast %get3A_203 : vector<1x16xf32> to vector<16xf32>
      %add3A_205 = arith.addf %get3A_200, %get3A_204 : vector<16xf32>
      %swap3A_206 = arith.index_cast %scan3A_86 : i32 to index
      %swap3A_207 = arith.constant 128 : index
      %swap3A_208 = tpu.vector_load %arg10[%swap3A_206, %swap3A_207] {strides = array<i32>} : memref<16x1024xf32, #tpu.memory_space<vmem>>, vector<1x16xf32>,
      %swap3A_209 = vector.shape_cast %swap3A_208 : vector<1x16xf32> to vector<16xf32>
      %swap3A_210 = vector.shape_cast %add3A_205 : vector<16xf32> to vector<1x16xf32>
      tpu.vector_store %arg10[%swap3A_206, %swap3A_207], %swap3A_210 {strides = array<i32>} : memref<16x1024xf32, #tpu.memory_space<vmem>>, vector<1x16xf32>,
      %get3A_211 = arith.index_cast %scan3A_86 : i32 to index
      %get3A_212 = arith.constant 144 : index
      %get3A_213 = tpu.vector_load %arg8[%get3A_211, %get3A_212] {strides = array<i32>} : memref<16x1024xf32, #tpu.memory_space<vmem>>, vector<1x16xf32>,
      %get3A_214 = vector.shape_cast %get3A_213 : vector<1x16xf32> to vector<16xf32>
      %get3A_215 = arith.index_cast %scan3A_86 : i32 to index
      %get3A_216 = arith.constant 144 : index
      %get3A_217 = tpu.vector_load %arg9[%get3A_215, %get3A_216] {strides = array<i32>} : memref<16x1024xf32, #tpu.memory_space<vmem>>, vector<1x16xf32>,
      %get3A_218 = vector.shape_cast %get3A_217 : vector<1x16xf32> to vector<16xf32>
      %add3A_219 = arith.addf %get3A_214, %get3A_218 : vector<16xf32>
      %swap3A_220 = arith.index_cast %scan3A_86 : i32 to index
      %swap3A_221 = arith.constant 144 : index
      %swap3A_222 = tpu.vector_load %arg10[%swap3A_220, %swap3A_221] {strides = array<i32>} : memref<16x1024xf32, #tpu.memory_space<vmem>>, vector<1x16xf32>,
      %swap3A_223 = vector.shape_cast %swap3A_222 : vector<1x16xf32> to vector<16xf32>
      %swap3A_224 = vector.shape_cast %add3A_219 : vector<16xf32> to vector<1x16xf32>
      tpu.vector_store %arg10[%swap3A_220, %swap3A_221], %swap3A_224 {strides = array<i32>} : memref<16x1024xf32, #tpu.memory_space<vmem>>, vector<1x16xf32>,
      %get3A_225 = arith.index_cast %scan3A_86 : i32 to index
      %get3A_226 = arith.constant 160 : index
      %get3A_227 = tpu.vector_load %arg8[%get3A_225, %get3A_226] {strides = array<i32>} : memref<16x1024xf32, #tpu.memory_space<vmem>>, vector<1x16xf32>,
      %get3A_228 = vector.shape_cast %get3A_227 : vector<1x16xf32> to vector<16xf32>
      %get3A_229 = arith.index_cast %scan3A_86 : i32 to index
      %get3A_230 = arith.constant 160 : index
      %get3A_231 = tpu.vector_load %arg9[%get3A_229, %get3A_230] {strides = array<i32>} : memref<16x1024xf32, #tpu.memory_space<vmem>>, vector<1x16xf32>,
      %get3A_232 = vector.shape_cast %get3A_231 : vector<1x16xf32> to vector<16xf32>
      %add3A_233 = arith.addf %get3A_228, %get3A_232 : vector<16xf32>
      %swap3A_234 = arith.index_cast %scan3A_86 : i32 to index
      %swap3A_235 = arith.constant 160 : index
      %swap3A_236 = tpu.vector_load %arg10[%swap3A_234, %swap3A_235] {strides = array<i32>} : memref<16x1024xf32, #tpu.memory_space<vmem>>, vector<1x16xf32>,
      %swap3A_237 = vector.shape_cast %swap3A_236 : vector<1x16xf32> to vector<16xf32>
      %swap3A_238 = vector.shape_cast %add3A_233 : vector<16xf32> to vector<1x16xf32>
      tpu.vector_store %arg10[%swap3A_234, %swap3A_235], %swap3A_238 {strides = array<i32>} : memref<16x1024xf32, #tpu.memory_space<vmem>>, vector<1x16xf32>,
      %get3A_239 = arith.index_cast %scan3A_86 : i32 to index
      %get3A_240 = arith.constant 176 : index
      %get3A_241 = tpu.vector_load %arg8[%get3A_239, %get3A_240] {strides = array<i32>} : memref<16x1024xf32, #tpu.memory_space<vmem>>, vector<1x16xf32>,
      %get3A_242 = vector.shape_cast %get3A_241 : vector<1x16xf32> to vector<16xf32>
      %get3A_243 = arith.index_cast %scan3A_86 : i32 to index
      %get3A_244 = arith.constant 176 : index
      %get3A_245 = tpu.vector_load %arg9[%get3A_243, %get3A_244] {strides = array<i32>} : memref<16x1024xf32, #tpu.memory_space<vmem>>, vector<1x16xf32>,
      %get3A_246 = vector.shape_cast %get3A_245 : vector<1x16xf32> to vector<16xf32>
      %add3A_247 = arith.addf %get3A_242, %get3A_246 : vector<16xf32>
      %swap3A_248 = arith.index_cast %scan3A_86 : i32 to index
      %swap3A_249 = arith.constant 176 : index
      %swap3A_250 = tpu.vector_load %arg10[%swap3A_248, %swap3A_249] {strides = array<i32>} : memref<16x1024xf32, #tpu.memory_space<vmem>>, vector<1x16xf32>,
      %swap3A_251 = vector.shape_cast %swap3A_250 : vector<1x16xf32> to vector<16xf32>
      %swap3A_252 = vector.shape_cast %add3A_247 : vector<16xf32> to vector<1x16xf32>
      tpu.vector_store %arg10[%swap3A_248, %swap3A_249], %swap3A_252 {strides = array<i32>} : memref<16x1024xf32, #tpu.memory_space<vmem>>, vector<1x16xf32>,
      %get3A_253 = arith.index_cast %scan3A_86 : i32 to index
      %get3A_254 = arith.constant 192 : index
      %get3A_255 = tpu.vector_load %arg8[%get3A_253, %get3A_254] {strides = array<i32>} : memref<16x1024xf32, #tpu.memory_space<vmem>>, vector<1x16xf32>,
      %get3A_256 = vector.shape_cast %get3A_255 : vector<1x16xf32> to vector<16xf32>
      %get3A_257 = arith.index_cast %scan3A_86 : i32 to index
      %get3A_258 = arith.constant 192 : index
      %get3A_259 = tpu.vector_load %arg9[%get3A_257, %get3A_258] {strides = array<i32>} : memref<16x1024xf32, #tpu.memory_space<vmem>>, vector<1x16xf32>,
      %get3A_260 = vector.shape_cast %get3A_259 : vector<1x16xf32> to vector<16xf32>
      %add3A_261 = arith.addf %get3A_256, %get3A_260 : vector<16xf32>
      %swap3A_262 = arith.index_cast %scan3A_86 : i32 to index
      %swap3A_263 = arith.constant 192 : index
      %swap3A_264 = tpu.vector_load %arg10[%swap3A_262, %swap3A_263] {strides = array<i32>} : memref<16x1024xf32, #tpu.memory_space<vmem>>, vector<1x16xf32>,
      %swap3A_265 = vector.shape_cast %swap3A_264 : vector<1x16xf32> to vector<16xf32>
      %swap3A_266 = vector.shape_cast %add3A_261 : vector<16xf32> to vector<1x16xf32>
      tpu.vector_store %arg10[%swap3A_262, %swap3A_263], %swap3A_266 {strides = array<i32>} : memref<16x1024xf32, #tpu.memory_space<vmem>>, vector<1x16xf32>,
      %get3A_267 = arith.index_cast %scan3A_86 : i32 to index
      %get3A_268 = arith.constant 208 : index
      %get3A_269 = tpu.vector_load %arg8[%get3A_267, %get3A_268] {strides = array<i32>} : memref<16x1024xf32, #tpu.memory_space<vmem>>, vector<1x16xf32>,
      %get3A_270 = vector.shape_cast %get3A_269 : vector<1x16xf32> to vector<16xf32>
      %get3A_271 = arith.index_cast %scan3A_86 : i32 to index
      %get3A_272 = arith.constant 208 : index
      %get3A_273 = tpu.vector_load %arg9[%get3A_271, %get3A_272] {strides = array<i32>} : memref<16x1024xf32, #tpu.memory_space<vmem>>, vector<1x16xf32>,
      %get3A_274 = vector.shape_cast %get3A_273 : vector<1x16xf32> to vector<16xf32>
      %add3A_275 = arith.addf %get3A_270, %get3A_274 : vector<16xf32>
      %swap3A_276 = arith.index_cast %scan3A_86 : i32 to index
      %swap3A_277 = arith.constant 208 : index
      %swap3A_278 = tpu.vector_load %arg10[%swap3A_276, %swap3A_277] {strides = array<i32>} : memref<16x1024xf32, #tpu.memory_space<vmem>>, vector<1x16xf32>,
      %swap3A_279 = vector.shape_cast %swap3A_278 : vector<1x16xf32> to vector<16xf32>
      %swap3A_280 = vector.shape_cast %add3A_275 : vector<16xf32> to vector<1x16xf32>
      tpu.vector_store %arg10[%swap3A_276, %swap3A_277], %swap3A_280 {strides = array<i32>} : memref<16x1024xf32, #tpu.memory_space<vmem>>, vector<1x16xf32>,
      %get3A_281 = arith.index_cast %scan3A_86 : i32 to index
      %get3A_282 = arith.constant 224 : index
      %get3A_283 = tpu.vector_load %arg8[%get3A_281, %get3A_282] {strides = array<i32>} : memref<16x1024xf32, #tpu.memory_space<vmem>>, vector<1x16xf32>,
      %get3A_284 = vector.shape_cast %get3A_283 : vector<1x16xf32> to vector<16xf32>
      %get3A_285 = arith.index_cast %scan3A_86 : i32 to index
      %get3A_286 = arith.constant 224 : index
      %get3A_287 = tpu.vector_load %arg9[%get3A_285, %get3A_286] {strides = array<i32>} : memref<16x1024xf32, #tpu.memory_space<vmem>>, vector<1x16xf32>,
      %get3A_288 = vector.shape_cast %get3A_287 : vector<1x16xf32> to vector<16xf32>
      %add3A_289 = arith.addf %get3A_284, %get3A_288 : vector<16xf32>
      %swap3A_290 = arith.index_cast %scan3A_86 : i32 to index
      %swap3A_291 = arith.constant 224 : index
      %swap3A_292 = tpu.vector_load %arg10[%swap3A_290, %swap3A_291] {strides = array<i32>} : memref<16x1024xf32, #tpu.memory_space<vmem>>, vector<1x16xf32>,
      %swap3A_293 = vector.shape_cast %swap3A_292 : vector<1x16xf32> to vector<16xf32>
      %swap3A_294 = vector.shape_cast %add3A_289 : vector<16xf32> to vector<1x16xf32>
      tpu.vector_store %arg10[%swap3A_290, %swap3A_291], %swap3A_294 {strides = array<i32>} : memref<16x1024xf32, #tpu.memory_space<vmem>>, vector<1x16xf32>,
      %get3A_295 = arith.index_cast %scan3A_86 : i32 to index
      %get3A_296 = arith.constant 240 : index
      %get3A_297 = tpu.vector_load %arg8[%get3A_295, %get3A_296] {strides = array<i32>} : memref<16x1024xf32, #tpu.memory_space<vmem>>, vector<1x16xf32>,
      %get3A_298 = vector.shape_cast %get3A_297 : vector<1x16xf32> to vector<16xf32>
      %get3A_299 = arith.index_cast %scan3A_86 : i32 to index
      %get3A_300 = arith.constant 240 : index
      %get3A_301 = tpu.vector_load %arg9[%get3A_299, %get3A_300] {strides = array<i32>} : memref<16x1024xf32, #tpu.memory_space<vmem>>, vector<1x16xf32>,
      %get3A_302 = vector.shape_cast %get3A_301 : vector<1x16xf32> to vector<16xf32>
      %add3A_303 = arith.addf %get3A_298, %get3A_302 : vector<16xf32>
      %swap3A_304 = arith.index_cast %scan3A_86 : i32 to index
      %swap3A_305 = arith.constant 240 : index
      %swap3A_306 = tpu.vector_load %arg10[%swap3A_304, %swap3A_305] {strides = array<i32>} : memref<16x1024xf32, #tpu.memory_space<vmem>>, vector<1x16xf32>,
      %swap3A_307 = vector.shape_cast %swap3A_306 : vector<1x16xf32> to vector<16xf32>
      %swap3A_308 = vector.shape_cast %add3A_303 : vector<16xf32> to vector<1x16xf32>
      tpu.vector_store %arg10[%swap3A_304, %swap3A_305], %swap3A_308 {strides = array<i32>} : memref<16x1024xf32, #tpu.memory_space<vmem>>, vector<1x16xf32>,
      %get3A_309 = arith.index_cast %scan3A_86 : i32 to index
      %get3A_310 = arith.constant 256 : index
      %get3A_311 = tpu.vector_load %arg8[%get3A_309, %get3A_310] {strides = array<i32>} : memref<16x1024xf32, #tpu.memory_space<vmem>>, vector<1x16xf32>,
      %get3A_312 = vector.shape_cast %get3A_311 : vector<1x16xf32> to vector<16xf32>
      %get3A_313 = arith.index_cast %scan3A_86 : i32 to index
      %get3A_314 = arith.constant 256 : index
      %get3A_315 = tpu.vector_load %arg9[%get3A_313, %get3A_314] {strides = array<i32>} : memref<16x1024xf32, #tpu.memory_space<vmem>>, vector<1x16xf32>,
      %get3A_316 = vector.shape_cast %get3A_315 : vector<1x16xf32> to vector<16xf32>
      %add3A_317 = arith.addf %get3A_312, %get3A_316 : vector<16xf32>
      %swap3A_318 = arith.index_cast %scan3A_86 : i32 to index
      %swap3A_319 = arith.constant 256 : index
      %swap3A_320 = tpu.vector_load %arg10[%swap3A_318, %swap3A_319] {strides = array<i32>} : memref<16x1024xf32, #tpu.memory_space<vmem>>, vector<1x16xf32>,
      %swap3A_321 = vector.shape_cast %swap3A_320 : vector<1x16xf32> to vector<16xf32>
      %swap3A_322 = vector.shape_cast %add3A_317 : vector<16xf32> to vector<1x16xf32>
      tpu.vector_store %arg10[%swap3A_318, %swap3A_319], %swap3A_322 {strides = array<i32>} : memref<16x1024xf32, #tpu.memory_space<vmem>>, vector<1x16xf32>,
      %get3A_323 = arith.index_cast %scan3A_86 : i32 to index
      %get3A_324 = arith.constant 272 : index
      %get3A_325 = tpu.vector_load %arg8[%get3A_323, %get3A_324] {strides = array<i32>} : memref<16x1024xf32, #tpu.memory_space<vmem>>, vector<1x16xf32>,
      %get3A_326 = vector.shape_cast %get3A_325 : vector<1x16xf32> to vector<16xf32>
      %get3A_327 = arith.index_cast %scan3A_86 : i32 to index
      %get3A_328 = arith.constant 272 : index
      %get3A_329 = tpu.vector_load %arg9[%get3A_327, %get3A_328] {strides = array<i32>} : memref<16x1024xf32, #tpu.memory_space<vmem>>, vector<1x16xf32>,
      %get3A_330 = vector.shape_cast %get3A_329 : vector<1x16xf32> to vector<16xf32>
      %add3A_331 = arith.addf %get3A_326, %get3A_330 : vector<16xf32>
      %swap3A_332 = arith.index_cast %scan3A_86 : i32 to index
      %swap3A_333 = arith.constant 272 : index
      %swap3A_334 = tpu.vector_load %arg10[%swap3A_332, %swap3A_333] {strides = array<i32>} : memref<16x1024xf32, #tpu.memory_space<vmem>>, vector<1x16xf32>,
      %swap3A_335 = vector.shape_cast %swap3A_334 : vector<1x16xf32> to vector<16xf32>
      %swap3A_336 = vector.shape_cast %add3A_331 : vector<16xf32> to vector<1x16xf32>
      tpu.vector_store %arg10[%swap3A_332, %swap3A_333], %swap3A_336 {strides = array<i32>} : memref<16x1024xf32, #tpu.memory_space<vmem>>, vector<1x16xf32>,
      %get3A_337 = arith.index_cast %scan3A_86 : i32 to index
      %get3A_338 = arith.constant 288 : index
      %get3A_339 = tpu.vector_load %arg8[%get3A_337, %get3A_338] {strides = array<i32>} : memref<16x1024xf32, #tpu.memory_space<vmem>>, vector<1x16xf32>,
      %get3A_340 = vector.shape_cast %get3A_339 : vector<1x16xf32> to vector<16xf32>
      %get3A_341 = arith.index_cast %scan3A_86 : i32 to index
      %get3A_342 = arith.constant 288 : index
      %get3A_343 = tpu.vector_load %arg9[%get3A_341, %get3A_342] {strides = array<i32>} : memref<16x1024xf32, #tpu.memory_space<vmem>>, vector<1x16xf32>,
      %get3A_344 = vector.shape_cast %get3A_343 : vector<1x16xf32> to vector<16xf32>
      %add3A_345 = arith.addf %get3A_340, %get3A_344 : vector<16xf32>
      %swap3A_346 = arith.index_cast %scan3A_86 : i32 to index
      %swap3A_347 = arith.constant 288 : index
      %swap3A_348 = tpu.vector_load %arg10[%swap3A_346, %swap3A_347] {strides = array<i32>} : memref<16x1024xf32, #tpu.memory_space<vmem>>, vector<1x16xf32>,
      %swap3A_349 = vector.shape_cast %swap3A_348 : vector<1x16xf32> to vector<16xf32>
      %swap3A_350 = vector.shape_cast %add3A_345 : vector<16xf32> to vector<1x16xf32>
      tpu.vector_store %arg10[%swap3A_346, %swap3A_347], %swap3A_350 {strides = array<i32>} : memref<16x1024xf32, #tpu.memory_space<vmem>>, vector<1x16xf32>,
      %get3A_351 = arith.index_cast %scan3A_86 : i32 to index
      %get3A_352 = arith.constant 304 : index
      %get3A_353 = tpu.vector_load %arg8[%get3A_351, %get3A_352] {strides = array<i32>} : memref<16x1024xf32, #tpu.memory_space<vmem>>, vector<1x16xf32>,
      %get3A_354 = vector.shape_cast %get3A_353 : vector<1x16xf32> to vector<16xf32>
      %get3A_355 = arith.index_cast %scan3A_86 : i32 to index
      %get3A_356 = arith.constant 304 : index
      %get3A_357 = tpu.vector_load %arg9[%get3A_355, %get3A_356] {strides = array<i32>} : memref<16x1024xf32, #tpu.memory_space<vmem>>, vector<1x16xf32>,
      %get3A_358 = vector.shape_cast %get3A_357 : vector<1x16xf32> to vector<16xf32>
      %add3A_359 = arith.addf %get3A_354, %get3A_358 : vector<16xf32>
      %swap3A_360 = arith.index_cast %scan3A_86 : i32 to index
      %swap3A_361 = arith.constant 304 : index
      %swap3A_362 = tpu.vector_load %arg10[%swap3A_360, %swap3A_361] {strides = array<i32>} : memref<16x1024xf32, #tpu.memory_space<vmem>>, vector<1x16xf32>,
      %swap3A_363 = vector.shape_cast %swap3A_362 : vector<1x16xf32> to vector<16xf32>
      %swap3A_364 = vector.shape_cast %add3A_359 : vector<16xf32> to vector<1x16xf32>
      tpu.vector_store %arg10[%swap3A_360, %swap3A_361], %swap3A_364 {strides = array<i32>} : memref<16x1024xf32, #tpu.memory_space<vmem>>, vector<1x16xf32>,
      %get3A_365 = arith.index_cast %scan3A_86 : i32 to index
      %get3A_366 = arith.constant 320 : index
      %get3A_367 = tpu.vector_load %arg8[%get3A_365, %get3A_366] {strides = array<i32>} : memref<16x1024xf32, #tpu.memory_space<vmem>>, vector<1x16xf32>,
      %get3A_368 = vector.shape_cast %get3A_367 : vector<1x16xf32> to vector<16xf32>
      %get3A_369 = arith.index_cast %scan3A_86 : i32 to index
      %get3A_370 = arith.constant 320 : index
      %get3A_371 = tpu.vector_load %arg9[%get3A_369, %get3A_370] {strides = array<i32>} : memref<16x1024xf32, #tpu.memory_space<vmem>>, vector<1x16xf32>,
      %get3A_372 = vector.shape_cast %get3A_371 : vector<1x16xf32> to vector<16xf32>
      %add3A_373 = arith.addf %get3A_368, %get3A_372 : vector<16xf32>
      %swap3A_374 = arith.index_cast %scan3A_86 : i32 to index
      %swap3A_375 = arith.constant 320 : index
      %swap3A_376 = tpu.vector_load %arg10[%swap3A_374, %swap3A_375] {strides = array<i32>} : memref<16x1024xf32, #tpu.memory_space<vmem>>, vector<1x16xf32>,
      %swap3A_377 = vector.shape_cast %swap3A_376 : vector<1x16xf32> to vector<16xf32>
      %swap3A_378 = vector.shape_cast %add3A_373 : vector<16xf32> to vector<1x16xf32>
      tpu.vector_store %arg10[%swap3A_374, %swap3A_375], %swap3A_378 {strides = array<i32>} : memref<16x1024xf32, #tpu.memory_space<vmem>>, vector<1x16xf32>,
      %get3A_379 = arith.index_cast %scan3A_86 : i32 to index
      %get3A_380 = arith.constant 336 : index
      %get3A_381 = tpu.vector_load %arg8[%get3A_379, %get3A_380] {strides = array<i32>} : memref<16x1024xf32, #tpu.memory_space<vmem>>, vector<1x16xf32>,
      %get3A_382 = vector.shape_cast %get3A_381 : vector<1x16xf32> to vector<16xf32>
      %get3A_383 = arith.index_cast %scan3A_86 : i32 to index
      %get3A_384 = arith.constant 336 : index
      %get3A_385 = tpu.vector_load %arg9[%get3A_383, %get3A_384] {strides = array<i32>} : memref<16x1024xf32, #tpu.memory_space<vmem>>, vector<1x16xf32>,
      %get3A_386 = vector.shape_cast %get3A_385 : vector<1x16xf32> to vector<16xf32>
      %add3A_387 = arith.addf %get3A_382, %get3A_386 : vector<16xf32>
      %swap3A_388 = arith.index_cast %scan3A_86 : i32 to index
      %swap3A_389 = arith.constant 336 : index
      %swap3A_390 = tpu.vector_load %arg10[%swap3A_388, %swap3A_389] {strides = array<i32>} : memref<16x1024xf32, #tpu.memory_space<vmem>>, vector<1x16xf32>,
      %swap3A_391 = vector.shape_cast %swap3A_390 : vector<1x16xf32> to vector<16xf32>
      %swap3A_392 = vector.shape_cast %add3A_387 : vector<16xf32> to vector<1x16xf32>
      tpu.vector_store %arg10[%swap3A_388, %swap3A_389], %swap3A_392 {strides = array<i32>} : memref<16x1024xf32, #tpu.memory_space<vmem>>, vector<1x16xf32>,
      %get3A_393 = arith.index_cast %scan3A_86 : i32 to index
      %get3A_394 = arith.constant 352 : index
      %get3A_395 = tpu.vector_load %arg8[%get3A_393, %get3A_394] {strides = array<i32>} : memref<16x1024xf32, #tpu.memory_space<vmem>>, vector<1x16xf32>,
      %get3A_396 = vector.shape_cast %get3A_395 : vector<1x16xf32> to vector<16xf32>
      %get3A_397 = arith.index_cast %scan3A_86 : i32 to index
      %get3A_398 = arith.constant 352 : index
      %get3A_399 = tpu.vector_load %arg9[%get3A_397, %get3A_398] {strides = array<i32>} : memref<16x1024xf32, #tpu.memory_space<vmem>>, vector<1x16xf32>,
      %get3A_400 = vector.shape_cast %get3A_399 : vector<1x16xf32> to vector<16xf32>
      %add3A_401 = arith.addf %get3A_396, %get3A_400 : vector<16xf32>
      %swap3A_402 = arith.index_cast %scan3A_86 : i32 to index
      %swap3A_403 = arith.constant 352 : index
      %swap3A_404 = tpu.vector_load %arg10[%swap3A_402, %swap3A_403] {strides = array<i32>} : memref<16x1024xf32, #tpu.memory_space<vmem>>, vector<1x16xf32>,
      %swap3A_405 = vector.shape_cast %swap3A_404 : vector<1x16xf32> to vector<16xf32>
      %swap3A_406 = vector.shape_cast %add3A_401 : vector<16xf32> to vector<1x16xf32>
      tpu.vector_store %arg10[%swap3A_402, %swap3A_403], %swap3A_406 {strides = array<i32>} : memref<16x1024xf32, #tpu.memory_space<vmem>>, vector<1x16xf32>,
      %get3A_407 = arith.index_cast %scan3A_86 : i32 to index
      %get3A_408 = arith.constant 368 : index
      %get3A_409 = tpu.vector_load %arg8[%get3A_407, %get3A_408] {strides = array<i32>} : memref<16x1024xf32, #tpu.memory_space<vmem>>, vector<1x16xf32>,
      %get3A_410 = vector.shape_cast %get3A_409 : vector<1x16xf32> to vector<16xf32>
      %get3A_411 = arith.index_cast %scan3A_86 : i32 to index
      %get3A_412 = arith.constant 368 : index
      %get3A_413 = tpu.vector_load %arg9[%get3A_411, %get3A_412] {strides = array<i32>} : memref<16x1024xf32, #tpu.memory_space<vmem>>, vector<1x16xf32>,
      %get3A_414 = vector.shape_cast %get3A_413 : vector<1x16xf32> to vector<16xf32>
      %add3A_415 = arith.addf %get3A_410, %get3A_414 : vector<16xf32>
      %swap3A_416 = arith.index_cast %scan3A_86 : i32 to index
      %swap3A_417 = arith.constant 368 : index
      %swap3A_418 = tpu.vector_load %arg10[%swap3A_416, %swap3A_417] {strides = array<i32>} : memref<16x1024xf32, #tpu.memory_space<vmem>>, vector<1x16xf32>,
      %swap3A_419 = vector.shape_cast %swap3A_418 : vector<1x16xf32> to vector<16xf32>
      %swap3A_420 = vector.shape_cast %add3A_415 : vector<16xf32> to vector<1x16xf32>
      tpu.vector_store %arg10[%swap3A_416, %swap3A_417], %swap3A_420 {strides = array<i32>} : memref<16x1024xf32, #tpu.memory_space<vmem>>, vector<1x16xf32>,
      %get3A_421 = arith.index_cast %scan3A_86 : i32 to index
      %get3A_422 = arith.constant 384 : index
      %get3A_423 = tpu.vector_load %arg8[%get3A_421, %get3A_422] {strides = array<i32>} : memref<16x1024xf32, #tpu.memory_space<vmem>>, vector<1x16xf32>,
      %get3A_424 = vector.shape_cast %get3A_423 : vector<1x16xf32> to vector<16xf32>
      %get3A_425 = arith.index_cast %scan3A_86 : i32 to index
      %get3A_426 = arith.constant 384 : index
      %get3A_427 = tpu.vector_load %arg9[%get3A_425, %get3A_426] {strides = array<i32>} : memref<16x1024xf32, #tpu.memory_space<vmem>>, vector<1x16xf32>,
      %get3A_428 = vector.shape_cast %get3A_427 : vector<1x16xf32> to vector<16xf32>
      %add3A_429 = arith.addf %get3A_424, %get3A_428 : vector<16xf32>
      %swap3A_430 = arith.index_cast %scan3A_86 : i32 to index
      %swap3A_431 = arith.constant 384 : index
      %swap3A_432 = tpu.vector_load %arg10[%swap3A_430, %swap3A_431] {strides = array<i32>} : memref<16x1024xf32, #tpu.memory_space<vmem>>, vector<1x16xf32>,
      %swap3A_433 = vector.shape_cast %swap3A_432 : vector<1x16xf32> to vector<16xf32>
      %swap3A_434 = vector.shape_cast %add3A_429 : vector<16xf32> to vector<1x16xf32>
      tpu.vector_store %arg10[%swap3A_430, %swap3A_431], %swap3A_434 {strides = array<i32>} : memref<16x1024xf32, #tpu.memory_space<vmem>>, vector<1x16xf32>,
      %get3A_435 = arith.index_cast %scan3A_86 : i32 to index
      %get3A_436 = arith.constant 400 : index
      %get3A_437 = tpu.vector_load %arg8[%get3A_435, %get3A_436] {strides = array<i32>} : memref<16x1024xf32, #tpu.memory_space<vmem>>, vector<1x16xf32>,
      %get3A_438 = vector.shape_cast %get3A_437 : vector<1x16xf32> to vector<16xf32>
      %get3A_439 = arith.index_cast %scan3A_86 : i32 to index
      %get3A_440 = arith.constant 400 : index
      %get3A_441 = tpu.vector_load %arg9[%get3A_439, %get3A_440] {strides = array<i32>} : memref<16x1024xf32, #tpu.memory_space<vmem>>, vector<1x16xf32>,
      %get3A_442 = vector.shape_cast %get3A_441 : vector<1x16xf32> to vector<16xf32>
      %add3A_443 = arith.addf %get3A_438, %get3A_442 : vector<16xf32>
      %swap3A_444 = arith.index_cast %scan3A_86 : i32 to index
      %swap3A_445 = arith.constant 400 : index
      %swap3A_446 = tpu.vector_load %arg10[%swap3A_444, %swap3A_445] {strides = array<i32>} : memref<16x1024xf32, #tpu.memory_space<vmem>>, vector<1x16xf32>,
      %swap3A_447 = vector.shape_cast %swap3A_446 : vector<1x16xf32> to vector<16xf32>
      %swap3A_448 = vector.shape_cast %add3A_443 : vector<16xf32> to vector<1x16xf32>
      tpu.vector_store %arg10[%swap3A_444, %swap3A_445], %swap3A_448 {strides = array<i32>} : memref<16x1024xf32, #tpu.memory_space<vmem>>, vector<1x16xf32>,
      %get3A_449 = arith.index_cast %scan3A_86 : i32 to index
      %get3A_450 = arith.constant 416 : index
      %get3A_451 = tpu.vector_load %arg8[%get3A_449, %get3A_450] {strides = array<i32>} : memref<16x1024xf32, #tpu.memory_space<vmem>>, vector<1x16xf32>,
      %get3A_452 = vector.shape_cast %get3A_451 : vector<1x16xf32> to vector<16xf32>
      %get3A_453 = arith.index_cast %scan3A_86 : i32 to index
      %get3A_454 = arith.constant 416 : index
      %get3A_455 = tpu.vector_load %arg9[%get3A_453, %get3A_454] {strides = array<i32>} : memref<16x1024xf32, #tpu.memory_space<vmem>>, vector<1x16xf32>,
      %get3A_456 = vector.shape_cast %get3A_455 : vector<1x16xf32> to vector<16xf32>
      %add3A_457 = arith.addf %get3A_452, %get3A_456 : vector<16xf32>
      %swap3A_458 = arith.index_cast %scan3A_86 : i32 to index
      %swap3A_459 = arith.constant 416 : index
      %swap3A_460 = tpu.vector_load %arg10[%swap3A_458, %swap3A_459] {strides = array<i32>} : memref<16x1024xf32, #tpu.memory_space<vmem>>, vector<1x16xf32>,
      %swap3A_461 = vector.shape_cast %swap3A_460 : vector<1x16xf32> to vector<16xf32>
      %swap3A_462 = vector.shape_cast %add3A_457 : vector<16xf32> to vector<1x16xf32>
      tpu.vector_store %arg10[%swap3A_458, %swap3A_459], %swap3A_462 {strides = array<i32>} : memref<16x1024xf32, #tpu.memory_space<vmem>>, vector<1x16xf32>,
      %get3A_463 = arith.index_cast %scan3A_86 : i32 to index
      %get3A_464 = arith.constant 432 : index
      %get3A_465 = tpu.vector_load %arg8[%get3A_463, %get3A_464] {strides = array<i32>} : memref<16x1024xf32, #tpu.memory_space<vmem>>, vector<1x16xf32>,
      %get3A_466 = vector.shape_cast %get3A_465 : vector<1x16xf32> to vector<16xf32>
      %get3A_467 = arith.index_cast %scan3A_86 : i32 to index
      %get3A_468 = arith.constant 432 : index
      %get3A_469 = tpu.vector_load %arg9[%get3A_467, %get3A_468] {strides = array<i32>} : memref<16x1024xf32, #tpu.memory_space<vmem>>, vector<1x16xf32>,
      %get3A_470 = vector.shape_cast %get3A_469 : vector<1x16xf32> to vector<16xf32>
      %add3A_471 = arith.addf %get3A_466, %get3A_470 : vector<16xf32>
      %swap3A_472 = arith.index_cast %scan3A_86 : i32 to index
      %swap3A_473 = arith.constant 432 : index
      %swap3A_474 = tpu.vector_load %arg10[%swap3A_472, %swap3A_473] {strides = array<i32>} : memref<16x1024xf32, #tpu.memory_space<vmem>>, vector<1x16xf32>,
      %swap3A_475 = vector.shape_cast %swap3A_474 : vector<1x16xf32> to vector<16xf32>
      %swap3A_476 = vector.shape_cast %add3A_471 : vector<16xf32> to vector<1x16xf32>
      tpu.vector_store %arg10[%swap3A_472, %swap3A_473], %swap3A_476 {strides = array<i32>} : memref<16x1024xf32, #tpu.memory_space<vmem>>, vector<1x16xf32>,
      %get3A_477 = arith.index_cast %scan3A_86 : i32 to index
      %get3A_478 = arith.constant 448 : index
      %get3A_479 = tpu.vector_load %arg8[%get3A_477, %get3A_478] {strides = array<i32>} : memref<16x1024xf32, #tpu.memory_space<vmem>>, vector<1x16xf32>,
      %get3A_480 = vector.shape_cast %get3A_479 : vector<1x16xf32> to vector<16xf32>
      %get3A_481 = arith.index_cast %scan3A_86 : i32 to index
      %get3A_482 = arith.constant 448 : index
      %get3A_483 = tpu.vector_load %arg9[%get3A_481, %get3A_482] {strides = array<i32>} : memref<16x1024xf32, #tpu.memory_space<vmem>>, vector<1x16xf32>,
      %get3A_484 = vector.shape_cast %get3A_483 : vector<1x16xf32> to vector<16xf32>
      %add3A_485 = arith.addf %get3A_480, %get3A_484 : vector<16xf32>
      %swap3A_486 = arith.index_cast %scan3A_86 : i32 to index
      %swap3A_487 = arith.constant 448 : index
      %swap3A_488 = tpu.vector_load %arg10[%swap3A_486, %swap3A_487] {strides = array<i32>} : memref<16x1024xf32, #tpu.memory_space<vmem>>, vector<1x16xf32>,
      %swap3A_489 = vector.shape_cast %swap3A_488 : vector<1x16xf32> to vector<16xf32>
      %swap3A_490 = vector.shape_cast %add3A_485 : vector<16xf32> to vector<1x16xf32>
      tpu.vector_store %arg10[%swap3A_486, %swap3A_487], %swap3A_490 {strides = array<i32>} : memref<16x1024xf32, #tpu.memory_space<vmem>>, vector<1x16xf32>,
      %get3A_491 = arith.index_cast %scan3A_86 : i32 to index
      %get3A_492 = arith.constant 464 : index
      %get3A_493 = tpu.vector_load %arg8[%get3A_491, %get3A_492] {strides = array<i32>} : memref<16x1024xf32, #tpu.memory_space<vmem>>, vector<1x16xf32>,
      %get3A_494 = vector.shape_cast %get3A_493 : vector<1x16xf32> to vector<16xf32>
      %get3A_495 = arith.index_cast %scan3A_86 : i32 to index
      %get3A_496 = arith.constant 464 : index
      %get3A_497 = tpu.vector_load %arg9[%get3A_495, %get3A_496] {strides = array<i32>} : memref<16x1024xf32, #tpu.memory_space<vmem>>, vector<1x16xf32>,
      %get3A_498 = vector.shape_cast %get3A_497 : vector<1x16xf32> to vector<16xf32>
      %add3A_499 = arith.addf %get3A_494, %get3A_498 : vector<16xf32>
      %swap3A_500 = arith.index_cast %scan3A_86 : i32 to index
      %swap3A_501 = arith.constant 464 : index
      %swap3A_502 = tpu.vector_load %arg10[%swap3A_500, %swap3A_501] {strides = array<i32>} : memref<16x1024xf32, #tpu.memory_space<vmem>>, vector<1x16xf32>,
      %swap3A_503 = vector.shape_cast %swap3A_502 : vector<1x16xf32> to vector<16xf32>
      %swap3A_504 = vector.shape_cast %add3A_499 : vector<16xf32> to vector<1x16xf32>
      tpu.vector_store %arg10[%swap3A_500, %swap3A_501], %swap3A_504 {strides = array<i32>} : memref<16x1024xf32, #tpu.memory_space<vmem>>, vector<1x16xf32>,
      %get3A_505 = arith.index_cast %scan3A_86 : i32 to index
      %get3A_506 = arith.constant 480 : index
      %get3A_507 = tpu.vector_load %arg8[%get3A_505, %get3A_506] {strides = array<i32>} : memref<16x1024xf32, #tpu.memory_space<vmem>>, vector<1x16xf32>,
      %get3A_508 = vector.shape_cast %get3A_507 : vector<1x16xf32> to vector<16xf32>
      %get3A_509 = arith.index_cast %scan3A_86 : i32 to index
      %get3A_510 = arith.constant 480 : index
      %get3A_511 = tpu.vector_load %arg9[%get3A_509, %get3A_510] {strides = array<i32>} : memref<16x1024xf32, #tpu.memory_space<vmem>>, vector<1x16xf32>,
      %get3A_512 = vector.shape_cast %get3A_511 : vector<1x16xf32> to vector<16xf32>
      %add3A_513 = arith.addf %get3A_508, %get3A_512 : vector<16xf32>
      %swap3A_514 = arith.index_cast %scan3A_86 : i32 to index
      %swap3A_515 = arith.constant 480 : index
      %swap3A_516 = tpu.vector_load %arg10[%swap3A_514, %swap3A_515] {strides = array<i32>} : memref<16x1024xf32, #tpu.memory_space<vmem>>, vector<1x16xf32>,
      %swap3A_517 = vector.shape_cast %swap3A_516 : vector<1x16xf32> to vector<16xf32>
      %swap3A_518 = vector.shape_cast %add3A_513 : vector<16xf32> to vector<1x16xf32>
      tpu.vector_store %arg10[%swap3A_514, %swap3A_515], %swap3A_518 {strides = array<i32>} : memref<16x1024xf32, #tpu.memory_space<vmem>>, vector<1x16xf32>,
      %get3A_519 = arith.index_cast %scan3A_86 : i32 to index
      %get3A_520 = arith.constant 496 : index
      %get3A_521 = tpu.vector_load %arg8[%get3A_519, %get3A_520] {strides = array<i32>} : memref<16x1024xf32, #tpu.memory_space<vmem>>, vector<1x16xf32>,
      %get3A_522 = vector.shape_cast %get3A_521 : vector<1x16xf32> to vector<16xf32>
      %get3A_523 = arith.index_cast %scan3A_86 : i32 to index
      %get3A_524 = arith.constant 496 : index
      %get3A_525 = tpu.vector_load %arg9[%get3A_523, %get3A_524] {strides = array<i32>} : memref<16x1024xf32, #tpu.memory_space<vmem>>, vector<1x16xf32>,
      %get3A_526 = vector.shape_cast %get3A_525 : vector<1x16xf32> to vector<16xf32>
      %add3A_527 = arith.addf %get3A_522, %get3A_526 : vector<16xf32>
      %swap3A_528 = arith.index_cast %scan3A_86 : i32 to index
      %swap3A_529 = arith.constant 496 : index
      %swap3A_530 = tpu.vector_load %arg10[%swap3A_528, %swap3A_529] {strides = array<i32>} : memref<16x1024xf32, #tpu.memory_space<vmem>>, vector<1x16xf32>,
      %swap3A_531 = vector.shape_cast %swap3A_530 : vector<1x16xf32> to vector<16xf32>
      %swap3A_532 = vector.shape_cast %add3A_527 : vector<16xf32> to vector<1x16xf32>
      tpu.vector_store %arg10[%swap3A_528, %swap3A_529], %swap3A_532 {strides = array<i32>} : memref<16x1024xf32, #tpu.memory_space<vmem>>, vector<1x16xf32>,
      %get3A_533 = arith.index_cast %scan3A_86 : i32 to index
      %get3A_534 = arith.constant 512 : index
      %get3A_535 = tpu.vector_load %arg8[%get3A_533, %get3A_534] {strides = array<i32>} : memref<16x1024xf32, #tpu.memory_space<vmem>>, vector<1x16xf32>,
      %get3A_536 = vector.shape_cast %get3A_535 : vector<1x16xf32> to vector<16xf32>
      %get3A_537 = arith.index_cast %scan3A_86 : i32 to index
      %get3A_538 = arith.constant 512 : index
      %get3A_539 = tpu.vector_load %arg9[%get3A_537, %get3A_538] {strides = array<i32>} : memref<16x1024xf32, #tpu.memory_space<vmem>>, vector<1x16xf32>,
      %get3A_540 = vector.shape_cast %get3A_539 : vector<1x16xf32> to vector<16xf32>
      %add3A_541 = arith.addf %get3A_536, %get3A_540 : vector<16xf32>
      %swap3A_542 = arith.index_cast %scan3A_86 : i32 to index
      %swap3A_543 = arith.constant 512 : index
      %swap3A_544 = tpu.vector_load %arg10[%swap3A_542, %swap3A_543] {strides = array<i32>} : memref<16x1024xf32, #tpu.memory_space<vmem>>, vector<1x16xf32>,
      %swap3A_545 = vector.shape_cast %swap3A_544 : vector<1x16xf32> to vector<16xf32>
      %swap3A_546 = vector.shape_cast %add3A_541 : vector<16xf32> to vector<1x16xf32>
      tpu.vector_store %arg10[%swap3A_542, %swap3A_543], %swap3A_546 {strides = array<i32>} : memref<16x1024xf32, #tpu.memory_space<vmem>>, vector<1x16xf32>,
      %get3A_547 = arith.index_cast %scan3A_86 : i32 to index
      %get3A_548 = arith.constant 528 : index
      %get3A_549 = tpu.vector_load %arg8[%get3A_547, %get3A_548] {strides = array<i32>} : memref<16x1024xf32, #tpu.memory_space<vmem>>, vector<1x16xf32>,
      %get3A_550 = vector.shape_cast %get3A_549 : vector<1x16xf32> to vector<16xf32>
      %get3A_551 = arith.index_cast %scan3A_86 : i32 to index
      %get3A_552 = arith.constant 528 : index
      %get3A_553 = tpu.vector_load %arg9[%get3A_551, %get3A_552] {strides = array<i32>} : memref<16x1024xf32, #tpu.memory_space<vmem>>, vector<1x16xf32>,
      %get3A_554 = vector.shape_cast %get3A_553 : vector<1x16xf32> to vector<16xf32>
      %add3A_555 = arith.addf %get3A_550, %get3A_554 : vector<16xf32>
      %swap3A_556 = arith.index_cast %scan3A_86 : i32 to index
      %swap3A_557 = arith.constant 528 : index
      %swap3A_558 = tpu.vector_load %arg10[%swap3A_556, %swap3A_557] {strides = array<i32>} : memref<16x1024xf32, #tpu.memory_space<vmem>>, vector<1x16xf32>,
      %swap3A_559 = vector.shape_cast %swap3A_558 : vector<1x16xf32> to vector<16xf32>
      %swap3A_560 = vector.shape_cast %add3A_555 : vector<16xf32> to vector<1x16xf32>
      tpu.vector_store %arg10[%swap3A_556, %swap3A_557], %swap3A_560 {strides = array<i32>} : memref<16x1024xf32, #tpu.memory_space<vmem>>, vector<1x16xf32>,
      %get3A_561 = arith.index_cast %scan3A_86 : i32 to index
      %get3A_562 = arith.constant 544 : index
      %get3A_563 = tpu.vector_load %arg8[%get3A_561, %get3A_562] {strides = array<i32>} : memref<16x1024xf32, #tpu.memory_space<vmem>>, vector<1x16xf32>,
      %get3A_564 = vector.shape_cast %get3A_563 : vector<1x16xf32> to vector<16xf32>
      %get3A_565 = arith.index_cast %scan3A_86 : i32 to index
      %get3A_566 = arith.constant 544 : index
      %get3A_567 = tpu.vector_load %arg9[%get3A_565, %get3A_566] {strides = array<i32>} : memref<16x1024xf32, #tpu.memory_space<vmem>>, vector<1x16xf32>,
      %get3A_568 = vector.shape_cast %get3A_567 : vector<1x16xf32> to vector<16xf32>
      %add3A_569 = arith.addf %get3A_564, %get3A_568 : vector<16xf32>
      %swap3A_570 = arith.index_cast %scan3A_86 : i32 to index
      %swap3A_571 = arith.constant 544 : index
      %swap3A_572 = tpu.vector_load %arg10[%swap3A_570, %swap3A_571] {strides = array<i32>} : memref<16x1024xf32, #tpu.memory_space<vmem>>, vector<1x16xf32>,
      %swap3A_573 = vector.shape_cast %swap3A_572 : vector<1x16xf32> to vector<16xf32>
      %swap3A_574 = vector.shape_cast %add3A_569 : vector<16xf32> to vector<1x16xf32>
      tpu.vector_store %arg10[%swap3A_570, %swap3A_571], %swap3A_574 {strides = array<i32>} : memref<16x1024xf32, #tpu.memory_space<vmem>>, vector<1x16xf32>,
      %get3A_575 = arith.index_cast %scan3A_86 : i32 to index
      %get3A_576 = arith.constant 560 : index
      %get3A_577 = tpu.vector_load %arg8[%get3A_575, %get3A_576] {strides = array<i32>} : memref<16x1024xf32, #tpu.memory_space<vmem>>, vector<1x16xf32>,
      %get3A_578 = vector.shape_cast %get3A_577 : vector<1x16xf32> to vector<16xf32>
      %get3A_579 = arith.index_cast %scan3A_86 : i32 to index
      %get3A_580 = arith.constant 560 : index
      %get3A_581 = tpu.vector_load %arg9[%get3A_579, %get3A_580] {strides = array<i32>} : memref<16x1024xf32, #tpu.memory_space<vmem>>, vector<1x16xf32>,
      %get3A_582 = vector.shape_cast %get3A_581 : vector<1x16xf32> to vector<16xf32>
      %add3A_583 = arith.addf %get3A_578, %get3A_582 : vector<16xf32>
      %swap3A_584 = arith.index_cast %scan3A_86 : i32 to index
      %swap3A_585 = arith.constant 560 : index
      %swap3A_586 = tpu.vector_load %arg10[%swap3A_584, %swap3A_585] {strides = array<i32>} : memref<16x1024xf32, #tpu.memory_space<vmem>>, vector<1x16xf32>,
      %swap3A_587 = vector.shape_cast %swap3A_586 : vector<1x16xf32> to vector<16xf32>
      %swap3A_588 = vector.shape_cast %add3A_583 : vector<16xf32> to vector<1x16xf32>
      tpu.vector_store %arg10[%swap3A_584, %swap3A_585], %swap3A_588 {strides = array<i32>} : memref<16x1024xf32, #tpu.memory_space<vmem>>, vector<1x16xf32>,
      %get3A_589 = arith.index_cast %scan3A_86 : i32 to index
      %get3A_590 = arith.constant 576 : index
      %get3A_591 = tpu.vector_load %arg8[%get3A_589, %get3A_590] {strides = array<i32>} : memref<16x1024xf32, #tpu.memory_space<vmem>>, vector<1x16xf32>,
      %get3A_592 = vector.shape_cast %get3A_591 : vector<1x16xf32> to vector<16xf32>
      %get3A_593 = arith.index_cast %scan3A_86 : i32 to index
      %get3A_594 = arith.constant 576 : index
      %get3A_595 = tpu.vector_load %arg9[%get3A_593, %get3A_594] {strides = array<i32>} : memref<16x1024xf32, #tpu.memory_space<vmem>>, vector<1x16xf32>,
      %get3A_596 = vector.shape_cast %get3A_595 : vector<1x16xf32> to vector<16xf32>
      %add3A_597 = arith.addf %get3A_592, %get3A_596 : vector<16xf32>
      %swap3A_598 = arith.index_cast %scan3A_86 : i32 to index
      %swap3A_599 = arith.constant 576 : index
      %swap3A_600 = tpu.vector_load %arg10[%swap3A_598, %swap3A_599] {strides = array<i32>} : memref<16x1024xf32, #tpu.memory_space<vmem>>, vector<1x16xf32>,
      %swap3A_601 = vector.shape_cast %swap3A_600 : vector<1x16xf32> to vector<16xf32>
      %swap3A_602 = vector.shape_cast %add3A_597 : vector<16xf32> to vector<1x16xf32>
      tpu.vector_store %arg10[%swap3A_598, %swap3A_599], %swap3A_602 {strides = array<i32>} : memref<16x1024xf32, #tpu.memory_space<vmem>>, vector<1x16xf32>,
      %get3A_603 = arith.index_cast %scan3A_86 : i32 to index
      %get3A_604 = arith.constant 592 : index
      %get3A_605 = tpu.vector_load %arg8[%get3A_603, %get3A_604] {strides = array<i32>} : memref<16x1024xf32, #tpu.memory_space<vmem>>, vector<1x16xf32>,
      %get3A_606 = vector.shape_cast %get3A_605 : vector<1x16xf32> to vector<16xf32>
      %get3A_607 = arith.index_cast %scan3A_86 : i32 to index
      %get3A_608 = arith.constant 592 : index
      %get3A_609 = tpu.vector_load %arg9[%get3A_607, %get3A_608] {strides = array<i32>} : memref<16x1024xf32, #tpu.memory_space<vmem>>, vector<1x16xf32>,
      %get3A_610 = vector.shape_cast %get3A_609 : vector<1x16xf32> to vector<16xf32>
      %add3A_611 = arith.addf %get3A_606, %get3A_610 : vector<16xf32>
      %swap3A_612 = arith.index_cast %scan3A_86 : i32 to index
      %swap3A_613 = arith.constant 592 : index
      %swap3A_614 = tpu.vector_load %arg10[%swap3A_612, %swap3A_613] {strides = array<i32>} : memref<16x1024xf32, #tpu.memory_space<vmem>>, vector<1x16xf32>,
      %swap3A_615 = vector.shape_cast %swap3A_614 : vector<1x16xf32> to vector<16xf32>
      %swap3A_616 = vector.shape_cast %add3A_611 : vector<16xf32> to vector<1x16xf32>
      tpu.vector_store %arg10[%swap3A_612, %swap3A_613], %swap3A_616 {strides = array<i32>} : memref<16x1024xf32, #tpu.memory_space<vmem>>, vector<1x16xf32>,
      %get3A_617 = arith.index_cast %scan3A_86 : i32 to index
      %get3A_618 = arith.constant 608 : index
      %get3A_619 = tpu.vector_load %arg8[%get3A_617, %get3A_618] {strides = array<i32>} : memref<16x1024xf32, #tpu.memory_space<vmem>>, vector<1x16xf32>,
      %get3A_620 = vector.shape_cast %get3A_619 : vector<1x16xf32> to vector<16xf32>
      %get3A_621 = arith.index_cast %scan3A_86 : i32 to index
      %get3A_622 = arith.constant 608 : index
      %get3A_623 = tpu.vector_load %arg9[%get3A_621, %get3A_622] {strides = array<i32>} : memref<16x1024xf32, #tpu.memory_space<vmem>>, vector<1x16xf32>,
      %get3A_624 = vector.shape_cast %get3A_623 : vector<1x16xf32> to vector<16xf32>
      %add3A_625 = arith.addf %get3A_620, %get3A_624 : vector<16xf32>
      %swap3A_626 = arith.index_cast %scan3A_86 : i32 to index
      %swap3A_627 = arith.constant 608 : index
      %swap3A_628 = tpu.vector_load %arg10[%swap3A_626, %swap3A_627] {strides = array<i32>} : memref<16x1024xf32, #tpu.memory_space<vmem>>, vector<1x16xf32>,
      %swap3A_629 = vector.shape_cast %swap3A_628 : vector<1x16xf32> to vector<16xf32>
      %swap3A_630 = vector.shape_cast %add3A_625 : vector<16xf32> to vector<1x16xf32>
      tpu.vector_store %arg10[%swap3A_626, %swap3A_627], %swap3A_630 {strides = array<i32>} : memref<16x1024xf32, #tpu.memory_space<vmem>>, vector<1x16xf32>,
      %get3A_631 = arith.index_cast %scan3A_86 : i32 to index
      %get3A_632 = arith.constant 624 : index
      %get3A_633 = tpu.vector_load %arg8[%get3A_631, %get3A_632] {strides = array<i32>} : memref<16x1024xf32, #tpu.memory_space<vmem>>, vector<1x16xf32>,
      %get3A_634 = vector.shape_cast %get3A_633 : vector<1x16xf32> to vector<16xf32>
      %get3A_635 = arith.index_cast %scan3A_86 : i32 to index
      %get3A_636 = arith.constant 624 : index
      %get3A_637 = tpu.vector_load %arg9[%get3A_635, %get3A_636] {strides = array<i32>} : memref<16x1024xf32, #tpu.memory_space<vmem>>, vector<1x16xf32>,
      %get3A_638 = vector.shape_cast %get3A_637 : vector<1x16xf32> to vector<16xf32>
      %add3A_639 = arith.addf %get3A_634, %get3A_638 : vector<16xf32>
      %swap3A_640 = arith.index_cast %scan3A_86 : i32 to index
      %swap3A_641 = arith.constant 624 : index
      %swap3A_642 = tpu.vector_load %arg10[%swap3A_640, %swap3A_641] {strides = array<i32>} : memref<16x1024xf32, #tpu.memory_space<vmem>>, vector<1x16xf32>,
      %swap3A_643 = vector.shape_cast %swap3A_642 : vector<1x16xf32> to vector<16xf32>
      %swap3A_644 = vector.shape_cast %add3A_639 : vector<16xf32> to vector<1x16xf32>
      tpu.vector_store %arg10[%swap3A_640, %swap3A_641], %swap3A_644 {strides = array<i32>} : memref<16x1024xf32, #tpu.memory_space<vmem>>, vector<1x16xf32>,
      %get3A_645 = arith.index_cast %scan3A_86 : i32 to index
      %get3A_646 = arith.constant 640 : index
      %get3A_647 = tpu.vector_load %arg8[%get3A_645, %get3A_646] {strides = array<i32>} : memref<16x1024xf32, #tpu.memory_space<vmem>>, vector<1x16xf32>,
      %get3A_648 = vector.shape_cast %get3A_647 : vector<1x16xf32> to vector<16xf32>
      %get3A_649 = arith.index_cast %scan3A_86 : i32 to index
      %get3A_650 = arith.constant 640 : index
      %get3A_651 = tpu.vector_load %arg9[%get3A_649, %get3A_650] {strides = array<i32>} : memref<16x1024xf32, #tpu.memory_space<vmem>>, vector<1x16xf32>,
      %get3A_652 = vector.shape_cast %get3A_651 : vector<1x16xf32> to vector<16xf32>
      %add3A_653 = arith.addf %get3A_648, %get3A_652 : vector<16xf32>
      %swap3A_654 = arith.index_cast %scan3A_86 : i32 to index
      %swap3A_655 = arith.constant 640 : index
      %swap3A_656 = tpu.vector_load %arg10[%swap3A_654, %swap3A_655] {strides = array<i32>} : memref<16x1024xf32, #tpu.memory_space<vmem>>, vector<1x16xf32>,
      %swap3A_657 = vector.shape_cast %swap3A_656 : vector<1x16xf32> to vector<16xf32>
      %swap3A_658 = vector.shape_cast %add3A_653 : vector<16xf32> to vector<1x16xf32>
      tpu.vector_store %arg10[%swap3A_654, %swap3A_655], %swap3A_658 {strides = array<i32>} : memref<16x1024xf32, #tpu.memory_space<vmem>>, vector<1x16xf32>,
      %get3A_659 = arith.index_cast %scan3A_86 : i32 to index
      %get3A_660 = arith.constant 656 : index
      %get3A_661 = tpu.vector_load %arg8[%get3A_659, %get3A_660] {strides = array<i32>} : memref<16x1024xf32, #tpu.memory_space<vmem>>, vector<1x16xf32>,
      %get3A_662 = vector.shape_cast %get3A_661 : vector<1x16xf32> to vector<16xf32>
      %get3A_663 = arith.index_cast %scan3A_86 : i32 to index
      %get3A_664 = arith.constant 656 : index
      %get3A_665 = tpu.vector_load %arg9[%get3A_663, %get3A_664] {strides = array<i32>} : memref<16x1024xf32, #tpu.memory_space<vmem>>, vector<1x16xf32>,
      %get3A_666 = vector.shape_cast %get3A_665 : vector<1x16xf32> to vector<16xf32>
      %add3A_667 = arith.addf %get3A_662, %get3A_666 : vector<16xf32>
      %swap3A_668 = arith.index_cast %scan3A_86 : i32 to index
      %swap3A_669 = arith.constant 656 : index
      %swap3A_670 = tpu.vector_load %arg10[%swap3A_668, %swap3A_669] {strides = array<i32>} : memref<16x1024xf32, #tpu.memory_space<vmem>>, vector<1x16xf32>,
      %swap3A_671 = vector.shape_cast %swap3A_670 : vector<1x16xf32> to vector<16xf32>
      %swap3A_672 = vector.shape_cast %add3A_667 : vector<16xf32> to vector<1x16xf32>
      tpu.vector_store %arg10[%swap3A_668, %swap3A_669], %swap3A_672 {strides = array<i32>} : memref<16x1024xf32, #tpu.memory_space<vmem>>, vector<1x16xf32>,
      %get3A_673 = arith.index_cast %scan3A_86 : i32 to index
      %get3A_674 = arith.constant 672 : index
      %get3A_675 = tpu.vector_load %arg8[%get3A_673, %get3A_674] {strides = array<i32>} : memref<16x1024xf32, #tpu.memory_space<vmem>>, vector<1x16xf32>,
      %get3A_676 = vector.shape_cast %get3A_675 : vector<1x16xf32> to vector<16xf32>
      %get3A_677 = arith.index_cast %scan3A_86 : i32 to index
      %get3A_678 = arith.constant 672 : index
      %get3A_679 = tpu.vector_load %arg9[%get3A_677, %get3A_678] {strides = array<i32>} : memref<16x1024xf32, #tpu.memory_space<vmem>>, vector<1x16xf32>,
      %get3A_680 = vector.shape_cast %get3A_679 : vector<1x16xf32> to vector<16xf32>
      %add3A_681 = arith.addf %get3A_676, %get3A_680 : vector<16xf32>
      %swap3A_682 = arith.index_cast %scan3A_86 : i32 to index
      %swap3A_683 = arith.constant 672 : index
      %swap3A_684 = tpu.vector_load %arg10[%swap3A_682, %swap3A_683] {strides = array<i32>} : memref<16x1024xf32, #tpu.memory_space<vmem>>, vector<1x16xf32>,
      %swap3A_685 = vector.shape_cast %swap3A_684 : vector<1x16xf32> to vector<16xf32>
      %swap3A_686 = vector.shape_cast %add3A_681 : vector<16xf32> to vector<1x16xf32>
      tpu.vector_store %arg10[%swap3A_682, %swap3A_683], %swap3A_686 {strides = array<i32>} : memref<16x1024xf32, #tpu.memory_space<vmem>>, vector<1x16xf32>,
      %get3A_687 = arith.index_cast %scan3A_86 : i32 to index
      %get3A_688 = arith.constant 688 : index
      %get3A_689 = tpu.vector_load %arg8[%get3A_687, %get3A_688] {strides = array<i32>} : memref<16x1024xf32, #tpu.memory_space<vmem>>, vector<1x16xf32>,
      %get3A_690 = vector.shape_cast %get3A_689 : vector<1x16xf32> to vector<16xf32>
      %get3A_691 = arith.index_cast %scan3A_86 : i32 to index
      %get3A_692 = arith.constant 688 : index
      %get3A_693 = tpu.vector_load %arg9[%get3A_691, %get3A_692] {strides = array<i32>} : memref<16x1024xf32, #tpu.memory_space<vmem>>, vector<1x16xf32>,
      %get3A_694 = vector.shape_cast %get3A_693 : vector<1x16xf32> to vector<16xf32>
      %add3A_695 = arith.addf %get3A_690, %get3A_694 : vector<16xf32>
      %swap3A_696 = arith.index_cast %scan3A_86 : i32 to index
      %swap3A_697 = arith.constant 688 : index
      %swap3A_698 = tpu.vector_load %arg10[%swap3A_696, %swap3A_697] {strides = array<i32>} : memref<16x1024xf32, #tpu.memory_space<vmem>>, vector<1x16xf32>,
      %swap3A_699 = vector.shape_cast %swap3A_698 : vector<1x16xf32> to vector<16xf32>
      %swap3A_700 = vector.shape_cast %add3A_695 : vector<16xf32> to vector<1x16xf32>
      tpu.vector_store %arg10[%swap3A_696, %swap3A_697], %swap3A_700 {strides = array<i32>} : memref<16x1024xf32, #tpu.memory_space<vmem>>, vector<1x16xf32>,
      %get3A_701 = arith.index_cast %scan3A_86 : i32 to index
      %get3A_702 = arith.constant 704 : index
      %get3A_703 = tpu.vector_load %arg8[%get3A_701, %get3A_702] {strides = array<i32>} : memref<16x1024xf32, #tpu.memory_space<vmem>>, vector<1x16xf32>,
      %get3A_704 = vector.shape_cast %get3A_703 : vector<1x16xf32> to vector<16xf32>
      %get3A_705 = arith.index_cast %scan3A_86 : i32 to index
      %get3A_706 = arith.constant 704 : index
      %get3A_707 = tpu.vector_load %arg9[%get3A_705, %get3A_706] {strides = array<i32>} : memref<16x1024xf32, #tpu.memory_space<vmem>>, vector<1x16xf32>,
      %get3A_708 = vector.shape_cast %get3A_707 : vector<1x16xf32> to vector<16xf32>
      %add3A_709 = arith.addf %get3A_704, %get3A_708 : vector<16xf32>
      %swap3A_710 = arith.index_cast %scan3A_86 : i32 to index
      %swap3A_711 = arith.constant 704 : index
      %swap3A_712 = tpu.vector_load %arg10[%swap3A_710, %swap3A_711] {strides = array<i32>} : memref<16x1024xf32, #tpu.memory_space<vmem>>, vector<1x16xf32>,
      %swap3A_713 = vector.shape_cast %swap3A_712 : vector<1x16xf32> to vector<16xf32>
      %swap3A_714 = vector.shape_cast %add3A_709 : vector<16xf32> to vector<1x16xf32>
      tpu.vector_store %arg10[%swap3A_710, %swap3A_711], %swap3A_714 {strides = array<i32>} : memref<16x1024xf32, #tpu.memory_space<vmem>>, vector<1x16xf32>,
      %get3A_715 = arith.index_cast %scan3A_86 : i32 to index
      %get3A_716 = arith.constant 720 : index
      %get3A_717 = tpu.vector_load %arg8[%get3A_715, %get3A_716] {strides = array<i32>} : memref<16x1024xf32, #tpu.memory_space<vmem>>, vector<1x16xf32>,
      %get3A_718 = vector.shape_cast %get3A_717 : vector<1x16xf32> to vector<16xf32>
      %get3A_719 = arith.index_cast %scan3A_86 : i32 to index
      %get3A_720 = arith.constant 720 : index
      %get3A_721 = tpu.vector_load %arg9[%get3A_719, %get3A_720] {strides = array<i32>} : memref<16x1024xf32, #tpu.memory_space<vmem>>, vector<1x16xf32>,
      %get3A_722 = vector.shape_cast %get3A_721 : vector<1x16xf32> to vector<16xf32>
      %add3A_723 = arith.addf %get3A_718, %get3A_722 : vector<16xf32>
      %swap3A_724 = arith.index_cast %scan3A_86 : i32 to index
      %swap3A_725 = arith.constant 720 : index
      %swap3A_726 = tpu.vector_load %arg10[%swap3A_724, %swap3A_725] {strides = array<i32>} : memref<16x1024xf32, #tpu.memory_space<vmem>>, vector<1x16xf32>,
      %swap3A_727 = vector.shape_cast %swap3A_726 : vector<1x16xf32> to vector<16xf32>
      %swap3A_728 = vector.shape_cast %add3A_723 : vector<16xf32> to vector<1x16xf32>
      tpu.vector_store %arg10[%swap3A_724, %swap3A_725], %swap3A_728 {strides = array<i32>} : memref<16x1024xf32, #tpu.memory_space<vmem>>, vector<1x16xf32>,
      %get3A_729 = arith.index_cast %scan3A_86 : i32 to index
      %get3A_730 = arith.constant 736 : index
      %get3A_731 = tpu.vector_load %arg8[%get3A_729, %get3A_730] {strides = array<i32>} : memref<16x1024xf32, #tpu.memory_space<vmem>>, vector<1x16xf32>,
      %get3A_732 = vector.shape_cast %get3A_731 : vector<1x16xf32> to vector<16xf32>
      %get3A_733 = arith.index_cast %scan3A_86 : i32 to index
      %get3A_734 = arith.constant 736 : index
      %get3A_735 = tpu.vector_load %arg9[%get3A_733, %get3A_734] {strides = array<i32>} : memref<16x1024xf32, #tpu.memory_space<vmem>>, vector<1x16xf32>,
      %get3A_736 = vector.shape_cast %get3A_735 : vector<1x16xf32> to vector<16xf32>
      %add3A_737 = arith.addf %get3A_732, %get3A_736 : vector<16xf32>
      %swap3A_738 = arith.index_cast %scan3A_86 : i32 to index
      %swap3A_739 = arith.constant 736 : index
      %swap3A_740 = tpu.vector_load %arg10[%swap3A_738, %swap3A_739] {strides = array<i32>} : memref<16x1024xf32, #tpu.memory_space<vmem>>, vector<1x16xf32>,
      %swap3A_741 = vector.shape_cast %swap3A_740 : vector<1x16xf32> to vector<16xf32>
      %swap3A_742 = vector.shape_cast %add3A_737 : vector<16xf32> to vector<1x16xf32>
      tpu.vector_store %arg10[%swap3A_738, %swap3A_739], %swap3A_742 {strides = array<i32>} : memref<16x1024xf32, #tpu.memory_space<vmem>>, vector<1x16xf32>,
      %get3A_743 = arith.index_cast %scan3A_86 : i32 to index
      %get3A_744 = arith.constant 752 : index
      %get3A_745 = tpu.vector_load %arg8[%get3A_743, %get3A_744] {strides = array<i32>} : memref<16x1024xf32, #tpu.memory_space<vmem>>, vector<1x16xf32>,
      %get3A_746 = vector.shape_cast %get3A_745 : vector<1x16xf32> to vector<16xf32>
      %get3A_747 = arith.index_cast %scan3A_86 : i32 to index
      %get3A_748 = arith.constant 752 : index
      %get3A_749 = tpu.vector_load %arg9[%get3A_747, %get3A_748] {strides = array<i32>} : memref<16x1024xf32, #tpu.memory_space<vmem>>, vector<1x16xf32>,
      %get3A_750 = vector.shape_cast %get3A_749 : vector<1x16xf32> to vector<16xf32>
      %add3A_751 = arith.addf %get3A_746, %get3A_750 : vector<16xf32>
      %swap3A_752 = arith.index_cast %scan3A_86 : i32 to index
      %swap3A_753 = arith.constant 752 : index
      %swap3A_754 = tpu.vector_load %arg10[%swap3A_752, %swap3A_753] {strides = array<i32>} : memref<16x1024xf32, #tpu.memory_space<vmem>>, vector<1x16xf32>,
      %swap3A_755 = vector.shape_cast %swap3A_754 : vector<1x16xf32> to vector<16xf32>
      %swap3A_756 = vector.shape_cast %add3A_751 : vector<16xf32> to vector<1x16xf32>
      tpu.vector_store %arg10[%swap3A_752, %swap3A_753], %swap3A_756 {strides = array<i32>} : memref<16x1024xf32, #tpu.memory_space<vmem>>, vector<1x16xf32>,
      %get3A_757 = arith.index_cast %scan3A_86 : i32 to index
      %get3A_758 = arith.constant 768 : index
      %get3A_759 = tpu.vector_load %arg8[%get3A_757, %get3A_758] {strides = array<i32>} : memref<16x1024xf32, #tpu.memory_space<vmem>>, vector<1x16xf32>,
      %get3A_760 = vector.shape_cast %get3A_759 : vector<1x16xf32> to vector<16xf32>
      %get3A_761 = arith.index_cast %scan3A_86 : i32 to index
      %get3A_762 = arith.constant 768 : index
      %get3A_763 = tpu.vector_load %arg9[%get3A_761, %get3A_762] {strides = array<i32>} : memref<16x1024xf32, #tpu.memory_space<vmem>>, vector<1x16xf32>,
      %get3A_764 = vector.shape_cast %get3A_763 : vector<1x16xf32> to vector<16xf32>
      %add3A_765 = arith.addf %get3A_760, %get3A_764 : vector<16xf32>
      %swap3A_766 = arith.index_cast %scan3A_86 : i32 to index
      %swap3A_767 = arith.constant 768 : index
      %swap3A_768 = tpu.vector_load %arg10[%swap3A_766, %swap3A_767] {strides = array<i32>} : memref<16x1024xf32, #tpu.memory_space<vmem>>, vector<1x16xf32>,
      %swap3A_769 = vector.shape_cast %swap3A_768 : vector<1x16xf32> to vector<16xf32>
      %swap3A_770 = vector.shape_cast %add3A_765 : vector<16xf32> to vector<1x16xf32>
      tpu.vector_store %arg10[%swap3A_766, %swap3A_767], %swap3A_770 {strides = array<i32>} : memref<16x1024xf32, #tpu.memory_space<vmem>>, vector<1x16xf32>,
      %get3A_771 = arith.index_cast %scan3A_86 : i32 to index
      %get3A_772 = arith.constant 784 : index
      %get3A_773 = tpu.vector_load %arg8[%get3A_771, %get3A_772] {strides = array<i32>} : memref<16x1024xf32, #tpu.memory_space<vmem>>, vector<1x16xf32>,
      %get3A_774 = vector.shape_cast %get3A_773 : vector<1x16xf32> to vector<16xf32>
      %get3A_775 = arith.index_cast %scan3A_86 : i32 to index
      %get3A_776 = arith.constant 784 : index
      %get3A_777 = tpu.vector_load %arg9[%get3A_775, %get3A_776] {strides = array<i32>} : memref<16x1024xf32, #tpu.memory_space<vmem>>, vector<1x16xf32>,
      %get3A_778 = vector.shape_cast %get3A_777 : vector<1x16xf32> to vector<16xf32>
      %add3A_779 = arith.addf %get3A_774, %get3A_778 : vector<16xf32>
      %swap3A_780 = arith.index_cast %scan3A_86 : i32 to index
      %swap3A_781 = arith.constant 784 : index
      %swap3A_782 = tpu.vector_load %arg10[%swap3A_780, %swap3A_781] {strides = array<i32>} : memref<16x1024xf32, #tpu.memory_space<vmem>>, vector<1x16xf32>,
      %swap3A_783 = vector.shape_cast %swap3A_782 : vector<1x16xf32> to vector<16xf32>
      %swap3A_784 = vector.shape_cast %add3A_779 : vector<16xf32> to vector<1x16xf32>
      tpu.vector_store %arg10[%swap3A_780, %swap3A_781], %swap3A_784 {strides = array<i32>} : memref<16x1024xf32, #tpu.memory_space<vmem>>, vector<1x16xf32>,
      %get3A_785 = arith.index_cast %scan3A_86 : i32 to index
      %get3A_786 = arith.constant 800 : index
      %get3A_787 = tpu.vector_load %arg8[%get3A_785, %get3A_786] {strides = array<i32>} : memref<16x1024xf32, #tpu.memory_space<vmem>>, vector<1x16xf32>,
      %get3A_788 = vector.shape_cast %get3A_787 : vector<1x16xf32> to vector<16xf32>
      %get3A_789 = arith.index_cast %scan3A_86 : i32 to index
      %get3A_790 = arith.constant 800 : index
      %get3A_791 = tpu.vector_load %arg9[%get3A_789, %get3A_790] {strides = array<i32>} : memref<16x1024xf32, #tpu.memory_space<vmem>>, vector<1x16xf32>,
      %get3A_792 = vector.shape_cast %get3A_791 : vector<1x16xf32> to vector<16xf32>
      %add3A_793 = arith.addf %get3A_788, %get3A_792 : vector<16xf32>
      %swap3A_794 = arith.index_cast %scan3A_86 : i32 to index
      %swap3A_795 = arith.constant 800 : index
      %swap3A_796 = tpu.vector_load %arg10[%swap3A_794, %swap3A_795] {strides = array<i32>} : memref<16x1024xf32, #tpu.memory_space<vmem>>, vector<1x16xf32>,
      %swap3A_797 = vector.shape_cast %swap3A_796 : vector<1x16xf32> to vector<16xf32>
      %swap3A_798 = vector.shape_cast %add3A_793 : vector<16xf32> to vector<1x16xf32>
      tpu.vector_store %arg10[%swap3A_794, %swap3A_795], %swap3A_798 {strides = array<i32>} : memref<16x1024xf32, #tpu.memory_space<vmem>>, vector<1x16xf32>,
      %get3A_799 = arith.index_cast %scan3A_86 : i32 to index
      %get3A_800 = arith.constant 816 : index
      %get3A_801 = tpu.vector_load %arg8[%get3A_799, %get3A_800] {strides = array<i32>} : memref<16x1024xf32, #tpu.memory_space<vmem>>, vector<1x16xf32>,
      %get3A_802 = vector.shape_cast %get3A_801 : vector<1x16xf32> to vector<16xf32>
      %get3A_803 = arith.index_cast %scan3A_86 : i32 to index
      %get3A_804 = arith.constant 816 : index
      %get3A_805 = tpu.vector_load %arg9[%get3A_803, %get3A_804] {strides = array<i32>} : memref<16x1024xf32, #tpu.memory_space<vmem>>, vector<1x16xf32>,
      %get3A_806 = vector.shape_cast %get3A_805 : vector<1x16xf32> to vector<16xf32>
      %add3A_807 = arith.addf %get3A_802, %get3A_806 : vector<16xf32>
      %swap3A_808 = arith.index_cast %scan3A_86 : i32 to index
      %swap3A_809 = arith.constant 816 : index
      %swap3A_810 = tpu.vector_load %arg10[%swap3A_808, %swap3A_809] {strides = array<i32>} : memref<16x1024xf32, #tpu.memory_space<vmem>>, vector<1x16xf32>,
      %swap3A_811 = vector.shape_cast %swap3A_810 : vector<1x16xf32> to vector<16xf32>
      %swap3A_812 = vector.shape_cast %add3A_807 : vector<16xf32> to vector<1x16xf32>
      tpu.vector_store %arg10[%swap3A_808, %swap3A_809], %swap3A_812 {strides = array<i32>} : memref<16x1024xf32, #tpu.memory_space<vmem>>, vector<1x16xf32>,
      %get3A_813 = arith.index_cast %scan3A_86 : i32 to index
      %get3A_814 = arith.constant 832 : index
      %get3A_815 = tpu.vector_load %arg8[%get3A_813, %get3A_814] {strides = array<i32>} : memref<16x1024xf32, #tpu.memory_space<vmem>>, vector<1x16xf32>,
      %get3A_816 = vector.shape_cast %get3A_815 : vector<1x16xf32> to vector<16xf32>
      %get3A_817 = arith.index_cast %scan3A_86 : i32 to index
      %get3A_818 = arith.constant 832 : index
      %get3A_819 = tpu.vector_load %arg9[%get3A_817, %get3A_818] {strides = array<i32>} : memref<16x1024xf32, #tpu.memory_space<vmem>>, vector<1x16xf32>,
      %get3A_820 = vector.shape_cast %get3A_819 : vector<1x16xf32> to vector<16xf32>
      %add3A_821 = arith.addf %get3A_816, %get3A_820 : vector<16xf32>
      %swap3A_822 = arith.index_cast %scan3A_86 : i32 to index
      %swap3A_823 = arith.constant 832 : index
      %swap3A_824 = tpu.vector_load %arg10[%swap3A_822, %swap3A_823] {strides = array<i32>} : memref<16x1024xf32, #tpu.memory_space<vmem>>, vector<1x16xf32>,
      %swap3A_825 = vector.shape_cast %swap3A_824 : vector<1x16xf32> to vector<16xf32>
      %swap3A_826 = vector.shape_cast %add3A_821 : vector<16xf32> to vector<1x16xf32>
      tpu.vector_store %arg10[%swap3A_822, %swap3A_823], %swap3A_826 {strides = array<i32>} : memref<16x1024xf32, #tpu.memory_space<vmem>>, vector<1x16xf32>,
      %get3A_827 = arith.index_cast %scan3A_86 : i32 to index
      %get3A_828 = arith.constant 848 : index
      %get3A_829 = tpu.vector_load %arg8[%get3A_827, %get3A_828] {strides = array<i32>} : memref<16x1024xf32, #tpu.memory_space<vmem>>, vector<1x16xf32>,
      %get3A_830 = vector.shape_cast %get3A_829 : vector<1x16xf32> to vector<16xf32>
      %get3A_831 = arith.index_cast %scan3A_86 : i32 to index
      %get3A_832 = arith.constant 848 : index
      %get3A_833 = tpu.vector_load %arg9[%get3A_831, %get3A_832] {strides = array<i32>} : memref<16x1024xf32, #tpu.memory_space<vmem>>, vector<1x16xf32>,
      %get3A_834 = vector.shape_cast %get3A_833 : vector<1x16xf32> to vector<16xf32>
      %add3A_835 = arith.addf %get3A_830, %get3A_834 : vector<16xf32>
      %swap3A_836 = arith.index_cast %scan3A_86 : i32 to index
      %swap3A_837 = arith.constant 848 : index
      %swap3A_838 = tpu.vector_load %arg10[%swap3A_836, %swap3A_837] {strides = array<i32>} : memref<16x1024xf32, #tpu.memory_space<vmem>>, vector<1x16xf32>,
      %swap3A_839 = vector.shape_cast %swap3A_838 : vector<1x16xf32> to vector<16xf32>
      %swap3A_840 = vector.shape_cast %add3A_835 : vector<16xf32> to vector<1x16xf32>
      tpu.vector_store %arg10[%swap3A_836, %swap3A_837], %swap3A_840 {strides = array<i32>} : memref<16x1024xf32, #tpu.memory_space<vmem>>, vector<1x16xf32>,
      %get3A_841 = arith.index_cast %scan3A_86 : i32 to index
      %get3A_842 = arith.constant 864 : index
      %get3A_843 = tpu.vector_load %arg8[%get3A_841, %get3A_842] {strides = array<i32>} : memref<16x1024xf32, #tpu.memory_space<vmem>>, vector<1x16xf32>,
      %get3A_844 = vector.shape_cast %get3A_843 : vector<1x16xf32> to vector<16xf32>
      %get3A_845 = arith.index_cast %scan3A_86 : i32 to index
      %get3A_846 = arith.constant 864 : index
      %get3A_847 = tpu.vector_load %arg9[%get3A_845, %get3A_846] {strides = array<i32>} : memref<16x1024xf32, #tpu.memory_space<vmem>>, vector<1x16xf32>,
      %get3A_848 = vector.shape_cast %get3A_847 : vector<1x16xf32> to vector<16xf32>
      %add3A_849 = arith.addf %get3A_844, %get3A_848 : vector<16xf32>
      %swap3A_850 = arith.index_cast %scan3A_86 : i32 to index
      %swap3A_851 = arith.constant 864 : index
      %swap3A_852 = tpu.vector_load %arg10[%swap3A_850, %swap3A_851] {strides = array<i32>} : memref<16x1024xf32, #tpu.memory_space<vmem>>, vector<1x16xf32>,
      %swap3A_853 = vector.shape_cast %swap3A_852 : vector<1x16xf32> to vector<16xf32>
      %swap3A_854 = vector.shape_cast %add3A_849 : vector<16xf32> to vector<1x16xf32>
      tpu.vector_store %arg10[%swap3A_850, %swap3A_851], %swap3A_854 {strides = array<i32>} : memref<16x1024xf32, #tpu.memory_space<vmem>>, vector<1x16xf32>,
      %get3A_855 = arith.index_cast %scan3A_86 : i32 to index
      %get3A_856 = arith.constant 880 : index
      %get3A_857 = tpu.vector_load %arg8[%get3A_855, %get3A_856] {strides = array<i32>} : memref<16x1024xf32, #tpu.memory_space<vmem>>, vector<1x16xf32>,
      %get3A_858 = vector.shape_cast %get3A_857 : vector<1x16xf32> to vector<16xf32>
      %get3A_859 = arith.index_cast %scan3A_86 : i32 to index
      %get3A_860 = arith.constant 880 : index
      %get3A_861 = tpu.vector_load %arg9[%get3A_859, %get3A_860] {strides = array<i32>} : memref<16x1024xf32, #tpu.memory_space<vmem>>, vector<1x16xf32>,
      %get3A_862 = vector.shape_cast %get3A_861 : vector<1x16xf32> to vector<16xf32>
      %add3A_863 = arith.addf %get3A_858, %get3A_862 : vector<16xf32>
      %swap3A_864 = arith.index_cast %scan3A_86 : i32 to index
      %swap3A_865 = arith.constant 880 : index
      %swap3A_866 = tpu.vector_load %arg10[%swap3A_864, %swap3A_865] {strides = array<i32>} : memref<16x1024xf32, #tpu.memory_space<vmem>>, vector<1x16xf32>,
      %swap3A_867 = vector.shape_cast %swap3A_866 : vector<1x16xf32> to vector<16xf32>
      %swap3A_868 = vector.shape_cast %add3A_863 : vector<16xf32> to vector<1x16xf32>
      tpu.vector_store %arg10[%swap3A_864, %swap3A_865], %swap3A_868 {strides = array<i32>} : memref<16x1024xf32, #tpu.memory_space<vmem>>, vector<1x16xf32>,
      %get3A_869 = arith.index_cast %scan3A_86 : i32 to index
      %get3A_870 = arith.constant 896 : index
      %get3A_871 = tpu.vector_load %arg8[%get3A_869, %get3A_870] {strides = array<i32>} : memref<16x1024xf32, #tpu.memory_space<vmem>>, vector<1x16xf32>,
      %get3A_872 = vector.shape_cast %get3A_871 : vector<1x16xf32> to vector<16xf32>
      %get3A_873 = arith.index_cast %scan3A_86 : i32 to index
      %get3A_874 = arith.constant 896 : index
      %get3A_875 = tpu.vector_load %arg9[%get3A_873, %get3A_874] {strides = array<i32>} : memref<16x1024xf32, #tpu.memory_space<vmem>>, vector<1x16xf32>,
      %get3A_876 = vector.shape_cast %get3A_875 : vector<1x16xf32> to vector<16xf32>
      %add3A_877 = arith.addf %get3A_872, %get3A_876 : vector<16xf32>
      %swap3A_878 = arith.index_cast %scan3A_86 : i32 to index
      %swap3A_879 = arith.constant 896 : index
      %swap3A_880 = tpu.vector_load %arg10[%swap3A_878, %swap3A_879] {strides = array<i32>} : memref<16x1024xf32, #tpu.memory_space<vmem>>, vector<1x16xf32>,
      %swap3A_881 = vector.shape_cast %swap3A_880 : vector<1x16xf32> to vector<16xf32>
      %swap3A_882 = vector.shape_cast %add3A_877 : vector<16xf32> to vector<1x16xf32>
      tpu.vector_store %arg10[%swap3A_878, %swap3A_879], %swap3A_882 {strides = array<i32>} : memref<16x1024xf32, #tpu.memory_space<vmem>>, vector<1x16xf32>,
      %get3A_883 = arith.index_cast %scan3A_86 : i32 to index
      %get3A_884 = arith.constant 912 : index
      %get3A_885 = tpu.vector_load %arg8[%get3A_883, %get3A_884] {strides = array<i32>} : memref<16x1024xf32, #tpu.memory_space<vmem>>, vector<1x16xf32>,
      %get3A_886 = vector.shape_cast %get3A_885 : vector<1x16xf32> to vector<16xf32>
      %get3A_887 = arith.index_cast %scan3A_86 : i32 to index
      %get3A_888 = arith.constant 912 : index
      %get3A_889 = tpu.vector_load %arg9[%get3A_887, %get3A_888] {strides = array<i32>} : memref<16x1024xf32, #tpu.memory_space<vmem>>, vector<1x16xf32>,
      %get3A_890 = vector.shape_cast %get3A_889 : vector<1x16xf32> to vector<16xf32>
      %add3A_891 = arith.addf %get3A_886, %get3A_890 : vector<16xf32>
      %swap3A_892 = arith.index_cast %scan3A_86 : i32 to index
      %swap3A_893 = arith.constant 912 : index
      %swap3A_894 = tpu.vector_load %arg10[%swap3A_892, %swap3A_893] {strides = array<i32>} : memref<16x1024xf32, #tpu.memory_space<vmem>>, vector<1x16xf32>,
      %swap3A_895 = vector.shape_cast %swap3A_894 : vector<1x16xf32> to vector<16xf32>
      %swap3A_896 = vector.shape_cast %add3A_891 : vector<16xf32> to vector<1x16xf32>
      tpu.vector_store %arg10[%swap3A_892, %swap3A_893], %swap3A_896 {strides = array<i32>} : memref<16x1024xf32, #tpu.memory_space<vmem>>, vector<1x16xf32>,
      %get3A_897 = arith.index_cast %scan3A_86 : i32 to index
      %get3A_898 = arith.constant 928 : index
      %get3A_899 = tpu.vector_load %arg8[%get3A_897, %get3A_898] {strides = array<i32>} : memref<16x1024xf32, #tpu.memory_space<vmem>>, vector<1x16xf32>,
      %get3A_900 = vector.shape_cast %get3A_899 : vector<1x16xf32> to vector<16xf32>
      %get3A_901 = arith.index_cast %scan3A_86 : i32 to index
      %get3A_902 = arith.constant 928 : index
      %get3A_903 = tpu.vector_load %arg9[%get3A_901, %get3A_902] {strides = array<i32>} : memref<16x1024xf32, #tpu.memory_space<vmem>>, vector<1x16xf32>,
      %get3A_904 = vector.shape_cast %get3A_903 : vector<1x16xf32> to vector<16xf32>
      %add3A_905 = arith.addf %get3A_900, %get3A_904 : vector<16xf32>
      %swap3A_906 = arith.index_cast %scan3A_86 : i32 to index
      %swap3A_907 = arith.constant 928 : index
      %swap3A_908 = tpu.vector_load %arg10[%swap3A_906, %swap3A_907] {strides = array<i32>} : memref<16x1024xf32, #tpu.memory_space<vmem>>, vector<1x16xf32>,
      %swap3A_909 = vector.shape_cast %swap3A_908 : vector<1x16xf32> to vector<16xf32>
      %swap3A_910 = vector.shape_cast %add3A_905 : vector<16xf32> to vector<1x16xf32>
      tpu.vector_store %arg10[%swap3A_906, %swap3A_907], %swap3A_910 {strides = array<i32>} : memref<16x1024xf32, #tpu.memory_space<vmem>>, vector<1x16xf32>,
      %get3A_911 = arith.index_cast %scan3A_86 : i32 to index
      %get3A_912 = arith.constant 944 : index
      %get3A_913 = tpu.vector_load %arg8[%get3A_911, %get3A_912] {strides = array<i32>} : memref<16x1024xf32, #tpu.memory_space<vmem>>, vector<1x16xf32>,
      %get3A_914 = vector.shape_cast %get3A_913 : vector<1x16xf32> to vector<16xf32>
      %get3A_915 = arith.index_cast %scan3A_86 : i32 to index
      %get3A_916 = arith.constant 944 : index
      %get3A_917 = tpu.vector_load %arg9[%get3A_915, %get3A_916] {strides = array<i32>} : memref<16x1024xf32, #tpu.memory_space<vmem>>, vector<1x16xf32>,
      %get3A_918 = vector.shape_cast %get3A_917 : vector<1x16xf32> to vector<16xf32>
      %add3A_919 = arith.addf %get3A_914, %get3A_918 : vector<16xf32>
      %swap3A_920 = arith.index_cast %scan3A_86 : i32 to index
      %swap3A_921 = arith.constant 944 : index
      %swap3A_922 = tpu.vector_load %arg10[%swap3A_920, %swap3A_921] {strides = array<i32>} : memref<16x1024xf32, #tpu.memory_space<vmem>>, vector<1x16xf32>,
      %swap3A_923 = vector.shape_cast %swap3A_922 : vector<1x16xf32> to vector<16xf32>
      %swap3A_924 = vector.shape_cast %add3A_919 : vector<16xf32> to vector<1x16xf32>
      tpu.vector_store %arg10[%swap3A_920, %swap3A_921], %swap3A_924 {strides = array<i32>} : memref<16x1024xf32, #tpu.memory_space<vmem>>, vector<1x16xf32>,
      %get3A_925 = arith.index_cast %scan3A_86 : i32 to index
      %get3A_926 = arith.constant 960 : index
      %get3A_927 = tpu.vector_load %arg8[%get3A_925, %get3A_926] {strides = array<i32>} : memref<16x1024xf32, #tpu.memory_space<vmem>>, vector<1x16xf32>,
      %get3A_928 = vector.shape_cast %get3A_927 : vector<1x16xf32> to vector<16xf32>
      %get3A_929 = arith.index_cast %scan3A_86 : i32 to index
      %get3A_930 = arith.constant 960 : index
      %get3A_931 = tpu.vector_load %arg9[%get3A_929, %get3A_930] {strides = array<i32>} : memref<16x1024xf32, #tpu.memory_space<vmem>>, vector<1x16xf32>,
      %get3A_932 = vector.shape_cast %get3A_931 : vector<1x16xf32> to vector<16xf32>
      %add3A_933 = arith.addf %get3A_928, %get3A_932 : vector<16xf32>
      %swap3A_934 = arith.index_cast %scan3A_86 : i32 to index
      %swap3A_935 = arith.constant 960 : index
      %swap3A_936 = tpu.vector_load %arg10[%swap3A_934, %swap3A_935] {strides = array<i32>} : memref<16x1024xf32, #tpu.memory_space<vmem>>, vector<1x16xf32>,
      %swap3A_937 = vector.shape_cast %swap3A_936 : vector<1x16xf32> to vector<16xf32>
      %swap3A_938 = vector.shape_cast %add3A_933 : vector<16xf32> to vector<1x16xf32>
      tpu.vector_store %arg10[%swap3A_934, %swap3A_935], %swap3A_938 {strides = array<i32>} : memref<16x1024xf32, #tpu.memory_space<vmem>>, vector<1x16xf32>,
      %get3A_939 = arith.index_cast %scan3A_86 : i32 to index
      %get3A_940 = arith.constant 976 : index
      %get3A_941 = tpu.vector_load %arg8[%get3A_939, %get3A_940] {strides = array<i32>} : memref<16x1024xf32, #tpu.memory_space<vmem>>, vector<1x16xf32>,
      %get3A_942 = vector.shape_cast %get3A_941 : vector<1x16xf32> to vector<16xf32>
      %get3A_943 = arith.index_cast %scan3A_86 : i32 to index
      %get3A_944 = arith.constant 976 : index
      %get3A_945 = tpu.vector_load %arg9[%get3A_943, %get3A_944] {strides = array<i32>} : memref<16x1024xf32, #tpu.memory_space<vmem>>, vector<1x16xf32>,
      %get3A_946 = vector.shape_cast %get3A_945 : vector<1x16xf32> to vector<16xf32>
      %add3A_947 = arith.addf %get3A_942, %get3A_946 : vector<16xf32>
      %swap3A_948 = arith.index_cast %scan3A_86 : i32 to index
      %swap3A_949 = arith.constant 976 : index
      %swap3A_950 = tpu.vector_load %arg10[%swap3A_948, %swap3A_949] {strides = array<i32>} : memref<16x1024xf32, #tpu.memory_space<vmem>>, vector<1x16xf32>,
      %swap3A_951 = vector.shape_cast %swap3A_950 : vector<1x16xf32> to vector<16xf32>
      %swap3A_952 = vector.shape_cast %add3A_947 : vector<16xf32> to vector<1x16xf32>
      tpu.vector_store %arg10[%swap3A_948, %swap3A_949], %swap3A_952 {strides = array<i32>} : memref<16x1024xf32, #tpu.memory_space<vmem>>, vector<1x16xf32>,
      %get3A_953 = arith.index_cast %scan3A_86 : i32 to index
      %get3A_954 = arith.constant 992 : index
      %get3A_955 = tpu.vector_load %arg8[%get3A_953, %get3A_954] {strides = array<i32>} : memref<16x1024xf32, #tpu.memory_space<vmem>>, vector<1x16xf32>,
      %get3A_956 = vector.shape_cast %get3A_955 : vector<1x16xf32> to vector<16xf32>
      %get3A_957 = arith.index_cast %scan3A_86 : i32 to index
      %get3A_958 = arith.constant 992 : index
      %get3A_959 = tpu.vector_load %arg9[%get3A_957, %get3A_958] {strides = array<i32>} : memref<16x1024xf32, #tpu.memory_space<vmem>>, vector<1x16xf32>,
      %get3A_960 = vector.shape_cast %get3A_959 : vector<1x16xf32> to vector<16xf32>
      %add3A_961 = arith.addf %get3A_956, %get3A_960 : vector<16xf32>
      %swap3A_962 = arith.index_cast %scan3A_86 : i32 to index
      %swap3A_963 = arith.constant 992 : index
      %swap3A_964 = tpu.vector_load %arg10[%swap3A_962, %swap3A_963] {strides = array<i32>} : memref<16x1024xf32, #tpu.memory_space<vmem>>, vector<1x16xf32>,
      %swap3A_965 = vector.shape_cast %swap3A_964 : vector<1x16xf32> to vector<16xf32>
      %swap3A_966 = vector.shape_cast %add3A_961 : vector<16xf32> to vector<1x16xf32>
      tpu.vector_store %arg10[%swap3A_962, %swap3A_963], %swap3A_966 {strides = array<i32>} : memref<16x1024xf32, #tpu.memory_space<vmem>>, vector<1x16xf32>,
      %get3A_967 = arith.index_cast %scan3A_86 : i32 to index
      %get3A_968 = arith.constant 1008 : index
      %get3A_969 = tpu.vector_load %arg8[%get3A_967, %get3A_968] {strides = array<i32>} : memref<16x1024xf32, #tpu.memory_space<vmem>>, vector<1x16xf32>,
      %get3A_970 = vector.shape_cast %get3A_969 : vector<1x16xf32> to vector<16xf32>
      %get3A_971 = arith.index_cast %scan3A_86 : i32 to index
      %get3A_972 = arith.constant 1008 : index
      %get3A_973 = tpu.vector_load %arg9[%get3A_971, %get3A_972] {strides = array<i32>} : memref<16x1024xf32, #tpu.memory_space<vmem>>, vector<1x16xf32>,
      %get3A_974 = vector.shape_cast %get3A_973 : vector<1x16xf32> to vector<16xf32>
      %add3A_975 = arith.addf %get3A_970, %get3A_974 : vector<16xf32>
      %swap3A_976 = arith.index_cast %scan3A_86 : i32 to index
      %swap3A_977 = arith.constant 1008 : index
      %swap3A_978 = tpu.vector_load %arg10[%swap3A_976, %swap3A_977] {strides = array<i32>} : memref<16x1024xf32, #tpu.memory_space<vmem>>, vector<1x16xf32>,
      %swap3A_979 = vector.shape_cast %swap3A_978 : vector<1x16xf32> to vector<16xf32>
      %swap3A_980 = vector.shape_cast %add3A_975 : vector<16xf32> to vector<1x16xf32>
      tpu.vector_store %arg10[%swap3A_976, %swap3A_977], %swap3A_980 {strides = array<i32>} : memref<16x1024xf32, #tpu.memory_space<vmem>>, vector<1x16xf32>,
    }
    %scan3A_85 = arith.constant 16 : i32
    "tpu.region"() ({
      %run_scoped3A = tpu.sem_alloc : memref<!tpu.dma_semaphore, #tpu.memory_space<semaphore_mem>>
      %dma_start3A_86 = arith.constant 0 : i32
      %dma_start3A_87 = tpu.memref_slice %arg5[%add3A_67, %dma_start3A_86] : memref<2048x1024xf32, #tpu.memory_space<hbm>> -> memref<16x1024xf32, #tpu.memory_space<hbm>>
      %dma_start3A_88 = arith.constant 0 : i32
      %dma_start3A_89 = tpu.memref_slice %arg5[%add3A_67, %dma_start3A_88] : memref<2048x1024xf32, #tpu.memory_space<hbm>> -> memref<16x1024xf32, #tpu.memory_space<hbm>>
      tpu.enqueue_dma source(%arg10 : memref<16x1024xf32, #tpu.memory_space<vmem>>) target(%dma_start3A_89 : memref<16x1024xf32, #tpu.memory_space<hbm>>) target_semaphore(%run_scoped3A : memref<!tpu.dma_semaphore, #tpu.memory_space<semaphore_mem>>)
      %dma_wait3A_90 = arith.constant 0 : i32
      %dma_wait3A_91 = tpu.memref_slice %arg5[%add3A_67, %dma_wait3A_90] : memref<2048x1024xf32, #tpu.memory_space<hbm>> -> memref<16x1024xf32, #tpu.memory_space<hbm>>
      %dma_wait3A_92 = arith.constant 0 : i32
      %dma_wait3A_93 = tpu.memref_slice %arg5[%add3A_67, %dma_wait3A_92] : memref<2048x1024xf32, #tpu.memory_space<hbm>> -> memref<16x1024xf32, #tpu.memory_space<hbm>>
      tpu.wait_dma2 semaphore(%run_scoped3A : memref<!tpu.dma_semaphore, #tpu.memory_space<semaphore_mem>>) src(%arg10 : memref<16x1024xf32, #tpu.memory_space<vmem>>) dst(%dma_wait3A_93 : memref<16x1024xf32, #tpu.memory_space<hbm>>)
      tpu.yield
    }) : () -> ()
    return
  }
}

module attributes {stable_mosaic.version = 14 : i64} {
  func.func @_router_body(%arg0: memref<2048x1024xf32, #tpu.memory_space<vmem>>, %arg1: memref<1024x8xf32, #tpu.memory_space<vmem>>, %arg2: memref<2048x8xf32, #tpu.memory_space<vmem>>, %arg3: memref<2048x1xf32, #tpu.memory_space<vmem>>, %arg4: memref<2048x1xf32, #tpu.memory_space<vmem>>, %arg5: memref<2048x1xi32, #tpu.memory_space<vmem>>, %arg6: memref<2048x1xi32, #tpu.memory_space<vmem>>, %arg7: memref<40x128xi32, #tpu.memory_space<vmem>>) attributes {dimension_semantics = [], scalar_prefetch = 0 : i64, scratch_operands = 0 : i64, tpu.core_type = #tpu.core_type<tc>} {
    %get3A = arith.constant 0 : index
    %get3A_0 = arith.constant 0 : index
    %get3A_1 = vector.load %arg0[%get3A, %get3A_0] : memref<2048x1024xf32, #tpu.memory_space<vmem>>, vector<2048x1024xf32>
    %get3A_2 = arith.constant 0 : index
    %get3A_3 = arith.constant 0 : index
    %get3A_4 = vector.load %arg1[%get3A_2, %get3A_3] : memref<1024x8xf32, #tpu.memory_space<vmem>>, vector<1024x8xf32>
    %dot_general3A = arith.constant dense<0.000000e+00> : vector<2048x8xf32>
    %dot_general3A_5 = tpu.matmul %get3A_1, %get3A_4, %dot_general3A {dimension_numbers = #tpu.dot_dimension_numbers<[1], [0], [0], [1], [0, 0, 1, 1], [], []>, transpose_lhs_hint = false} : vector<2048x1024xf32>, vector<1024x8xf32>, vector<2048x8xf32> -> vector<2048x8xf32>
    %reduce_max3A = arith.constant dense<0xFF800000> : vector<2048xf32>
    %reduce_max3A_6 = vector.multi_reduction <maximumf>, %dot_general3A_5, %reduce_max3A [1] : vector<2048x8xf32> to vector<2048xf32>
    %broadcast_in_dim3A = vector.shape_cast %reduce_max3A_6 : vector<2048xf32> to vector<2048x1xf32>
    %sub3A = vector.broadcast %broadcast_in_dim3A : vector<2048x1xf32> to vector<2048x8xf32>
    %sub3A_7 = arith.subf %dot_general3A_5, %sub3A : vector<2048x8xf32>
    %exp3A = math.exp %sub3A_7 : vector<2048x8xf32>
    %reduce_sum3A = arith.constant dense<0.000000e+00> : vector<2048xf32>
    %reduce_sum3A_8 = vector.multi_reduction <add>, %exp3A, %reduce_sum3A [1] : vector<2048x8xf32> to vector<2048xf32>
    %broadcast_in_dim3A_9 = vector.shape_cast %reduce_sum3A_8 : vector<2048xf32> to vector<2048x1xf32>
    %div3A = vector.broadcast %broadcast_in_dim3A_9 : vector<2048x1xf32> to vector<2048x8xf32>
    %div3A_10 = arith.divf %exp3A, %div3A : vector<2048x8xf32>
    %iota3A = tpu.iota {dimensions = array<i32: 1>} : vector<1x8xi32>
    %convert_element_type3A = arith.sitofp %iota3A : vector<1x8xi32> to vector<1x8xf32>
    %reduce_max3A_11 = arith.constant dense<0xFF800000> : vector<2048xf32>
    %reduce_max3A_12 = vector.multi_reduction <maximumf>, %dot_general3A_5, %reduce_max3A_11 [1] : vector<2048x8xf32> to vector<2048xf32>
    %broadcast_in_dim3A_13 = vector.shape_cast %reduce_max3A_12 : vector<2048xf32> to vector<2048x1xf32>
    %eq3A = vector.broadcast %broadcast_in_dim3A_13 : vector<2048x1xf32> to vector<2048x8xf32>
    %eq3A_14 = arith.cmpf oeq, %dot_general3A_5, %eq3A : vector<2048x8xf32>
    %jit3A = arith.constant 8.000000e+00 : f32
    %broadcast_in_dim3A_15 = vector.shape_cast %convert_element_type3A : vector<1x8xf32> to vector<1x8xf32>
    %broadcast_in_dim3A_16 = vector.broadcast %broadcast_in_dim3A_15 : vector<1x8xf32> to vector<2048x8xf32>
    %broadcast_in_dim3A_17 = vector.broadcast %jit3A : f32 to vector<2048x8xf32>
    %select_n3A = arith.select %eq3A_14, %broadcast_in_dim3A_16, %broadcast_in_dim3A_17 : vector<2048x8xi1>, vector<2048x8xf32>
    %reduce_min3A = arith.constant dense<0x7F800000> : vector<2048xf32>
    %reduce_min3A_18 = vector.multi_reduction <minimumf>, %select_n3A, %reduce_min3A [1] : vector<2048x8xf32> to vector<2048xf32>
    %broadcast_in_dim3A_19 = vector.shape_cast %reduce_min3A_18 : vector<2048xf32> to vector<2048x1xf32>
    %eq3A_20 = vector.broadcast %convert_element_type3A : vector<1x8xf32> to vector<2048x8xf32>
    %eq3A_21 = vector.broadcast %broadcast_in_dim3A_19 : vector<2048x1xf32> to vector<2048x8xf32>
    %eq3A_22 = arith.cmpf oeq, %eq3A_20, %eq3A_21 : vector<2048x8xf32>
    %jit3A_23 = arith.constant 0xFF800000 : f32
    %broadcast_in_dim3A_24 = vector.broadcast %jit3A_23 : f32 to vector<2048x8xf32>
    %select_n3A_25 = arith.select %eq3A_22, %broadcast_in_dim3A_24, %dot_general3A_5 : vector<2048x8xi1>, vector<2048x8xf32>
    %reduce_max3A_26 = arith.constant dense<0xFF800000> : vector<2048xf32>
    %reduce_max3A_27 = vector.multi_reduction <maximumf>, %select_n3A_25, %reduce_max3A_26 [1] : vector<2048x8xf32> to vector<2048xf32>
    %broadcast_in_dim3A_28 = vector.shape_cast %reduce_max3A_27 : vector<2048xf32> to vector<2048x1xf32>
    %eq3A_29 = vector.broadcast %broadcast_in_dim3A_28 : vector<2048x1xf32> to vector<2048x8xf32>
    %eq3A_30 = arith.cmpf oeq, %select_n3A_25, %eq3A_29 : vector<2048x8xf32>
    %jit3A_31 = arith.constant 8.000000e+00 : f32
    %broadcast_in_dim3A_32 = vector.shape_cast %convert_element_type3A : vector<1x8xf32> to vector<1x8xf32>
    %broadcast_in_dim3A_33 = vector.broadcast %broadcast_in_dim3A_32 : vector<1x8xf32> to vector<2048x8xf32>
    %broadcast_in_dim3A_34 = vector.broadcast %jit3A_31 : f32 to vector<2048x8xf32>
    %select_n3A_35 = arith.select %eq3A_30, %broadcast_in_dim3A_33, %broadcast_in_dim3A_34 : vector<2048x8xi1>, vector<2048x8xf32>
    %reduce_min3A_36 = arith.constant dense<0x7F800000> : vector<2048xf32>
    %reduce_min3A_37 = vector.multi_reduction <minimumf>, %select_n3A_35, %reduce_min3A_36 [1] : vector<2048x8xf32> to vector<2048xf32>
    %broadcast_in_dim3A_38 = vector.shape_cast %reduce_min3A_37 : vector<2048xf32> to vector<2048x1xf32>
    %eq3A_39 = vector.broadcast %convert_element_type3A : vector<1x8xf32> to vector<2048x8xf32>
    %eq3A_40 = vector.broadcast %broadcast_in_dim3A_19 : vector<2048x1xf32> to vector<2048x8xf32>
    %eq3A_41 = arith.cmpf oeq, %eq3A_39, %eq3A_40 : vector<2048x8xf32>
    %convert_element_type3A_42 = arith.extui %eq3A_41 : vector<2048x8xi1> to vector<2048x8xi32>
    %convert_element_type3A_43 = arith.sitofp %convert_element_type3A_42 : vector<2048x8xi32> to vector<2048x8xf32>
    %eq3A_44 = vector.broadcast %convert_element_type3A : vector<1x8xf32> to vector<2048x8xf32>
    %eq3A_45 = vector.broadcast %broadcast_in_dim3A_38 : vector<2048x1xf32> to vector<2048x8xf32>
    %eq3A_46 = arith.cmpf oeq, %eq3A_44, %eq3A_45 : vector<2048x8xf32>
    %convert_element_type3A_47 = arith.extui %eq3A_46 : vector<2048x8xi1> to vector<2048x8xi32>
    %convert_element_type3A_48 = arith.sitofp %convert_element_type3A_47 : vector<2048x8xi32> to vector<2048x8xf32>
    %mul3A = arith.mulf %convert_element_type3A_43, %div3A_10 : vector<2048x8xf32>
    %reduce_sum3A_49 = arith.constant dense<0.000000e+00> : vector<2048xf32>
    %reduce_sum3A_50 = vector.multi_reduction <add>, %mul3A, %reduce_sum3A_49 [1] : vector<2048x8xf32> to vector<2048xf32>
    %broadcast_in_dim3A_51 = vector.shape_cast %reduce_sum3A_50 : vector<2048xf32> to vector<2048x1xf32>
    %mul3A_52 = arith.mulf %convert_element_type3A_48, %div3A_10 : vector<2048x8xf32>
    %reduce_sum3A_53 = arith.constant dense<0.000000e+00> : vector<2048xf32>
    %reduce_sum3A_54 = vector.multi_reduction <add>, %mul3A_52, %reduce_sum3A_53 [1] : vector<2048x8xf32> to vector<2048xf32>
    %broadcast_in_dim3A_55 = vector.shape_cast %reduce_sum3A_54 : vector<2048xf32> to vector<2048x1xf32>
    %add3A = arith.addf %broadcast_in_dim3A_51, %broadcast_in_dim3A_55 : vector<2048x1xf32>
    %div3A_56 = arith.divf %broadcast_in_dim3A_51, %add3A : vector<2048x1xf32>
    %swap3A = arith.constant 0 : index
    %swap3A_57 = arith.constant 0 : index
    %swap3A_58 = vector.load %arg3[%swap3A, %swap3A_57] : memref<2048x1xf32, #tpu.memory_space<vmem>>, vector<2048x1xf32>
    tpu.vector_store %arg3[%swap3A, %swap3A_57], %div3A_56 {strides = array<i32>} : memref<2048x1xf32, #tpu.memory_space<vmem>>, vector<2048x1xf32>,
    %div3A_59 = arith.divf %broadcast_in_dim3A_55, %add3A : vector<2048x1xf32>
    %swap3A_60 = arith.constant 0 : index
    %swap3A_61 = arith.constant 0 : index
    %swap3A_62 = vector.load %arg4[%swap3A_60, %swap3A_61] : memref<2048x1xf32, #tpu.memory_space<vmem>>, vector<2048x1xf32>
    tpu.vector_store %arg4[%swap3A_60, %swap3A_61], %div3A_59 {strides = array<i32>} : memref<2048x1xf32, #tpu.memory_space<vmem>>, vector<2048x1xf32>,
    %iota3A_63 = tpu.iota {dimensions = array<i32: 0>} : vector<2048x2048xi32>
    %iota3A_64 = tpu.iota {dimensions = array<i32: 1>} : vector<2048x2048xi32>
    %lt3A = arith.cmpi slt, %iota3A_64, %iota3A_63 : vector<2048x2048xi32>
    %convert_element_type3A_65 = arith.extui %lt3A : vector<2048x2048xi1> to vector<2048x2048xi32>
    %convert_element_type3A_66 = arith.sitofp %convert_element_type3A_65 : vector<2048x2048xi32> to vector<2048x2048xf32>
    %concatenate3A = tpu.concatenate %convert_element_type3A_43, %convert_element_type3A_48 in 1 : vector<2048x8xf32>, vector<2048x8xf32> -> vector<2048x16xf32>
    %dot_general3A_67 = arith.constant dense<0.000000e+00> : vector<2048x16xf32>
    %dot_general3A_68 = tpu.matmul %convert_element_type3A_66, %concatenate3A, %dot_general3A_67 {dimension_numbers = #tpu.dot_dimension_numbers<[1], [0], [0], [1], [0, 0, 1, 1], [], []>, transpose_lhs_hint = false} : vector<2048x2048xf32>, vector<2048x16xf32>, vector<2048x16xf32> -> vector<2048x16xf32>
    %slice3A = vector.extract_strided_slice %dot_general3A_68 {offsets = [0, 0], sizes = [2048, 8], strides = [1, 1]} : vector<2048x16xf32> to vector<2048x8xf32>
    %slice3A_69 = vector.extract_strided_slice %dot_general3A_68 {offsets = [0, 8], sizes = [2048, 8], strides = [1, 1]} : vector<2048x16xf32> to vector<2048x8xf32>
    %reduce_sum3A_70 = arith.constant dense<0.000000e+00> : vector<8xf32>
    %reduce_sum3A_71 = vector.multi_reduction <add>, %convert_element_type3A_43, %reduce_sum3A_70 [0] : vector<2048x8xf32> to vector<8xf32>
    %broadcast_in_dim3A_72 = vector.shape_cast %reduce_sum3A_71 : vector<8xf32> to vector<1x8xf32>
    %reduce_sum3A_73 = arith.constant dense<0.000000e+00> : vector<8xf32>
    %reduce_sum3A_74 = vector.multi_reduction <add>, %convert_element_type3A_48, %reduce_sum3A_73 [0] : vector<2048x8xf32> to vector<8xf32>
    %broadcast_in_dim3A_75 = vector.shape_cast %reduce_sum3A_74 : vector<8xf32> to vector<1x8xf32>
    %add3A_76 = arith.addf %broadcast_in_dim3A_72, %broadcast_in_dim3A_75 : vector<1x8xf32>
    %add3A_77 = arith.constant 1.270000e+02 : f32
    %add3A_78 = vector.broadcast %add3A_77 : f32 to vector<1x8xf32>
    %add3A_79 = arith.addf %add3A_76, %add3A_78 : vector<1x8xf32>
    %div3A_80 = arith.constant 1.280000e+02 : f32
    %div3A_81 = vector.broadcast %div3A_80 : f32 to vector<1x8xf32>
    %div3A_82 = arith.divf %add3A_79, %div3A_81 : vector<1x8xf32>
    %floor3A = math.floor %div3A_82 : vector<1x8xf32>
    %iota3A_83 = tpu.iota {dimensions = array<i32: 0>} : vector<8x8xi32>
    %iota3A_84 = tpu.iota {dimensions = array<i32: 1>} : vector<8x8xi32>
    %lt3A_85 = arith.cmpi slt, %iota3A_83, %iota3A_84 : vector<8x8xi32>
    %convert_element_type3A_86 = arith.extui %lt3A_85 : vector<8x8xi1> to vector<8x8xi32>
    %convert_element_type3A_87 = arith.sitofp %convert_element_type3A_86 : vector<8x8xi32> to vector<8x8xf32>
    %dot_general3A_88 = arith.constant dense<0.000000e+00> : vector<1x8xf32>
    %dot_general3A_89 = tpu.matmul %floor3A, %convert_element_type3A_87, %dot_general3A_88 {dimension_numbers = #tpu.dot_dimension_numbers<[1], [0], [0], [1], [0, 0, 1, 1], [], []>, transpose_lhs_hint = false} : vector<1x8xf32>, vector<8x8xf32>, vector<1x8xf32> -> vector<1x8xf32>
    %mul3A_90 = arith.constant 1.280000e+02 : f32
    %mul3A_91 = vector.broadcast %mul3A_90 : f32 to vector<1x8xf32>
    %mul3A_92 = arith.mulf %mul3A_91, %dot_general3A_89 : vector<1x8xf32>
    %mul3A_93 = arith.mulf %convert_element_type3A_43, %slice3A : vector<2048x8xf32>
    %reduce_sum3A_94 = arith.constant dense<0.000000e+00> : vector<2048xf32>
    %reduce_sum3A_95 = vector.multi_reduction <add>, %mul3A_93, %reduce_sum3A_94 [1] : vector<2048x8xf32> to vector<2048xf32>
    %broadcast_in_dim3A_96 = vector.shape_cast %reduce_sum3A_95 : vector<2048xf32> to vector<2048x1xf32>
    %add3A_97 = vector.broadcast %broadcast_in_dim3A_72 : vector<1x8xf32> to vector<2048x8xf32>
    %add3A_98 = arith.addf %add3A_97, %slice3A_69 : vector<2048x8xf32>
    %mul3A_99 = arith.mulf %convert_element_type3A_48, %add3A_98 : vector<2048x8xf32>
    %reduce_sum3A_100 = arith.constant dense<0.000000e+00> : vector<2048xf32>
    %reduce_sum3A_101 = vector.multi_reduction <add>, %mul3A_99, %reduce_sum3A_100 [1] : vector<2048x8xf32> to vector<2048xf32>
    %broadcast_in_dim3A_102 = vector.shape_cast %reduce_sum3A_101 : vector<2048xf32> to vector<2048x1xf32>
    %mul3A_103 = vector.broadcast %mul3A_92 : vector<1x8xf32> to vector<2048x8xf32>
    %mul3A_104 = arith.mulf %convert_element_type3A_43, %mul3A_103 : vector<2048x8xf32>
    %reduce_sum3A_105 = arith.constant dense<0.000000e+00> : vector<2048xf32>
    %reduce_sum3A_106 = vector.multi_reduction <add>, %mul3A_104, %reduce_sum3A_105 [1] : vector<2048x8xf32> to vector<2048xf32>
    %broadcast_in_dim3A_107 = vector.shape_cast %reduce_sum3A_106 : vector<2048xf32> to vector<2048x1xf32>
    %add3A_108 = arith.addf %broadcast_in_dim3A_107, %broadcast_in_dim3A_96 : vector<2048x1xf32>
    %mul3A_109 = vector.broadcast %mul3A_92 : vector<1x8xf32> to vector<2048x8xf32>
    %mul3A_110 = arith.mulf %convert_element_type3A_48, %mul3A_109 : vector<2048x8xf32>
    %reduce_sum3A_111 = arith.constant dense<0.000000e+00> : vector<2048xf32>
    %reduce_sum3A_112 = vector.multi_reduction <add>, %mul3A_110, %reduce_sum3A_111 [1] : vector<2048x8xf32> to vector<2048xf32>
    %broadcast_in_dim3A_113 = vector.shape_cast %reduce_sum3A_112 : vector<2048xf32> to vector<2048x1xf32>
    %add3A_114 = arith.addf %broadcast_in_dim3A_113, %broadcast_in_dim3A_102 : vector<2048x1xf32>
    %iota3A_115 = tpu.iota {dimensions = array<i32: 0>} : vector<40x8xi32>
    %convert_element_type3A_116 = arith.sitofp %iota3A_115 : vector<40x8xi32> to vector<40x8xf32>
    %le3A = vector.broadcast %dot_general3A_89 : vector<1x8xf32> to vector<40x8xf32>
    %le3A_117 = arith.cmpf ole, %le3A, %convert_element_type3A_116 : vector<40x8xf32>
    %convert_element_type3A_118 = arith.extui %le3A_117 : vector<40x8xi1> to vector<40x8xi32>
    %convert_element_type3A_119 = arith.sitofp %convert_element_type3A_118 : vector<40x8xi32> to vector<40x8xf32>
    %reduce_sum3A_120 = arith.constant dense<0.000000e+00> : vector<40xf32>
    %reduce_sum3A_121 = vector.multi_reduction <add>, %convert_element_type3A_119, %reduce_sum3A_120 [1] : vector<40x8xf32> to vector<40xf32>
    %broadcast_in_dim3A_122 = vector.shape_cast %reduce_sum3A_121 : vector<40xf32> to vector<40x1xf32>
    %sub3A_123 = arith.constant 1.000000e+00 : f32
    %sub3A_124 = vector.broadcast %sub3A_123 : f32 to vector<40x1xf32>
    %sub3A_125 = arith.subf %broadcast_in_dim3A_122, %sub3A_124 : vector<40x1xf32>
    %jit3A_126 = arith.constant 0.000000e+00 : f32
    %jit3A_127 = arith.constant 7.000000e+00 : f32
    %max3A = vector.broadcast %jit3A_126 : f32 to vector<40x1xf32>
    %max3A_128 = arith.maximumf %max3A, %sub3A_125 : vector<40x1xf32>
    %min3A = vector.broadcast %jit3A_127 : f32 to vector<40x1xf32>
    %min3A_129 = arith.minimumf %min3A, %max3A_128 : vector<40x1xf32>
    %swap3A_130 = arith.constant 0 : index
    %swap3A_131 = arith.constant 0 : index
    %swap3A_132 = vector.load %arg2[%swap3A_130, %swap3A_131] : memref<2048x8xf32, #tpu.memory_space<vmem>>, vector<2048x8xf32>
    tpu.vector_store %arg2[%swap3A_130, %swap3A_131], %dot_general3A_5 {strides = array<i32>} : memref<2048x8xf32, #tpu.memory_space<vmem>>, vector<2048x8xf32>,
    %convert_element_type3A_133 = arith.fptosi %add3A_108 : vector<2048x1xf32> to vector<2048x1xi32>
    %swap3A_134 = arith.constant 0 : index
    %swap3A_135 = arith.constant 0 : index
    %swap3A_136 = vector.load %arg5[%swap3A_134, %swap3A_135] : memref<2048x1xi32, #tpu.memory_space<vmem>>, vector<2048x1xi32>
    tpu.vector_store %arg5[%swap3A_134, %swap3A_135], %convert_element_type3A_133 {strides = array<i32>} : memref<2048x1xi32, #tpu.memory_space<vmem>>, vector<2048x1xi32>,
    %convert_element_type3A_137 = arith.fptosi %add3A_114 : vector<2048x1xf32> to vector<2048x1xi32>
    %swap3A_138 = arith.constant 0 : index
    %swap3A_139 = arith.constant 0 : index
    %swap3A_140 = vector.load %arg6[%swap3A_138, %swap3A_139] : memref<2048x1xi32, #tpu.memory_space<vmem>>, vector<2048x1xi32>
    tpu.vector_store %arg6[%swap3A_138, %swap3A_139], %convert_element_type3A_137 {strides = array<i32>} : memref<2048x1xi32, #tpu.memory_space<vmem>>, vector<2048x1xi32>,
    %convert_element_type3A_141 = arith.fptosi %min3A_129 : vector<40x1xf32> to vector<40x1xi32>
    %broadcast_in_dim3A_142 = vector.shape_cast %convert_element_type3A_141 : vector<40x1xi32> to vector<40x1xi32>
    %broadcast_in_dim3A_143 = vector.broadcast %broadcast_in_dim3A_142 : vector<40x1xi32> to vector<40x128xi32>
    %swap3A_144 = arith.constant 0 : index
    %swap3A_145 = arith.constant 0 : index
    %swap3A_146 = vector.load %arg7[%swap3A_144, %swap3A_145] : memref<40x128xi32, #tpu.memory_space<vmem>>, vector<40x128xi32>
    tpu.vector_store %arg7[%swap3A_144, %swap3A_145], %broadcast_in_dim3A_143 {strides = array<i32>} : memref<40x128xi32, #tpu.memory_space<vmem>>, vector<40x128xi32>,
    return
  }
}

module attributes {stable_mosaic.version = 14 : i64} {
  func.func @_gmm_body(%arg0: i32, %arg1: i32, %arg2: memref<40xi32, #tpu.memory_space<smem>>, %arg3: memref<128x1024xf32, #tpu.memory_space<vmem>>, %arg4: memref<128x1xf32, #tpu.memory_space<vmem>>, %arg5: memref<1x1024x1024xf32, #tpu.memory_space<vmem>>, %arg6: memref<1x1024x1024xf32, #tpu.memory_space<vmem>>, %arg7: memref<1x1024x1024xf32, #tpu.memory_space<vmem>>, %arg8: memref<128x1024xf32, #tpu.memory_space<vmem>>) attributes {dimension_semantics = [#tpu.dimension_semantics<arbitrary>, #tpu.dimension_semantics<arbitrary>], iteration_bounds = array<i64: 40, 4>, scalar_prefetch = 1 : i64, scratch_operands = 0 : i64, tpu.core_type = #tpu.core_type<tc>, window_params = [{transform_indices = @transform_0, window_bounds = array<i64: 128, 1024>}, {transform_indices = @transform_1, window_bounds = array<i64: 128, 1>}, {transform_indices = @transform_2, window_bounds = array<i64: 1, 1024, 1024>}, {transform_indices = @transform_3, window_bounds = array<i64: 1, 1024, 1024>}, {transform_indices = @transform_4, window_bounds = array<i64: 1, 1024, 1024>}, {transform_indices = @transform_5, window_bounds = array<i64: 128, 1024>}]} {
    %get3A = arith.constant 0 : index
    %get3A_0 = arith.constant 0 : index
    %get3A_1 = vector.load %arg3[%get3A, %get3A_0] : memref<128x1024xf32, #tpu.memory_space<vmem>>, vector<128x1024xf32>
    %get3A_2 = arith.constant 0 : index
    %get3A_3 = arith.constant 0 : index
    %get3A_4 = arith.constant 0 : index
    %get3A_5 = vector.load %arg5[%get3A_2, %get3A_3, %get3A_4] : memref<1x1024x1024xf32, #tpu.memory_space<vmem>>, vector<1x1024x1024xf32>
    %get3A_6 = vector.shape_cast %get3A_5 : vector<1x1024x1024xf32> to vector<1024x1024xf32>
    %dot_general3A = arith.constant dense<0.000000e+00> : vector<128x1024xf32>
    %dot_general3A_7 = tpu.matmul %get3A_1, %get3A_6, %dot_general3A {dimension_numbers = #tpu.dot_dimension_numbers<[1], [0], [0], [1], [0, 0, 1, 1], [], []>, transpose_lhs_hint = false} : vector<128x1024xf32>, vector<1024x1024xf32>, vector<128x1024xf32> -> vector<128x1024xf32>
    %get3A_8 = arith.constant 0 : index
    %get3A_9 = arith.constant 0 : index
    %get3A_10 = arith.constant 0 : index
    %get3A_11 = vector.load %arg6[%get3A_8, %get3A_9, %get3A_10] : memref<1x1024x1024xf32, #tpu.memory_space<vmem>>, vector<1x1024x1024xf32>
    %get3A_12 = vector.shape_cast %get3A_11 : vector<1x1024x1024xf32> to vector<1024x1024xf32>
    %dot_general3A_13 = arith.constant dense<0.000000e+00> : vector<128x1024xf32>
    %dot_general3A_14 = tpu.matmul %get3A_1, %get3A_12, %dot_general3A_13 {dimension_numbers = #tpu.dot_dimension_numbers<[1], [0], [0], [1], [0, 0, 1, 1], [], []>, transpose_lhs_hint = false} : vector<128x1024xf32>, vector<1024x1024xf32>, vector<128x1024xf32> -> vector<128x1024xf32>
    %logistic3A = arith.negf %dot_general3A_7 : vector<128x1024xf32>
    %logistic3A_15 = math.exp %logistic3A : vector<128x1024xf32>
    %logistic3A_16 = arith.constant 1.000000e+00 : f32
    %logistic3A_17 = vector.broadcast %logistic3A_16 : f32 to vector<128x1024xf32>
    %logistic3A_18 = arith.addf %logistic3A_17, %logistic3A_15 : vector<128x1024xf32>
    %logistic3A_19 = arith.divf %logistic3A_17, %logistic3A_18 : vector<128x1024xf32>
    %mul3A = arith.mulf %dot_general3A_7, %logistic3A_19 : vector<128x1024xf32>
    %mul3A_20 = arith.mulf %mul3A, %dot_general3A_14 : vector<128x1024xf32>
    %get3A_21 = arith.constant 0 : index
    %get3A_22 = arith.constant 0 : index
    %get3A_23 = vector.load %arg4[%get3A_21, %get3A_22] : memref<128x1xf32, #tpu.memory_space<vmem>>, vector<128x1xf32>
    %mul3A_24 = vector.broadcast %get3A_23 : vector<128x1xf32> to vector<128x1024xf32>
    %mul3A_25 = arith.mulf %mul3A_20, %mul3A_24 : vector<128x1024xf32>
    %get3A_26 = arith.constant 0 : index
    %get3A_27 = arith.constant 0 : index
    %get3A_28 = arith.constant 0 : index
    %get3A_29 = vector.load %arg7[%get3A_26, %get3A_27, %get3A_28] : memref<1x1024x1024xf32, #tpu.memory_space<vmem>>, vector<1x1024x1024xf32>
    %get3A_30 = vector.shape_cast %get3A_29 : vector<1x1024x1024xf32> to vector<1024x1024xf32>
    %dot_general3A_31 = arith.constant dense<0.000000e+00> : vector<128x1024xf32>
    %dot_general3A_32 = tpu.matmul %mul3A_25, %get3A_30, %dot_general3A_31 {dimension_numbers = #tpu.dot_dimension_numbers<[1], [0], [0], [1], [0, 0, 1, 1], [], []>, transpose_lhs_hint = false} : vector<128x1024xf32>, vector<1024x1024xf32>, vector<128x1024xf32> -> vector<128x1024xf32>
    %eq3A = arith.constant 0 : i32
    %eq3A_33 = arith.cmpi eq, %arg1, %eq3A : i32
    %convert_element_type3A = arith.extui %eq3A_33 : i1 to i32
    %cond3A = arith.constant 0 : i32
    %cond3A_34 = arith.cmpi ne, %convert_element_type3A, %cond3A : i32
    scf.if %cond3A_34 {
      %swap3A = arith.constant 0 : index
      %swap3A_39 = arith.constant 0 : index
      %swap3A_40 = vector.load %arg8[%swap3A, %swap3A_39] : memref<128x1024xf32, #tpu.memory_space<vmem>>, vector<128x1024xf32>
      tpu.vector_store %arg8[%swap3A, %swap3A_39], %dot_general3A_32 {strides = array<i32>} : memref<128x1024xf32, #tpu.memory_space<vmem>>, vector<128x1024xf32>,
    } else {
    }
    %ne3A = arith.constant 0 : i32
    %ne3A_35 = arith.cmpi ne, %arg1, %ne3A : i32
    %convert_element_type3A_36 = arith.extui %ne3A_35 : i1 to i32
    %cond3A_37 = arith.constant 0 : i32
    %cond3A_38 = arith.cmpi ne, %convert_element_type3A_36, %cond3A_37 : i32
    scf.if %cond3A_38 {
      %get3A_39 = arith.constant 0 : index
      %get3A_40 = arith.constant 0 : index
      %get3A_41 = vector.load %arg8[%get3A_39, %get3A_40] : memref<128x1024xf32, #tpu.memory_space<vmem>>, vector<128x1024xf32>
      %add3A = arith.addf %get3A_41, %dot_general3A_32 : vector<128x1024xf32>
      %swap3A = arith.constant 0 : index
      %swap3A_42 = arith.constant 0 : index
      %swap3A_43 = vector.load %arg8[%swap3A, %swap3A_42] : memref<128x1024xf32, #tpu.memory_space<vmem>>, vector<128x1024xf32>
      tpu.vector_store %arg8[%swap3A, %swap3A_42], %add3A {strides = array<i32>} : memref<128x1024xf32, #tpu.memory_space<vmem>>, vector<128x1024xf32>,
    } else {
    }
    return
  }
  func.func @transform_0(%arg0: i32, %arg1: i32, %arg2: memref<40xi32, #tpu.memory_space<smem>>) -> (i32, i32) {
    %c0_i32 = arith.constant 0 : i32
    %c0_i32_0 = arith.constant 0 : i32
    return %arg0, %c0_i32 : i32, i32
  }
  func.func @transform_1(%arg0: i32, %arg1: i32, %arg2: memref<40xi32, #tpu.memory_space<smem>>) -> (i32, i32) {
    %c0_i32 = arith.constant 0 : i32
    %c0_i32_0 = arith.constant 0 : i32
    return %arg0, %c0_i32 : i32, i32
  }
  func.func @transform_2(%arg0: i32, %arg1: i32, %arg2: memref<40xi32, #tpu.memory_space<smem>>) -> (i32, i32, i32) {
    %get3A = arith.index_cast %arg0 : i32 to index
    %get3A_0 = memref.load %arg2[%get3A] : memref<40xi32, #tpu.memory_space<smem>>
    %c0_i32 = arith.constant 0 : i32
    %c0_i32_1 = arith.constant 0 : i32
    return %get3A_0, %c0_i32, %arg1 : i32, i32, i32
  }
  func.func @transform_3(%arg0: i32, %arg1: i32, %arg2: memref<40xi32, #tpu.memory_space<smem>>) -> (i32, i32, i32) {
    %get3A = arith.index_cast %arg0 : i32 to index
    %get3A_0 = memref.load %arg2[%get3A] : memref<40xi32, #tpu.memory_space<smem>>
    %c0_i32 = arith.constant 0 : i32
    %c0_i32_1 = arith.constant 0 : i32
    return %get3A_0, %c0_i32, %arg1 : i32, i32, i32
  }
  func.func @transform_4(%arg0: i32, %arg1: i32, %arg2: memref<40xi32, #tpu.memory_space<smem>>) -> (i32, i32, i32) {
    %get3A = arith.index_cast %arg0 : i32 to index
    %get3A_0 = memref.load %arg2[%get3A] : memref<40xi32, #tpu.memory_space<smem>>
    %c0_i32 = arith.constant 0 : i32
    %c0_i32_1 = arith.constant 0 : i32
    return %get3A_0, %arg1, %c0_i32 : i32, i32, i32
  }
  func.func @transform_5(%arg0: i32, %arg1: i32, %arg2: memref<40xi32, #tpu.memory_space<smem>>) -> (i32, i32) {
    %c0_i32 = arith.constant 0 : i32
    %c0_i32_0 = arith.constant 0 : i32
    return %arg0, %c0_i32 : i32, i32
  }
}

</mosaic_0001>

<sc_bundles>
// kernel: kernel.6.cloned.1.call-start
scs
__scs_entry_jumppad:
0x0: {  	(pc) =	sbr.rel $0x88, $3  }
0x1: {  	(tag) =	ssettag $0x0;
	lr =	simm.s32 $0x1  }
0x2: {  	[smem:$0x3F9C] =	sst lr;
	_ =	strace $0xD0000000  }
0x3: {  	_ = 	snop  }
0x4: {  	_ = 	snop  }
0x5: {  	_ = 	snop  }
0x6: {  	_ = 	snop  }
0x7: {  	_ = 	snop  }
__scs_overlays_trampoline_lowered:
0x8: {  	[smem:$0x3FAB] =	sst s0  }
0x9: {  	[smem:$0x3FAC] =	sst s1  }
0xa: {  	[smem:$0x3FAD] =	sst s2  }
0xb: {  	[smem:$0x3FAE] =	sst s3  }
0xc: {  	[smem:$0x3FAF] =	sst s4  }
0xd: {  	[smem:$0x3FB0] =	sst s5  }
0xe: {  	[smem:$0x3FB1] =	sst s6  }
0xf: {  	[smem:$0x3FB2] =	sst s7  }
0x10: {  	[smem:$0x3FB3] =	sst s8  }
0x11: {  	[smem:$0x3FB4] =	sst s9;
	s0 =	simm.s32 @!p0 $0x0  }
0x12: {  	s1 =	sld [smem:$0x3F9A];
	s0 =	simm.s32 @p0 $0x1  }
0x13: {  	[smem:$0x3FB5] =	sst s0;
	s0 =	simm.s32 @!p1 $0x0  }
0x14: {  	s2 =	sld [smem:$0x3F99];
	s0 =	simm.s32 @p1 $0x1  }
0x15: {  	[smem:$0x3FB6] =	sst s0;
	s0 =	simm.s32 @!p2 $0x0  }
0x16: {  	s3 =	sld [smem:$0x3FDB];
	s0 =	simm.s32 @p2 $0x1  }
0x17: {  	s4 =	simm.s32 $0x1BF5;
	[smem:$0x3FB8] =	sst s0  }
0x18: {  	s0 =	sld [smem:$0x3F9B];
	_ =	swait.ge [sflag:s4], $0x0  }
0x19: {  	s7 =	sld [smem:$0x3F9C]  }
0x1a: {  	s8 =	sadd.s32 $0xFFFFE003, lr  }
0x1b: {  	s9 =	sadd.s32 $0xFFFFFEF7, lr;
	s5 =	simm.s32 $0xFFFFFFFF;
	p2 =	slt.u32 s8, $0xFFFFF086  }
0x1c: {  	p1 =	slt.u32 s9, $0xF7A;
	s5 =	simm.s32 @!p2 $0x0  }
0x1d: {  	s5 =	simm.s32 @p1 $0x1;
	p0 =	seq.s32 s7, s2  }
0x1e: {  	s7 =	smul.u32 @!p0 $0xF7A, s2;
	p2 =	seq.s32 @!p0 s5, $0x0  }
0x1f: {  	s9 =	smul.u32 $0xF7A, s1;
	s8 =	simm.s32 @!p0 $0x1BF5;
	p2 =	por !p2, p0  }
0x20: {  	[sflag:s8] =	ssyncset.s32 @!p0 $0xFFFFF086;
	s6 =	sadd.s32 @!p0 s3, s7;
	s7 =	simm.s32 @!p0 $0x108  }
0x21: {  	s3 =	sadd.s32 s3, s9;
	s6 =	sadd.s32 @!p0 $0x88, s6;
	s7 =	simm.s32 @p2 $0x1082  }
0x22: {  	[simem:s7], [sflag:s8] =	dma.local @!p0 [hbm:s6], $0xF7A  }
0x23: {  	s9 =	sor.u32 $0xD0000000, s2;
	s6 =	simm.s32 $0x108;
	_ =	swait.ge @!p0 [sflag:s8], $0x0  }
0x24: {  	s3 =	sadd.s32 $0x88, s3;
	s6 =	simm.s32 @!p1 $0x1082;
	[sflag:s4] =	ssyncset.s32 $0xFFFFF086  }
0x25: {  	[simem:s6], [sflag:s4] =	dma.local [hbm:s3], $0xF7A  }
0x26: {  	[smem:$0x3F9C] =	sst s1;
	(tag) =	ssettag s2;
	_ =	strace s9  }
0x27: {  	s1 =	sld [smem:$0x3FAC]  }
0x28: {  	s2 =	sld [smem:$0x3FAD]  }
0x29: {  	s4 =	sld [smem:$0x3FAF]  }
0x2a: {  	p0 =	seq.s32 s5, $0x0;
	s5 =	sld [smem:$0x3FB0]  }
0x2b: {  	s6 =	sld [smem:$0x3FB1]  }
0x2c: {  	s7 =	sld [smem:$0x3FB2]  }
0x2d: {  	s3 =	simm.s32 $0x108;
	s8 =	sld [smem:$0x3FB3]  }
0x2e: {  	s3 =	simm.s32 @!p0 $0x1082;
	s9 =	sld [smem:$0x3FB4]  }
0x2f: {  	lr =	sadd.s32 s0, s3;
	s0 =	sld [smem:$0x3FAB]  }
0x30: {  	s3 =	sld [smem:$0x3FAE]  }
0x31: {  	[smem:$0x3FB7] =	sst s10  }
0x32: {  	s10 =	sld [smem:$0x3FB5];
	_ =	sdelay $0x3  }
0x33: {  	p0 =	seq.s32 s10, $0x1;
	s10 =	sld [smem:$0x3FB7];
	_ =	sdelay $0x3  }
0x34: {  	[smem:$0x3FB7] =	sst s10  }
0x35: {  	s10 =	sld [smem:$0x3FB6];
	_ =	sdelay $0x3  }
0x36: {  	p1 =	seq.s32 s10, $0x1;
	s10 =	sld [smem:$0x3FB7];
	_ =	sdelay $0x3  }
0x37: {  	[smem:$0x3FB7] =	sst s10  }
0x38: {  	s10 =	sld [smem:$0x3FB8]  }
0x39: {  	_ = 	snop;
	(pc) =	sbr.ind lr, $3  }
0x3a: {  	_ = 	snop  }
0x3b: {  	_ = 	snop  }
0x3c: {  	p2 =	seq.s32 s10, $0x1;
	s10 =	sld [smem:$0x3FB7]  }
0x3d: {  	_ =	shalt  }
0x3e: {  	_ =	shalt  }
0x3f: {  	_ =	shalt  }
0x40: {  	_ =	shalt  }
0x41: {  	_ =	shalt  }
0x42: {  	_ =	shalt  }
0x43: {  	_ =	shalt  }
0x44: {  	_ =	shalt  }
0x45: {  	_ =	shalt  }
0x46: {  	_ =	shalt  }
0x47: {  	_ =	shalt  }
0x48: {  	_ =	shalt  }
0x49: {  	_ =	shalt  }
0x4a: {  	_ =	shalt  }
0x4b: {  	_ =	shalt  }
0x4c: {  	_ =	shalt  }
0x4d: {  	_ =	shalt  }
0x4e: {  	_ =	shalt  }
0x4f: {  	_ =	shalt  }
0x50: {  	_ =	shalt  }
0x51: {  	_ =	shalt  }
0x52: {  	_ =	shalt  }
0x53: {  	_ =	shalt  }
0x54: {  	_ =	shalt  }
0x55: {  	_ =	shalt  }
0x56: {  	_ =	shalt  }
0x57: {  	_ =	shalt  }
0x58: {  	_ =	shalt  }
0x59: {  	_ =	shalt  }
0x5a: {  	_ =	shalt  }
0x5b: {  	_ =	shalt  }
0x5c: {  	_ =	shalt  }
0x5d: {  	_ =	shalt  }
0x5e: {  	_ =	shalt  }
0x5f: {  	_ =	shalt  }
0x60: {  	_ =	shalt  }
0x61: {  	_ =	shalt  }
0x62: {  	_ =	shalt  }
0x63: {  	_ =	shalt  }
0x64: {  	_ =	shalt  }
0x65: {  	_ =	shalt  }
0x66: {  	_ =	shalt  }
0x67: {  	_ =	shalt  }
0x68: {  	_ =	shalt  }
0x69: {  	_ =	shalt  }
0x6a: {  	_ =	shalt  }
0x6b: {  	_ =	shalt  }
0x6c: {  	_ =	shalt  }
0x6d: {  	_ =	shalt  }
0x6e: {  	_ =	shalt  }
0x6f: {  	_ =	shalt  }
0x70: {  	_ =	shalt  }
0x71: {  	_ =	shalt  }
0x72: {  	_ =	shalt  }
0x73: {  	_ =	shalt  }
0x74: {  	_ =	shalt  }
0x75: {  	_ =	shalt  }
0x76: {  	_ =	shalt  }
0x77: {  	_ =	shalt  }
0x78: {  	_ =	shalt  }
0x79: {  	_ =	shalt  }
0x7a: {  	_ =	shalt  }
0x7b: {  	_ =	shalt  }
0x7c: {  	_ =	shalt  }
0x7d: {  	_ =	shalt  }
0x7e: {  	_ =	shalt  }
0x7f: {  	_ =	shalt  }
0x80: {  	_ =	shalt  }
0x81: {  	_ =	shalt  }
0x82: {  	_ =	shalt  }
0x83: {  	_ =	shalt  }
0x84: {  	_ =	shalt  }
0x85: {  	_ =	shalt  }
0x86: {  	_ =	shalt  }
0x87: {  	_ =	shalt  }
.Lfunc_end0:
.L_simem_size_0:
called_computation_lowered:
.L_overlay_start_0:
0x88: {  	s2 =	sld [smem:$0x3FD9]  }
0x89: {  	s3 =	sld [smem:$0x3FFE];
	_ =	sdelay $0x1  }
0x8a: {  	s1 =	srdreg.scid  }
0x8b: {  	s0 =	sand.u32 $0x1, s1  }
0x8c: {  	s14 =	sshll.u32 s0, $0xA;
	s2 =	sadd.s32 s3, s2  }
0x8d: {  	s2 =	sadd.s32 s2, s14  }
0x8e: {  	[smem:$0x3FC3] =	sst s2  }
0x8f: {  	_ = 	snop  }
0x90: {  	s2 =	sld [smem:$0x3FD0];
	_ =	sdelay $0x2  }
0x91: {  	s4 =	simm.s32 $0xA;
	s5 =	simm.s32 $0x10;
	s15 =	sld [smem:$0x3FC9]  }
0x92: {  	[smem:s5], [sflag:s4] =	dma.local [hbm:s2], $0x1  }
0x93: {  	_ =	swait.eq [sflag:s4], $0x1  }
0x94: {  	[sflag:s4] =	ssyncset.done $0x0  }
0x95: {  	s16 =	sld [smem:$0x10];
	[sflag:s4] =	ssyncadd.s32 $0xFFFFFFFF  }
0x96: {  	s17 =	sld [smem:$0x11];
	(tm) =	ssettm $0x1  }
0x97: {  	s18 =	sld [smem:$0x3FFB];
	_ =	sdelay $0x3  }
0x98: {  	_ =	strace s18  }
0x99: {  	s5 =	sld [smem:$0x3FFC];
	_ =	sdelay $0x3  }
0x9a: {  	_ =	strace s5  }
0x9b: {  	s5 =	sld [smem:$0x3FFD];
	_ =	sdelay $0x3  }
0x9c: {  	_ =	strace s5  }
0x9d: {  	_ =	strace $0x8FFFFFFF  }
0x9e: {  	s19 =	sld [smem:$0x3FDB];
	_ =	sdelay $0x1  }
0x9f: {  	s6 =	simm.s32 $_scs_section_size  }
0xa0: {  	s7 =	simm.s32 $_size__tile_overlayer_lowered;
	s8 =	simm.s32 $_tile_overlayer_lowered  }
0xa1: {  	s22 =	simm.s32 $0x1BFF;
	s21 =	sshll.u32 s8, $0x1;
	s5 =	sadd.s32 s6, s19  }
0xa2: {  	s9 =	simm.s32 $0x0;
	s20 =	sshll.u32 s7, $0x1;
	s7 =	sadd.s32 s21, s5  }
0xa3: {  	[timem:s9], [sflag:s22] =	dma.local [hbm:s7], s20  }
0xa4: {  	_ =	swait.ge [sflag:s22], s20  }
0xa5: {  	s6 =	ssub.s32 $0x0, s20;
	[sflag:s22] =	ssyncset.done $0x0  }
0xa6: {  	[sflag:s22] =	ssyncadd.s32 s6;
	_ =	sdelay $0x1  }
0xa7: {  	s23 =	simm.s32 $0x1B8B  }
0xa8: {  	_ =	swait.ge [sflag:s23], $0x1  }
0xa9: {  	[sflag:s23] =	ssyncset.done $0x0  }
0xaa: {  	s25 =	simm.s32 $0x1B8E;
	s24 =	sld [smem:$0x3FFE];
	[sflag:s23] =	ssyncadd.s32 $0xFFFFFFFF  }
0xab: {  	s26 =	simm.s32 $execute0_lowered;
	[smem:$0x3FD2] =	sst s25  }
0xac: {  	s7 =	sshll.u32 s26, $0x1;
	_ =	strace $0x80000046;
	[dreg:$0x1] =	wrdreg $0xFFFFFFFF  }
0xad: {  	s28 =	simm.s32 $_size_execute0_lowered;
	s5 =	sadd.s32 s5, s7;
	[dreg:$0x0] =	wrdreg $0x0  }
0xae: {  	s7 =	sshll.u32 s28, $0x1;
	[dreg:$0x2] =	wrdreg s5  }
0xaf: {  	[dreg:$0x3] =	wrdreg s7  }
0xb0: {  	[dreg:$0x4] =	wrdreg $0xC0  }
0xb1: {  	_ =	task [dreg:s9], $0x5FFFF  }
0xb2: {  	[dreg:$0x1] =	wrdreg $0xFFFFFFFF  }
0xb3: {  	[dreg:$0x0] =	wrdreg $0x60  }
0xb4: {  	[dreg:$0x2] =	wrdreg s15  }
0xb5: {  	[dreg:$0x3] =	wrdreg s16  }
0xb6: {  	[dreg:$0x4] =	wrdreg s24  }
0xb7: {  	[dreg:$0x5] =	wrdreg s17  }
0xb8: {  	[dreg:$0x6] =	wrdreg $0x9  }
0xb9: {  	_ =	task.clear_ibuf [dreg:s9], $0x7FFFF;
	_ =	strace $0x90000046  }
0xba: {  	s29 =	simm.s32 $0x9;
	_ =	strace $0x80000048  }
0xbb: {  	_ =	swait.ge [sflag:s29], $0x1  }
0xbc: {  	[sflag:s29] =	ssyncadd.s32 $0xFFFFFFFF  }
0xbd: {  	_ =	strace $0x90000048  }
0xbe: {  	_ =	sfence  }
0xbf: {  	s30 =	sld [smem:$0x0];
	_ =	sdelay $0x2  }
0xc0: {  	s31 =	sshll.u32 s1, $0xD;
	s1 =	sshrl.u32 s1, $0x2  }
0xc1: {  	s3 =	sand.u32 $0x4000, s31;
	s1 =	sadd.s32 s1, s30  }
0xc2: {  	s0 =	sor.u32 s3, s0;
	s1 =	sshll.u32 s1, $0x11  }
0xc3: {  	s0 =	sor.u32 s1, s0  }
0xc4: {  	s0 =	sadd.s32 $0x8F2B, s0  }
0xc5: {  	[sflag:s0] =	ssyncadd.remote.s32 $0x1  }
0xc6: {  	_ =	sfence.sel $0xFFFF  }
0xc7: {  	[dreg:$0x0] =	wrdreg $0xFFFFFFFF;
	(pc) =	sbr.abs _section_cstart, $3  }
0xc8: {  	[dreg:$0x1] =	wrdreg $0xFFFFFFFF  }
0xc9: {  	_ =	task.clear_ibuf [dreg:s9], $0x2FFFF;
	_ =	strace $0x9FFFFFFF  }
0xca: {  	(tm) =	ssettm $0x7FFFFFFF  }
0xcb: {  	_ =	shalt  }
tec
execute0_lowered:
.L_overlay_start_1:
0x0: {  	(tag) =	ssettag $0x1  }
0x1: {  	s0 =	rddreg [dreg:$0x0]  }
0x2: {  	s1 =	rddreg [dreg:$0x1]  }
0x3: {  	s2 =	rddreg [dreg:$0x2];
	s4 =	srdreg.scid  }
0x4: {  	s3 =	simm.s32 $0x0;
	s6 =	stileid.u32;
	s28 =	simm.s32 $0x1900  }
0x5: {  	s29 =	simm.s32 $0x2100;
	s30 =	simm.s32 $0x2900;
	s31 =	simm.s32 $0x3100  }
0x6: {  	s12 =	simm.s32 $0x5100;
	s13 =	simm.s32 $0x5900;
	s14 =	simm.s32 $0x6100  }
0x7: {  	s15 =	simm.s32 $0x6900;
	s16 =	simm.s32 $0x7100;
	s17 =	simm.s32 $0x7900  }
0x8: {  	s18 =	simm.s32 $0x8100;
	s19 =	simm.s32 $0x8900;
	s5 =	sand.u32 $0x1, s4  }
0x9: {  	[smem:$0x7FF] =	sst s3;
	s20 =	sshll.u32 s6, $0x8;
	s7 =	sadd.s32 $0x8400, s2  }
0xa: {  	s4 =	sadd.s32 $0x8600, s2;
	s21 =	sshll.u32 s5, $0x7;
	s5 =	ssub.s32 $0x2, s5  }
0xb: {  	_ =	strace $0x80000047;
	s6 =	sor.u32 s21, s20;
	s9 =	sshrl.u32 s5, $0x1  }
0xc: {  	s21 =	simm.s32 $0x1;
	s20 =	simm.s32 $0x9100;
	s8 =	sshrl.u32 s6, $0x3  }
0xd: {  	s11 =	sshll.u32 s6, $0x7;
	s6 =	sor.u32 $0x40, s6;
	s9 =	ssub.s32 s5, s9  }
0xe: {  	s5 =	sadd.s32 $0x8700, s2;
	s10 =	sadd.s32 s1, s8;
	s8 =	sadd.s32 s7, s8  }
0xf: {  	s22 =	sand.u32 $0x3C000, s11;
	s24 =	sshrl.u32 s6, $0x3;
	[dreg:$0x5] =	wrdreg s10  }
0x10: {  	s6 =	sshll.u32 s6, $0x7;
	s11 =	simm.s32 $0x3900;
	[dreg:$0x6] =	wrdreg s8  }
0x11: {  	s23 =	sadd.s32 s0, s22;
	s1 =	sadd.s32 s1, s24;
	s25 =	sadd.s32 s7, s24  }
0x12: {  	s26 =	sand.u32 $0x3E000, s6;
	s6 =	sadd.s32 $0x8800, s2;
	s7 =	sadd.s32 $0x8900, s2  }
0x13: {  	s8 =	smax.u32 s9, $0x1;
	s9 =	simm.s32 $0x2;
	[dreg:$0x7] =	wrdreg s23  }
0x14: {  	v2 =	vlaneseq.u32;
	s2 =	simm.s32 $0x4900;
	s22 =	simm.s32 $0x9900;
	[dreg:$0x8] =	wrdreg s1  }
0x15: {  	vm0 =	vmmov $0xffff;
	v1 =	vshrl.u32 v2, $0x3;
	s10 =	simm.s32 $0xA100;
	[dreg:$0x9] =	wrdreg s25;
	s0 =	sadd.s32 s0, s26  }
0x16: {  	v0 =	vand.u32 $0x7, v2;
	v2 =	vor.u32 $0x8, v2;
	v1 =	vmul.u32 $0x8, v1;
	s25 =	simm.s32 $0x900;
	s26 =	simm.s32 $0x1100;
	[dreg:$0xa] =	wrdreg s0  }
.LBB2_1:
0x17: {  	s23 =	rddreg [dreg:$0x5]  }
0x18: {  	[tilespmem:s3], [sflag:$0x2] =	stream.linear.gather [hbm4b:s23+s3], $0x40, $0x38;
	[tilespmem:$0x10100] =	vst v63  }
0x19: {  	_ =	swait.ge [sflag:s9], $0x40  }
0x1a: {  	[sflag:s9] =	ssyncset.done $0x0  }
0x1b: {  	s0 =	simm.s32 $0x80;
	s24 =	rddreg [dreg:$0x6];
	[sflag:s9] =	ssyncadd.s32 $0xFFFFFFC0  }
0x1c: {  	[tilespmem:s0], [sflag:$0x2] =	stream.linear.gather [hbm4b:s24+s3], $0x40, $0x38;
	[tilespmem:$0x10100] =	vst v63  }
0x1d: {  	_ =	swait.ge [sflag:s9], $0x40  }
0x1e: {  	[sflag:s9] =	ssyncset.done $0x0  }
0x1f: {  	s1 =	simm.s32 $0x100;
	s0 =	rddreg [dreg:$0x7];
	[sflag:s9] =	ssyncadd.s32 $0xFFFFFFC0  }
0x20: {  	[tilespmem:s1], [sflag:$0x2] =	stream.linear.gather [hbm4b:s0+s3], $0x10000, $0x38;
	[tilespmem:$0x10100] =	vst v63  }
0x21: {  	_ =	swait.ge [sflag:s9], $0x10000  }
0x22: {  	[sflag:s9] =	ssyncset.done $0x0  }
0x23: {  	[sflag:s9] =	ssyncadd.s32 $0xFFFF0000  }
0x24: {  	v3 =	vld [tilespmem:$0x0];
	_ =	sdelay $0x4  }
0x25: {  	v4 =	vshll.u32 v3, $0x3  }
0x26: {  	v3 =	vand.u32 $0x7, v3;
	v4 =	vand.u32 $0xFFFFFFC0, v4  }
0x27: {  	v3 =	vor.u32 v3, v4  }
0x28: {  	v4 =	vperm.xlane v3, v0;
	_ =	sdelay $0x1  }
0x29: {  	v4 =	vadd.s32 v1, v4;
	_ =	sdelay $0x4  }
0x2a: {  	[hbm4b:s4+s3] =	stream.indirect_vreg.scatter [tilespmem:s1], [sflag:$0x1], $0x80, v4, vm0, $0xb8;
	[tilespmem:$0x10100] =	vst v63  }
0x2b: {  	v3 =	vperm.xlane v3, v2  }
0x2c: {  	[hbm4b:s5+s3] =	stream.indirect_vreg.scatter [tilespmem:s25], [sflag:$0x1], $0x80, v4, vm0, $0xb8;
	[tilespmem:$0x10100] =	vst v63  }
0x2d: {  	v3 =	vadd.s32 v1, v3  }
0x2e: {  	[hbm4b:s6+s3] =	stream.indirect_vreg.scatter [tilespmem:s26], [sflag:$0x1], $0x80, v4, vm0, $0xb8;
	[tilespmem:$0x10100] =	vst v63  }
0x2f: {  	_ = 	snop  }
0x30: {  	[hbm4b:s7+s3] =	stream.indirect_vreg.scatter [tilespmem:s28], [sflag:$0x1], $0x80, v4, vm0, $0xb8;
	[tilespmem:$0x10100] =	vst v63  }
0x31: {  	_ = 	snop  }
0x32: {  	[hbm4b:s4+s3] =	stream.indirect_vreg.scatter [tilespmem:s29], [sflag:$0x1], $0x80, v3, vm0, $0xb8;
	[tilespmem:$0x10100] =	vst v63  }
0x33: {  	_ = 	snop  }
0x34: {  	[hbm4b:s5+s3] =	stream.indirect_vreg.scatter [tilespmem:s30], [sflag:$0x1], $0x80, v3, vm0, $0xb8;
	[tilespmem:$0x10100] =	vst v63  }
0x35: {  	_ = 	snop  }
0x36: {  	[hbm4b:s6+s3] =	stream.indirect_vreg.scatter [tilespmem:s31], [sflag:$0x1], $0x80, v3, vm0, $0xb8;
	[tilespmem:$0x10100] =	vst v63  }
0x37: {  	_ = 	snop  }
0x38: {  	[hbm4b:s7+s3] =	stream.indirect_vreg.scatter [tilespmem:s11], [sflag:$0x1], $0x80, v3, vm0, $0xb8;
	[tilespmem:$0x10100] =	vst v63  }
0x39: {  	v3 =	vld [tilespmem:$0x10];
	_ =	sdelay $0x4  }
0x3a: {  	v57 =	vshll.u32 v3, $0x3  }
0x3b: {  	v3 =	vand.u32 $0x7, v3;
	v4 =	vand.u32 $0xFFFFFFC0, v57  }
0x3c: {  	v3 =	vor.u32 v3, v4  }
0x3d: {  	v4 =	vperm.xlane v3, v0;
	_ =	sdelay $0x1  }
0x3e: {  	v4 =	vadd.s32 v1, v4;
	_ =	sdelay $0x3  }
0x3f: {  	s23 =	simm.s32 $0x4100  }
0x40: {  	[hbm4b:s4+s3] =	stream.indirect_vreg.scatter [tilespmem:s23], [sflag:$0x1], $0x80, v4, vm0, $0xb8;
	[tilespmem:$0x10100] =	vst v63  }
0x41: {  	v3 =	vperm.xlane v3, v2  }
0x42: {  	[hbm4b:s5+s3] =	stream.indirect_vreg.scatter [tilespmem:s2], [sflag:$0x1], $0x80, v4, vm0, $0xb8;
	[tilespmem:$0x10100] =	vst v63  }
0x43: {  	v3 =	vadd.s32 v1, v3  }
0x44: {  	[hbm4b:s6+s3] =	stream.indirect_vreg.scatter [tilespmem:s12], [sflag:$0x1], $0x80, v4, vm0, $0xb8;
	[tilespmem:$0x10100] =	vst v63  }
0x45: {  	_ = 	snop  }
0x46: {  	[hbm4b:s7+s3] =	stream.indirect_vreg.scatter [tilespmem:s13], [sflag:$0x1], $0x80, v4, vm0, $0xb8;
	[tilespmem:$0x10100] =	vst v63  }
0x47: {  	_ = 	snop  }
0x48: {  	[hbm4b:s4+s3] =	stream.indirect_vreg.scatter [tilespmem:s14], [sflag:$0x1], $0x80, v3, vm0, $0xb8;
	[tilespmem:$0x10100] =	vst v63  }
0x49: {  	_ = 	snop  }
0x4a: {  	[hbm4b:s5+s3] =	stream.indirect_vreg.scatter [tilespmem:s15], [sflag:$0x1], $0x80, v3, vm0, $0xb8;
	[tilespmem:$0x10100] =	vst v63  }
0x4b: {  	_ = 	snop  }
0x4c: {  	[hbm4b:s6+s3] =	stream.indirect_vreg.scatter [tilespmem:s16], [sflag:$0x1], $0x80, v3, vm0, $0xb8;
	[tilespmem:$0x10100] =	vst v63  }
0x4d: {  	_ = 	snop  }
0x4e: {  	[hbm4b:s7+s3] =	stream.indirect_vreg.scatter [tilespmem:s17], [sflag:$0x1], $0x80, v3, vm0, $0xb8;
	[tilespmem:$0x10100] =	vst v63  }
0x4f: {  	v3 =	vld [tilespmem:$0x20];
	_ =	sdelay $0x4  }
0x50: {  	v58 =	vshll.u32 v3, $0x3  }
0x51: {  	v3 =	vand.u32 $0x7, v3;
	v4 =	vand.u32 $0xFFFFFFC0, v58  }
0x52: {  	v3 =	vor.u32 v3, v4  }
0x53: {  	v4 =	vperm.xlane v3, v0;
	_ =	sdelay $0x1  }
0x54: {  	v4 =	vadd.s32 v1, v4;
	_ =	sdelay $0x4  }
0x55: {  	[hbm4b:s4+s3] =	stream.indirect_vreg.scatter [tilespmem:s18], [sflag:$0x1], $0x80, v4, vm0, $0xb8;
	[tilespmem:$0x10100] =	vst v63  }
0x56: {  	v3 =	vperm.xlane v3, v2  }
0x57: {  	[hbm4b:s5+s3] =	stream.indirect_vreg.scatter [tilespmem:s19], [sflag:$0x1], $0x80, v4, vm0, $0xb8;
	[tilespmem:$0x10100] =	vst v63  }
0x58: {  	v3 =	vadd.s32 v1, v3  }
0x59: {  	[hbm4b:s6+s3] =	stream.indirect_vreg.scatter [tilespmem:s20], [sflag:$0x1], $0x80, v4, vm0, $0xb8;
	[tilespmem:$0x10100] =	vst v63  }
0x5a: {  	_ = 	snop  }
0x5b: {  	[hbm4b:s7+s3] =	stream.indirect_vreg.scatter [tilespmem:s22], [sflag:$0x1], $0x80, v4, vm0, $0xb8;
	[tilespmem:$0x10100] =	vst v63  }
0x5c: {  	_ = 	snop  }
0x5d: {  	[hbm4b:s4+s3] =	stream.indirect_vreg.scatter [tilespmem:s10], [sflag:$0x1], $0x80, v3, vm0, $0xb8;
	[tilespmem:$0x10100] =	vst v63  }
0x5e: {  	s24 =	simm.s32 $0xA900  }
0x5f: {  	[hbm4b:s5+s3] =	stream.indirect_vreg.scatter [tilespmem:s24], [sflag:$0x1], $0x80, v3, vm0, $0xb8;
	[tilespmem:$0x10100] =	vst v63  }
0x60: {  	s23 =	simm.s32 $0xB100  }
0x61: {  	[hbm4b:s6+s3] =	stream.indirect_vreg.scatter [tilespmem:s23], [sflag:$0x1], $0x80, v3, vm0, $0xb8;
	[tilespmem:$0x10100] =	vst v63  }
0x62: {  	s24 =	simm.s32 $0xB900  }
0x63: {  	[hbm4b:s7+s3] =	stream.indirect_vreg.scatter [tilespmem:s24], [sflag:$0x1], $0x80, v3, vm0, $0xb8;
	[tilespmem:$0x10100] =	vst v63  }
0x64: {  	v3 =	vld [tilespmem:$0x30];
	_ =	sdelay $0x4  }
0x65: {  	v59 =	vshll.u32 v3, $0x3  }
0x66: {  	v3 =	vand.u32 $0x7, v3;
	v4 =	vand.u32 $0xFFFFFFC0, v59  }
0x67: {  	v3 =	vor.u32 v3, v4  }
0x68: {  	v4 =	vperm.xlane v3, v0;
	_ =	sdelay $0x1  }
0x69: {  	v4 =	vadd.s32 v1, v4;
	_ =	sdelay $0x3  }
0x6a: {  	s23 =	simm.s32 $0xC100  }
0x6b: {  	[hbm4b:s4+s3] =	stream.indirect_vreg.scatter [tilespmem:s23], [sflag:$0x1], $0x80, v4, vm0, $0xb8;
	[tilespmem:$0x10100] =	vst v63  }
0x6c: {  	s24 =	simm.s32 $0xC900;
	v3 =	vperm.xlane v3, v2  }
0x6d: {  	[hbm4b:s5+s3] =	stream.indirect_vreg.scatter [tilespmem:s24], [sflag:$0x1], $0x80, v4, vm0, $0xb8;
	[tilespmem:$0x10100] =	vst v63  }
0x6e: {  	v3 =	vadd.s32 v1, v3;
	s23 =	simm.s32 $0xD100  }
0x6f: {  	[hbm4b:s6+s3] =	stream.indirect_vreg.scatter [tilespmem:s23], [sflag:$0x1], $0x80, v4, vm0, $0xb8;
	[tilespmem:$0x10100] =	vst v63  }
0x70: {  	s24 =	simm.s32 $0xD900  }
0x71: {  	[hbm4b:s7+s3] =	stream.indirect_vreg.scatter [tilespmem:s24], [sflag:$0x1], $0x80, v4, vm0, $0xb8;
	[tilespmem:$0x10100] =	vst v63  }
0x72: {  	s23 =	simm.s32 $0xE100  }
0x73: {  	[hbm4b:s4+s3] =	stream.indirect_vreg.scatter [tilespmem:s23], [sflag:$0x1], $0x80, v3, vm0, $0xb8;
	[tilespmem:$0x10100] =	vst v63  }
0x74: {  	s24 =	simm.s32 $0xE900  }
0x75: {  	[hbm4b:s5+s3] =	stream.indirect_vreg.scatter [tilespmem:s24], [sflag:$0x1], $0x80, v3, vm0, $0xb8;
	[tilespmem:$0x10100] =	vst v63  }
0x76: {  	s23 =	simm.s32 $0xF100  }
0x77: {  	[hbm4b:s6+s3] =	stream.indirect_vreg.scatter [tilespmem:s23], [sflag:$0x1], $0x80, v3, vm0, $0xb8;
	[tilespmem:$0x10100] =	vst v63  }
0x78: {  	s24 =	simm.s32 $0xF900  }
0x79: {  	[hbm4b:s7+s3] =	stream.indirect_vreg.scatter [tilespmem:s24], [sflag:$0x1], $0x80, v3, vm0, $0xb8;
	[tilespmem:$0x10100] =	vst v63  }
0x7a: {  	_ =	swait.ge [sflag:s21], $0x10000  }
0x7b: {  	[sflag:s21] =	ssyncset.done $0x0  }
0x7c: {  	[sflag:s21] =	ssyncadd.s32 $0xFFFF0000  }
0x7d: {  	s0 =	simm.s32 $0x80;
	s23 =	simm.s32 $0x40;
	s24 =	rddreg [dreg:$0x3]  }
0x7e: {  	[hbm4b:s24+s23] =	stream.indirect.scatter [tilespmem:s0], [sflag:$0x1], $0x1, s3, s23, $0xb8;
	[tilespmem:$0x10100] =	vst v63  }
0x7f: {  	_ =	swait.ge [sflag:s21], $0x40  }
0x80: {  	[sflag:s21] =	ssyncset.done $0x0  }
0x81: {  	s23 =	rddreg [dreg:$0x8];
	[sflag:s21] =	ssyncadd.s32 $0xFFFFFFC0  }
0x82: {  	[tilespmem:s3], [sflag:$0x2] =	stream.linear.gather [hbm4b:s23+s3], $0x40, $0x38;
	[tilespmem:$0x10100] =	vst v63  }
0x83: {  	_ =	swait.ge [sflag:s9], $0x40  }
0x84: {  	[sflag:s9] =	ssyncset.done $0x0  }
0x85: {  	s23 =	rddreg [dreg:$0x9];
	[sflag:s9] =	ssyncadd.s32 $0xFFFFFFC0  }
0x86: {  	[tilespmem:s0], [sflag:$0x2] =	stream.linear.gather [hbm4b:s23+s3], $0x40, $0x38;
	[tilespmem:$0x10100] =	vst v63  }
0x87: {  	_ =	swait.ge [sflag:s9], $0x40  }
0x88: {  	[sflag:s9] =	ssyncset.done $0x0  }
0x89: {  	s0 =	rddreg [dreg:$0xa];
	[sflag:s9] =	ssyncadd.s32 $0xFFFFFFC0  }
0x8a: {  	[tilespmem:s1], [sflag:$0x2] =	stream.linear.gather [hbm4b:s0+s3], $0x10000, $0x38;
	[tilespmem:$0x10100] =	vst v63  }
0x8b: {  	_ =	swait.ge [sflag:s9], $0x10000  }
0x8c: {  	[sflag:s9] =	ssyncset.done $0x0  }
0x8d: {  	[sflag:s9] =	ssyncadd.s32 $0xFFFF0000  }
0x8e: {  	v3 =	vld [tilespmem:$0x0];
	_ =	sdelay $0x4  }
0x8f: {  	v60 =	vshll.u32 v3, $0x3  }
0x90: {  	v3 =	vand.u32 $0x7, v3;
	v4 =	vand.u32 $0xFFFFFFC0, v60  }
0x91: {  	v3 =	vor.u32 v3, v4  }
0x92: {  	v4 =	vperm.xlane v3, v0;
	_ =	sdelay $0x1  }
0x93: {  	v4 =	vadd.s32 v1, v4;
	_ =	sdelay $0x4  }
0x94: {  	[hbm4b:s4+s3] =	stream.indirect_vreg.scatter [tilespmem:s1], [sflag:$0x1], $0x80, v4, vm0, $0xb8;
	[tilespmem:$0x10100] =	vst v63  }
0x95: {  	v3 =	vperm.xlane v3, v2  }
0x96: {  	[hbm4b:s5+s3] =	stream.indirect_vreg.scatter [tilespmem:s25], [sflag:$0x1], $0x80, v4, vm0, $0xb8;
	[tilespmem:$0x10100] =	vst v63  }
0x97: {  	v3 =	vadd.s32 v1, v3  }
0x98: {  	[hbm4b:s6+s3] =	stream.indirect_vreg.scatter [tilespmem:s26], [sflag:$0x1], $0x80, v4, vm0, $0xb8;
	[tilespmem:$0x10100] =	vst v63  }
0x99: {  	_ = 	snop  }
0x9a: {  	[hbm4b:s7+s3] =	stream.indirect_vreg.scatter [tilespmem:s28], [sflag:$0x1], $0x80, v4, vm0, $0xb8;
	[tilespmem:$0x10100] =	vst v63  }
0x9b: {  	_ = 	snop  }
0x9c: {  	[hbm4b:s4+s3] =	stream.indirect_vreg.scatter [tilespmem:s29], [sflag:$0x1], $0x80, v3, vm0, $0xb8;
	[tilespmem:$0x10100] =	vst v63  }
0x9d: {  	_ = 	snop  }
0x9e: {  	[hbm4b:s5+s3] =	stream.indirect_vreg.scatter [tilespmem:s30], [sflag:$0x1], $0x80, v3, vm0, $0xb8;
	[tilespmem:$0x10100] =	vst v63  }
0x9f: {  	_ = 	snop  }
0xa0: {  	[hbm4b:s6+s3] =	stream.indirect_vreg.scatter [tilespmem:s31], [sflag:$0x1], $0x80, v3, vm0, $0xb8;
	[tilespmem:$0x10100] =	vst v63  }
0xa1: {  	_ = 	snop  }
0xa2: {  	[hbm4b:s7+s3] =	stream.indirect_vreg.scatter [tilespmem:s11], [sflag:$0x1], $0x80, v3, vm0, $0xb8;
	[tilespmem:$0x10100] =	vst v63  }
0xa3: {  	v3 =	vld [tilespmem:$0x10];
	_ =	sdelay $0x4  }
0xa4: {  	v61 =	vshll.u32 v3, $0x3  }
0xa5: {  	v3 =	vand.u32 $0x7, v3;
	v4 =	vand.u32 $0xFFFFFFC0, v61  }
0xa6: {  	v3 =	vor.u32 v3, v4  }
0xa7: {  	v4 =	vperm.xlane v3, v0;
	_ =	sdelay $0x1  }
0xa8: {  	v4 =	vadd.s32 v1, v4;
	_ =	sdelay $0x3  }
0xa9: {  	s1 =	simm.s32 $0x4100  }
0xaa: {  	[hbm4b:s4+s3] =	stream.indirect_vreg.scatter [tilespmem:s1], [sflag:$0x1], $0x80, v4, vm0, $0xb8;
	[tilespmem:$0x10100] =	vst v63  }
0xab: {  	v3 =	vperm.xlane v3, v2  }
0xac: {  	[hbm4b:s5+s3] =	stream.indirect_vreg.scatter [tilespmem:s2], [sflag:$0x1], $0x80, v4, vm0, $0xb8;
	[tilespmem:$0x10100] =	vst v63  }
0xad: {  	v3 =	vadd.s32 v1, v3  }
0xae: {  	[hbm4b:s6+s3] =	stream.indirect_vreg.scatter [tilespmem:s12], [sflag:$0x1], $0x80, v4, vm0, $0xb8;
	[tilespmem:$0x10100] =	vst v63  }
0xaf: {  	_ = 	snop  }
0xb0: {  	[hbm4b:s7+s3] =	stream.indirect_vreg.scatter [tilespmem:s13], [sflag:$0x1], $0x80, v4, vm0, $0xb8;
	[tilespmem:$0x10100] =	vst v63  }
0xb1: {  	_ = 	snop  }
0xb2: {  	[hbm4b:s4+s3] =	stream.indirect_vreg.scatter [tilespmem:s14], [sflag:$0x1], $0x80, v3, vm0, $0xb8;
	[tilespmem:$0x10100] =	vst v63  }
0xb3: {  	_ = 	snop  }
0xb4: {  	[hbm4b:s5+s3] =	stream.indirect_vreg.scatter [tilespmem:s15], [sflag:$0x1], $0x80, v3, vm0, $0xb8;
	[tilespmem:$0x10100] =	vst v63  }
0xb5: {  	_ = 	snop  }
0xb6: {  	[hbm4b:s6+s3] =	stream.indirect_vreg.scatter [tilespmem:s16], [sflag:$0x1], $0x80, v3, vm0, $0xb8;
	[tilespmem:$0x10100] =	vst v63  }
0xb7: {  	_ = 	snop  }
0xb8: {  	[hbm4b:s7+s3] =	stream.indirect_vreg.scatter [tilespmem:s17], [sflag:$0x1], $0x80, v3, vm0, $0xb8;
	[tilespmem:$0x10100] =	vst v63  }
0xb9: {  	v3 =	vld [tilespmem:$0x20];
	_ =	sdelay $0x4  }
0xba: {  	v62 =	vshll.u32 v3, $0x3  }
0xbb: {  	v3 =	vand.u32 $0x7, v3;
	v4 =	vand.u32 $0xFFFFFFC0, v62  }
0xbc: {  	v3 =	vor.u32 v3, v4  }
0xbd: {  	v4 =	vperm.xlane v3, v0;
	_ =	sdelay $0x1  }
0xbe: {  	v4 =	vadd.s32 v1, v4;
	_ =	sdelay $0x4  }
0xbf: {  	[hbm4b:s4+s3] =	stream.indirect_vreg.scatter [tilespmem:s18], [sflag:$0x1], $0x80, v4, vm0, $0xb8;
	[tilespmem:$0x10100] =	vst v63  }
0xc0: {  	v3 =	vperm.xlane v3, v2  }
0xc1: {  	[hbm4b:s5+s3] =	stream.indirect_vreg.scatter [tilespmem:s19], [sflag:$0x1], $0x80, v4, vm0, $0xb8;
	[tilespmem:$0x10100] =	vst v63  }
0xc2: {  	v3 =	vadd.s32 v1, v3  }
0xc3: {  	[hbm4b:s6+s3] =	stream.indirect_vreg.scatter [tilespmem:s20], [sflag:$0x1], $0x80, v4, vm0, $0xb8;
	[tilespmem:$0x10100] =	vst v63  }
0xc4: {  	_ = 	snop  }
0xc5: {  	[hbm4b:s7+s3] =	stream.indirect_vreg.scatter [tilespmem:s22], [sflag:$0x1], $0x80, v4, vm0, $0xb8;
	[tilespmem:$0x10100] =	vst v63  }
0xc6: {  	_ = 	snop  }
0xc7: {  	[hbm4b:s4+s3] =	stream.indirect_vreg.scatter [tilespmem:s10], [sflag:$0x1], $0x80, v3, vm0, $0xb8;
	[tilespmem:$0x10100] =	vst v63  }
0xc8: {  	s23 =	simm.s32 $0xA900  }
0xc9: {  	[hbm4b:s5+s3] =	stream.indirect_vreg.scatter [tilespmem:s23], [sflag:$0x1], $0x80, v3, vm0, $0xb8;
	[tilespmem:$0x10100] =	vst v63  }
0xca: {  	s1 =	simm.s32 $0xB100  }
0xcb: {  	[hbm4b:s6+s3] =	stream.indirect_vreg.scatter [tilespmem:s1], [sflag:$0x1], $0x80, v3, vm0, $0xb8;
	[tilespmem:$0x10100] =	vst v63  }
0xcc: {  	s23 =	simm.s32 $0xB900  }
0xcd: {  	[hbm4b:s7+s3] =	stream.indirect_vreg.scatter [tilespmem:s23], [sflag:$0x1], $0x80, v3, vm0, $0xb8;
	[tilespmem:$0x10100] =	vst v63  }
0xce: {  	v3 =	vld [tilespmem:$0x30];
	_ =	sdelay $0x4  }
0xcf: {  	v63 =	vshll.u32 v3, $0x3  }
0xd0: {  	v3 =	vand.u32 $0x7, v3;
	v4 =	vand.u32 $0xFFFFFFC0, v63  }
0xd1: {  	v3 =	vor.u32 v3, v4  }
0xd2: {  	v4 =	vperm.xlane v3, v0;
	_ =	sdelay $0x1  }
0xd3: {  	v4 =	vadd.s32 v1, v4;
	_ =	sdelay $0x3  }
0xd4: {  	s1 =	simm.s32 $0xC100  }
0xd5: {  	[hbm4b:s4+s3] =	stream.indirect_vreg.scatter [tilespmem:s1], [sflag:$0x1], $0x80, v4, vm0, $0xb8;
	[tilespmem:$0x10100] =	vst v63  }
0xd6: {  	s23 =	simm.s32 $0xC900;
	v3 =	vperm.xlane v3, v2  }
0xd7: {  	[hbm4b:s5+s3] =	stream.indirect_vreg.scatter [tilespmem:s23], [sflag:$0x1], $0x80, v4, vm0, $0xb8;
	[tilespmem:$0x10100] =	vst v63  }
0xd8: {  	v3 =	vadd.s32 v1, v3;
	s1 =	simm.s32 $0xD100  }
0xd9: {  	[hbm4b:s6+s3] =	stream.indirect_vreg.scatter [tilespmem:s1], [sflag:$0x1], $0x80, v4, vm0, $0xb8;
	[tilespmem:$0x10100] =	vst v63  }
0xda: {  	s23 =	simm.s32 $0xD900  }
0xdb: {  	[hbm4b:s7+s3] =	stream.indirect_vreg.scatter [tilespmem:s23], [sflag:$0x1], $0x80, v4, vm0, $0xb8;
	[tilespmem:$0x10100] =	vst v63  }
0xdc: {  	s1 =	simm.s32 $0xE100  }
0xdd: {  	[hbm4b:s4+s3] =	stream.indirect_vreg.scatter [tilespmem:s1], [sflag:$0x1], $0x80, v3, vm0, $0xb8;
	[tilespmem:$0x10100] =	vst v63  }
0xde: {  	s23 =	simm.s32 $0xE900  }
0xdf: {  	[hbm4b:s5+s3] =	stream.indirect_vreg.scatter [tilespmem:s23], [sflag:$0x1], $0x80, v3, vm0, $0xb8;
	[tilespmem:$0x10100] =	vst v63  }
0xe0: {  	s1 =	simm.s32 $0xF100  }
0xe1: {  	[hbm4b:s6+s3] =	stream.indirect_vreg.scatter [tilespmem:s1], [sflag:$0x1], $0x80, v3, vm0, $0xb8;
	[tilespmem:$0x10100] =	vst v63  }
0xe2: {  	s23 =	simm.s32 $0xF900  }
0xe3: {  	[hbm4b:s7+s3] =	stream.indirect_vreg.scatter [tilespmem:s23], [sflag:$0x1], $0x80, v3, vm0, $0xb8;
	[tilespmem:$0x10100] =	vst v63  }
0xe4: {  	_ =	swait.ge [sflag:s21], $0x10000  }
0xe5: {  	p0 =	sne.s32 s8, $0x1;
	s1 =	simm.s32 $0x40;
	[sflag:s21] =	ssyncset.done $0x0  }
.Ltmp0:
0xe6: {  	s23 =	simm.s32 $0x80;
	[sflag:s21] =	ssyncadd.s32 $0xFFFF0000;
	(pc) =	sbr.rel @p0 .LBB2_1-.Ltmp0, $4  }
0xe7: {  	[hbm4b:s24+s1] =	stream.indirect.scatter [tilespmem:s23], [sflag:$0x1], $0x1, s3, s1, $0xb8;
	[tilespmem:$0x10100] =	vst v63  }
0xe8: {  	_ =	swait.ge [sflag:s21], $0x40  }
0xe9: {  	[sflag:s21] =	ssyncset.done $0x0  }
0xea: {  	s8 =	sadd.s32 $0xFFFFFFFF, s8;
	[sflag:s21] =	ssyncadd.s32 $0xFFFFFFC0  }
0xeb: {  	_ =	sfence.sel $0x180000  }
0xec: {  	[bflag:$0x0] =	sbarrier.arrive $0xFFFF  }
0xed: {  	_ =	strace $0x90000047  }
0xee: {  	s0 =	stileid.u32;
	[bflag:$0x2] =	sbarrier.arrive $0xFFFF  }
0xef: {  	p0 =	sne.s32 s0, $0x0;
	s0 =	rddreg [dreg:$0x4]  }
0xf0: {  	s0 =	sadd.s32 @!p0 $0x100000, s0  }
0xf1: {  	[sflag:s0] =	ssyncadd.tile.s32 @!p0 $0x1;
	_ =	shalt  }
.Lfunc_end2:
_tile_overlayer_lowered:
.L_overlay_start_2:
0xf2: {  	(tag) =	ssettag $0x2  }
0xf3: {  	s0 =	rddreg [dreg:$0x0];
	s2 =	stileid.u32  }
0xf4: {  	s1 =	rddreg [dreg:$0x1];
	p0 =	sne.s32 s2, $0x0  }
0xf5: {  	s3 =	rddreg [dreg:$0x2];
	[bflag:$0x3] =	sbarrier.arrive $0xFFFF;
	s2 =	simm.s32 @!p0 $0x1C02  }
0xf6: {  	[timem:s3], [sflag:s2] =	dma.local @!p0 [hbm:s0], s1  }
0xf7: {  	s0 =	simm.s32 @!p0 $0x2  }
0xf8: {  	_ =	swait.ge @!p0 [sflag:s0], s1  }
0xf9: {  	s1 =	ssub.s32 @!p0 $0x0, s1;
	[sflag:s0] =	ssyncset.done @!p0 $0x0  }
0xfa: {  	[sflag:s0] =	ssyncadd.s32 @!p0 s1  }
0xfb: {  	[bflag:$0x3] =	sbarrier.arrive $0xFFFF  }
0xfc: {  	_ =	shalt  }

// kernel: kernel.9.cloned.1.call-start
scs
__scs_entry_jumppad:
0x0: {  	(pc) =	sbr.rel $0x88, $3  }
0x1: {  	(tag) =	ssettag $0x0;
	lr =	simm.s32 $0x1  }
0x2: {  	[smem:$0x3F9C] =	sst lr;
	_ =	strace $0xD0000000  }
0x3: {  	_ = 	snop  }
0x4: {  	_ = 	snop  }
0x5: {  	_ = 	snop  }
0x6: {  	_ = 	snop  }
0x7: {  	_ = 	snop  }
__scs_overlays_trampoline_lowered:
0x8: {  	[smem:$0x3FAB] =	sst s0  }
0x9: {  	[smem:$0x3FAC] =	sst s1  }
0xa: {  	[smem:$0x3FAD] =	sst s2  }
0xb: {  	[smem:$0x3FAE] =	sst s3  }
0xc: {  	[smem:$0x3FAF] =	sst s4  }
0xd: {  	[smem:$0x3FB0] =	sst s5  }
0xe: {  	[smem:$0x3FB1] =	sst s6  }
0xf: {  	[smem:$0x3FB2] =	sst s7  }
0x10: {  	[smem:$0x3FB3] =	sst s8  }
0x11: {  	[smem:$0x3FB4] =	sst s9;
	s0 =	simm.s32 @!p0 $0x0  }
0x12: {  	s1 =	sld [smem:$0x3F9A];
	s0 =	simm.s32 @p0 $0x1  }
0x13: {  	[smem:$0x3FB5] =	sst s0;
	s0 =	simm.s32 @!p1 $0x0  }
0x14: {  	s2 =	sld [smem:$0x3F99];
	s0 =	simm.s32 @p1 $0x1  }
0x15: {  	[smem:$0x3FB6] =	sst s0;
	s0 =	simm.s32 @!p2 $0x0  }
0x16: {  	s3 =	sld [smem:$0x3FDB];
	s0 =	simm.s32 @p2 $0x1  }
0x17: {  	s4 =	simm.s32 $0x1BF5;
	[smem:$0x3FB8] =	sst s0  }
0x18: {  	s0 =	sld [smem:$0x3F9B];
	_ =	swait.ge [sflag:s4], $0x0  }
0x19: {  	s7 =	sld [smem:$0x3F9C]  }
0x1a: {  	s8 =	sadd.s32 $0xFFFFE003, lr  }
0x1b: {  	s9 =	sadd.s32 $0xFFFFFEF7, lr;
	s5 =	simm.s32 $0xFFFFFFFF;
	p2 =	slt.u32 s8, $0xFFFFF086  }
0x1c: {  	p1 =	slt.u32 s9, $0xF7A;
	s5 =	simm.s32 @!p2 $0x0  }
0x1d: {  	s5 =	simm.s32 @p1 $0x1;
	p0 =	seq.s32 s7, s2  }
0x1e: {  	s7 =	smul.u32 @!p0 $0xF7A, s2;
	p2 =	seq.s32 @!p0 s5, $0x0  }
0x1f: {  	s9 =	smul.u32 $0xF7A, s1;
	s8 =	simm.s32 @!p0 $0x1BF5;
	p2 =	por !p2, p0  }
0x20: {  	[sflag:s8] =	ssyncset.s32 @!p0 $0xFFFFF086;
	s6 =	sadd.s32 @!p0 s3, s7;
	s7 =	simm.s32 @!p0 $0x108  }
0x21: {  	s3 =	sadd.s32 s3, s9;
	s6 =	sadd.s32 @!p0 $0x88, s6;
	s7 =	simm.s32 @p2 $0x1082  }
0x22: {  	[simem:s7], [sflag:s8] =	dma.local @!p0 [hbm:s6], $0xF7A  }
0x23: {  	s9 =	sor.u32 $0xD0000000, s2;
	s6 =	simm.s32 $0x108;
	_ =	swait.ge @!p0 [sflag:s8], $0x0  }
0x24: {  	s3 =	sadd.s32 $0x88, s3;
	s6 =	simm.s32 @!p1 $0x1082;
	[sflag:s4] =	ssyncset.s32 $0xFFFFF086  }
0x25: {  	[simem:s6], [sflag:s4] =	dma.local [hbm:s3], $0xF7A  }
0x26: {  	[smem:$0x3F9C] =	sst s1;
	(tag) =	ssettag s2;
	_ =	strace s9  }
0x27: {  	s1 =	sld [smem:$0x3FAC]  }
0x28: {  	s2 =	sld [smem:$0x3FAD]  }
0x29: {  	s4 =	sld [smem:$0x3FAF]  }
0x2a: {  	p0 =	seq.s32 s5, $0x0;
	s5 =	sld [smem:$0x3FB0]  }
0x2b: {  	s6 =	sld [smem:$0x3FB1]  }
0x2c: {  	s7 =	sld [smem:$0x3FB2]  }
0x2d: {  	s3 =	simm.s32 $0x108;
	s8 =	sld [smem:$0x3FB3]  }
0x2e: {  	s3 =	simm.s32 @!p0 $0x1082;
	s9 =	sld [smem:$0x3FB4]  }
0x2f: {  	lr =	sadd.s32 s0, s3;
	s0 =	sld [smem:$0x3FAB]  }
0x30: {  	s3 =	sld [smem:$0x3FAE]  }
0x31: {  	[smem:$0x3FB7] =	sst s10  }
0x32: {  	s10 =	sld [smem:$0x3FB5];
	_ =	sdelay $0x3  }
0x33: {  	p0 =	seq.s32 s10, $0x1;
	s10 =	sld [smem:$0x3FB7];
	_ =	sdelay $0x3  }
0x34: {  	[smem:$0x3FB7] =	sst s10  }
0x35: {  	s10 =	sld [smem:$0x3FB6];
	_ =	sdelay $0x3  }
0x36: {  	p1 =	seq.s32 s10, $0x1;
	s10 =	sld [smem:$0x3FB7];
	_ =	sdelay $0x3  }
0x37: {  	[smem:$0x3FB7] =	sst s10  }
0x38: {  	s10 =	sld [smem:$0x3FB8]  }
0x39: {  	_ = 	snop;
	(pc) =	sbr.ind lr, $3  }
0x3a: {  	_ = 	snop  }
0x3b: {  	_ = 	snop  }
0x3c: {  	p2 =	seq.s32 s10, $0x1;
	s10 =	sld [smem:$0x3FB7]  }
0x3d: {  	_ =	shalt  }
0x3e: {  	_ =	shalt  }
0x3f: {  	_ =	shalt  }
0x40: {  	_ =	shalt  }
0x41: {  	_ =	shalt  }
0x42: {  	_ =	shalt  }
0x43: {  	_ =	shalt  }
0x44: {  	_ =	shalt  }
0x45: {  	_ =	shalt  }
0x46: {  	_ =	shalt  }
0x47: {  	_ =	shalt  }
0x48: {  	_ =	shalt  }
0x49: {  	_ =	shalt  }
0x4a: {  	_ =	shalt  }
0x4b: {  	_ =	shalt  }
0x4c: {  	_ =	shalt  }
0x4d: {  	_ =	shalt  }
0x4e: {  	_ =	shalt  }
0x4f: {  	_ =	shalt  }
0x50: {  	_ =	shalt  }
0x51: {  	_ =	shalt  }
0x52: {  	_ =	shalt  }
0x53: {  	_ =	shalt  }
0x54: {  	_ =	shalt  }
0x55: {  	_ =	shalt  }
0x56: {  	_ =	shalt  }
0x57: {  	_ =	shalt  }
0x58: {  	_ =	shalt  }
0x59: {  	_ =	shalt  }
0x5a: {  	_ =	shalt  }
0x5b: {  	_ =	shalt  }
0x5c: {  	_ =	shalt  }
0x5d: {  	_ =	shalt  }
0x5e: {  	_ =	shalt  }
0x5f: {  	_ =	shalt  }
0x60: {  	_ =	shalt  }
0x61: {  	_ =	shalt  }
0x62: {  	_ =	shalt  }
0x63: {  	_ =	shalt  }
0x64: {  	_ =	shalt  }
0x65: {  	_ =	shalt  }
0x66: {  	_ =	shalt  }
0x67: {  	_ =	shalt  }
0x68: {  	_ =	shalt  }
0x69: {  	_ =	shalt  }
0x6a: {  	_ =	shalt  }
0x6b: {  	_ =	shalt  }
0x6c: {  	_ =	shalt  }
0x6d: {  	_ =	shalt  }
0x6e: {  	_ =	shalt  }
0x6f: {  	_ =	shalt  }
0x70: {  	_ =	shalt  }
0x71: {  	_ =	shalt  }
0x72: {  	_ =	shalt  }
0x73: {  	_ =	shalt  }
0x74: {  	_ =	shalt  }
0x75: {  	_ =	shalt  }
0x76: {  	_ =	shalt  }
0x77: {  	_ =	shalt  }
0x78: {  	_ =	shalt  }
0x79: {  	_ =	shalt  }
0x7a: {  	_ =	shalt  }
0x7b: {  	_ =	shalt  }
0x7c: {  	_ =	shalt  }
0x7d: {  	_ =	shalt  }
0x7e: {  	_ =	shalt  }
0x7f: {  	_ =	shalt  }
0x80: {  	_ =	shalt  }
0x81: {  	_ =	shalt  }
0x82: {  	_ =	shalt  }
0x83: {  	_ =	shalt  }
0x84: {  	_ =	shalt  }
0x85: {  	_ =	shalt  }
0x86: {  	_ =	shalt  }
0x87: {  	_ =	shalt  }
.Lfunc_end0:
.L_simem_size_0:
called_computation.1_lowered:
.L_overlay_start_0:
0x88: {  	s2 =	sld [smem:$0x3FD9]  }
0x89: {  	s3 =	sld [smem:$0x3FFE];
	_ =	sdelay $0x1  }
0x8a: {  	s1 =	srdreg.scid  }
0x8b: {  	s0 =	sand.u32 $0x1, s1  }
0x8c: {  	s14 =	sshll.u32 s0, $0xA;
	s2 =	sadd.s32 s3, s2  }
0x8d: {  	s2 =	sadd.s32 s2, s14  }
0x8e: {  	[smem:$0x3FC3] =	sst s2  }
0x8f: {  	_ = 	snop  }
0x90: {  	s2 =	sld [smem:$0x3FD0];
	_ =	sdelay $0x2  }
0x91: {  	s15 =	simm.s32 $0xA;
	s4 =	simm.s32 $0x10  }
0x92: {  	[smem:s4], [sflag:s15] =	dma.local [hbm:s2], $0x1  }
0x93: {  	_ =	swait.eq [sflag:s15], $0x1  }
0x94: {  	[sflag:s15] =	ssyncset.done $0x0  }
0x95: {  	[sflag:s15] =	ssyncadd.s32 $0xFFFFFFFF  }
0x96: {  	s16 =	sld [smem:$0x10];
	(tm) =	ssettm $0x1  }
0x97: {  	s17 =	sld [smem:$0x3FFB];
	_ =	sdelay $0x3  }
0x98: {  	_ =	strace s17  }
0x99: {  	s3 =	sld [smem:$0x3FFC];
	_ =	sdelay $0x3  }
0x9a: {  	_ =	strace s3  }
0x9b: {  	s3 =	sld [smem:$0x3FFD];
	_ =	sdelay $0x3  }
0x9c: {  	_ =	strace s3  }
0x9d: {  	_ =	strace $0x8FFFFFFF  }
0x9e: {  	s18 =	sld [smem:$0x3FDB];
	_ =	sdelay $0x1  }
0x9f: {  	s19 =	simm.s32 $_scs_section_size  }
0xa0: {  	s5 =	simm.s32 $_size__tile_overlayer_lowered;
	s6 =	simm.s32 $_tile_overlayer_lowered  }
0xa1: {  	s22 =	simm.s32 $0x1BFF;
	s21 =	sshll.u32 s6, $0x1;
	s3 =	sadd.s32 s19, s18  }
0xa2: {  	s7 =	simm.s32 $0x0;
	s20 =	sshll.u32 s5, $0x1;
	s5 =	sadd.s32 s21, s3  }
0xa3: {  	[timem:s7], [sflag:s22] =	dma.local [hbm:s5], s20  }
0xa4: {  	_ =	swait.ge [sflag:s22], s20  }
0xa5: {  	s4 =	ssub.s32 $0x0, s20;
	[sflag:s22] =	ssyncset.done $0x0  }
0xa6: {  	[sflag:s22] =	ssyncadd.s32 s4;
	_ =	sdelay $0x1  }
0xa7: {  	s23 =	simm.s32 $0x1B8B  }
0xa8: {  	_ =	swait.ge [sflag:s23], $0x1  }
0xa9: {  	[sflag:s23] =	ssyncset.done $0x0  }
0xaa: {  	s25 =	simm.s32 $0x1B8E;
	s24 =	sld [smem:$0x3FFE];
	[sflag:s23] =	ssyncadd.s32 $0xFFFFFFFF  }
0xab: {  	s26 =	simm.s32 $execute0_lowered;
	[smem:$0x3FD2] =	sst s25  }
0xac: {  	s5 =	sshll.u32 s26, $0x1;
	_ =	strace $0x80000049;
	[dreg:$0x1] =	wrdreg $0xFFFFFFFF  }
0xad: {  	s28 =	simm.s32 $_size_execute0_lowered;
	s3 =	sadd.s32 s3, s5;
	[dreg:$0x0] =	wrdreg $0x0  }
0xae: {  	s5 =	sshll.u32 s28, $0x1;
	[dreg:$0x2] =	wrdreg s3  }
0xaf: {  	[dreg:$0x3] =	wrdreg s5  }
0xb0: {  	[dreg:$0x4] =	wrdreg $0xC0  }
0xb1: {  	_ =	task [dreg:s7], $0x5FFFF  }
0xb2: {  	[dreg:$0x1] =	wrdreg $0xFFFFFFFF  }
0xb3: {  	[dreg:$0x0] =	wrdreg $0x60  }
0xb4: {  	[dreg:$0x2] =	wrdreg s24  }
0xb5: {  	[dreg:$0x3] =	wrdreg s16  }
0xb6: {  	[dreg:$0x4] =	wrdreg $0x9  }
0xb7: {  	_ =	task.clear_ibuf [dreg:s7], $0x5FFFF;
	_ =	strace $0x90000049  }
0xb8: {  	s29 =	simm.s32 $0x9;
	_ =	strace $0x8000004B  }
0xb9: {  	_ =	swait.ge [sflag:s29], $0x1  }
0xba: {  	[sflag:s29] =	ssyncadd.s32 $0xFFFFFFFF  }
0xbb: {  	_ =	strace $0x9000004B  }
0xbc: {  	_ =	sfence  }
0xbd: {  	s30 =	sld [smem:$0x0];
	_ =	sdelay $0x2  }
0xbe: {  	s31 =	sshll.u32 s1, $0xD;
	s1 =	sshrl.u32 s1, $0x2  }
0xbf: {  	s3 =	sand.u32 $0x4000, s31;
	s1 =	sadd.s32 s1, s30  }
0xc0: {  	s0 =	sor.u32 s3, s0;
	s1 =	sshll.u32 s1, $0x11  }
0xc1: {  	s0 =	sor.u32 s1, s0  }
0xc2: {  	s0 =	sadd.s32 $0x8F2B, s0  }
0xc3: {  	[sflag:s0] =	ssyncadd.remote.s32 $0x1  }
0xc4: {  	_ =	sfence.sel $0xFFFF  }
0xc5: {  	[dreg:$0x0] =	wrdreg $0xFFFFFFFF;
	(pc) =	sbr.abs _section_cstart, $3  }
0xc6: {  	[dreg:$0x1] =	wrdreg $0xFFFFFFFF  }
0xc7: {  	_ =	task.clear_ibuf [dreg:s7], $0x2FFFF;
	_ =	strace $0x9FFFFFFF  }
0xc8: {  	(tm) =	ssettm $0x7FFFFFFF  }
0xc9: {  	_ =	shalt  }
tec
execute0_lowered:
.L_overlay_start_1:
0x0: {  	(tag) =	ssettag $0x1  }
0x1: {  	s0 =	rddreg [dreg:$0x0]  }
0x2: {  	s1 =	rddreg [dreg:$0x1]  }
0x3: {  	s2 =	simm.s32 $0x0;
	s3 =	srdreg.scid;
	s5 =	stileid.u32  }
0x4: {  	s28 =	simm.s32 $0x2900;
	s29 =	simm.s32 $0x3100;
	s30 =	simm.s32 $0x3900  }
0x5: {  	s31 =	simm.s32 $0x1;
	[smem:$0x7FF] =	sst s2;
	s4 =	sand.u32 $0x1, s3  }
0x6: {  	s3 =	sadd.s32 $0xA8600, s0;
	s5 =	sshll.u32 s5, $0x7;
	s9 =	sadd.s32 $0x8000, s0  }
0x7: {  	s10 =	sadd.s32 $0x8200, s0;
	s8 =	sadd.s32 $0xA8900, s0;
	s6 =	sshll.u32 s4, $0x6  }
0x8: {  	_ =	strace $0x8000004A;
	s4 =	ssub.s32 $0x2, s4;
	s5 =	sor.u32 s6, s5  }
0x9: {  	s13 =	sshrl.u32 s4, $0x1;
	s6 =	sadd.s32 $0xA8700, s0;
	s7 =	sshrl.u32 s5, $0x3  }
0xa: {  	s4 =	ssub.s32 s4, s13;
	s11 =	sor.u32 $0x10, s5;
	s16 =	sshll.u32 s5, $0x7  }
0xb: {  	s18 =	sor.u32 $0x20, s5;
	s5 =	sor.u32 $0x30, s5;
	s13 =	simm.s32 $0x8100  }
0xc: {  	s14 =	sadd.s32 s9, s7;
	s15 =	sadd.s32 s10, s7;
	s7 =	sadd.s32 $0xA8800, s0  }
0xd: {  	s12 =	sshrl.u32 s11, $0x3;
	s0 =	sadd.s32 s1, s16;
	s11 =	sshll.u32 s11, $0x7  }
0xe: {  	s19 =	sshrl.u32 s18, $0x3;
	s22 =	sshrl.u32 s5, $0x3;
	[dreg:$0x3] =	wrdreg s14  }
0xf: {  	s24 =	sshll.u32 s5, $0x7;
	s26 =	smax.u32 s4, $0x1;
	[dreg:$0x4] =	wrdreg s15  }
0x10: {  	s4 =	simm.s32 $0x5100;
	s5 =	simm.s32 $0x5900;
	[dreg:$0x5] =	wrdreg s0  }
0x11: {  	s17 =	sadd.s32 s9, s12;
	s12 =	sadd.s32 s10, s12;
	[dreg:$0xf] =	wrdreg s26  }
0x12: {  	s11 =	sadd.s32 s1, s11;
	s20 =	sadd.s32 s9, s19;
	[dreg:$0x6] =	wrdreg s17  }
0x13: {  	s21 =	sadd.s32 s10, s19;
	s0 =	sshll.u32 s18, $0x7;
	[dreg:$0x7] =	wrdreg s12  }
0x14: {  	s23 =	sadd.s32 s9, s22;
	s25 =	sadd.s32 s10, s22;
	[dreg:$0x8] =	wrdreg s11  }
0x15: {  	s22 =	simm.s32 $0x100;
	s26 =	simm.s32 $0x2100;
	[dreg:$0x9] =	wrdreg s20  }
0x16: {  	s9 =	simm.s32 $0x6100;
	s10 =	simm.s32 $0x6900;
	[dreg:$0xa] =	wrdreg s21  }
0x17: {  	s14 =	simm.s32 $0x0;
	s0 =	sadd.s32 s1, s0;
	[dreg:$0xc] =	wrdreg s23  }
0x18: {  	[dreg:$0xd] =	wrdreg s25;
	s20 =	simm.s32 $0x2;
	s23 =	simm.s32 $0x900  }
0x19: {  	v2 =	vlaneseq.u32;
	s25 =	simm.s32 $0x1900;
	s11 =	simm.s32 $0x7100;
	s12 =	simm.s32 $0x7900  }
0x1a: {  	vm0 =	vmmov $0xffff;
	v1 =	vshrl.u32 v2, $0x3;
	[dreg:$0xb] =	wrdreg s0;
	s0 =	sadd.s32 s1, s24;
	s24 =	simm.s32 $0x1100  }
0x1b: {  	v0 =	vand.u32 $0x7, v2;
	v2 =	vor.u32 $0x8, v2;
	v1 =	vmul.u32 $0x8, v1;
	s1 =	simm.s32 $0x4900;
	[dreg:$0xe] =	wrdreg s0;
	s0 =	simm.s32 $0x4100  }
.LBB2_1:
0x1c: {  	s15 =	rddreg [dreg:$0x3]  }
0x1d: {  	[tilespmem:s2], [sflag:$0x2] =	stream.linear.gather [hbm4b:s15+s2], $0x10, $0x38;
	[tilespmem:$0xC100] =	vst v63  }
0x1e: {  	_ =	swait.ge [sflag:s20], $0x10  }
0x1f: {  	[sflag:s20] =	ssyncset.done $0x0  }
0x20: {  	s16 =	simm.s32 $0x80;
	s21 =	rddreg [dreg:$0x4];
	[sflag:s20] =	ssyncadd.s32 $0xFFFFFFF0  }
0x21: {  	[tilespmem:s16], [sflag:$0x2] =	stream.linear.gather [hbm4b:s21+s2], $0x10, $0x38;
	[tilespmem:$0xC100] =	vst v63  }
0x22: {  	_ =	swait.ge [sflag:s20], $0x10  }
0x23: {  	[sflag:s20] =	ssyncset.done $0x0  }
0x24: {  	[sflag:s20] =	ssyncadd.s32 $0xFFFFFFF0  }
0x25: {  	v3 =	vld [tilespmem:$0x0];
	_ =	sdelay $0x4  }
0x26: {  	v4 =	vshll.u32 v3, $0x3  }
0x27: {  	v3 =	vand.u32 $0x7, v3;
	v4 =	vand.u32 $0xFFFFFFC0, v4  }
0x28: {  	v3 =	vor.u32 v3, v4  }
0x29: {  	v4 =	vperm.xlane v3, v0;
	_ =	sdelay $0x1  }
0x2a: {  	v4 =	vadd.s32 v1, v4;
	_ =	sdelay $0x4  }
0x2b: {  	[tilespmem:s22], [sflag:$0x1] =	stream.indirect_vreg.gather [hbm4b:s3+s2], $0x80, v4, vm0, $0xb8;
	[tilespmem:$0xC100] =	vst v63  }
0x2c: {  	v3 =	vperm.xlane v3, v2  }
0x2d: {  	[tilespmem:s23], [sflag:$0x1] =	stream.indirect_vreg.gather [hbm4b:s6+s2], $0x80, v4, vm0, $0xb8;
	[tilespmem:$0xC100] =	vst v63  }
0x2e: {  	v3 =	vadd.s32 v1, v3  }
0x2f: {  	[tilespmem:s24], [sflag:$0x1] =	stream.indirect_vreg.gather [hbm4b:s7+s2], $0x80, v4, vm0, $0xb8;
	[tilespmem:$0xC100] =	vst v63  }
0x30: {  	_ = 	snop  }
0x31: {  	[tilespmem:s25], [sflag:$0x1] =	stream.indirect_vreg.gather [hbm4b:s8+s2], $0x80, v4, vm0, $0xb8;
	[tilespmem:$0xC100] =	vst v63  }
0x32: {  	_ = 	snop  }
0x33: {  	[tilespmem:s26], [sflag:$0x1] =	stream.indirect_vreg.gather [hbm4b:s3+s2], $0x80, v3, vm0, $0xb8;
	[tilespmem:$0xC100] =	vst v63  }
0x34: {  	_ = 	snop  }
0x35: {  	[tilespmem:s28], [sflag:$0x1] =	stream.indirect_vreg.gather [hbm4b:s6+s2], $0x80, v3, vm0, $0xb8;
	[tilespmem:$0xC100] =	vst v63  }
0x36: {  	_ = 	snop  }
0x37: {  	[tilespmem:s29], [sflag:$0x1] =	stream.indirect_vreg.gather [hbm4b:s7+s2], $0x80, v3, vm0, $0xb8;
	[tilespmem:$0xC100] =	vst v63  }
0x38: {  	_ = 	snop  }
0x39: {  	[tilespmem:s30], [sflag:$0x1] =	stream.indirect_vreg.gather [hbm4b:s8+s2], $0x80, v3, vm0, $0xb8;
	[tilespmem:$0xC100] =	vst v63  }
0x3a: {  	_ =	swait.ge [sflag:s31], $0x4000  }
0x3b: {  	[sflag:s31] =	ssyncset.done $0x0  }
0x3c: {  	[sflag:s31] =	ssyncadd.s32 $0xFFFFC000  }
0x3d: {  	v3 =	vld [tilespmem:$0x80];
	_ =	sdelay $0x4  }
0x3e: {  	v63 =	vshll.u32 v3, $0x3  }
0x3f: {  	v3 =	vand.u32 $0x7, v3;
	v4 =	vand.u32 $0xFFFFFFC0, v63  }
0x40: {  	v3 =	vor.u32 v3, v4  }
0x41: {  	v4 =	vperm.xlane v3, v0;
	_ =	sdelay $0x1  }
0x42: {  	v4 =	vadd.s32 v1, v4;
	_ =	sdelay $0x4  }
0x43: {  	[tilespmem:s0], [sflag:$0x1] =	stream.indirect_vreg.gather [hbm4b:s3+s2], $0x80, v4, vm0, $0xb8;
	[tilespmem:$0xC100] =	vst v63  }
0x44: {  	v3 =	vperm.xlane v3, v2  }
0x45: {  	[tilespmem:s1], [sflag:$0x1] =	stream.indirect_vreg.gather [hbm4b:s6+s2], $0x80, v4, vm0, $0xb8;
	[tilespmem:$0xC100] =	vst v63  }
0x46: {  	v3 =	vadd.s32 v1, v3  }
0x47: {  	[tilespmem:s4], [sflag:$0x1] =	stream.indirect_vreg.gather [hbm4b:s7+s2], $0x80, v4, vm0, $0xb8;
	[tilespmem:$0xC100] =	vst v63  }
0x48: {  	_ = 	snop  }
0x49: {  	[tilespmem:s5], [sflag:$0x1] =	stream.indirect_vreg.gather [hbm4b:s8+s2], $0x80, v4, vm0, $0xb8;
	[tilespmem:$0xC100] =	vst v63  }
0x4a: {  	_ = 	snop  }
0x4b: {  	[tilespmem:s9], [sflag:$0x1] =	stream.indirect_vreg.gather [hbm4b:s3+s2], $0x80, v3, vm0, $0xb8;
	[tilespmem:$0xC100] =	vst v63  }
0x4c: {  	_ = 	snop  }
0x4d: {  	[tilespmem:s10], [sflag:$0x1] =	stream.indirect_vreg.gather [hbm4b:s6+s2], $0x80, v3, vm0, $0xb8;
	[tilespmem:$0xC100] =	vst v63  }
0x4e: {  	_ = 	snop  }
0x4f: {  	[tilespmem:s11], [sflag:$0x1] =	stream.indirect_vreg.gather [hbm4b:s7+s2], $0x80, v3, vm0, $0xb8;
	[tilespmem:$0xC100] =	vst v63  }
0x50: {  	_ = 	snop  }
0x51: {  	[tilespmem:s12], [sflag:$0x1] =	stream.indirect_vreg.gather [hbm4b:s8+s2], $0x80, v3, vm0, $0xb8;
	[tilespmem:$0xC100] =	vst v63  }
0x52: {  	_ =	swait.ge [sflag:s31], $0x4000  }
0x53: {  	s17 =	simm.s32 $0x0;
	s18 =	simm.s32 $0x0;
	[sflag:s31] =	ssyncset.done $0x0  }
0x54: {  	s15 =	simm.s32 $0xFFFFC000;
	s16 =	simm.s32 $0x0;
	[sflag:s31] =	ssyncadd.s32 $0xFFFFC000  }
.LBB2_2:
0x55: {  	s19 =	sadd.s32 $0x4000, s15  }
0x56: {  	s21 =	sand.u32 $0x380, s18;
	s19 =	sand.u32 $0x2000, s19  }
0x57: {  	s19 =	sor.u32 s21, s19  }
0x58: {  	v3 =	vld [tilespmem:s19+$0x100]  }
0x59: {  	v4 =	vld [tilespmem:s19+$0x4100]  }
0x5a: {  	v5 =	vld [tilespmem:s19+$0x110]  }
0x5b: {  	v6 =	vld [tilespmem:s19+$0x4110]  }
0x5c: {  	v7 =	vld [tilespmem:s19+$0x120]  }
0x5d: {  	v8 =	vld [tilespmem:s19+$0x4120]  }
0x5e: {  	v9 =	vld [tilespmem:s19+$0x130]  }
0x5f: {  	v10 =	vld [tilespmem:s19+$0x4130]  }
0x60: {  	v11 =	vld [tilespmem:s19+$0x140]  }
0x61: {  	v12 =	vld [tilespmem:s19+$0x4140]  }
0x62: {  	v13 =	vld [tilespmem:s19+$0x150]  }
0x63: {  	v14 =	vld [tilespmem:s19+$0x4150]  }
0x64: {  	v15 =	vld [tilespmem:s19+$0x160]  }
0x65: {  	v16 =	vld [tilespmem:s19+$0x4160]  }
0x66: {  	v17 =	vld [tilespmem:s19+$0x170]  }
0x67: {  	v18 =	vld [tilespmem:s19+$0x4170]  }
0x68: {  	v19 =	vld [tilespmem:s19+$0x500]  }
0x69: {  	v20 =	vld [tilespmem:s19+$0x4500]  }
0x6a: {  	v21 =	vld [tilespmem:s19+$0x510]  }
0x6b: {  	v22 =	vld [tilespmem:s19+$0x4510]  }
0x6c: {  	v23 =	vld [tilespmem:s19+$0x520]  }
0x6d: {  	v24 =	vld [tilespmem:s19+$0x4520]  }
0x6e: {  	v25 =	vld [tilespmem:s19+$0x530]  }
0x6f: {  	v26 =	vld [tilespmem:s19+$0x4530]  }
0x70: {  	v27 =	vld [tilespmem:s19+$0x540]  }
0x71: {  	v28 =	vld [tilespmem:s19+$0x4540]  }
0x72: {  	v29 =	vld [tilespmem:s19+$0x550]  }
0x73: {  	v30 =	vld [tilespmem:s19+$0x4550]  }
0x74: {  	v31 =	vld [tilespmem:s19+$0x560]  }
0x75: {  	v32 =	vld [tilespmem:s19+$0x4560]  }
0x76: {  	v33 =	vld [tilespmem:s19+$0x570]  }
0x77: {  	v34 =	vld [tilespmem:s19+$0x4570]  }
0x78: {  	v35 =	vld [tilespmem:s19+$0x900]  }
0x79: {  	v36 =	vld [tilespmem:s19+$0x4900]  }
0x7a: {  	v37 =	vld [tilespmem:s19+$0x910]  }
0x7b: {  	v38 =	vld [tilespmem:s19+$0x4910]  }
0x7c: {  	v39 =	vld [tilespmem:s19+$0x920]  }
0x7d: {  	v40 =	vld [tilespmem:s19+$0x4920]  }
0x7e: {  	v41 =	vld [tilespmem:s19+$0x930]  }
0x7f: {  	v42 =	vld [tilespmem:s19+$0x4930]  }
0x80: {  	v43 =	vld [tilespmem:s19+$0x940]  }
0x81: {  	v44 =	vld [tilespmem:s19+$0x4940]  }
0x82: {  	v45 =	vld [tilespmem:s19+$0x950]  }
0x83: {  	v46 =	vld [tilespmem:s19+$0x4950]  }
0x84: {  	v47 =	vld [tilespmem:s19+$0x960]  }
0x85: {  	v48 =	vld [tilespmem:s19+$0x4960]  }
0x86: {  	v49 =	vld [tilespmem:s19+$0x970]  }
0x87: {  	v50 =	vld [tilespmem:s19+$0x4970]  }
0x88: {  	v51 =	vld [tilespmem:s19+$0xD00]  }
0x89: {  	v52 =	vld [tilespmem:s19+$0x4D00]  }
0x8a: {  	v53 =	vld [tilespmem:s19+$0xD10]  }
0x8b: {  	v54 =	vld [tilespmem:s19+$0x4D10]  }
0x8c: {  	v55 =	vld [tilespmem:s19+$0xD20]  }
0x8d: {  	v56 =	vld [tilespmem:s19+$0x4D20]  }
0x8e: {  	v57 =	vld [tilespmem:s19+$0xD30]  }
0x8f: {  	v58 =	vld [tilespmem:s19+$0x4D30]  }
0x90: {  	v59 =	vld [tilespmem:s19+$0xD40]  }
0x91: {  	v60 =	vld [tilespmem:s19+$0x4D40]  }
0x92: {  	v61 =	vld [tilespmem:s19+$0xD50]  }
0x93: {  	v62 =	vld [tilespmem:s19+$0x4D50]  }
0x94: {  	v63 =	vld [tilespmem:s19+$0xD60]  }
0x95: {  	v3 =	vadd.f32 v4, v3;
	v4 =	vld [tilespmem:s19+$0x4D60]  }
0x96: {  	v5 =	vadd.f32 v6, v5;
	v6 =	vld [tilespmem:s19+$0xD70]  }
0x97: {  	v14 =	vadd.f32 v14, v13;
	v13 =	vld [tilespmem:s19+$0x5120];
	[tilespmem:s19+$0x8100] =	vst v3  }
0x98: {  	v18 =	vadd.f32 v18, v17;
	v17 =	vld [tilespmem:s19+$0x5140];
	v3 =	vadd.f32 v8, v7;
	[tilespmem:s19+$0x8110] =	vst v5  }
0x99: {  	v22 =	vadd.f32 v22, v21;
	v21 =	vld [tilespmem:s19+$0x5160];
	[tilespmem:s19+$0x8150] =	vst v14  }
0x9a: {  	v7 =	vld [tilespmem:s19+$0x4D70];
	[tilespmem:s19+$0x8120] =	vst v3;
	v3 =	vadd.f32 v12, v11  }
0x9b: {  	v8 =	vld [tilespmem:s19+$0x1100];
	[tilespmem:s19+$0x8170] =	vst v18  }
0x9c: {  	v5 =	vadd.f32 v10, v9;
	v9 =	vld [tilespmem:s19+$0x5100];
	[tilespmem:s19+$0x8140] =	vst v3;
	v3 =	vadd.f32 v16, v15  }
0x9d: {  	v26 =	vadd.f32 v26, v25;
	v10 =	vld [tilespmem:s19+$0x1110];
	[tilespmem:s19+$0x8510] =	vst v22  }
0x9e: {  	v14 =	vld [tilespmem:s19+$0x1130];
	[tilespmem:s19+$0x8160] =	vst v3;
	v3 =	vadd.f32 v20, v19  }
0x9f: {  	v30 =	vadd.f32 v30, v29;
	[tilespmem:s19+$0x8530] =	vst v26;
	v18 =	vld [tilespmem:s19+$0x1150]  }
0xa0: {  	v19 =	vld [tilespmem:s19+$0x5150];
	[tilespmem:s19+$0x8500] =	vst v3;
	v3 =	vadd.f32 v24, v23  }
0xa1: {  	v34 =	vadd.f32 v34, v33;
	[tilespmem:s19+$0x8550] =	vst v30;
	v22 =	vld [tilespmem:s19+$0x1170]  }
0xa2: {  	v11 =	vld [tilespmem:s19+$0x5110];
	[tilespmem:s19+$0x8520] =	vst v3;
	v3 =	vadd.f32 v28, v27  }
0xa3: {  	[tilespmem:s19+$0x8570] =	vst v34;
	v12 =	vld [tilespmem:s19+$0x1120]  }
0xa4: {  	v15 =	vld [tilespmem:s19+$0x5130];
	[tilespmem:s19+$0x8540] =	vst v3;
	v3 =	vadd.f32 v32, v31  }
0xa5: {  	[tilespmem:s19+$0x8130] =	vst v5;
	v16 =	vld [tilespmem:s19+$0x1140];
	v19 =	vadd.f32 v19, v18  }
0xa6: {  	v20 =	vld [tilespmem:s19+$0x1160];
	[tilespmem:s19+$0x8560] =	vst v3;
	v3 =	vadd.f32 v36, v35  }
0xa7: {  	v24 =	vld [tilespmem:s19+$0x1500];
	[tilespmem:s19+$0x9150] =	vst v19;
	v36 =	vadd.f32 v38, v37  }
0xa8: {  	v37 =	vld [tilespmem:s19+$0x5170];
	[tilespmem:s19+$0x8900] =	vst v3;
	v3 =	vadd.f32 v40, v39  }
0xa9: {  	v38 =	vadd.f32 v42, v41;
	v41 =	vld [tilespmem:s19+$0x1510];
	[tilespmem:s19+$0x8910] =	vst v36  }
0xaa: {  	v42 =	vld [tilespmem:s19+$0x5510];
	[tilespmem:s19+$0x8920] =	vst v3;
	v3 =	vadd.f32 v44, v43  }
0xab: {  	v35 =	vld [tilespmem:s19+$0x1910];
	[tilespmem:s19+$0x8930] =	vst v38;
	v40 =	vadd.f32 v46, v45  }
0xac: {  	v39 =	vld [tilespmem:s19+$0x5500];
	[tilespmem:s19+$0x8940] =	vst v3;
	v3 =	vadd.f32 v48, v47  }
0xad: {  	v45 =	vld [tilespmem:s19+$0x5520];
	v46 =	vadd.f32 v54, v53;
	[tilespmem:s19+$0x8950] =	vst v40  }
0xae: {  	v53 =	vld [tilespmem:s19+$0x1550];
	[tilespmem:s19+$0x8960] =	vst v3;
	v3 =	vadd.f32 v52, v51  }
0xaf: {  	v54 =	vld [tilespmem:s19+$0x5550];
	v43 =	vadd.f32 v50, v49;
	[tilespmem:s19+$0x8D10] =	vst v46  }
0xb0: {  	v36 =	vld [tilespmem:s19+$0x5910];
	[tilespmem:s19+$0x8D00] =	vst v3;
	v3 =	vadd.f32 v56, v55  }
0xb1: {  	v38 =	vld [tilespmem:s19+$0x1920];
	v49 =	vadd.f32 v58, v57;
	[tilespmem:s19+$0x8970] =	vst v43  }
0xb2: {  	v44 =	vld [tilespmem:s19+$0x1520];
	[tilespmem:s19+$0x8D20] =	vst v3;
	v3 =	vadd.f32 v60, v59  }
0xb3: {  	v50 =	vld [tilespmem:s19+$0x1540];
	v58 =	vadd.f32 v11, v10;
	[tilespmem:s19+$0x8D30] =	vst v49  }
0xb4: {  	v57 =	vld [tilespmem:s19+$0x5560];
	[tilespmem:s19+$0x8D40] =	vst v3;
	v3 =	vadd.f32 v4, v63  }
0xb5: {  	v46 =	vld [tilespmem:s19+$0x1950];
	v37 =	vadd.f32 v37, v22;
	[tilespmem:s19+$0x9110] =	vst v58  }
0xb6: {  	v40 =	vadd.f32 v42, v41;
	v41 =	vld [tilespmem:s19+$0x1930];
	[tilespmem:s19+$0x8D60] =	vst v3;
	v3 =	vadd.f32 v9, v8  }
0xb7: {  	v42 =	vld [tilespmem:s19+$0x5930];
	[tilespmem:s19+$0x9170] =	vst v37  }
0xb8: {  	v47 =	vld [tilespmem:s19+$0x1530];
	[tilespmem:s19+$0x9100] =	vst v3;
	v3 =	vadd.f32 v13, v12  }
0xb9: {  	v48 =	vld [tilespmem:s19+$0x5530];
	[tilespmem:s19+$0x9510] =	vst v40;
	v52 =	vadd.f32 v62, v61  }
0xba: {  	v49 =	vld [tilespmem:s19+$0x1960];
	[tilespmem:s19+$0x9120] =	vst v3;
	v3 =	vadd.f32 v17, v16  }
0xbb: {  	v51 =	vld [tilespmem:s19+$0x5540];
	v61 =	vadd.f32 v15, v14;
	[tilespmem:s19+$0x8D50] =	vst v52  }
0xbc: {  	v62 =	vld [tilespmem:s19+$0x1900];
	[tilespmem:s19+$0x9140] =	vst v3;
	v3 =	vadd.f32 v21, v20  }
0xbd: {  	v55 =	vadd.f32 v7, v6;
	v56 =	vld [tilespmem:s19+$0x1560];
	[tilespmem:s19+$0x9130] =	vst v61  }
0xbe: {  	v52 =	vld [tilespmem:s19+$0x1970];
	[tilespmem:s19+$0x9160] =	vst v3;
	v3 =	vadd.f32 v39, v24  }
0xbf: {  	v43 =	vadd.f32 v48, v47;
	v47 =	vld [tilespmem:s19+$0x5950];
	[tilespmem:s19+$0x8D70] =	vst v55  }
0xc0: {  	v59 =	vld [tilespmem:s19+$0x1570];
	[tilespmem:s19+$0x9500] =	vst v3;
	v3 =	vadd.f32 v45, v44  }
0xc1: {  	[tilespmem:s19+$0x9530] =	vst v43;
	v63 =	vld [tilespmem:s19+$0x5900];
	v4 =	vadd.f32 v54, v53  }
0xc2: {  	v60 =	vld [tilespmem:s19+$0x5570];
	[tilespmem:s19+$0x9520] =	vst v3;
	v3 =	vadd.f32 v51, v50  }
0xc3: {  	v54 =	vadd.f32 v42, v41;
	[tilespmem:s19+$0x9550] =	vst v4;
	v39 =	vld [tilespmem:s19+$0x5920]  }
0xc4: {  	v44 =	vld [tilespmem:s19+$0x1940];
	[tilespmem:s19+$0x9540] =	vst v3;
	v3 =	vadd.f32 v57, v56  }
0xc5: {  	[tilespmem:s19+$0x9930] =	vst v54;
	v55 =	vadd.f32 v47, v46;
	v45 =	vld [tilespmem:s19+$0x5940]  }
0xc6: {  	v53 =	vld [tilespmem:s19+$0x5970];
	[tilespmem:s19+$0x9560] =	vst v3;
	v3 =	vadd.f32 v63, v62  }
0xc7: {  	v48 =	vadd.f32 v60, v59;
	[tilespmem:s19+$0x9950] =	vst v55;
	v50 =	vld [tilespmem:s19+$0x5960]  }
0xc8: {  	[tilespmem:s19+$0x9900] =	vst v3;
	v3 =	vadd.f32 v39, v38  }
0xc9: {  	[tilespmem:s19+$0x9570] =	vst v48;
	v51 =	vadd.f32 v36, v35  }
0xca: {  	[tilespmem:s19+$0x9920] =	vst v3;
	v3 =	vadd.f32 v45, v44  }
0xcb: {  	s21 =	sand.u32 $0x7, s16;
	[tilespmem:s19+$0x9910] =	vst v51;
	v56 =	vadd.f32 v53, v52  }
0xcc: {  	s21 =	sshll.u32 s21, $0x7;
	[tilespmem:s19+$0x9940] =	vst v3;
	v3 =	vadd.f32 v50, v49  }
0xcd: {  	s21 =	sadd.s32 s21, s17;
	[tilespmem:s19+$0x9970] =	vst v56  }
0xce: {  	[tilespmem:s19+$0x9960] =	vst v3;
	s19 =	sor.u32 $0x1C00, s21  }
0xcf: {  	v3 =	vld [tilespmem:s19+$0x100]  }
0xd0: {  	v4 =	vld [tilespmem:s19+$0x4100];
	_ =	sdelay $0x4  }
0xd1: {  	v3 =	vadd.f32 v4, v3;
	_ =	sdelay $0x1  }
0xd2: {  	[tilespmem:s19+$0x8100] =	vst v3;
	s19 =	sor.u32 $0x1C10, s21  }
0xd3: {  	v3 =	vld [tilespmem:s19+$0x100]  }
0xd4: {  	v57 =	vld [tilespmem:s19+$0x4100];
	_ =	sdelay $0x4  }
0xd5: {  	v3 =	vadd.f32 v57, v3;
	_ =	sdelay $0x1  }
0xd6: {  	[tilespmem:s19+$0x8100] =	vst v3;
	s19 =	sor.u32 $0x1C20, s21  }
0xd7: {  	v3 =	vld [tilespmem:s19+$0x100]  }
0xd8: {  	v58 =	vld [tilespmem:s19+$0x4100];
	_ =	sdelay $0x4  }
0xd9: {  	v3 =	vadd.f32 v58, v3;
	_ =	sdelay $0x1  }
0xda: {  	[tilespmem:s19+$0x8100] =	vst v3;
	s19 =	sor.u32 $0x1C30, s21  }
0xdb: {  	v3 =	vld [tilespmem:s19+$0x100]  }
0xdc: {  	v59 =	vld [tilespmem:s19+$0x4100];
	_ =	sdelay $0x4  }
0xdd: {  	v3 =	vadd.f32 v59, v3;
	_ =	sdelay $0x1  }
0xde: {  	[tilespmem:s19+$0x8100] =	vst v3;
	s19 =	sor.u32 $0x1C40, s21  }
0xdf: {  	v3 =	vld [tilespmem:s19+$0x100]  }
0xe0: {  	v60 =	vld [tilespmem:s19+$0x4100];
	_ =	sdelay $0x4  }
0xe1: {  	v3 =	vadd.f32 v60, v3;
	_ =	sdelay $0x1  }
0xe2: {  	[tilespmem:s19+$0x8100] =	vst v3;
	s19 =	sor.u32 $0x1C50, s21  }
0xe3: {  	v3 =	vld [tilespmem:s19+$0x100]  }
0xe4: {  	v61 =	vld [tilespmem:s19+$0x4100];
	_ =	sdelay $0x4  }
0xe5: {  	v3 =	vadd.f32 v61, v3;
	_ =	sdelay $0x1  }
0xe6: {  	[tilespmem:s19+$0x8100] =	vst v3;
	s19 =	sor.u32 $0x1C60, s21  }
0xe7: {  	v3 =	vld [tilespmem:s19+$0x100]  }
0xe8: {  	v62 =	vld [tilespmem:s19+$0x4100];
	_ =	sdelay $0x4  }
0xe9: {  	v3 =	vadd.f32 v62, v3;
	_ =	sdelay $0x1  }
0xea: {  	s21 =	sor.u32 $0x1C70, s21;
	[tilespmem:s19+$0x8100] =	vst v3  }
0xeb: {  	v3 =	vld [tilespmem:s21+$0x100]  }
0xec: {  	v63 =	vld [tilespmem:s21+$0x4100];
	_ =	sdelay $0x1  }
0xed: {  	p0 =	sne.s32 s18, $0x780  }
.Ltmp0:
0xee: {  	_ = 	snop;
	(pc) =	sbr.rel @p0 .LBB2_2-.Ltmp0, $4  }
0xef: {  	_ = 	snop  }
0xf0: {  	v3 =	vadd.f32 v63, v3  }
0xf1: {  	s15 =	sadd.s32 $0x400, s15  }
0xf2: {  	s18 =	sadd.s32 $0x80, s18;
	s16 =	sadd.s32 $0x1, s16;
	s17 =	sadd.s32 $0x400, s17;
	[tilespmem:s21+$0x8100] =	vst v3  }
0xf3: {  	s15 =	simm.s32 $0x0;
	s16 =	rddreg [dreg:$0x5]  }
0xf4: {  	[hbm4b:s16+s15] =	stream.linear.scatter [tilespmem:s13], [sflag:$0x2], $0x4000, $0x38;
	[tilespmem:$0xC100] =	vst v63  }
0xf5: {  	_ =	swait.ge [sflag:s20], $0x4000  }
0xf6: {  	[sflag:s20] =	ssyncset.done $0x0  }
0xf7: {  	s19 =	rddreg [dreg:$0x6];
	[sflag:s20] =	ssyncadd.s32 $0xFFFFC000  }
0xf8: {  	[tilespmem:s15], [sflag:$0x2] =	stream.linear.gather [hbm4b:s19+s15], $0x10, $0x38;
	[tilespmem:$0xC100] =	vst v63  }
0xf9: {  	_ =	swait.ge [sflag:s20], $0x10  }
0xfa: {  	[sflag:s20] =	ssyncset.done $0x0  }
0xfb: {  	s17 =	simm.s32 $0x80;
	s21 =	rddreg [dreg:$0x7];
	[sflag:s20] =	ssyncadd.s32 $0xFFFFFFF0  }
0xfc: {  	[tilespmem:s17], [sflag:$0x2] =	stream.linear.gather [hbm4b:s21+s15], $0x10, $0x38;
	[tilespmem:$0xC100] =	vst v63  }
0xfd: {  	_ =	swait.ge [sflag:s20], $0x10  }
0xfe: {  	[sflag:s20] =	ssyncset.done $0x0  }
0xff: {  	[sflag:s20] =	ssyncadd.s32 $0xFFFFFFF0  }
0x100: {  	v3 =	vld [tilespmem:$0x0];
	_ =	sdelay $0x4  }
0x101: {  	v4 =	vshll.u32 v3, $0x3  }
0x102: {  	v3 =	vand.u32 $0x7, v3;
	v4 =	vand.u32 $0xFFFFFFC0, v4  }
0x103: {  	v3 =	vor.u32 v3, v4  }
0x104: {  	v4 =	vperm.xlane v3, v0;
	_ =	sdelay $0x1  }
0x105: {  	v4 =	vadd.s32 v1, v4;
	_ =	sdelay $0x4  }
0x106: {  	[tilespmem:s22], [sflag:$0x1] =	stream.indirect_vreg.gather [hbm4b:s3+s15], $0x80, v4, vm0, $0xb8;
	[tilespmem:$0xC100] =	vst v63  }
0x107: {  	v3 =	vperm.xlane v3, v2  }
0x108: {  	[tilespmem:s23], [sflag:$0x1] =	stream.indirect_vreg.gather [hbm4b:s6+s15], $0x80, v4, vm0, $0xb8;
	[tilespmem:$0xC100] =	vst v63  }
0x109: {  	v3 =	vadd.s32 v1, v3  }
0x10a: {  	[tilespmem:s24], [sflag:$0x1] =	stream.indirect_vreg.gather [hbm4b:s7+s15], $0x80, v4, vm0, $0xb8;
	[tilespmem:$0xC100] =	vst v63  }
0x10b: {  	_ = 	snop  }
0x10c: {  	[tilespmem:s25], [sflag:$0x1] =	stream.indirect_vreg.gather [hbm4b:s8+s15], $0x80, v4, vm0, $0xb8;
	[tilespmem:$0xC100] =	vst v63  }
0x10d: {  	_ = 	snop  }
0x10e: {  	[tilespmem:s26], [sflag:$0x1] =	stream.indirect_vreg.gather [hbm4b:s3+s15], $0x80, v3, vm0, $0xb8;
	[tilespmem:$0xC100] =	vst v63  }
0x10f: {  	_ = 	snop  }
0x110: {  	[tilespmem:s28], [sflag:$0x1] =	stream.indirect_vreg.gather [hbm4b:s6+s15], $0x80, v3, vm0, $0xb8;
	[tilespmem:$0xC100] =	vst v63  }
0x111: {  	_ = 	snop  }
0x112: {  	[tilespmem:s29], [sflag:$0x1] =	stream.indirect_vreg.gather [hbm4b:s7+s15], $0x80, v3, vm0, $0xb8;
	[tilespmem:$0xC100] =	vst v63  }
0x113: {  	_ = 	snop  }
0x114: {  	[tilespmem:s30], [sflag:$0x1] =	stream.indirect_vreg.gather [hbm4b:s8+s15], $0x80, v3, vm0, $0xb8;
	[tilespmem:$0xC100] =	vst v63  }
0x115: {  	_ =	swait.ge [sflag:s31], $0x4000  }
0x116: {  	[sflag:s31] =	ssyncset.done $0x0  }
0x117: {  	[sflag:s31] =	ssyncadd.s32 $0xFFFFC000  }
0x118: {  	v3 =	vld [tilespmem:$0x80];
	_ =	sdelay $0x4  }
0x119: {  	v63 =	vshll.u32 v3, $0x3  }
0x11a: {  	v3 =	vand.u32 $0x7, v3;
	v4 =	vand.u32 $0xFFFFFFC0, v63  }
0x11b: {  	v3 =	vor.u32 v3, v4  }
0x11c: {  	v4 =	vperm.xlane v3, v0;
	_ =	sdelay $0x1  }
0x11d: {  	v4 =	vadd.s32 v1, v4;
	_ =	sdelay $0x4  }
0x11e: {  	[tilespmem:s0], [sflag:$0x1] =	stream.indirect_vreg.gather [hbm4b:s3+s15], $0x80, v4, vm0, $0xb8;
	[tilespmem:$0xC100] =	vst v63  }
0x11f: {  	v3 =	vperm.xlane v3, v2  }
0x120: {  	[tilespmem:s1], [sflag:$0x1] =	stream.indirect_vreg.gather [hbm4b:s6+s15], $0x80, v4, vm0, $0xb8;
	[tilespmem:$0xC100] =	vst v63  }
0x121: {  	v3 =	vadd.s32 v1, v3  }
0x122: {  	[tilespmem:s4], [sflag:$0x1] =	stream.indirect_vreg.gather [hbm4b:s7+s15], $0x80, v4, vm0, $0xb8;
	[tilespmem:$0xC100] =	vst v63  }
0x123: {  	_ = 	snop  }
0x124: {  	[tilespmem:s5], [sflag:$0x1] =	stream.indirect_vreg.gather [hbm4b:s8+s15], $0x80, v4, vm0, $0xb8;
	[tilespmem:$0xC100] =	vst v63  }
0x125: {  	_ = 	snop  }
0x126: {  	[tilespmem:s9], [sflag:$0x1] =	stream.indirect_vreg.gather [hbm4b:s3+s15], $0x80, v3, vm0, $0xb8;
	[tilespmem:$0xC100] =	vst v63  }
0x127: {  	_ = 	snop  }
0x128: {  	[tilespmem:s10], [sflag:$0x1] =	stream.indirect_vreg.gather [hbm4b:s6+s15], $0x80, v3, vm0, $0xb8;
	[tilespmem:$0xC100] =	vst v63  }
0x129: {  	_ = 	snop  }
0x12a: {  	[tilespmem:s11], [sflag:$0x1] =	stream.indirect_vreg.gather [hbm4b:s7+s15], $0x80, v3, vm0, $0xb8;
	[tilespmem:$0xC100] =	vst v63  }
0x12b: {  	_ = 	snop  }
0x12c: {  	[tilespmem:s12], [sflag:$0x1] =	stream.indirect_vreg.gather [hbm4b:s8+s15], $0x80, v3, vm0, $0xb8;
	[tilespmem:$0xC100] =	vst v63  }
0x12d: {  	_ =	swait.ge [sflag:s31], $0x4000  }
0x12e: {  	s18 =	simm.s32 $0x0;
	[sflag:s31] =	ssyncset.done $0x0  }
0x12f: {  	s16 =	simm.s32 $0xFFFFC000;
	s17 =	simm.s32 $0x0;
	[sflag:s31] =	ssyncadd.s32 $0xFFFFC000  }
.LBB2_4:
0x130: {  	s19 =	sadd.s32 $0x4000, s16  }
0x131: {  	s21 =	sand.u32 $0x380, s18;
	s19 =	sand.u32 $0x2000, s19  }
0x132: {  	s19 =	sor.u32 s21, s19  }
0x133: {  	v3 =	vld [tilespmem:s19+$0x100]  }
0x134: {  	v4 =	vld [tilespmem:s19+$0x4100]  }
0x135: {  	v5 =	vld [tilespmem:s19+$0x110]  }
0x136: {  	v6 =	vld [tilespmem:s19+$0x4110]  }
0x137: {  	v7 =	vld [tilespmem:s19+$0x120]  }
0x138: {  	v8 =	vld [tilespmem:s19+$0x4120]  }
0x139: {  	v9 =	vld [tilespmem:s19+$0x130]  }
0x13a: {  	v10 =	vld [tilespmem:s19+$0x4130]  }
0x13b: {  	v11 =	vld [tilespmem:s19+$0x140]  }
0x13c: {  	v12 =	vld [tilespmem:s19+$0x4140]  }
0x13d: {  	v13 =	vld [tilespmem:s19+$0x150]  }
0x13e: {  	v14 =	vld [tilespmem:s19+$0x4150]  }
0x13f: {  	v15 =	vld [tilespmem:s19+$0x160]  }
0x140: {  	v16 =	vld [tilespmem:s19+$0x4160]  }
0x141: {  	v17 =	vld [tilespmem:s19+$0x170]  }
0x142: {  	v18 =	vld [tilespmem:s19+$0x4170]  }
0x143: {  	v19 =	vld [tilespmem:s19+$0x500]  }
0x144: {  	v20 =	vld [tilespmem:s19+$0x4500]  }
0x145: {  	v21 =	vld [tilespmem:s19+$0x510]  }
0x146: {  	v22 =	vld [tilespmem:s19+$0x4510]  }
0x147: {  	v23 =	vld [tilespmem:s19+$0x520]  }
0x148: {  	v24 =	vld [tilespmem:s19+$0x4520]  }
0x149: {  	v25 =	vld [tilespmem:s19+$0x530]  }
0x14a: {  	v26 =	vld [tilespmem:s19+$0x4530]  }
0x14b: {  	v27 =	vld [tilespmem:s19+$0x540]  }
0x14c: {  	v28 =	vld [tilespmem:s19+$0x4540]  }
0x14d: {  	v29 =	vld [tilespmem:s19+$0x550]  }
0x14e: {  	v30 =	vld [tilespmem:s19+$0x4550]  }
0x14f: {  	v31 =	vld [tilespmem:s19+$0x560]  }
0x150: {  	v32 =	vld [tilespmem:s19+$0x4560]  }
0x151: {  	v33 =	vld [tilespmem:s19+$0x570]  }
0x152: {  	v34 =	vld [tilespmem:s19+$0x4570]  }
0x153: {  	v35 =	vld [tilespmem:s19+$0x900]  }
0x154: {  	v36 =	vld [tilespmem:s19+$0x4900]  }
0x155: {  	v37 =	vld [tilespmem:s19+$0x910]  }
0x156: {  	v38 =	vld [tilespmem:s19+$0x4910]  }
0x157: {  	v39 =	vld [tilespmem:s19+$0x920]  }
0x158: {  	v40 =	vld [tilespmem:s19+$0x4920]  }
0x159: {  	v41 =	vld [tilespmem:s19+$0x930]  }
0x15a: {  	v42 =	vld [tilespmem:s19+$0x4930]  }
0x15b: {  	v43 =	vld [tilespmem:s19+$0x940]  }
0x15c: {  	v44 =	vld [tilespmem:s19+$0x4940]  }
0x15d: {  	v45 =	vld [tilespmem:s19+$0x950]  }
0x15e: {  	v46 =	vld [tilespmem:s19+$0x4950]  }
0x15f: {  	v47 =	vld [tilespmem:s19+$0x960]  }
0x160: {  	v48 =	vld [tilespmem:s19+$0x4960]  }
0x161: {  	v49 =	vld [tilespmem:s19+$0x970]  }
0x162: {  	v50 =	vld [tilespmem:s19+$0x4970]  }
0x163: {  	v51 =	vld [tilespmem:s19+$0xD00]  }
0x164: {  	v52 =	vld [tilespmem:s19+$0x4D00]  }
0x165: {  	v53 =	vld [tilespmem:s19+$0xD10]  }
0x166: {  	v54 =	vld [tilespmem:s19+$0x4D10]  }
0x167: {  	v55 =	vld [tilespmem:s19+$0xD20]  }
0x168: {  	v56 =	vld [tilespmem:s19+$0x4D20]  }
0x169: {  	v57 =	vld [tilespmem:s19+$0xD30]  }
0x16a: {  	v58 =	vld [tilespmem:s19+$0x4D30]  }
0x16b: {  	v59 =	vld [tilespmem:s19+$0xD40]  }
0x16c: {  	v60 =	vld [tilespmem:s19+$0x4D40]  }
0x16d: {  	v61 =	vld [tilespmem:s19+$0xD50]  }
0x16e: {  	v62 =	vld [tilespmem:s19+$0x4D50]  }
0x16f: {  	v63 =	vld [tilespmem:s19+$0xD60]  }
0x170: {  	v3 =	vadd.f32 v4, v3;
	v4 =	vld [tilespmem:s19+$0x4D60]  }
0x171: {  	v5 =	vadd.f32 v6, v5;
	v6 =	vld [tilespmem:s19+$0xD70]  }
0x172: {  	v14 =	vadd.f32 v14, v13;
	v13 =	vld [tilespmem:s19+$0x5120];
	[tilespmem:s19+$0x8100] =	vst v3  }
0x173: {  	v18 =	vadd.f32 v18, v17;
	v17 =	vld [tilespmem:s19+$0x5140];
	v3 =	vadd.f32 v8, v7;
	[tilespmem:s19+$0x8110] =	vst v5  }
0x174: {  	v22 =	vadd.f32 v22, v21;
	v21 =	vld [tilespmem:s19+$0x5160];
	[tilespmem:s19+$0x8150] =	vst v14  }
0x175: {  	v7 =	vld [tilespmem:s19+$0x4D70];
	[tilespmem:s19+$0x8120] =	vst v3;
	v3 =	vadd.f32 v12, v11  }
0x176: {  	v8 =	vld [tilespmem:s19+$0x1100];
	[tilespmem:s19+$0x8170] =	vst v18  }
0x177: {  	v5 =	vadd.f32 v10, v9;
	v9 =	vld [tilespmem:s19+$0x5100];
	[tilespmem:s19+$0x8140] =	vst v3;
	v3 =	vadd.f32 v16, v15  }
0x178: {  	v26 =	vadd.f32 v26, v25;
	v10 =	vld [tilespmem:s19+$0x1110];
	[tilespmem:s19+$0x8510] =	vst v22  }
0x179: {  	v14 =	vld [tilespmem:s19+$0x1130];
	[tilespmem:s19+$0x8160] =	vst v3;
	v3 =	vadd.f32 v20, v19  }
0x17a: {  	v30 =	vadd.f32 v30, v29;
	[tilespmem:s19+$0x8530] =	vst v26;
	v18 =	vld [tilespmem:s19+$0x1150]  }
0x17b: {  	v19 =	vld [tilespmem:s19+$0x5150];
	[tilespmem:s19+$0x8500] =	vst v3;
	v3 =	vadd.f32 v24, v23  }
0x17c: {  	v34 =	vadd.f32 v34, v33;
	[tilespmem:s19+$0x8550] =	vst v30;
	v22 =	vld [tilespmem:s19+$0x1170]  }
0x17d: {  	v11 =	vld [tilespmem:s19+$0x5110];
	[tilespmem:s19+$0x8520] =	vst v3;
	v3 =	vadd.f32 v28, v27  }
0x17e: {  	[tilespmem:s19+$0x8570] =	vst v34;
	v12 =	vld [tilespmem:s19+$0x1120]  }
0x17f: {  	v15 =	vld [tilespmem:s19+$0x5130];
	[tilespmem:s19+$0x8540] =	vst v3;
	v3 =	vadd.f32 v32, v31  }
0x180: {  	[tilespmem:s19+$0x8130] =	vst v5;
	v16 =	vld [tilespmem:s19+$0x1140];
	v19 =	vadd.f32 v19, v18  }
0x181: {  	v20 =	vld [tilespmem:s19+$0x1160];
	[tilespmem:s19+$0x8560] =	vst v3;
	v3 =	vadd.f32 v36, v35  }
0x182: {  	v24 =	vld [tilespmem:s19+$0x1500];
	[tilespmem:s19+$0x9150] =	vst v19;
	v36 =	vadd.f32 v38, v37  }
0x183: {  	v37 =	vld [tilespmem:s19+$0x5170];
	[tilespmem:s19+$0x8900] =	vst v3;
	v3 =	vadd.f32 v40, v39  }
0x184: {  	v38 =	vadd.f32 v42, v41;
	v41 =	vld [tilespmem:s19+$0x1510];
	[tilespmem:s19+$0x8910] =	vst v36  }
0x185: {  	v42 =	vld [tilespmem:s19+$0x5510];
	[tilespmem:s19+$0x8920] =	vst v3;
	v3 =	vadd.f32 v44, v43  }
0x186: {  	v35 =	vld [tilespmem:s19+$0x1910];
	[tilespmem:s19+$0x8930] =	vst v38;
	v40 =	vadd.f32 v46, v45  }
0x187: {  	v39 =	vld [tilespmem:s19+$0x5500];
	[tilespmem:s19+$0x8940] =	vst v3;
	v3 =	vadd.f32 v48, v47  }
0x188: {  	v45 =	vld [tilespmem:s19+$0x5520];
	v46 =	vadd.f32 v54, v53;
	[tilespmem:s19+$0x8950] =	vst v40  }
0x189: {  	v53 =	vld [tilespmem:s19+$0x1550];
	[tilespmem:s19+$0x8960] =	vst v3;
	v3 =	vadd.f32 v52, v51  }
0x18a: {  	v54 =	vld [tilespmem:s19+$0x5550];
	v43 =	vadd.f32 v50, v49;
	[tilespmem:s19+$0x8D10] =	vst v46  }
0x18b: {  	v36 =	vld [tilespmem:s19+$0x5910];
	[tilespmem:s19+$0x8D00] =	vst v3;
	v3 =	vadd.f32 v56, v55  }
0x18c: {  	v38 =	vld [tilespmem:s19+$0x1920];
	v49 =	vadd.f32 v58, v57;
	[tilespmem:s19+$0x8970] =	vst v43  }
0x18d: {  	v44 =	vld [tilespmem:s19+$0x1520];
	[tilespmem:s19+$0x8D20] =	vst v3;
	v3 =	vadd.f32 v60, v59  }
0x18e: {  	v50 =	vld [tilespmem:s19+$0x1540];
	v58 =	vadd.f32 v11, v10;
	[tilespmem:s19+$0x8D30] =	vst v49  }
0x18f: {  	v57 =	vld [tilespmem:s19+$0x5560];
	[tilespmem:s19+$0x8D40] =	vst v3;
	v3 =	vadd.f32 v4, v63  }
0x190: {  	v46 =	vld [tilespmem:s19+$0x1950];
	v37 =	vadd.f32 v37, v22;
	[tilespmem:s19+$0x9110] =	vst v58  }
0x191: {  	v40 =	vadd.f32 v42, v41;
	v41 =	vld [tilespmem:s19+$0x1930];
	[tilespmem:s19+$0x8D60] =	vst v3;
	v3 =	vadd.f32 v9, v8  }
0x192: {  	v42 =	vld [tilespmem:s19+$0x5930];
	[tilespmem:s19+$0x9170] =	vst v37  }
0x193: {  	v47 =	vld [tilespmem:s19+$0x1530];
	[tilespmem:s19+$0x9100] =	vst v3;
	v3 =	vadd.f32 v13, v12  }
0x194: {  	v48 =	vld [tilespmem:s19+$0x5530];
	[tilespmem:s19+$0x9510] =	vst v40;
	v52 =	vadd.f32 v62, v61  }
0x195: {  	v49 =	vld [tilespmem:s19+$0x1960];
	[tilespmem:s19+$0x9120] =	vst v3;
	v3 =	vadd.f32 v17, v16  }
0x196: {  	v51 =	vld [tilespmem:s19+$0x5540];
	v61 =	vadd.f32 v15, v14;
	[tilespmem:s19+$0x8D50] =	vst v52  }
0x197: {  	v62 =	vld [tilespmem:s19+$0x1900];
	[tilespmem:s19+$0x9140] =	vst v3;
	v3 =	vadd.f32 v21, v20  }
0x198: {  	v55 =	vadd.f32 v7, v6;
	v56 =	vld [tilespmem:s19+$0x1560];
	[tilespmem:s19+$0x9130] =	vst v61  }
0x199: {  	v52 =	vld [tilespmem:s19+$0x1970];
	[tilespmem:s19+$0x9160] =	vst v3;
	v3 =	vadd.f32 v39, v24  }
0x19a: {  	v43 =	vadd.f32 v48, v47;
	v47 =	vld [tilespmem:s19+$0x5950];
	[tilespmem:s19+$0x8D70] =	vst v55  }
0x19b: {  	v59 =	vld [tilespmem:s19+$0x1570];
	[tilespmem:s19+$0x9500] =	vst v3;
	v3 =	vadd.f32 v45, v44  }
0x19c: {  	[tilespmem:s19+$0x9530] =	vst v43;
	v63 =	vld [tilespmem:s19+$0x5900];
	v4 =	vadd.f32 v54, v53  }
0x19d: {  	v60 =	vld [tilespmem:s19+$0x5570];
	[tilespmem:s19+$0x9520] =	vst v3;
	v3 =	vadd.f32 v51, v50  }
0x19e: {  	v54 =	vadd.f32 v42, v41;
	[tilespmem:s19+$0x9550] =	vst v4;
	v39 =	vld [tilespmem:s19+$0x5920]  }
0x19f: {  	v44 =	vld [tilespmem:s19+$0x1940];
	[tilespmem:s19+$0x9540] =	vst v3;
	v3 =	vadd.f32 v57, v56  }
0x1a0: {  	[tilespmem:s19+$0x9930] =	vst v54;
	v55 =	vadd.f32 v47, v46;
	v45 =	vld [tilespmem:s19+$0x5940]  }
0x1a1: {  	v53 =	vld [tilespmem:s19+$0x5970];
	[tilespmem:s19+$0x9560] =	vst v3;
	v3 =	vadd.f32 v63, v62  }
0x1a2: {  	v48 =	vadd.f32 v60, v59;
	[tilespmem:s19+$0x9950] =	vst v55;
	v50 =	vld [tilespmem:s19+$0x5960]  }
0x1a3: {  	[tilespmem:s19+$0x9900] =	vst v3;
	v3 =	vadd.f32 v39, v38  }
0x1a4: {  	[tilespmem:s19+$0x9570] =	vst v48;
	v51 =	vadd.f32 v36, v35  }
0x1a5: {  	[tilespmem:s19+$0x9920] =	vst v3;
	v3 =	vadd.f32 v45, v44  }
0x1a6: {  	s21 =	sand.u32 $0x7, s15;
	[tilespmem:s19+$0x9910] =	vst v51;
	v56 =	vadd.f32 v53, v52  }
0x1a7: {  	s21 =	sshll.u32 s21, $0x7;
	[tilespmem:s19+$0x9940] =	vst v3;
	v3 =	vadd.f32 v50, v49  }
0x1a8: {  	s21 =	sadd.s32 s21, s17;
	[tilespmem:s19+$0x9970] =	vst v56  }
0x1a9: {  	[tilespmem:s19+$0x9960] =	vst v3;
	s19 =	sor.u32 $0x1C00, s21  }
0x1aa: {  	v3 =	vld [tilespmem:s19+$0x100]  }
0x1ab: {  	v4 =	vld [tilespmem:s19+$0x4100];
	_ =	sdelay $0x4  }
0x1ac: {  	v3 =	vadd.f32 v4, v3;
	_ =	sdelay $0x1  }
0x1ad: {  	[tilespmem:s19+$0x8100] =	vst v3;
	s19 =	sor.u32 $0x1C10, s21  }
0x1ae: {  	v3 =	vld [tilespmem:s19+$0x100]  }
0x1af: {  	v57 =	vld [tilespmem:s19+$0x4100];
	_ =	sdelay $0x4  }
0x1b0: {  	v3 =	vadd.f32 v57, v3;
	_ =	sdelay $0x1  }
0x1b1: {  	[tilespmem:s19+$0x8100] =	vst v3;
	s19 =	sor.u32 $0x1C20, s21  }
0x1b2: {  	v3 =	vld [tilespmem:s19+$0x100]  }
0x1b3: {  	v58 =	vld [tilespmem:s19+$0x4100];
	_ =	sdelay $0x4  }
0x1b4: {  	v3 =	vadd.f32 v58, v3;
	_ =	sdelay $0x1  }
0x1b5: {  	[tilespmem:s19+$0x8100] =	vst v3;
	s19 =	sor.u32 $0x1C30, s21  }
0x1b6: {  	v3 =	vld [tilespmem:s19+$0x100]  }
0x1b7: {  	v59 =	vld [tilespmem:s19+$0x4100];
	_ =	sdelay $0x4  }
0x1b8: {  	v3 =	vadd.f32 v59, v3;
	_ =	sdelay $0x1  }
0x1b9: {  	[tilespmem:s19+$0x8100] =	vst v3;
	s19 =	sor.u32 $0x1C40, s21  }
0x1ba: {  	v3 =	vld [tilespmem:s19+$0x100]  }
0x1bb: {  	v60 =	vld [tilespmem:s19+$0x4100];
	_ =	sdelay $0x4  }
0x1bc: {  	v3 =	vadd.f32 v60, v3;
	_ =	sdelay $0x1  }
0x1bd: {  	[tilespmem:s19+$0x8100] =	vst v3;
	s19 =	sor.u32 $0x1C50, s21  }
0x1be: {  	v3 =	vld [tilespmem:s19+$0x100]  }
0x1bf: {  	v61 =	vld [tilespmem:s19+$0x4100];
	_ =	sdelay $0x4  }
0x1c0: {  	v3 =	vadd.f32 v61, v3;
	_ =	sdelay $0x1  }
0x1c1: {  	[tilespmem:s19+$0x8100] =	vst v3;
	s19 =	sor.u32 $0x1C60, s21  }
0x1c2: {  	v3 =	vld [tilespmem:s19+$0x100]  }
0x1c3: {  	v62 =	vld [tilespmem:s19+$0x4100];
	_ =	sdelay $0x4  }
0x1c4: {  	v3 =	vadd.f32 v62, v3;
	_ =	sdelay $0x1  }
0x1c5: {  	s21 =	sor.u32 $0x1C70, s21;
	[tilespmem:s19+$0x8100] =	vst v3  }
0x1c6: {  	v3 =	vld [tilespmem:s21+$0x100]  }
0x1c7: {  	v63 =	vld [tilespmem:s21+$0x4100];
	_ =	sdelay $0x1  }
0x1c8: {  	p0 =	sne.s32 s18, $0x780  }
.Ltmp1:
0x1c9: {  	_ = 	snop;
	(pc) =	sbr.rel @p0 .LBB2_4-.Ltmp1, $4  }
0x1ca: {  	_ = 	snop  }
0x1cb: {  	v3 =	vadd.f32 v63, v3  }
0x1cc: {  	s16 =	sadd.s32 $0x400, s16  }
0x1cd: {  	s18 =	sadd.s32 $0x80, s18;
	s15 =	sadd.s32 $0x1, s15;
	s17 =	sadd.s32 $0x400, s17;
	[tilespmem:s21+$0x8100] =	vst v3  }
0x1ce: {  	s15 =	simm.s32 $0x0;
	s16 =	rddreg [dreg:$0x8]  }
0x1cf: {  	[hbm4b:s16+s15] =	stream.linear.scatter [tilespmem:s13], [sflag:$0x2], $0x4000, $0x38;
	[tilespmem:$0xC100] =	vst v63  }
0x1d0: {  	_ =	swait.ge [sflag:s20], $0x4000  }
0x1d1: {  	[sflag:s20] =	ssyncset.done $0x0  }
0x1d2: {  	s19 =	rddreg [dreg:$0x9];
	[sflag:s20] =	ssyncadd.s32 $0xFFFFC000  }
0x1d3: {  	[tilespmem:s15], [sflag:$0x2] =	stream.linear.gather [hbm4b:s19+s15], $0x10, $0x38;
	[tilespmem:$0xC100] =	vst v63  }
0x1d4: {  	_ =	swait.ge [sflag:s20], $0x10  }
0x1d5: {  	[sflag:s20] =	ssyncset.done $0x0  }
0x1d6: {  	s17 =	simm.s32 $0x80;
	s21 =	rddreg [dreg:$0xa];
	[sflag:s20] =	ssyncadd.s32 $0xFFFFFFF0  }
0x1d7: {  	[tilespmem:s17], [sflag:$0x2] =	stream.linear.gather [hbm4b:s21+s15], $0x10, $0x38;
	[tilespmem:$0xC100] =	vst v63  }
0x1d8: {  	_ =	swait.ge [sflag:s20], $0x10  }
0x1d9: {  	[sflag:s20] =	ssyncset.done $0x0  }
0x1da: {  	[sflag:s20] =	ssyncadd.s32 $0xFFFFFFF0  }
0x1db: {  	v3 =	vld [tilespmem:$0x0];
	_ =	sdelay $0x4  }
0x1dc: {  	v4 =	vshll.u32 v3, $0x3  }
0x1dd: {  	v3 =	vand.u32 $0x7, v3;
	v4 =	vand.u32 $0xFFFFFFC0, v4  }
0x1de: {  	v3 =	vor.u32 v3, v4  }
0x1df: {  	v4 =	vperm.xlane v3, v0;
	_ =	sdelay $0x1  }
0x1e0: {  	v4 =	vadd.s32 v1, v4;
	_ =	sdelay $0x4  }
0x1e1: {  	[tilespmem:s22], [sflag:$0x1] =	stream.indirect_vreg.gather [hbm4b:s3+s15], $0x80, v4, vm0, $0xb8;
	[tilespmem:$0xC100] =	vst v63  }
0x1e2: {  	v3 =	vperm.xlane v3, v2  }
0x1e3: {  	[tilespmem:s23], [sflag:$0x1] =	stream.indirect_vreg.gather [hbm4b:s6+s15], $0x80, v4, vm0, $0xb8;
	[tilespmem:$0xC100] =	vst v63  }
0x1e4: {  	v3 =	vadd.s32 v1, v3  }
0x1e5: {  	[tilespmem:s24], [sflag:$0x1] =	stream.indirect_vreg.gather [hbm4b:s7+s15], $0x80, v4, vm0, $0xb8;
	[tilespmem:$0xC100] =	vst v63  }
0x1e6: {  	_ = 	snop  }
0x1e7: {  	[tilespmem:s25], [sflag:$0x1] =	stream.indirect_vreg.gather [hbm4b:s8+s15], $0x80, v4, vm0, $0xb8;
	[tilespmem:$0xC100] =	vst v63  }
0x1e8: {  	_ = 	snop  }
0x1e9: {  	[tilespmem:s26], [sflag:$0x1] =	stream.indirect_vreg.gather [hbm4b:s3+s15], $0x80, v3, vm0, $0xb8;
	[tilespmem:$0xC100] =	vst v63  }
0x1ea: {  	_ = 	snop  }
0x1eb: {  	[tilespmem:s28], [sflag:$0x1] =	stream.indirect_vreg.gather [hbm4b:s6+s15], $0x80, v3, vm0, $0xb8;
	[tilespmem:$0xC100] =	vst v63  }
0x1ec: {  	_ = 	snop  }
0x1ed: {  	[tilespmem:s29], [sflag:$0x1] =	stream.indirect_vreg.gather [hbm4b:s7+s15], $0x80, v3, vm0, $0xb8;
	[tilespmem:$0xC100] =	vst v63  }
0x1ee: {  	_ = 	snop  }
0x1ef: {  	[tilespmem:s30], [sflag:$0x1] =	stream.indirect_vreg.gather [hbm4b:s8+s15], $0x80, v3, vm0, $0xb8;
	[tilespmem:$0xC100] =	vst v63  }
0x1f0: {  	_ =	swait.ge [sflag:s31], $0x4000  }
0x1f1: {  	[sflag:s31] =	ssyncset.done $0x0  }
0x1f2: {  	[sflag:s31] =	ssyncadd.s32 $0xFFFFC000  }
0x1f3: {  	v3 =	vld [tilespmem:$0x80];
	_ =	sdelay $0x4  }
0x1f4: {  	v63 =	vshll.u32 v3, $0x3  }
0x1f5: {  	v3 =	vand.u32 $0x7, v3;
	v4 =	vand.u32 $0xFFFFFFC0, v63  }
0x1f6: {  	v3 =	vor.u32 v3, v4  }
0x1f7: {  	v4 =	vperm.xlane v3, v0;
	_ =	sdelay $0x1  }
0x1f8: {  	v4 =	vadd.s32 v1, v4;
	_ =	sdelay $0x4  }
0x1f9: {  	[tilespmem:s0], [sflag:$0x1] =	stream.indirect_vreg.gather [hbm4b:s3+s15], $0x80, v4, vm0, $0xb8;
	[tilespmem:$0xC100] =	vst v63  }
0x1fa: {  	v3 =	vperm.xlane v3, v2  }
0x1fb: {  	[tilespmem:s1], [sflag:$0x1] =	stream.indirect_vreg.gather [hbm4b:s6+s15], $0x80, v4, vm0, $0xb8;
	[tilespmem:$0xC100] =	vst v63  }
0x1fc: {  	v3 =	vadd.s32 v1, v3  }
0x1fd: {  	[tilespmem:s4], [sflag:$0x1] =	stream.indirect_vreg.gather [hbm4b:s7+s15], $0x80, v4, vm0, $0xb8;
	[tilespmem:$0xC100] =	vst v63  }
0x1fe: {  	_ = 	snop  }
0x1ff: {  	[tilespmem:s5], [sflag:$0x1] =	stream.indirect_vreg.gather [hbm4b:s8+s15], $0x80, v4, vm0, $0xb8;
	[tilespmem:$0xC100] =	vst v63  }
0x200: {  	_ = 	snop  }
0x201: {  	[tilespmem:s9], [sflag:$0x1] =	stream.indirect_vreg.gather [hbm4b:s3+s15], $0x80, v3, vm0, $0xb8;
	[tilespmem:$0xC100] =	vst v63  }
0x202: {  	_ = 	snop  }
0x203: {  	[tilespmem:s10], [sflag:$0x1] =	stream.indirect_vreg.gather [hbm4b:s6+s15], $0x80, v3, vm0, $0xb8;
	[tilespmem:$0xC100] =	vst v63  }
0x204: {  	_ = 	snop  }
0x205: {  	[tilespmem:s11], [sflag:$0x1] =	stream.indirect_vreg.gather [hbm4b:s7+s15], $0x80, v3, vm0, $0xb8;
	[tilespmem:$0xC100] =	vst v63  }
0x206: {  	_ = 	snop  }
0x207: {  	[tilespmem:s12], [sflag:$0x1] =	stream.indirect_vreg.gather [hbm4b:s8+s15], $0x80, v3, vm0, $0xb8;
	[tilespmem:$0xC100] =	vst v63  }
0x208: {  	_ =	swait.ge [sflag:s31], $0x4000  }
0x209: {  	s18 =	simm.s32 $0x0;
	[sflag:s31] =	ssyncset.done $0x0  }
0x20a: {  	s16 =	simm.s32 $0xFFFFC000;
	s17 =	simm.s32 $0x0;
	[sflag:s31] =	ssyncadd.s32 $0xFFFFC000  }
.LBB2_6:
0x20b: {  	s19 =	sadd.s32 $0x4000, s16  }
0x20c: {  	s21 =	sand.u32 $0x380, s18;
	s19 =	sand.u32 $0x2000, s19  }
0x20d: {  	s19 =	sor.u32 s21, s19  }
0x20e: {  	v3 =	vld [tilespmem:s19+$0x100]  }
0x20f: {  	v4 =	vld [tilespmem:s19+$0x4100]  }
0x210: {  	v5 =	vld [tilespmem:s19+$0x110]  }
0x211: {  	v6 =	vld [tilespmem:s19+$0x4110]  }
0x212: {  	v7 =	vld [tilespmem:s19+$0x120]  }
0x213: {  	v8 =	vld [tilespmem:s19+$0x4120]  }
0x214: {  	v9 =	vld [tilespmem:s19+$0x130]  }
0x215: {  	v10 =	vld [tilespmem:s19+$0x4130]  }
0x216: {  	v11 =	vld [tilespmem:s19+$0x140]  }
0x217: {  	v12 =	vld [tilespmem:s19+$0x4140]  }
0x218: {  	v13 =	vld [tilespmem:s19+$0x150]  }
0x219: {  	v14 =	vld [tilespmem:s19+$0x4150]  }
0x21a: {  	v15 =	vld [tilespmem:s19+$0x160]  }
0x21b: {  	v16 =	vld [tilespmem:s19+$0x4160]  }
0x21c: {  	v17 =	vld [tilespmem:s19+$0x170]  }
0x21d: {  	v18 =	vld [tilespmem:s19+$0x4170]  }
0x21e: {  	v19 =	vld [tilespmem:s19+$0x500]  }
0x21f: {  	v20 =	vld [tilespmem:s19+$0x4500]  }
0x220: {  	v21 =	vld [tilespmem:s19+$0x510]  }
0x221: {  	v22 =	vld [tilespmem:s19+$0x4510]  }
0x222: {  	v23 =	vld [tilespmem:s19+$0x520]  }
0x223: {  	v24 =	vld [tilespmem:s19+$0x4520]  }
0x224: {  	v25 =	vld [tilespmem:s19+$0x530]  }
0x225: {  	v26 =	vld [tilespmem:s19+$0x4530]  }
0x226: {  	v27 =	vld [tilespmem:s19+$0x540]  }
0x227: {  	v28 =	vld [tilespmem:s19+$0x4540]  }
0x228: {  	v29 =	vld [tilespmem:s19+$0x550]  }
0x229: {  	v30 =	vld [tilespmem:s19+$0x4550]  }
0x22a: {  	v31 =	vld [tilespmem:s19+$0x560]  }
0x22b: {  	v32 =	vld [tilespmem:s19+$0x4560]  }
0x22c: {  	v33 =	vld [tilespmem:s19+$0x570]  }
0x22d: {  	v34 =	vld [tilespmem:s19+$0x4570]  }
0x22e: {  	v35 =	vld [tilespmem:s19+$0x900]  }
0x22f: {  	v36 =	vld [tilespmem:s19+$0x4900]  }
0x230: {  	v37 =	vld [tilespmem:s19+$0x910]  }
0x231: {  	v38 =	vld [tilespmem:s19+$0x4910]  }
0x232: {  	v39 =	vld [tilespmem:s19+$0x920]  }
0x233: {  	v40 =	vld [tilespmem:s19+$0x4920]  }
0x234: {  	v41 =	vld [tilespmem:s19+$0x930]  }
0x235: {  	v42 =	vld [tilespmem:s19+$0x4930]  }
0x236: {  	v43 =	vld [tilespmem:s19+$0x940]  }
0x237: {  	v44 =	vld [tilespmem:s19+$0x4940]  }
0x238: {  	v45 =	vld [tilespmem:s19+$0x950]  }
0x239: {  	v46 =	vld [tilespmem:s19+$0x4950]  }
0x23a: {  	v47 =	vld [tilespmem:s19+$0x960]  }
0x23b: {  	v48 =	vld [tilespmem:s19+$0x4960]  }
0x23c: {  	v49 =	vld [tilespmem:s19+$0x970]  }
0x23d: {  	v50 =	vld [tilespmem:s19+$0x4970]  }
0x23e: {  	v51 =	vld [tilespmem:s19+$0xD00]  }
0x23f: {  	v52 =	vld [tilespmem:s19+$0x4D00]  }
0x240: {  	v53 =	vld [tilespmem:s19+$0xD10]  }
0x241: {  	v54 =	vld [tilespmem:s19+$0x4D10]  }
0x242: {  	v55 =	vld [tilespmem:s19+$0xD20]  }
0x243: {  	v56 =	vld [tilespmem:s19+$0x4D20]  }
0x244: {  	v57 =	vld [tilespmem:s19+$0xD30]  }
0x245: {  	v58 =	vld [tilespmem:s19+$0x4D30]  }
0x246: {  	v59 =	vld [tilespmem:s19+$0xD40]  }
0x247: {  	v60 =	vld [tilespmem:s19+$0x4D40]  }
0x248: {  	v61 =	vld [tilespmem:s19+$0xD50]  }
0x249: {  	v62 =	vld [tilespmem:s19+$0x4D50]  }
0x24a: {  	v63 =	vld [tilespmem:s19+$0xD60]  }
0x24b: {  	v3 =	vadd.f32 v4, v3;
	v4 =	vld [tilespmem:s19+$0x4D60]  }
0x24c: {  	v5 =	vadd.f32 v6, v5;
	v6 =	vld [tilespmem:s19+$0xD70]  }
0x24d: {  	v14 =	vadd.f32 v14, v13;
	v13 =	vld [tilespmem:s19+$0x5120];
	[tilespmem:s19+$0x8100] =	vst v3  }
0x24e: {  	v18 =	vadd.f32 v18, v17;
	v17 =	vld [tilespmem:s19+$0x5140];
	v3 =	vadd.f32 v8, v7;
	[tilespmem:s19+$0x8110] =	vst v5  }
0x24f: {  	v22 =	vadd.f32 v22, v21;
	v21 =	vld [tilespmem:s19+$0x5160];
	[tilespmem:s19+$0x8150] =	vst v14  }
0x250: {  	v7 =	vld [tilespmem:s19+$0x4D70];
	[tilespmem:s19+$0x8120] =	vst v3;
	v3 =	vadd.f32 v12, v11  }
0x251: {  	v8 =	vld [tilespmem:s19+$0x1100];
	[tilespmem:s19+$0x8170] =	vst v18  }
0x252: {  	v5 =	vadd.f32 v10, v9;
	v9 =	vld [tilespmem:s19+$0x5100];
	[tilespmem:s19+$0x8140] =	vst v3;
	v3 =	vadd.f32 v16, v15  }
0x253: {  	v26 =	vadd.f32 v26, v25;
	v10 =	vld [tilespmem:s19+$0x1110];
	[tilespmem:s19+$0x8510] =	vst v22  }
0x254: {  	v14 =	vld [tilespmem:s19+$0x1130];
	[tilespmem:s19+$0x8160] =	vst v3;
	v3 =	vadd.f32 v20, v19  }
0x255: {  	v30 =	vadd.f32 v30, v29;
	[tilespmem:s19+$0x8530] =	vst v26;
	v18 =	vld [tilespmem:s19+$0x1150]  }
0x256: {  	v19 =	vld [tilespmem:s19+$0x5150];
	[tilespmem:s19+$0x8500] =	vst v3;
	v3 =	vadd.f32 v24, v23  }
0x257: {  	v34 =	vadd.f32 v34, v33;
	[tilespmem:s19+$0x8550] =	vst v30;
	v22 =	vld [tilespmem:s19+$0x1170]  }
0x258: {  	v11 =	vld [tilespmem:s19+$0x5110];
	[tilespmem:s19+$0x8520] =	vst v3;
	v3 =	vadd.f32 v28, v27  }
0x259: {  	[tilespmem:s19+$0x8570] =	vst v34;
	v12 =	vld [tilespmem:s19+$0x1120]  }
0x25a: {  	v15 =	vld [tilespmem:s19+$0x5130];
	[tilespmem:s19+$0x8540] =	vst v3;
	v3 =	vadd.f32 v32, v31  }
0x25b: {  	[tilespmem:s19+$0x8130] =	vst v5;
	v16 =	vld [tilespmem:s19+$0x1140];
	v19 =	vadd.f32 v19, v18  }
0x25c: {  	v20 =	vld [tilespmem:s19+$0x1160];
	[tilespmem:s19+$0x8560] =	vst v3;
	v3 =	vadd.f32 v36, v35  }
0x25d: {  	v24 =	vld [tilespmem:s19+$0x1500];
	[tilespmem:s19+$0x9150] =	vst v19;
	v36 =	vadd.f32 v38, v37  }
0x25e: {  	v37 =	vld [tilespmem:s19+$0x5170];
	[tilespmem:s19+$0x8900] =	vst v3;
	v3 =	vadd.f32 v40, v39  }
0x25f: {  	v38 =	vadd.f32 v42, v41;
	v41 =	vld [tilespmem:s19+$0x1510];
	[tilespmem:s19+$0x8910] =	vst v36  }
0x260: {  	v42 =	vld [tilespmem:s19+$0x5510];
	[tilespmem:s19+$0x8920] =	vst v3;
	v3 =	vadd.f32 v44, v43  }
0x261: {  	v35 =	vld [tilespmem:s19+$0x1910];
	[tilespmem:s19+$0x8930] =	vst v38;
	v40 =	vadd.f32 v46, v45  }
0x262: {  	v39 =	vld [tilespmem:s19+$0x5500];
	[tilespmem:s19+$0x8940] =	vst v3;
	v3 =	vadd.f32 v48, v47  }
0x263: {  	v45 =	vld [tilespmem:s19+$0x5520];
	v46 =	vadd.f32 v54, v53;
	[tilespmem:s19+$0x8950] =	vst v40  }
0x264: {  	v53 =	vld [tilespmem:s19+$0x1550];
	[tilespmem:s19+$0x8960] =	vst v3;
	v3 =	vadd.f32 v52, v51  }
0x265: {  	v54 =	vld [tilespmem:s19+$0x5550];
	v43 =	vadd.f32 v50, v49;
	[tilespmem:s19+$0x8D10] =	vst v46  }
0x266: {  	v36 =	vld [tilespmem:s19+$0x5910];
	[tilespmem:s19+$0x8D00] =	vst v3;
	v3 =	vadd.f32 v56, v55  }
0x267: {  	v38 =	vld [tilespmem:s19+$0x1920];
	v49 =	vadd.f32 v58, v57;
	[tilespmem:s19+$0x8970] =	vst v43  }
0x268: {  	v44 =	vld [tilespmem:s19+$0x1520];
	[tilespmem:s19+$0x8D20] =	vst v3;
	v3 =	vadd.f32 v60, v59  }
0x269: {  	v50 =	vld [tilespmem:s19+$0x1540];
	v58 =	vadd.f32 v11, v10;
	[tilespmem:s19+$0x8D30] =	vst v49  }
0x26a: {  	v57 =	vld [tilespmem:s19+$0x5560];
	[tilespmem:s19+$0x8D40] =	vst v3;
	v3 =	vadd.f32 v4, v63  }
0x26b: {  	v46 =	vld [tilespmem:s19+$0x1950];
	v37 =	vadd.f32 v37, v22;
	[tilespmem:s19+$0x9110] =	vst v58  }
0x26c: {  	v40 =	vadd.f32 v42, v41;
	v41 =	vld [tilespmem:s19+$0x1930];
	[tilespmem:s19+$0x8D60] =	vst v3;
	v3 =	vadd.f32 v9, v8  }
0x26d: {  	v42 =	vld [tilespmem:s19+$0x5930];
	[tilespmem:s19+$0x9170] =	vst v37  }
0x26e: {  	v47 =	vld [tilespmem:s19+$0x1530];
	[tilespmem:s19+$0x9100] =	vst v3;
	v3 =	vadd.f32 v13, v12  }
0x26f: {  	v48 =	vld [tilespmem:s19+$0x5530];
	[tilespmem:s19+$0x9510] =	vst v40;
	v52 =	vadd.f32 v62, v61  }
0x270: {  	v49 =	vld [tilespmem:s19+$0x1960];
	[tilespmem:s19+$0x9120] =	vst v3;
	v3 =	vadd.f32 v17, v16  }
0x271: {  	v51 =	vld [tilespmem:s19+$0x5540];
	v61 =	vadd.f32 v15, v14;
	[tilespmem:s19+$0x8D50] =	vst v52  }
0x272: {  	v62 =	vld [tilespmem:s19+$0x1900];
	[tilespmem:s19+$0x9140] =	vst v3;
	v3 =	vadd.f32 v21, v20  }
0x273: {  	v55 =	vadd.f32 v7, v6;
	v56 =	vld [tilespmem:s19+$0x1560];
	[tilespmem:s19+$0x9130] =	vst v61  }
0x274: {  	v52 =	vld [tilespmem:s19+$0x1970];
	[tilespmem:s19+$0x9160] =	vst v3;
	v3 =	vadd.f32 v39, v24  }
0x275: {  	v43 =	vadd.f32 v48, v47;
	v47 =	vld [tilespmem:s19+$0x5950];
	[tilespmem:s19+$0x8D70] =	vst v55  }
0x276: {  	v59 =	vld [tilespmem:s19+$0x1570];
	[tilespmem:s19+$0x9500] =	vst v3;
	v3 =	vadd.f32 v45, v44  }
0x277: {  	[tilespmem:s19+$0x9530] =	vst v43;
	v63 =	vld [tilespmem:s19+$0x5900];
	v4 =	vadd.f32 v54, v53  }
0x278: {  	v60 =	vld [tilespmem:s19+$0x5570];
	[tilespmem:s19+$0x9520] =	vst v3;
	v3 =	vadd.f32 v51, v50  }
0x279: {  	v54 =	vadd.f32 v42, v41;
	[tilespmem:s19+$0x9550] =	vst v4;
	v39 =	vld [tilespmem:s19+$0x5920]  }
0x27a: {  	v44 =	vld [tilespmem:s19+$0x1940];
	[tilespmem:s19+$0x9540] =	vst v3;
	v3 =	vadd.f32 v57, v56  }
0x27b: {  	[tilespmem:s19+$0x9930] =	vst v54;
	v55 =	vadd.f32 v47, v46;
	v45 =	vld [tilespmem:s19+$0x5940]  }
0x27c: {  	v53 =	vld [tilespmem:s19+$0x5970];
	[tilespmem:s19+$0x9560] =	vst v3;
	v3 =	vadd.f32 v63, v62  }
0x27d: {  	v48 =	vadd.f32 v60, v59;
	[tilespmem:s19+$0x9950] =	vst v55;
	v50 =	vld [tilespmem:s19+$0x5960]  }
0x27e: {  	[tilespmem:s19+$0x9900] =	vst v3;
	v3 =	vadd.f32 v39, v38  }
0x27f: {  	[tilespmem:s19+$0x9570] =	vst v48;
	v51 =	vadd.f32 v36, v35  }
0x280: {  	[tilespmem:s19+$0x9920] =	vst v3;
	v3 =	vadd.f32 v45, v44  }
0x281: {  	s21 =	sand.u32 $0x7, s15;
	[tilespmem:s19+$0x9910] =	vst v51;
	v56 =	vadd.f32 v53, v52  }
0x282: {  	s21 =	sshll.u32 s21, $0x7;
	[tilespmem:s19+$0x9940] =	vst v3;
	v3 =	vadd.f32 v50, v49  }
0x283: {  	s21 =	sadd.s32 s21, s17;
	[tilespmem:s19+$0x9970] =	vst v56  }
0x284: {  	[tilespmem:s19+$0x9960] =	vst v3;
	s19 =	sor.u32 $0x1C00, s21  }
0x285: {  	v3 =	vld [tilespmem:s19+$0x100]  }
0x286: {  	v4 =	vld [tilespmem:s19+$0x4100];
	_ =	sdelay $0x4  }
0x287: {  	v3 =	vadd.f32 v4, v3;
	_ =	sdelay $0x1  }
0x288: {  	[tilespmem:s19+$0x8100] =	vst v3;
	s19 =	sor.u32 $0x1C10, s21  }
0x289: {  	v3 =	vld [tilespmem:s19+$0x100]  }
0x28a: {  	v57 =	vld [tilespmem:s19+$0x4100];
	_ =	sdelay $0x4  }
0x28b: {  	v3 =	vadd.f32 v57, v3;
	_ =	sdelay $0x1  }
0x28c: {  	[tilespmem:s19+$0x8100] =	vst v3;
	s19 =	sor.u32 $0x1C20, s21  }
0x28d: {  	v3 =	vld [tilespmem:s19+$0x100]  }
0x28e: {  	v58 =	vld [tilespmem:s19+$0x4100];
	_ =	sdelay $0x4  }
0x28f: {  	v3 =	vadd.f32 v58, v3;
	_ =	sdelay $0x1  }
0x290: {  	[tilespmem:s19+$0x8100] =	vst v3;
	s19 =	sor.u32 $0x1C30, s21  }
0x291: {  	v3 =	vld [tilespmem:s19+$0x100]  }
0x292: {  	v59 =	vld [tilespmem:s19+$0x4100];
	_ =	sdelay $0x4  }
0x293: {  	v3 =	vadd.f32 v59, v3;
	_ =	sdelay $0x1  }
0x294: {  	[tilespmem:s19+$0x8100] =	vst v3;
	s19 =	sor.u32 $0x1C40, s21  }
0x295: {  	v3 =	vld [tilespmem:s19+$0x100]  }
0x296: {  	v60 =	vld [tilespmem:s19+$0x4100];
	_ =	sdelay $0x4  }
0x297: {  	v3 =	vadd.f32 v60, v3;
	_ =	sdelay $0x1  }
0x298: {  	[tilespmem:s19+$0x8100] =	vst v3;
	s19 =	sor.u32 $0x1C50, s21  }
0x299: {  	v3 =	vld [tilespmem:s19+$0x100]  }
0x29a: {  	v61 =	vld [tilespmem:s19+$0x4100];
	_ =	sdelay $0x4  }
0x29b: {  	v3 =	vadd.f32 v61, v3;
	_ =	sdelay $0x1  }
0x29c: {  	[tilespmem:s19+$0x8100] =	vst v3;
	s19 =	sor.u32 $0x1C60, s21  }
0x29d: {  	v3 =	vld [tilespmem:s19+$0x100]  }
0x29e: {  	v62 =	vld [tilespmem:s19+$0x4100];
	_ =	sdelay $0x4  }
0x29f: {  	v3 =	vadd.f32 v62, v3;
	_ =	sdelay $0x1  }
0x2a0: {  	s21 =	sor.u32 $0x1C70, s21;
	[tilespmem:s19+$0x8100] =	vst v3  }
0x2a1: {  	v3 =	vld [tilespmem:s21+$0x100]  }
0x2a2: {  	v63 =	vld [tilespmem:s21+$0x4100];
	_ =	sdelay $0x1  }
0x2a3: {  	p0 =	sne.s32 s18, $0x780  }
.Ltmp2:
0x2a4: {  	_ = 	snop;
	(pc) =	sbr.rel @p0 .LBB2_6-.Ltmp2, $4  }
0x2a5: {  	_ = 	snop  }
0x2a6: {  	v3 =	vadd.f32 v63, v3  }
0x2a7: {  	s16 =	sadd.s32 $0x400, s16  }
0x2a8: {  	s18 =	sadd.s32 $0x80, s18;
	s15 =	sadd.s32 $0x1, s15;
	s17 =	sadd.s32 $0x400, s17;
	[tilespmem:s21+$0x8100] =	vst v3  }
0x2a9: {  	s15 =	simm.s32 $0x0;
	s16 =	rddreg [dreg:$0xb]  }
0x2aa: {  	[hbm4b:s16+s15] =	stream.linear.scatter [tilespmem:s13], [sflag:$0x2], $0x4000, $0x38;
	[tilespmem:$0xC100] =	vst v63  }
0x2ab: {  	_ =	swait.ge [sflag:s20], $0x4000  }
0x2ac: {  	[sflag:s20] =	ssyncset.done $0x0  }
0x2ad: {  	s19 =	rddreg [dreg:$0xc];
	[sflag:s20] =	ssyncadd.s32 $0xFFFFC000  }
0x2ae: {  	[tilespmem:s15], [sflag:$0x2] =	stream.linear.gather [hbm4b:s19+s15], $0x10, $0x38;
	[tilespmem:$0xC100] =	vst v63  }
0x2af: {  	_ =	swait.ge [sflag:s20], $0x10  }
0x2b0: {  	[sflag:s20] =	ssyncset.done $0x0  }
0x2b1: {  	s17 =	simm.s32 $0x80;
	s21 =	rddreg [dreg:$0xd];
	[sflag:s20] =	ssyncadd.s32 $0xFFFFFFF0  }
0x2b2: {  	[tilespmem:s17], [sflag:$0x2] =	stream.linear.gather [hbm4b:s21+s15], $0x10, $0x38;
	[tilespmem:$0xC100] =	vst v63  }
0x2b3: {  	_ =	swait.ge [sflag:s20], $0x10  }
0x2b4: {  	[sflag:s20] =	ssyncset.done $0x0  }
0x2b5: {  	[sflag:s20] =	ssyncadd.s32 $0xFFFFFFF0  }
0x2b6: {  	v3 =	vld [tilespmem:$0x0];
	_ =	sdelay $0x4  }
0x2b7: {  	v4 =	vshll.u32 v3, $0x3  }
0x2b8: {  	v3 =	vand.u32 $0x7, v3;
	v4 =	vand.u32 $0xFFFFFFC0, v4  }
0x2b9: {  	v3 =	vor.u32 v3, v4  }
0x2ba: {  	v4 =	vperm.xlane v3, v0;
	_ =	sdelay $0x1  }
0x2bb: {  	v4 =	vadd.s32 v1, v4;
	_ =	sdelay $0x4  }
0x2bc: {  	[tilespmem:s22], [sflag:$0x1] =	stream.indirect_vreg.gather [hbm4b:s3+s15], $0x80, v4, vm0, $0xb8;
	[tilespmem:$0xC100] =	vst v63  }
0x2bd: {  	v3 =	vperm.xlane v3, v2  }
0x2be: {  	[tilespmem:s23], [sflag:$0x1] =	stream.indirect_vreg.gather [hbm4b:s6+s15], $0x80, v4, vm0, $0xb8;
	[tilespmem:$0xC100] =	vst v63  }
0x2bf: {  	v3 =	vadd.s32 v1, v3  }
0x2c0: {  	[tilespmem:s24], [sflag:$0x1] =	stream.indirect_vreg.gather [hbm4b:s7+s15], $0x80, v4, vm0, $0xb8;
	[tilespmem:$0xC100] =	vst v63  }
0x2c1: {  	_ = 	snop  }
0x2c2: {  	[tilespmem:s25], [sflag:$0x1] =	stream.indirect_vreg.gather [hbm4b:s8+s15], $0x80, v4, vm0, $0xb8;
	[tilespmem:$0xC100] =	vst v63  }
0x2c3: {  	_ = 	snop  }
0x2c4: {  	[tilespmem:s26], [sflag:$0x1] =	stream.indirect_vreg.gather [hbm4b:s3+s15], $0x80, v3, vm0, $0xb8;
	[tilespmem:$0xC100] =	vst v63  }
0x2c5: {  	_ = 	snop  }
0x2c6: {  	[tilespmem:s28], [sflag:$0x1] =	stream.indirect_vreg.gather [hbm4b:s6+s15], $0x80, v3, vm0, $0xb8;
	[tilespmem:$0xC100] =	vst v63  }
0x2c7: {  	_ = 	snop  }
0x2c8: {  	[tilespmem:s29], [sflag:$0x1] =	stream.indirect_vreg.gather [hbm4b:s7+s15], $0x80, v3, vm0, $0xb8;
	[tilespmem:$0xC100] =	vst v63  }
0x2c9: {  	_ = 	snop  }
0x2ca: {  	[tilespmem:s30], [sflag:$0x1] =	stream.indirect_vreg.gather [hbm4b:s8+s15], $0x80, v3, vm0, $0xb8;
	[tilespmem:$0xC100] =	vst v63  }
0x2cb: {  	_ =	swait.ge [sflag:s31], $0x4000  }
0x2cc: {  	[sflag:s31] =	ssyncset.done $0x0  }
0x2cd: {  	[sflag:s31] =	ssyncadd.s32 $0xFFFFC000  }
0x2ce: {  	v3 =	vld [tilespmem:$0x80];
	_ =	sdelay $0x4  }
0x2cf: {  	v63 =	vshll.u32 v3, $0x3  }
0x2d0: {  	v3 =	vand.u32 $0x7, v3;
	v4 =	vand.u32 $0xFFFFFFC0, v63  }
0x2d1: {  	v3 =	vor.u32 v3, v4  }
0x2d2: {  	v4 =	vperm.xlane v3, v0;
	_ =	sdelay $0x1  }
0x2d3: {  	v4 =	vadd.s32 v1, v4;
	_ =	sdelay $0x4  }
0x2d4: {  	[tilespmem:s0], [sflag:$0x1] =	stream.indirect_vreg.gather [hbm4b:s3+s15], $0x80, v4, vm0, $0xb8;
	[tilespmem:$0xC100] =	vst v63  }
0x2d5: {  	v3 =	vperm.xlane v3, v2  }
0x2d6: {  	[tilespmem:s1], [sflag:$0x1] =	stream.indirect_vreg.gather [hbm4b:s6+s15], $0x80, v4, vm0, $0xb8;
	[tilespmem:$0xC100] =	vst v63  }
0x2d7: {  	v3 =	vadd.s32 v1, v3  }
0x2d8: {  	[tilespmem:s4], [sflag:$0x1] =	stream.indirect_vreg.gather [hbm4b:s7+s15], $0x80, v4, vm0, $0xb8;
	[tilespmem:$0xC100] =	vst v63  }
0x2d9: {  	_ = 	snop  }
0x2da: {  	[tilespmem:s5], [sflag:$0x1] =	stream.indirect_vreg.gather [hbm4b:s8+s15], $0x80, v4, vm0, $0xb8;
	[tilespmem:$0xC100] =	vst v63  }
0x2db: {  	_ = 	snop  }
0x2dc: {  	[tilespmem:s9], [sflag:$0x1] =	stream.indirect_vreg.gather [hbm4b:s3+s15], $0x80, v3, vm0, $0xb8;
	[tilespmem:$0xC100] =	vst v63  }
0x2dd: {  	_ = 	snop  }
0x2de: {  	[tilespmem:s10], [sflag:$0x1] =	stream.indirect_vreg.gather [hbm4b:s6+s15], $0x80, v3, vm0, $0xb8;
	[tilespmem:$0xC100] =	vst v63  }
0x2df: {  	_ = 	snop  }
0x2e0: {  	[tilespmem:s11], [sflag:$0x1] =	stream.indirect_vreg.gather [hbm4b:s7+s15], $0x80, v3, vm0, $0xb8;
	[tilespmem:$0xC100] =	vst v63  }
0x2e1: {  	_ = 	snop  }
0x2e2: {  	[tilespmem:s12], [sflag:$0x1] =	stream.indirect_vreg.gather [hbm4b:s8+s15], $0x80, v3, vm0, $0xb8;
	[tilespmem:$0xC100] =	vst v63  }
0x2e3: {  	_ =	swait.ge [sflag:s31], $0x4000  }
0x2e4: {  	s18 =	simm.s32 $0x0;
	[sflag:s31] =	ssyncset.done $0x0  }
0x2e5: {  	s16 =	simm.s32 $0xFFFFC000;
	s17 =	simm.s32 $0x0;
	[sflag:s31] =	ssyncadd.s32 $0xFFFFC000  }
.LBB2_8:
0x2e6: {  	s19 =	sadd.s32 $0x4000, s16  }
0x2e7: {  	s21 =	sand.u32 $0x380, s18;
	s19 =	sand.u32 $0x2000, s19  }
0x2e8: {  	s19 =	sor.u32 s21, s19  }
0x2e9: {  	v3 =	vld [tilespmem:s19+$0x100]  }
0x2ea: {  	v4 =	vld [tilespmem:s19+$0x4100]  }
0x2eb: {  	v5 =	vld [tilespmem:s19+$0x110]  }
0x2ec: {  	v6 =	vld [tilespmem:s19+$0x4110]  }
0x2ed: {  	v7 =	vld [tilespmem:s19+$0x120]  }
0x2ee: {  	v8 =	vld [tilespmem:s19+$0x4120]  }
0x2ef: {  	v9 =	vld [tilespmem:s19+$0x130]  }
0x2f0: {  	v10 =	vld [tilespmem:s19+$0x4130]  }
0x2f1: {  	v11 =	vld [tilespmem:s19+$0x140]  }
0x2f2: {  	v12 =	vld [tilespmem:s19+$0x4140]  }
0x2f3: {  	v13 =	vld [tilespmem:s19+$0x150]  }
0x2f4: {  	v14 =	vld [tilespmem:s19+$0x4150]  }
0x2f5: {  	v15 =	vld [tilespmem:s19+$0x160]  }
0x2f6: {  	v16 =	vld [tilespmem:s19+$0x4160]  }
0x2f7: {  	v17 =	vld [tilespmem:s19+$0x170]  }
0x2f8: {  	v18 =	vld [tilespmem:s19+$0x4170]  }
0x2f9: {  	v19 =	vld [tilespmem:s19+$0x500]  }
0x2fa: {  	v20 =	vld [tilespmem:s19+$0x4500]  }
0x2fb: {  	v21 =	vld [tilespmem:s19+$0x510]  }
0x2fc: {  	v22 =	vld [tilespmem:s19+$0x4510]  }
0x2fd: {  	v23 =	vld [tilespmem:s19+$0x520]  }
0x2fe: {  	v24 =	vld [tilespmem:s19+$0x4520]  }
0x2ff: {  	v25 =	vld [tilespmem:s19+$0x530]  }
0x300: {  	v26 =	vld [tilespmem:s19+$0x4530]  }
0x301: {  	v27 =	vld [tilespmem:s19+$0x540]  }
0x302: {  	v28 =	vld [tilespmem:s19+$0x4540]  }
0x303: {  	v29 =	vld [tilespmem:s19+$0x550]  }
0x304: {  	v30 =	vld [tilespmem:s19+$0x4550]  }
0x305: {  	v31 =	vld [tilespmem:s19+$0x560]  }
0x306: {  	v32 =	vld [tilespmem:s19+$0x4560]  }
0x307: {  	v33 =	vld [tilespmem:s19+$0x570]  }
0x308: {  	v34 =	vld [tilespmem:s19+$0x4570]  }
0x309: {  	v35 =	vld [tilespmem:s19+$0x900]  }
0x30a: {  	v36 =	vld [tilespmem:s19+$0x4900]  }
0x30b: {  	v37 =	vld [tilespmem:s19+$0x910]  }
0x30c: {  	v38 =	vld [tilespmem:s19+$0x4910]  }
0x30d: {  	v39 =	vld [tilespmem:s19+$0x920]  }
0x30e: {  	v40 =	vld [tilespmem:s19+$0x4920]  }
0x30f: {  	v41 =	vld [tilespmem:s19+$0x930]  }
0x310: {  	v42 =	vld [tilespmem:s19+$0x4930]  }
0x311: {  	v43 =	vld [tilespmem:s19+$0x940]  }
0x312: {  	v44 =	vld [tilespmem:s19+$0x4940]  }
0x313: {  	v45 =	vld [tilespmem:s19+$0x950]  }
0x314: {  	v46 =	vld [tilespmem:s19+$0x4950]  }
0x315: {  	v47 =	vld [tilespmem:s19+$0x960]  }
0x316: {  	v48 =	vld [tilespmem:s19+$0x4960]  }
0x317: {  	v49 =	vld [tilespmem:s19+$0x970]  }
0x318: {  	v50 =	vld [tilespmem:s19+$0x4970]  }
0x319: {  	v51 =	vld [tilespmem:s19+$0xD00]  }
0x31a: {  	v52 =	vld [tilespmem:s19+$0x4D00]  }
0x31b: {  	v53 =	vld [tilespmem:s19+$0xD10]  }
0x31c: {  	v54 =	vld [tilespmem:s19+$0x4D10]  }
0x31d: {  	v55 =	vld [tilespmem:s19+$0xD20]  }
0x31e: {  	v56 =	vld [tilespmem:s19+$0x4D20]  }
0x31f: {  	v57 =	vld [tilespmem:s19+$0xD30]  }
0x320: {  	v58 =	vld [tilespmem:s19+$0x4D30]  }
0x321: {  	v59 =	vld [tilespmem:s19+$0xD40]  }
0x322: {  	v60 =	vld [tilespmem:s19+$0x4D40]  }
0x323: {  	v61 =	vld [tilespmem:s19+$0xD50]  }
0x324: {  	v62 =	vld [tilespmem:s19+$0x4D50]  }
0x325: {  	v63 =	vld [tilespmem:s19+$0xD60]  }
0x326: {  	v3 =	vadd.f32 v4, v3;
	v4 =	vld [tilespmem:s19+$0x4D60]  }
0x327: {  	v5 =	vadd.f32 v6, v5;
	v6 =	vld [tilespmem:s19+$0xD70]  }
0x328: {  	v14 =	vadd.f32 v14, v13;
	v13 =	vld [tilespmem:s19+$0x5120];
	[tilespmem:s19+$0x8100] =	vst v3  }
0x329: {  	v18 =	vadd.f32 v18, v17;
	v17 =	vld [tilespmem:s19+$0x5140];
	v3 =	vadd.f32 v8, v7;
	[tilespmem:s19+$0x8110] =	vst v5  }
0x32a: {  	v22 =	vadd.f32 v22, v21;
	v21 =	vld [tilespmem:s19+$0x5160];
	[tilespmem:s19+$0x8150] =	vst v14  }
0x32b: {  	v7 =	vld [tilespmem:s19+$0x4D70];
	[tilespmem:s19+$0x8120] =	vst v3;
	v3 =	vadd.f32 v12, v11  }
0x32c: {  	v8 =	vld [tilespmem:s19+$0x1100];
	[tilespmem:s19+$0x8170] =	vst v18  }
0x32d: {  	v5 =	vadd.f32 v10, v9;
	v9 =	vld [tilespmem:s19+$0x5100];
	[tilespmem:s19+$0x8140] =	vst v3;
	v3 =	vadd.f32 v16, v15  }
0x32e: {  	v26 =	vadd.f32 v26, v25;
	v10 =	vld [tilespmem:s19+$0x1110];
	[tilespmem:s19+$0x8510] =	vst v22  }
0x32f: {  	v14 =	vld [tilespmem:s19+$0x1130];
	[tilespmem:s19+$0x8160] =	vst v3;
	v3 =	vadd.f32 v20, v19  }
0x330: {  	v30 =	vadd.f32 v30, v29;
	[tilespmem:s19+$0x8530] =	vst v26;
	v18 =	vld [tilespmem:s19+$0x1150]  }
0x331: {  	v19 =	vld [tilespmem:s19+$0x5150];
	[tilespmem:s19+$0x8500] =	vst v3;
	v3 =	vadd.f32 v24, v23  }
0x332: {  	v34 =	vadd.f32 v34, v33;
	[tilespmem:s19+$0x8550] =	vst v30;
	v22 =	vld [tilespmem:s19+$0x1170]  }
0x333: {  	v11 =	vld [tilespmem:s19+$0x5110];
	[tilespmem:s19+$0x8520] =	vst v3;
	v3 =	vadd.f32 v28, v27  }
0x334: {  	[tilespmem:s19+$0x8570] =	vst v34;
	v12 =	vld [tilespmem:s19+$0x1120]  }
0x335: {  	v15 =	vld [tilespmem:s19+$0x5130];
	[tilespmem:s19+$0x8540] =	vst v3;
	v3 =	vadd.f32 v32, v31  }
0x336: {  	[tilespmem:s19+$0x8130] =	vst v5;
	v16 =	vld [tilespmem:s19+$0x1140];
	v19 =	vadd.f32 v19, v18  }
0x337: {  	v20 =	vld [tilespmem:s19+$0x1160];
	[tilespmem:s19+$0x8560] =	vst v3;
	v3 =	vadd.f32 v36, v35  }
0x338: {  	v24 =	vld [tilespmem:s19+$0x1500];
	[tilespmem:s19+$0x9150] =	vst v19;
	v36 =	vadd.f32 v38, v37  }
0x339: {  	v37 =	vld [tilespmem:s19+$0x5170];
	[tilespmem:s19+$0x8900] =	vst v3;
	v3 =	vadd.f32 v40, v39  }
0x33a: {  	v38 =	vadd.f32 v42, v41;
	v41 =	vld [tilespmem:s19+$0x1510];
	[tilespmem:s19+$0x8910] =	vst v36  }
0x33b: {  	v42 =	vld [tilespmem:s19+$0x5510];
	[tilespmem:s19+$0x8920] =	vst v3;
	v3 =	vadd.f32 v44, v43  }
0x33c: {  	v35 =	vld [tilespmem:s19+$0x1910];
	[tilespmem:s19+$0x8930] =	vst v38;
	v40 =	vadd.f32 v46, v45  }
0x33d: {  	v39 =	vld [tilespmem:s19+$0x5500];
	[tilespmem:s19+$0x8940] =	vst v3;
	v3 =	vadd.f32 v48, v47  }
0x33e: {  	v45 =	vld [tilespmem:s19+$0x5520];
	v46 =	vadd.f32 v54, v53;
	[tilespmem:s19+$0x8950] =	vst v40  }
0x33f: {  	v53 =	vld [tilespmem:s19+$0x1550];
	[tilespmem:s19+$0x8960] =	vst v3;
	v3 =	vadd.f32 v52, v51  }
0x340: {  	v54 =	vld [tilespmem:s19+$0x5550];
	v43 =	vadd.f32 v50, v49;
	[tilespmem:s19+$0x8D10] =	vst v46  }
0x341: {  	v36 =	vld [tilespmem:s19+$0x5910];
	[tilespmem:s19+$0x8D00] =	vst v3;
	v3 =	vadd.f32 v56, v55  }
0x342: {  	v38 =	vld [tilespmem:s19+$0x1920];
	v49 =	vadd.f32 v58, v57;
	[tilespmem:s19+$0x8970] =	vst v43  }
0x343: {  	v44 =	vld [tilespmem:s19+$0x1520];
	[tilespmem:s19+$0x8D20] =	vst v3;
	v3 =	vadd.f32 v60, v59  }
0x344: {  	v50 =	vld [tilespmem:s19+$0x1540];
	v58 =	vadd.f32 v11, v10;
	[tilespmem:s19+$0x8D30] =	vst v49  }
0x345: {  	v57 =	vld [tilespmem:s19+$0x5560];
	[tilespmem:s19+$0x8D40] =	vst v3;
	v3 =	vadd.f32 v4, v63  }
0x346: {  	v46 =	vld [tilespmem:s19+$0x1950];
	v37 =	vadd.f32 v37, v22;
	[tilespmem:s19+$0x9110] =	vst v58  }
0x347: {  	v40 =	vadd.f32 v42, v41;
	v41 =	vld [tilespmem:s19+$0x1930];
	[tilespmem:s19+$0x8D60] =	vst v3;
	v3 =	vadd.f32 v9, v8  }
0x348: {  	v42 =	vld [tilespmem:s19+$0x5930];
	[tilespmem:s19+$0x9170] =	vst v37  }
0x349: {  	v47 =	vld [tilespmem:s19+$0x1530];
	[tilespmem:s19+$0x9100] =	vst v3;
	v3 =	vadd.f32 v13, v12  }
0x34a: {  	v48 =	vld [tilespmem:s19+$0x5530];
	[tilespmem:s19+$0x9510] =	vst v40;
	v52 =	vadd.f32 v62, v61  }
0x34b: {  	v49 =	vld [tilespmem:s19+$0x1960];
	[tilespmem:s19+$0x9120] =	vst v3;
	v3 =	vadd.f32 v17, v16  }
0x34c: {  	v51 =	vld [tilespmem:s19+$0x5540];
	v61 =	vadd.f32 v15, v14;
	[tilespmem:s19+$0x8D50] =	vst v52  }
0x34d: {  	v62 =	vld [tilespmem:s19+$0x1900];
	[tilespmem:s19+$0x9140] =	vst v3;
	v3 =	vadd.f32 v21, v20  }
0x34e: {  	v55 =	vadd.f32 v7, v6;
	v56 =	vld [tilespmem:s19+$0x1560];
	[tilespmem:s19+$0x9130] =	vst v61  }
0x34f: {  	v52 =	vld [tilespmem:s19+$0x1970];
	[tilespmem:s19+$0x9160] =	vst v3;
	v3 =	vadd.f32 v39, v24  }
0x350: {  	v43 =	vadd.f32 v48, v47;
	v47 =	vld [tilespmem:s19+$0x5950];
	[tilespmem:s19+$0x8D70] =	vst v55  }
0x351: {  	v59 =	vld [tilespmem:s19+$0x1570];
	[tilespmem:s19+$0x9500] =	vst v3;
	v3 =	vadd.f32 v45, v44  }
0x352: {  	[tilespmem:s19+$0x9530] =	vst v43;
	v63 =	vld [tilespmem:s19+$0x5900];
	v4 =	vadd.f32 v54, v53  }
0x353: {  	v60 =	vld [tilespmem:s19+$0x5570];
	[tilespmem:s19+$0x9520] =	vst v3;
	v3 =	vadd.f32 v51, v50  }
0x354: {  	v54 =	vadd.f32 v42, v41;
	[tilespmem:s19+$0x9550] =	vst v4;
	v39 =	vld [tilespmem:s19+$0x5920]  }
0x355: {  	v44 =	vld [tilespmem:s19+$0x1940];
	[tilespmem:s19+$0x9540] =	vst v3;
	v3 =	vadd.f32 v57, v56  }
0x356: {  	[tilespmem:s19+$0x9930] =	vst v54;
	v55 =	vadd.f32 v47, v46;
	v45 =	vld [tilespmem:s19+$0x5940]  }
0x357: {  	v53 =	vld [tilespmem:s19+$0x5970];
	[tilespmem:s19+$0x9560] =	vst v3;
	v3 =	vadd.f32 v63, v62  }
0x358: {  	v48 =	vadd.f32 v60, v59;
	[tilespmem:s19+$0x9950] =	vst v55;
	v50 =	vld [tilespmem:s19+$0x5960]  }
0x359: {  	[tilespmem:s19+$0x9900] =	vst v3;
	v3 =	vadd.f32 v39, v38  }
0x35a: {  	[tilespmem:s19+$0x9570] =	vst v48;
	v51 =	vadd.f32 v36, v35  }
0x35b: {  	[tilespmem:s19+$0x9920] =	vst v3;
	v3 =	vadd.f32 v45, v44  }
0x35c: {  	s21 =	sand.u32 $0x7, s15;
	[tilespmem:s19+$0x9910] =	vst v51;
	v56 =	vadd.f32 v53, v52  }
0x35d: {  	s21 =	sshll.u32 s21, $0x7;
	[tilespmem:s19+$0x9940] =	vst v3;
	v3 =	vadd.f32 v50, v49  }
0x35e: {  	s21 =	sadd.s32 s21, s17;
	[tilespmem:s19+$0x9970] =	vst v56  }
0x35f: {  	[tilespmem:s19+$0x9960] =	vst v3;
	s19 =	sor.u32 $0x1C00, s21  }
0x360: {  	v3 =	vld [tilespmem:s19+$0x100]  }
0x361: {  	v4 =	vld [tilespmem:s19+$0x4100];
	_ =	sdelay $0x4  }
0x362: {  	v3 =	vadd.f32 v4, v3;
	_ =	sdelay $0x1  }
0x363: {  	[tilespmem:s19+$0x8100] =	vst v3;
	s19 =	sor.u32 $0x1C10, s21  }
0x364: {  	v3 =	vld [tilespmem:s19+$0x100]  }
0x365: {  	v57 =	vld [tilespmem:s19+$0x4100];
	_ =	sdelay $0x4  }
0x366: {  	v3 =	vadd.f32 v57, v3;
	_ =	sdelay $0x1  }
0x367: {  	[tilespmem:s19+$0x8100] =	vst v3;
	s19 =	sor.u32 $0x1C20, s21  }
0x368: {  	v3 =	vld [tilespmem:s19+$0x100]  }
0x369: {  	v58 =	vld [tilespmem:s19+$0x4100];
	_ =	sdelay $0x4  }
0x36a: {  	v3 =	vadd.f32 v58, v3;
	_ =	sdelay $0x1  }
0x36b: {  	[tilespmem:s19+$0x8100] =	vst v3;
	s19 =	sor.u32 $0x1C30, s21  }
0x36c: {  	v3 =	vld [tilespmem:s19+$0x100]  }
0x36d: {  	v59 =	vld [tilespmem:s19+$0x4100];
	_ =	sdelay $0x4  }
0x36e: {  	v3 =	vadd.f32 v59, v3;
	_ =	sdelay $0x1  }
0x36f: {  	[tilespmem:s19+$0x8100] =	vst v3;
	s19 =	sor.u32 $0x1C40, s21  }
0x370: {  	v3 =	vld [tilespmem:s19+$0x100]  }
0x371: {  	v60 =	vld [tilespmem:s19+$0x4100];
	_ =	sdelay $0x4  }
0x372: {  	v3 =	vadd.f32 v60, v3;
	_ =	sdelay $0x1  }
0x373: {  	[tilespmem:s19+$0x8100] =	vst v3;
	s19 =	sor.u32 $0x1C50, s21  }
0x374: {  	v3 =	vld [tilespmem:s19+$0x100]  }
0x375: {  	v61 =	vld [tilespmem:s19+$0x4100];
	_ =	sdelay $0x4  }
0x376: {  	v3 =	vadd.f32 v61, v3;
	_ =	sdelay $0x1  }
0x377: {  	[tilespmem:s19+$0x8100] =	vst v3;
	s19 =	sor.u32 $0x1C60, s21  }
0x378: {  	v3 =	vld [tilespmem:s19+$0x100]  }
0x379: {  	v62 =	vld [tilespmem:s19+$0x4100];
	_ =	sdelay $0x4  }
0x37a: {  	v3 =	vadd.f32 v62, v3;
	_ =	sdelay $0x1  }
0x37b: {  	s21 =	sor.u32 $0x1C70, s21;
	[tilespmem:s19+$0x8100] =	vst v3  }
0x37c: {  	v3 =	vld [tilespmem:s21+$0x100]  }
0x37d: {  	v63 =	vld [tilespmem:s21+$0x4100];
	_ =	sdelay $0x1  }
0x37e: {  	p0 =	sne.s32 s18, $0x780  }
.Ltmp3:
0x37f: {  	_ = 	snop;
	(pc) =	sbr.rel @p0 .LBB2_8-.Ltmp3, $4  }
0x380: {  	_ = 	snop  }
0x381: {  	v3 =	vadd.f32 v63, v3  }
0x382: {  	s16 =	sadd.s32 $0x400, s16  }
0x383: {  	s18 =	sadd.s32 $0x80, s18;
	s15 =	sadd.s32 $0x1, s15;
	s17 =	sadd.s32 $0x400, s17;
	[tilespmem:s21+$0x8100] =	vst v3  }
0x384: {  	s15 =	rddreg [dreg:$0xe]  }
0x385: {  	[hbm4b:s15+s2] =	stream.linear.scatter [tilespmem:s13], [sflag:$0x2], $0x4000, $0x38;
	[tilespmem:$0xC100] =	vst v63  }
0x386: {  	_ =	swait.ge [sflag:s20], $0x4000  }
0x387: {  	s14 =	sadd.s32 $0x1, s14;
	s21 =	rddreg [dreg:$0xf]  }
0x388: {  	p0 =	sne.s32 s14, s21  }
.Ltmp4:
0x389: {  	_ = 	snop;
	(pc) =	sbr.rel @p0 .LBB2_1-.Ltmp4, $3  }
0x38a: {  	_ =	sdelay $0x1  }
0x38b: {  	[sflag:s20] =	ssyncset.done $0x0  }
0x38c: {  	[sflag:s20] =	ssyncadd.s32 $0xFFFFC000  }
0x38d: {  	_ =	sfence.sel $0x180000  }
0x38e: {  	[bflag:$0x0] =	sbarrier.arrive $0xFFFF  }
0x38f: {  	_ =	strace $0x9000004A  }
0x390: {  	s0 =	stileid.u32;
	[bflag:$0x2] =	sbarrier.arrive $0xFFFF  }
0x391: {  	p0 =	sne.s32 s0, $0x0;
	s0 =	rddreg [dreg:$0x2]  }
0x392: {  	s0 =	sadd.s32 @!p0 $0x100000, s0  }
0x393: {  	[sflag:s0] =	ssyncadd.tile.s32 @!p0 $0x1;
	_ =	shalt  }
.Lfunc_end2:
_tile_overlayer_lowered:
.L_overlay_start_2:
0x394: {  	(tag) =	ssettag $0x2  }
0x395: {  	s0 =	rddreg [dreg:$0x0];
	s2 =	stileid.u32  }
0x396: {  	s1 =	rddreg [dreg:$0x1];
	p0 =	sne.s32 s2, $0x0  }
0x397: {  	s3 =	rddreg [dreg:$0x2];
	[bflag:$0x3] =	sbarrier.arrive $0xFFFF;
	s2 =	simm.s32 @!p0 $0x1C02  }
0x398: {  	[timem:s3], [sflag:s2] =	dma.local @!p0 [hbm:s0], s1  }
0x399: {  	s0 =	simm.s32 @!p0 $0x2  }
0x39a: {  	_ =	swait.ge @!p0 [sflag:s0], s1  }
0x39b: {  	s1 =	ssub.s32 @!p0 $0x0, s1;
	[sflag:s0] =	ssyncset.done @!p0 $0x0  }
0x39c: {  	[sflag:s0] =	ssyncadd.s32 @!p0 s1  }
0x39d: {  	[bflag:$0x3] =	sbarrier.arrive $0xFFFF  }
0x39e: {  	_ =	shalt  }

</sc_bundles>
